<compile_context>
chip_gen: v7x
topology: tpu7x:2x2x1
jax: 0.10.2.dev20260603
libtpu: 0.0.44.dev20260713+nightly
codegen_flags: <defaults>
</compile_context>

<pallas_src>
import jax
import jax.numpy as jnp
from jax import lax
from jax.experimental import pallas as pl
from jax.experimental.pallas import tpu as pltpu
from jax.experimental.pallas import tpu_sc as plsc

B = 16384
D = 32
NCOLS = 12
EPS = 1e-05

NC = 2
NS = 16
NW = NC * NS
RPW = B // NW
IPW = RPW * NCOLS
BLKR = 16
NROUND = RPW // BLKR
CHUNK = 96
NCHUNK = BLKR * NCOLS // CHUNK
RESH = RPW // 2
NSTAT = 128

TRL = 32768
TRG = 31
TROWS = TRG * (TRL // 4)


def _tr_body(x_ref, o_ref):
  x = x_ref[...]
  ident = (
      lax.broadcasted_iota(jnp.int32, (128, 128), 0)
      == lax.broadcasted_iota(jnp.int32, (128, 128), 1)
  ).astype(jnp.float32)
  for t in range(TRL // 2048):
    lhsb = jnp.concatenate(
        [x[:, 2048 * t + 512 * k:2048 * t + 512 * (k + 1)] for k in range(4)],
        axis=0,
    )
    band = lax.dot_general(
        lhsb, ident, (((0,), (0,)), ((), ())),
        preferred_element_type=jnp.float32,
    )
    o_ref[512 * t:512 * (t + 1), :] = band


def _tc_relayout(theta_t):
  return pl.pallas_call(
      _tr_body,
      grid=(TRG,),
      in_specs=[pl.BlockSpec((32, TRL), lambda i: (0, i))],
      out_specs=pl.BlockSpec((TRL // 4, 128), lambda i: (i, 0)),
      out_shape=jax.ShapeDtypeStruct((TROWS, 128), jnp.float32),
  )(theta_t)


def _sc_body(qrow_hbm, loff_hbm, table_hbm, out_hbm,
             qv, lv, gbuf0, gbuf1, res, sem0, sem1):
  sems = (sem0, sem1)
  gbufs = (gbuf0, gbuf1)
  wid = lax.axis_index("s") * NC + lax.axis_index("c")
  iota = lax.iota(jnp.int32, 16)
  iota12 = iota * NCOLS

  pltpu.sync_copy(qrow_hbm.at[wid], qv)
  pltpu.sync_copy(loff_hbm.at[wid], lv)

  def fire(c, buf):
    for k in range(NCHUNK):
      off = pl.multiple_of(c * (BLKR * NCOLS) + k * CHUNK, CHUNK)
      pltpu.async_copy(
          table_hbm.at[qv.at[pl.ds(off, CHUNK)]],
          gbufs[buf].at[pl.ds(k * CHUNK, CHUNK)],
          sems[buf],
      )

  def wait(buf):
    for k in range(NCHUNK):
      pltpu.make_async_copy(
          table_hbm.at[pl.ds(0, CHUNK)],
          gbufs[buf].at[pl.ds(k * CHUNK, CHUNK)],
          sems[buf],
      ).wait()

  def compute(c, buf):
    gb = gbufs[buf]
    fbase = c * (BLKR * NCOLS) + iota12
    zero = jnp.zeros((16,), jnp.float32)
    UNR = 8

    rows = lax.rem(c * BLKR, jnp.int32(RESH)) + iota

    def store(val, col):
      plsc.store_scatter(res, [rows, jnp.full((16,), col, jnp.int32)], val)

    loff_u = plsc.load_gather(lv, [fbase])

    def make_pass(roles, with_su):
      nr = len(roles)
      loffs = [plsc.load_gather(lv, [fbase + r]) for r in roles]

      def body(db, acc):
        out = list(acc)
        k0 = 1 if with_su else 0
        for dd in range(UNR):
          dcol = jnp.zeros((16,), jnp.int32) + (db * UNR + dd)
          u = plsc.load_gather(gb, [iota12, loff_u + dcol])
          if with_su:
            out[0] = out[0] + u * u
          for i, r in enumerate(roles):
            x = plsc.load_gather(gb, [iota12 + r, loffs[i] + dcol])
            out[k0 + i] = out[k0 + i] + x * x
            t = u - x
            out[k0 + nr + i] = out[k0 + nr + i] + t * t
        return out

      n = nr * 2 + (1 if with_su else 0)
      return lax.fori_loop(0, D // UNR, body, [zero] * n)

    groups = ([1, 2, 3], [4, 5, 6], [7, 8, 9], [10, 11])
    for gi, roles in enumerate(groups):
      out_vals = make_pass(roles, gi == 0)
      k0 = 1 if gi == 0 else 0
      if gi == 0:
        store(out_vals[0], 0)
      for i, r in enumerate(roles):
        store(out_vals[k0 + i], r)
        store(out_vals[k0 + len(roles) + i], 11 + r)

  half = NROUND // 2
  fire(jnp.int32(0), 0)

  def round_pair(i, _):
    c2 = i * 2
    for b in range(2):
      c = c2 + b
      if b == 0:
        fire(c + 1, 1)
      else:
        @pl.when(c + 1 < NROUND)
        def _():
          fire(c + 1, 0)
      wait(b)
      compute(c, b)
      @pl.when(c == half - 1)
      def _():
        pltpu.sync_copy(res, out_hbm.at[pl.ds(wid * RPW, RESH)])
    return _

  lax.fori_loop(0, NROUND // 2, round_pair, None)
  pltpu.sync_copy(res, out_hbm.at[pl.ds(wid * RPW + RESH, RESH)])


def _sc_stats(qrow2, loff2, table):
  mesh = plsc.VectorSubcoreMesh(core_axis_name="c", subcore_axis_name="s")
  return pl.kernel(
      _sc_body,
      out_type=jax.ShapeDtypeStruct((B, NSTAT), jnp.float32),
      mesh=mesh,
      compiler_params=pltpu.CompilerParams(
          needs_layout_passes=False, use_tc_tiling_on_sc=False
      ),
      scratch_types=[
          pltpu.VMEM((IPW,), jnp.int32),
          pltpu.VMEM((IPW,), jnp.int32),
          pltpu.VMEM((BLKR * NCOLS, 128), jnp.float32),
          pltpu.VMEM((BLKR * NCOLS, 128), jnp.float32),
          pltpu.VMEM((RESH, NSTAT), jnp.float32),
          pltpu.SemaphoreType.DMA,
          pltpu.SemaphoreType.DMA,
      ],
  )(qrow2, loff2, table)


def _finish_body(s_ref, uv_ref, uvp_ref):
  s = s_ref[...]
  su = s[:, 0:1]
  sx = s[:, 1:12]
  dx = s[:, 12:23]
  omu = 1.0 - jnp.clip(su, 0.0, 1.0 - EPS)
  omx = 1.0 - jnp.clip(sx, 0.0, 1.0 - EPS)
  num = jnp.sqrt(dx + EPS)
  t = 1.0 + 2.0 * num / (omu * omx)
  dist = jnp.log(t + jnp.sqrt((t - 1.0) * (t + 1.0)))
  uv_ref[...] = dist[:, 0:1]
  uvp_ref[...] = dist[:, 1:11]


def _tc_finish(stats):
  blk = 2048
  grid = B // blk
  return pl.pallas_call(
      _finish_body,
      grid=(grid,),
      in_specs=[pl.BlockSpec((blk, NSTAT), lambda i: (i, 0))],
      out_specs=[
          pl.BlockSpec((blk, 1), lambda i: (i, 0)),
          pl.BlockSpec((blk, 10), lambda i: (i, 0)),
      ],
      out_shape=[
          jax.ShapeDtypeStruct((B, 1), jnp.float32),
          jax.ShapeDtypeStruct((B, 10), jnp.float32),
      ],
  )(stats)


@jax.jit
def kernel(inputs, theta):
  qrow = ((inputs >> 11) << 9) + (inputs & 511)
  loff = ((inputs >> 9) & 3) << 5
  qrow2 = qrow.reshape(NW, IPW)
  loff2 = loff.reshape(NW, IPW)
  table = _tc_relayout(theta.T)
  stats = _sc_stats(qrow2, loff2, table)
  uv, uvp = _tc_finish(stats)
  return uv, uvp

# --- scband reference (transcript-rebuilt; emitter-appended) ---
"""Pipeline reference for scband-poincare-embedding-62758062129553 (READ-ONLY COPY).

The authoritative reference and input builder live on the scoring server;
editing this copy changes nothing except your own understanding.
"""

import jax, jax.numpy as jnp
import numpy as np

NUM_ITEMS = 1000000
LATENT_DIM = 32
BATCH = 16384
N_COLS = 12  # u, v, 10 negatives
EPS = 1e-05


def setup_inputs(seed: int = 0) -> dict:
    key = jax.random.key(seed)
    k1, k2 = jax.random.split(key)
    inputs = jax.random.randint(k1, (BATCH, N_COLS), 0, NUM_ITEMS, dtype=jnp.int32)
    # Embedding table, RandomUniform(-0.001, 0.001) like the Keras initializer
    theta = jax.random.uniform(k2, (NUM_ITEMS, LATENT_DIM), minval=-0.001, maxval=0.001, dtype=jnp.float32)
    return {"inputs": inputs, "theta": theta}


def _distance(u, v, eps=EPS):
    one_minus_u_norm_sq = 1.0 - jnp.clip(jnp.sum(u * u, axis=2), 0.0, 1.0 - eps)
    one_minus_v_norm_sq = 1.0 - jnp.clip(jnp.sum(v * v, axis=2), 0.0, 1.0 - eps)
    u_minus_v_norm_sq = jnp.sqrt(jnp.sum(jnp.power(u - v, 2), axis=2) + eps)
    toacosh = 1.0 + 2.0 * u_minus_v_norm_sq / (one_minus_u_norm_sq * one_minus_v_norm_sq)
    return jnp.arccosh(toacosh)


def reference(inputs, theta):
    _u = inputs[:, 0].reshape(-1, 1)
    _v = inputs[:, 1].reshape(-1, 1)
    _vprimes = inputs[:, 2:]
    u = jnp.take(theta, _u, axis=0)          # [B, 1, D]
    v = jnp.take(theta, _v, axis=0)          # [B, 1, D]
    vprimes = jnp.take(theta, _vprimes, axis=0)  # [B, 10, D]
    dist_uv = _distance(u, v)                # [B, 1]
    dist_uvprimes = _distance(u, vprimes)    # [B, 10]
    return (dist_uv, dist_uvprimes)

if __name__ == "__main__":
    import jax
    _d = setup_inputs()
    print(jax.jit(kernel)(*tuple(_d.values())))

</pallas_src>

<mosaic_0001>
#map = affine_map<(d0, d1) -> (0, 0)>
module attributes {stable_mosaic.version = 14 : i64} {
  func.func @_sc_body(%arg0: i32, %arg1: i32, %arg2: memref<32x6144xi32, #tpu.memory_space<hbm>>, %arg3: memref<32x6144xi32, #tpu.memory_space<hbm>>, %arg4: memref<253952x128xf32, #tpu.memory_space<hbm>>, %arg5: memref<16384x128xf32, #tpu.memory_space<hbm>>, %arg6: memref<6144xi32, #tpu.memory_space<vmem>>, %arg7: memref<6144xi32, #tpu.memory_space<vmem>>, %arg8: memref<192x128xf32, #tpu.memory_space<vmem>>, %arg9: memref<192x128xf32, #tpu.memory_space<vmem>>, %arg10: memref<256x128xf32, #tpu.memory_space<vmem>>, %arg11: memref<!tpu.dma_semaphore, #tpu.memory_space<semaphore_mem>>, %arg12: memref<!tpu.dma_semaphore, #tpu.memory_space<semaphore_mem>>) attributes {dimension_semantics = [#tpu.dimension_semantics<core_parallel>, #tpu.dimension_semantics<subcore_parallel>], iteration_bounds = array<i64: 2, 16>, scalar_prefetch = 0 : i64, scratch_operands = 7 : i64, tpu.core_type = #tpu.core_type<sc_vector_subcore>, window_params = [{transform_indices = #map}, {transform_indices = #map}, {transform_indices = #map}, {transform_indices = #map}]} {
    %mul3A = arith.constant 2 : i32
    %mul3A_0 = arith.muli %arg1, %mul3A : i32
    %add3A = arith.addi %mul3A_0, %arg0 : i32
    %iota3A = tpu.iota {dimensions = array<i32: 0>} : vector<16xi32>
    %mul3A_1 = arith.constant 12 : i32
    %mul3A_2 = vector.broadcast %mul3A_1 : i32 to vector<16xi32>
    %mul3A_3 = arith.muli %iota3A, %mul3A_2 : vector<16xi32>
    "tpu.region"() ({
      %run_scoped3A = tpu.sem_alloc : memref<!tpu.dma_semaphore, #tpu.memory_space<semaphore_mem>>
      %dma_start3A_36 = arith.constant 0 : i32
      %dma_start3A_37 = tpu.memref_slice %arg2[%add3A, %dma_start3A_36] : memref<32x6144xi32, #tpu.memory_space<hbm>> -> memref<1x6144xi32, #tpu.memory_space<hbm>>
      %dma_start3A_38 = tpu.memref_squeeze %dma_start3A_37 : memref<1x6144xi32, #tpu.memory_space<hbm>> -> memref<6144xi32, #tpu.memory_space<hbm>>
      %dma_start3A_39 = arith.constant 0 : i32
      %dma_start3A_40 = tpu.memref_slice %arg2[%add3A, %dma_start3A_39] : memref<32x6144xi32, #tpu.memory_space<hbm>> -> memref<1x6144xi32, #tpu.memory_space<hbm>>
      %dma_start3A_41 = tpu.memref_squeeze %dma_start3A_40 : memref<1x6144xi32, #tpu.memory_space<hbm>> -> memref<6144xi32, #tpu.memory_space<hbm>>
      tpu.enqueue_dma source(%dma_start3A_41 : memref<6144xi32, #tpu.memory_space<hbm>>) target(%arg6 : memref<6144xi32, #tpu.memory_space<vmem>>) target_semaphore(%run_scoped3A : memref<!tpu.dma_semaphore, #tpu.memory_space<semaphore_mem>>)
      %dma_wait3A = arith.constant 0 : i32
      %dma_wait3A_42 = tpu.memref_slice %arg2[%add3A, %dma_wait3A] : memref<32x6144xi32, #tpu.memory_space<hbm>> -> memref<1x6144xi32, #tpu.memory_space<hbm>>
      %dma_wait3A_43 = tpu.memref_squeeze %dma_wait3A_42 : memref<1x6144xi32, #tpu.memory_space<hbm>> -> memref<6144xi32, #tpu.memory_space<hbm>>
      %dma_wait3A_44 = arith.constant 0 : i32
      %dma_wait3A_45 = tpu.memref_slice %arg2[%add3A, %dma_wait3A_44] : memref<32x6144xi32, #tpu.memory_space<hbm>> -> memref<1x6144xi32, #tpu.memory_space<hbm>>
      %dma_wait3A_46 = tpu.memref_squeeze %dma_wait3A_45 : memref<1x6144xi32, #tpu.memory_space<hbm>> -> memref<6144xi32, #tpu.memory_space<hbm>>
      tpu.wait_dma2 semaphore(%run_scoped3A : memref<!tpu.dma_semaphore, #tpu.memory_space<semaphore_mem>>) src(%dma_wait3A_46 : memref<6144xi32, #tpu.memory_space<hbm>>) dst(%arg6 : memref<6144xi32, #tpu.memory_space<vmem>>)
      tpu.yield
    }) : () -> ()
    "tpu.region"() ({
      %run_scoped3A = tpu.sem_alloc : memref<!tpu.dma_semaphore, #tpu.memory_space<semaphore_mem>>
      %dma_start3A_36 = arith.constant 0 : i32
      %dma_start3A_37 = tpu.memref_slice %arg3[%add3A, %dma_start3A_36] : memref<32x6144xi32, #tpu.memory_space<hbm>> -> memref<1x6144xi32, #tpu.memory_space<hbm>>
      %dma_start3A_38 = tpu.memref_squeeze %dma_start3A_37 : memref<1x6144xi32, #tpu.memory_space<hbm>> -> memref<6144xi32, #tpu.memory_space<hbm>>
      %dma_start3A_39 = arith.constant 0 : i32
      %dma_start3A_40 = tpu.memref_slice %arg3[%add3A, %dma_start3A_39] : memref<32x6144xi32, #tpu.memory_space<hbm>> -> memref<1x6144xi32, #tpu.memory_space<hbm>>
      %dma_start3A_41 = tpu.memref_squeeze %dma_start3A_40 : memref<1x6144xi32, #tpu.memory_space<hbm>> -> memref<6144xi32, #tpu.memory_space<hbm>>
      tpu.enqueue_dma source(%dma_start3A_41 : memref<6144xi32, #tpu.memory_space<hbm>>) target(%arg7 : memref<6144xi32, #tpu.memory_space<vmem>>) target_semaphore(%run_scoped3A : memref<!tpu.dma_semaphore, #tpu.memory_space<semaphore_mem>>)
      %dma_wait3A = arith.constant 0 : i32
      %dma_wait3A_42 = tpu.memref_slice %arg3[%add3A, %dma_wait3A] : memref<32x6144xi32, #tpu.memory_space<hbm>> -> memref<1x6144xi32, #tpu.memory_space<hbm>>
      %dma_wait3A_43 = tpu.memref_squeeze %dma_wait3A_42 : memref<1x6144xi32, #tpu.memory_space<hbm>> -> memref<6144xi32, #tpu.memory_space<hbm>>
      %dma_wait3A_44 = arith.constant 0 : i32
      %dma_wait3A_45 = tpu.memref_slice %arg3[%add3A, %dma_wait3A_44] : memref<32x6144xi32, #tpu.memory_space<hbm>> -> memref<1x6144xi32, #tpu.memory_space<hbm>>
      %dma_wait3A_46 = tpu.memref_squeeze %dma_wait3A_45 : memref<1x6144xi32, #tpu.memory_space<hbm>> -> memref<6144xi32, #tpu.memory_space<hbm>>
      tpu.wait_dma2 semaphore(%run_scoped3A : memref<!tpu.dma_semaphore, #tpu.memory_space<semaphore_mem>>) src(%dma_wait3A_46 : memref<6144xi32, #tpu.memory_space<hbm>>) dst(%arg7 : memref<6144xi32, #tpu.memory_space<vmem>>)
      tpu.yield
    }) : () -> ()
    %mul3A_4 = arith.constant 0 : i32
    %mul3A_5 = arith.constant 192 : i32
    %mul3A_6 = arith.muli %mul3A_4, %mul3A_5 : i32
    %add3A_7 = arith.constant 0 : i32
    %add3A_8 = arith.addi %mul3A_6, %add3A_7 : i32
    %multiple_of3A = tpu.assume_multiple %add3A_8, 96 : i32
    %dma_start3A = arith.constant 0 : i32
    %dma_start3A_9 = arith.constant 0 : i32
    %dma_start3A_10 = tpu.memref_slice %arg8[%dma_start3A, %dma_start3A_9] : memref<192x128xf32, #tpu.memory_space<vmem>> -> memref<96x128xf32, #tpu.memory_space<vmem>>
    %dma_start3A_11 = tpu.memref_slice %arg6[%multiple_of3A] : memref<6144xi32, #tpu.memory_space<vmem>> -> memref<96xi32, #tpu.memory_space<vmem>>
    %dma_start3A_12 = arith.constant 0 : i32
    %dma_start3A_13 = arith.constant 0 : i32
    %dma_start3A_14 = tpu.memref_slice %arg4[%dma_start3A_12, %dma_start3A_13] : memref<253952x128xf32, #tpu.memory_space<hbm>> -> memref<253952x128xf32, #tpu.memory_space<hbm>>
    tpu.enqueue_indirect_dma source(%dma_start3A_14 : memref<253952x128xf32, #tpu.memory_space<hbm>>) target(%dma_start3A_10 : memref<96x128xf32, #tpu.memory_space<vmem>>) offsets(%dma_start3A_11 : memref<96xi32, #tpu.memory_space<vmem>>) semaphore(%arg11 : memref<!tpu.dma_semaphore, #tpu.memory_space<semaphore_mem>>)
    %mul3A_15 = arith.constant 0 : i32
    %mul3A_16 = arith.constant 192 : i32
    %mul3A_17 = arith.muli %mul3A_15, %mul3A_16 : i32
    %add3A_18 = arith.constant 96 : i32
    %add3A_19 = arith.addi %mul3A_17, %add3A_18 : i32
    %multiple_of3A_20 = tpu.assume_multiple %add3A_19, 96 : i32
    %dma_start3A_21 = arith.constant 96 : i32
    %dma_start3A_22 = arith.constant 0 : i32
    %dma_start3A_23 = tpu.memref_slice %arg8[%dma_start3A_21, %dma_start3A_22] : memref<192x128xf32, #tpu.memory_space<vmem>> -> memref<96x128xf32, #tpu.memory_space<vmem>>
    %dma_start3A_24 = tpu.memref_slice %arg6[%multiple_of3A_20] : memref<6144xi32, #tpu.memory_space<vmem>> -> memref<96xi32, #tpu.memory_space<vmem>>
    %dma_start3A_25 = arith.constant 0 : i32
    %dma_start3A_26 = arith.constant 0 : i32
    %dma_start3A_27 = tpu.memref_slice %arg4[%dma_start3A_25, %dma_start3A_26] : memref<253952x128xf32, #tpu.memory_space<hbm>> -> memref<253952x128xf32, #tpu.memory_space<hbm>>
    tpu.enqueue_indirect_dma source(%dma_start3A_27 : memref<253952x128xf32, #tpu.memory_space<hbm>>) target(%dma_start3A_23 : memref<96x128xf32, #tpu.memory_space<vmem>>) offsets(%dma_start3A_24 : memref<96xi32, #tpu.memory_space<vmem>>) semaphore(%arg11 : memref<!tpu.dma_semaphore, #tpu.memory_space<semaphore_mem>>)
    %scan3A = arith.constant 0 : i32
    %scan3A_28 = arith.constant 16 : i32
    %scan3A_29 = arith.addi %scan3A, %scan3A_28 : i32
    %scan3A_30 = arith.constant 1 : i32
    scf.for %scan3A_36 = %scan3A to %scan3A_29 step %scan3A_30  : i32 {
      %mul3A_37 = arith.constant 2 : i32
      %mul3A_38 = arith.muli %scan3A_36, %mul3A_37 : i32
      %add3A_39 = arith.constant 0 : i32
      %add3A_40 = arith.addi %mul3A_38, %add3A_39 : i32
      %add3A_41 = arith.constant 1 : i32
      %add3A_42 = arith.addi %add3A_40, %add3A_41 : i32
      %mul3A_43 = arith.constant 192 : i32
      %mul3A_44 = arith.muli %add3A_42, %mul3A_43 : i32
      %add3A_45 = arith.constant 0 : i32
      %add3A_46 = arith.addi %mul3A_44, %add3A_45 : i32
      %multiple_of3A_47 = tpu.assume_multiple %add3A_46, 96 : i32
      %dma_start3A_48 = arith.constant 0 : i32
      %dma_start3A_49 = arith.constant 0 : i32
      %dma_start3A_50 = tpu.memref_slice %arg9[%dma_start3A_48, %dma_start3A_49] : memref<192x128xf32, #tpu.memory_space<vmem>> -> memref<96x128xf32, #tpu.memory_space<vmem>>
      %dma_start3A_51 = tpu.memref_slice %arg6[%multiple_of3A_47] : memref<6144xi32, #tpu.memory_space<vmem>> -> memref<96xi32, #tpu.memory_space<vmem>>
      %dma_start3A_52 = arith.constant 0 : i32
      %dma_start3A_53 = arith.constant 0 : i32
      %dma_start3A_54 = tpu.memref_slice %arg4[%dma_start3A_52, %dma_start3A_53] : memref<253952x128xf32, #tpu.memory_space<hbm>> -> memref<253952x128xf32, #tpu.memory_space<hbm>>
      tpu.enqueue_indirect_dma source(%dma_start3A_54 : memref<253952x128xf32, #tpu.memory_space<hbm>>) target(%dma_start3A_50 : memref<96x128xf32, #tpu.memory_space<vmem>>) offsets(%dma_start3A_51 : memref<96xi32, #tpu.memory_space<vmem>>) semaphore(%arg12 : memref<!tpu.dma_semaphore, #tpu.memory_space<semaphore_mem>>)
      %mul3A_55 = arith.constant 192 : i32
      %mul3A_56 = arith.muli %add3A_42, %mul3A_55 : i32
      %add3A_57 = arith.constant 96 : i32
      %add3A_58 = arith.addi %mul3A_56, %add3A_57 : i32
      %multiple_of3A_59 = tpu.assume_multiple %add3A_58, 96 : i32
      %dma_start3A_60 = arith.constant 96 : i32
      %dma_start3A_61 = arith.constant 0 : i32
      %dma_start3A_62 = tpu.memref_slice %arg9[%dma_start3A_60, %dma_start3A_61] : memref<192x128xf32, #tpu.memory_space<vmem>> -> memref<96x128xf32, #tpu.memory_space<vmem>>
      %dma_start3A_63 = tpu.memref_slice %arg6[%multiple_of3A_59] : memref<6144xi32, #tpu.memory_space<vmem>> -> memref<96xi32, #tpu.memory_space<vmem>>
      %dma_start3A_64 = arith.constant 0 : i32
      %dma_start3A_65 = arith.constant 0 : i32
      %dma_start3A_66 = tpu.memref_slice %arg4[%dma_start3A_64, %dma_start3A_65] : memref<253952x128xf32, #tpu.memory_space<hbm>> -> memref<253952x128xf32, #tpu.memory_space<hbm>>
      tpu.enqueue_indirect_dma source(%dma_start3A_66 : memref<253952x128xf32, #tpu.memory_space<hbm>>) target(%dma_start3A_62 : memref<96x128xf32, #tpu.memory_space<vmem>>) offsets(%dma_start3A_63 : memref<96xi32, #tpu.memory_space<vmem>>) semaphore(%arg12 : memref<!tpu.dma_semaphore, #tpu.memory_space<semaphore_mem>>)
      %dma_wait3A = arith.constant 0 : i32
      %dma_wait3A_67 = arith.constant 0 : i32
      %dma_wait3A_68 = tpu.memref_slice %arg8[%dma_wait3A, %dma_wait3A_67] : memref<192x128xf32, #tpu.memory_space<vmem>> -> memref<96x128xf32, #tpu.memory_space<vmem>>
      %dma_wait3A_69 = arith.constant 0 : i32
      %dma_wait3A_70 = arith.constant 0 : i32
      %dma_wait3A_71 = tpu.memref_slice %arg4[%dma_wait3A_69, %dma_wait3A_70] : memref<253952x128xf32, #tpu.memory_space<hbm>> -> memref<96x128xf32, #tpu.memory_space<hbm>>
      %dma_wait3A_72 = arith.constant 0 : i32
      %dma_wait3A_73 = arith.constant 0 : i32
      %dma_wait3A_74 = tpu.memref_slice %arg8[%dma_wait3A_72, %dma_wait3A_73] : memref<192x128xf32, #tpu.memory_space<vmem>> -> memref<96x128xf32, #tpu.memory_space<vmem>>
      %dma_wait3A_75 = arith.constant 0 : i32
      %dma_wait3A_76 = arith.constant 0 : i32
      %dma_wait3A_77 = tpu.memref_slice %arg4[%dma_wait3A_75, %dma_wait3A_76] : memref<253952x128xf32, #tpu.memory_space<hbm>> -> memref<96x128xf32, #tpu.memory_space<hbm>>
      tpu.wait_dma2 semaphore(%arg11 : memref<!tpu.dma_semaphore, #tpu.memory_space<semaphore_mem>>) src(%dma_wait3A_77 : memref<96x128xf32, #tpu.memory_space<hbm>>) dst(%dma_wait3A_74 : memref<96x128xf32, #tpu.memory_space<vmem>>)
      %dma_wait3A_78 = arith.constant 96 : i32
      %dma_wait3A_79 = arith.constant 0 : i32
      %dma_wait3A_80 = tpu.memref_slice %arg8[%dma_wait3A_78, %dma_wait3A_79] : memref<192x128xf32, #tpu.memory_space<vmem>> -> memref<96x128xf32, #tpu.memory_space<vmem>>
      %dma_wait3A_81 = arith.constant 0 : i32
      %dma_wait3A_82 = arith.constant 0 : i32
      %dma_wait3A_83 = tpu.memref_slice %arg4[%dma_wait3A_81, %dma_wait3A_82] : memref<253952x128xf32, #tpu.memory_space<hbm>> -> memref<96x128xf32, #tpu.memory_space<hbm>>
      %dma_wait3A_84 = arith.constant 96 : i32
      %dma_wait3A_85 = arith.constant 0 : i32
      %dma_wait3A_86 = tpu.memref_slice %arg8[%dma_wait3A_84, %dma_wait3A_85] : memref<192x128xf32, #tpu.memory_space<vmem>> -> memref<96x128xf32, #tpu.memory_space<vmem>>
      %dma_wait3A_87 = arith.constant 0 : i32
      %dma_wait3A_88 = arith.constant 0 : i32
      %dma_wait3A_89 = tpu.memref_slice %arg4[%dma_wait3A_87, %dma_wait3A_88] : memref<253952x128xf32, #tpu.memory_space<hbm>> -> memref<96x128xf32, #tpu.memory_space<hbm>>
      tpu.wait_dma2 semaphore(%arg11 : memref<!tpu.dma_semaphore, #tpu.memory_space<semaphore_mem>>) src(%dma_wait3A_89 : memref<96x128xf32, #tpu.memory_space<hbm>>) dst(%dma_wait3A_86 : memref<96x128xf32, #tpu.memory_space<vmem>>)
      %mul3A_90 = arith.constant 192 : i32
      %mul3A_91 = arith.muli %add3A_40, %mul3A_90 : i32
      %add3A_92 = vector.broadcast %mul3A_91 : i32 to vector<16xi32>
      %add3A_93 = arith.addi %add3A_92, %mul3A_3 : vector<16xi32>
      %broadcast_in_dim3A = arith.constant 0.000000e+00 : f32
      %broadcast_in_dim3A_94 = vector.broadcast %broadcast_in_dim3A : f32 to vector<16xf32>
      %mul3A_95 = arith.constant 16 : i32
      %mul3A_96 = arith.muli %add3A_40, %mul3A_95 : i32
      %rem3A = arith.constant 256 : i32
      %rem3A_97 = arith.remsi %mul3A_96, %rem3A : i32
      %add3A_98 = vector.broadcast %rem3A_97 : i32 to vector<16xi32>
      %add3A_99 = arith.addi %add3A_98, %iota3A : vector<16xi32>
      %gather3A = tpu.vector_load_idx %arg7[%add3A_93] : memref<6144xi32, #tpu.memory_space<vmem>>[vector<16xi32>], vector<16xi32>,
      %add3A_100 = arith.constant 1 : i32
      %add3A_101 = vector.broadcast %add3A_100 : i32 to vector<16xi32>
      %add3A_102 = arith.addi %add3A_93, %add3A_101 : vector<16xi32>
      %gather3A_103 = tpu.vector_load_idx %arg7[%add3A_102] : memref<6144xi32, #tpu.memory_space<vmem>>[vector<16xi32>], vector<16xi32>,
      %add3A_104 = arith.constant 2 : i32
      %add3A_105 = vector.broadcast %add3A_104 : i32 to vector<16xi32>
      %add3A_106 = arith.addi %add3A_93, %add3A_105 : vector<16xi32>
      %gather3A_107 = tpu.vector_load_idx %arg7[%add3A_106] : memref<6144xi32, #tpu.memory_space<vmem>>[vector<16xi32>], vector<16xi32>,
      %add3A_108 = arith.constant 3 : i32
      %add3A_109 = vector.broadcast %add3A_108 : i32 to vector<16xi32>
      %add3A_110 = arith.addi %add3A_93, %add3A_109 : vector<16xi32>
      %gather3A_111 = tpu.vector_load_idx %arg7[%add3A_110] : memref<6144xi32, #tpu.memory_space<vmem>>[vector<16xi32>], vector<16xi32>,
      %scan3A_112 = arith.constant 0 : i32
      %scan3A_113 = arith.constant 4 : i32
      %scan3A_114 = arith.addi %scan3A_112, %scan3A_113 : i32
      %scan3A_115 = arith.constant 1 : i32
      %scan3A_116:7 = scf.for %scan3A_380 = %scan3A_112 to %scan3A_114 step %scan3A_115 iter_args(%scan3A_381 = %broadcast_in_dim3A_94, %scan3A_382 = %broadcast_in_dim3A_94, %scan3A_383 = %broadcast_in_dim3A_94, %scan3A_384 = %broadcast_in_dim3A_94, %scan3A_385 = %broadcast_in_dim3A_94, %scan3A_386 = %broadcast_in_dim3A_94, %scan3A_387 = %broadcast_in_dim3A_94) -> (vector<16xf32>, vector<16xf32>, vector<16xf32>, vector<16xf32>, vector<16xf32>, vector<16xf32>, vector<16xf32>)  : i32 {
        %broadcast_in_dim3A_388 = arith.constant 0 : i32
        %broadcast_in_dim3A_389 = vector.broadcast %broadcast_in_dim3A_388 : i32 to vector<16xi32>
        %mul3A_390 = arith.constant 8 : i32
        %mul3A_391 = arith.muli %scan3A_380, %mul3A_390 : i32
        %add3A_392 = arith.constant 0 : i32
        %add3A_393 = arith.addi %mul3A_391, %add3A_392 : i32
        %add3A_394 = vector.broadcast %add3A_393 : i32 to vector<16xi32>
        %add3A_395 = arith.addi %broadcast_in_dim3A_389, %add3A_394 : vector<16xi32>
        %add3A_396 = arith.addi %gather3A, %add3A_395 : vector<16xi32>
        %gather3A_397 = tpu.vector_load_idx %arg8[%mul3A_3, %add3A_396] : memref<192x128xf32, #tpu.memory_space<vmem>>[vector<16xi32>, vector<16xi32>], vector<16xf32>,
        %mul3A_398 = arith.mulf %gather3A_397, %gather3A_397 : vector<16xf32>
        %add3A_399 = arith.addf %scan3A_381, %mul3A_398 : vector<16xf32>
        %add3A_400 = arith.constant 1 : i32
        %add3A_401 = vector.broadcast %add3A_400 : i32 to vector<16xi32>
        %add3A_402 = arith.addi %mul3A_3, %add3A_401 : vector<16xi32>
        %add3A_403 = arith.addi %gather3A_103, %add3A_395 : vector<16xi32>
        %gather3A_404 = tpu.vector_load_idx %arg8[%add3A_402, %add3A_403] : memref<192x128xf32, #tpu.memory_space<vmem>>[vector<16xi32>, vector<16xi32>], vector<16xf32>,
        %mul3A_405 = arith.mulf %gather3A_404, %gather3A_404 : vector<16xf32>
        %add3A_406 = arith.addf %scan3A_382, %mul3A_405 : vector<16xf32>
        %sub3A = arith.subf %gather3A_397, %gather3A_404 : vector<16xf32>
        %mul3A_407 = arith.mulf %sub3A, %sub3A : vector<16xf32>
        %add3A_408 = arith.addf %scan3A_385, %mul3A_407 : vector<16xf32>
        %add3A_409 = arith.constant 2 : i32
        %add3A_410 = vector.broadcast %add3A_409 : i32 to vector<16xi32>
        %add3A_411 = arith.addi %mul3A_3, %add3A_410 : vector<16xi32>
        %add3A_412 = arith.addi %gather3A_107, %add3A_395 : vector<16xi32>
        %gather3A_413 = tpu.vector_load_idx %arg8[%add3A_411, %add3A_412] : memref<192x128xf32, #tpu.memory_space<vmem>>[vector<16xi32>, vector<16xi32>], vector<16xf32>,
        %mul3A_414 = arith.mulf %gather3A_413, %gather3A_413 : vector<16xf32>
        %add3A_415 = arith.addf %scan3A_383, %mul3A_414 : vector<16xf32>
        %sub3A_416 = arith.subf %gather3A_397, %gather3A_413 : vector<16xf32>
        %mul3A_417 = arith.mulf %sub3A_416, %sub3A_416 : vector<16xf32>
        %add3A_418 = arith.addf %scan3A_386, %mul3A_417 : vector<16xf32>
        %add3A_419 = arith.constant 3 : i32
        %add3A_420 = vector.broadcast %add3A_419 : i32 to vector<16xi32>
        %add3A_421 = arith.addi %mul3A_3, %add3A_420 : vector<16xi32>
        %add3A_422 = arith.addi %gather3A_111, %add3A_395 : vector<16xi32>
        %gather3A_423 = tpu.vector_load_idx %arg8[%add3A_421, %add3A_422] : memref<192x128xf32, #tpu.memory_space<vmem>>[vector<16xi32>, vector<16xi32>], vector<16xf32>,
        %mul3A_424 = arith.mulf %gather3A_423, %gather3A_423 : vector<16xf32>
        %add3A_425 = arith.addf %scan3A_384, %mul3A_424 : vector<16xf32>
        %sub3A_426 = arith.subf %gather3A_397, %gather3A_423 : vector<16xf32>
        %mul3A_427 = arith.mulf %sub3A_426, %sub3A_426 : vector<16xf32>
        %add3A_428 = arith.addf %scan3A_387, %mul3A_427 : vector<16xf32>
        %broadcast_in_dim3A_429 = arith.constant 0 : i32
        %broadcast_in_dim3A_430 = vector.broadcast %broadcast_in_dim3A_429 : i32 to vector<16xi32>
        %mul3A_431 = arith.constant 8 : i32
        %mul3A_432 = arith.muli %scan3A_380, %mul3A_431 : i32
        %add3A_433 = arith.constant 1 : i32
        %add3A_434 = arith.addi %mul3A_432, %add3A_433 : i32
        %add3A_435 = vector.broadcast %add3A_434 : i32 to vector<16xi32>
        %add3A_436 = arith.addi %broadcast_in_dim3A_430, %add3A_435 : vector<16xi32>
        %add3A_437 = arith.addi %gather3A, %add3A_436 : vector<16xi32>
        %gather3A_438 = tpu.vector_load_idx %arg8[%mul3A_3, %add3A_437] : memref<192x128xf32, #tpu.memory_space<vmem>>[vector<16xi32>, vector<16xi32>], vector<16xf32>,
        %mul3A_439 = arith.mulf %gather3A_438, %gather3A_438 : vector<16xf32>
        %add3A_440 = arith.addf %add3A_399, %mul3A_439 : vector<16xf32>
        %add3A_441 = arith.constant 1 : i32
        %add3A_442 = vector.broadcast %add3A_441 : i32 to vector<16xi32>
        %add3A_443 = arith.addi %mul3A_3, %add3A_442 : vector<16xi32>
        %add3A_444 = arith.addi %gather3A_103, %add3A_436 : vector<16xi32>
        %gather3A_445 = tpu.vector_load_idx %arg8[%add3A_443, %add3A_444] : memref<192x128xf32, #tpu.memory_space<vmem>>[vector<16xi32>, vector<16xi32>], vector<16xf32>,
        %mul3A_446 = arith.mulf %gather3A_445, %gather3A_445 : vector<16xf32>
        %add3A_447 = arith.addf %add3A_406, %mul3A_446 : vector<16xf32>
        %sub3A_448 = arith.subf %gather3A_438, %gather3A_445 : vector<16xf32>
        %mul3A_449 = arith.mulf %sub3A_448, %sub3A_448 : vector<16xf32>
        %add3A_450 = arith.addf %add3A_408, %mul3A_449 : vector<16xf32>
        %add3A_451 = arith.constant 2 : i32
        %add3A_452 = vector.broadcast %add3A_451 : i32 to vector<16xi32>
        %add3A_453 = arith.addi %mul3A_3, %add3A_452 : vector<16xi32>
        %add3A_454 = arith.addi %gather3A_107, %add3A_436 : vector<16xi32>
        %gather3A_455 = tpu.vector_load_idx %arg8[%add3A_453, %add3A_454] : memref<192x128xf32, #tpu.memory_space<vmem>>[vector<16xi32>, vector<16xi32>], vector<16xf32>,
        %mul3A_456 = arith.mulf %gather3A_455, %gather3A_455 : vector<16xf32>
        %add3A_457 = arith.addf %add3A_415, %mul3A_456 : vector<16xf32>
        %sub3A_458 = arith.subf %gather3A_438, %gather3A_455 : vector<16xf32>
        %mul3A_459 = arith.mulf %sub3A_458, %sub3A_458 : vector<16xf32>
        %add3A_460 = arith.addf %add3A_418, %mul3A_459 : vector<16xf32>
        %add3A_461 = arith.constant 3 : i32
        %add3A_462 = vector.broadcast %add3A_461 : i32 to vector<16xi32>
        %add3A_463 = arith.addi %mul3A_3, %add3A_462 : vector<16xi32>
        %add3A_464 = arith.addi %gather3A_111, %add3A_436 : vector<16xi32>
        %gather3A_465 = tpu.vector_load_idx %arg8[%add3A_463, %add3A_464] : memref<192x128xf32, #tpu.memory_space<vmem>>[vector<16xi32>, vector<16xi32>], vector<16xf32>,
        %mul3A_466 = arith.mulf %gather3A_465, %gather3A_465 : vector<16xf32>
        %add3A_467 = arith.addf %add3A_425, %mul3A_466 : vector<16xf32>
        %sub3A_468 = arith.subf %gather3A_438, %gather3A_465 : vector<16xf32>
        %mul3A_469 = arith.mulf %sub3A_468, %sub3A_468 : vector<16xf32>
        %add3A_470 = arith.addf %add3A_428, %mul3A_469 : vector<16xf32>
        %broadcast_in_dim3A_471 = arith.constant 0 : i32
        %broadcast_in_dim3A_472 = vector.broadcast %broadcast_in_dim3A_471 : i32 to vector<16xi32>
        %mul3A_473 = arith.constant 8 : i32
        %mul3A_474 = arith.muli %scan3A_380, %mul3A_473 : i32
        %add3A_475 = arith.constant 2 : i32
        %add3A_476 = arith.addi %mul3A_474, %add3A_475 : i32
        %add3A_477 = vector.broadcast %add3A_476 : i32 to vector<16xi32>
        %add3A_478 = arith.addi %broadcast_in_dim3A_472, %add3A_477 : vector<16xi32>
        %add3A_479 = arith.addi %gather3A, %add3A_478 : vector<16xi32>
        %gather3A_480 = tpu.vector_load_idx %arg8[%mul3A_3, %add3A_479] : memref<192x128xf32, #tpu.memory_space<vmem>>[vector<16xi32>, vector<16xi32>], vector<16xf32>,
        %mul3A_481 = arith.mulf %gather3A_480, %gather3A_480 : vector<16xf32>
        %add3A_482 = arith.addf %add3A_440, %mul3A_481 : vector<16xf32>
        %add3A_483 = arith.constant 1 : i32
        %add3A_484 = vector.broadcast %add3A_483 : i32 to vector<16xi32>
        %add3A_485 = arith.addi %mul3A_3, %add3A_484 : vector<16xi32>
        %add3A_486 = arith.addi %gather3A_103, %add3A_478 : vector<16xi32>
        %gather3A_487 = tpu.vector_load_idx %arg8[%add3A_485, %add3A_486] : memref<192x128xf32, #tpu.memory_space<vmem>>[vector<16xi32>, vector<16xi32>], vector<16xf32>,
        %mul3A_488 = arith.mulf %gather3A_487, %gather3A_487 : vector<16xf32>
        %add3A_489 = arith.addf %add3A_447, %mul3A_488 : vector<16xf32>
        %sub3A_490 = arith.subf %gather3A_480, %gather3A_487 : vector<16xf32>
        %mul3A_491 = arith.mulf %sub3A_490, %sub3A_490 : vector<16xf32>
        %add3A_492 = arith.addf %add3A_450, %mul3A_491 : vector<16xf32>
        %add3A_493 = arith.constant 2 : i32
        %add3A_494 = vector.broadcast %add3A_493 : i32 to vector<16xi32>
        %add3A_495 = arith.addi %mul3A_3, %add3A_494 : vector<16xi32>
        %add3A_496 = arith.addi %gather3A_107, %add3A_478 : vector<16xi32>
        %gather3A_497 = tpu.vector_load_idx %arg8[%add3A_495, %add3A_496] : memref<192x128xf32, #tpu.memory_space<vmem>>[vector<16xi32>, vector<16xi32>], vector<16xf32>,
        %mul3A_498 = arith.mulf %gather3A_497, %gather3A_497 : vector<16xf32>
        %add3A_499 = arith.addf %add3A_457, %mul3A_498 : vector<16xf32>
        %sub3A_500 = arith.subf %gather3A_480, %gather3A_497 : vector<16xf32>
        %mul3A_501 = arith.mulf %sub3A_500, %sub3A_500 : vector<16xf32>
        %add3A_502 = arith.addf %add3A_460, %mul3A_501 : vector<16xf32>
        %add3A_503 = arith.constant 3 : i32
        %add3A_504 = vector.broadcast %add3A_503 : i32 to vector<16xi32>
        %add3A_505 = arith.addi %mul3A_3, %add3A_504 : vector<16xi32>
        %add3A_506 = arith.addi %gather3A_111, %add3A_478 : vector<16xi32>
        %gather3A_507 = tpu.vector_load_idx %arg8[%add3A_505, %add3A_506] : memref<192x128xf32, #tpu.memory_space<vmem>>[vector<16xi32>, vector<16xi32>], vector<16xf32>,
        %mul3A_508 = arith.mulf %gather3A_507, %gather3A_507 : vector<16xf32>
        %add3A_509 = arith.addf %add3A_467, %mul3A_508 : vector<16xf32>
        %sub3A_510 = arith.subf %gather3A_480, %gather3A_507 : vector<16xf32>
        %mul3A_511 = arith.mulf %sub3A_510, %sub3A_510 : vector<16xf32>
        %add3A_512 = arith.addf %add3A_470, %mul3A_511 : vector<16xf32>
        %broadcast_in_dim3A_513 = arith.constant 0 : i32
        %broadcast_in_dim3A_514 = vector.broadcast %broadcast_in_dim3A_513 : i32 to vector<16xi32>
        %mul3A_515 = arith.constant 8 : i32
        %mul3A_516 = arith.muli %scan3A_380, %mul3A_515 : i32
        %add3A_517 = arith.constant 3 : i32
        %add3A_518 = arith.addi %mul3A_516, %add3A_517 : i32
        %add3A_519 = vector.broadcast %add3A_518 : i32 to vector<16xi32>
        %add3A_520 = arith.addi %broadcast_in_dim3A_514, %add3A_519 : vector<16xi32>
        %add3A_521 = arith.addi %gather3A, %add3A_520 : vector<16xi32>
        %gather3A_522 = tpu.vector_load_idx %arg8[%mul3A_3, %add3A_521] : memref<192x128xf32, #tpu.memory_space<vmem>>[vector<16xi32>, vector<16xi32>], vector<16xf32>,
        %mul3A_523 = arith.mulf %gather3A_522, %gather3A_522 : vector<16xf32>
        %add3A_524 = arith.addf %add3A_482, %mul3A_523 : vector<16xf32>
        %add3A_525 = arith.constant 1 : i32
        %add3A_526 = vector.broadcast %add3A_525 : i32 to vector<16xi32>
        %add3A_527 = arith.addi %mul3A_3, %add3A_526 : vector<16xi32>
        %add3A_528 = arith.addi %gather3A_103, %add3A_520 : vector<16xi32>
        %gather3A_529 = tpu.vector_load_idx %arg8[%add3A_527, %add3A_528] : memref<192x128xf32, #tpu.memory_space<vmem>>[vector<16xi32>, vector<16xi32>], vector<16xf32>,
        %mul3A_530 = arith.mulf %gather3A_529, %gather3A_529 : vector<16xf32>
        %add3A_531 = arith.addf %add3A_489, %mul3A_530 : vector<16xf32>
        %sub3A_532 = arith.subf %gather3A_522, %gather3A_529 : vector<16xf32>
        %mul3A_533 = arith.mulf %sub3A_532, %sub3A_532 : vector<16xf32>
        %add3A_534 = arith.addf %add3A_492, %mul3A_533 : vector<16xf32>
        %add3A_535 = arith.constant 2 : i32
        %add3A_536 = vector.broadcast %add3A_535 : i32 to vector<16xi32>
        %add3A_537 = arith.addi %mul3A_3, %add3A_536 : vector<16xi32>
        %add3A_538 = arith.addi %gather3A_107, %add3A_520 : vector<16xi32>
        %gather3A_539 = tpu.vector_load_idx %arg8[%add3A_537, %add3A_538] : memref<192x128xf32, #tpu.memory_space<vmem>>[vector<16xi32>, vector<16xi32>], vector<16xf32>,
        %mul3A_540 = arith.mulf %gather3A_539, %gather3A_539 : vector<16xf32>
        %add3A_541 = arith.addf %add3A_499, %mul3A_540 : vector<16xf32>
        %sub3A_542 = arith.subf %gather3A_522, %gather3A_539 : vector<16xf32>
        %mul3A_543 = arith.mulf %sub3A_542, %sub3A_542 : vector<16xf32>
        %add3A_544 = arith.addf %add3A_502, %mul3A_543 : vector<16xf32>
        %add3A_545 = arith.constant 3 : i32
        %add3A_546 = vector.broadcast %add3A_545 : i32 to vector<16xi32>
        %add3A_547 = arith.addi %mul3A_3, %add3A_546 : vector<16xi32>
        %add3A_548 = arith.addi %gather3A_111, %add3A_520 : vector<16xi32>
        %gather3A_549 = tpu.vector_load_idx %arg8[%add3A_547, %add3A_548] : memref<192x128xf32, #tpu.memory_space<vmem>>[vector<16xi32>, vector<16xi32>], vector<16xf32>,
        %mul3A_550 = arith.mulf %gather3A_549, %gather3A_549 : vector<16xf32>
        %add3A_551 = arith.addf %add3A_509, %mul3A_550 : vector<16xf32>
        %sub3A_552 = arith.subf %gather3A_522, %gather3A_549 : vector<16xf32>
        %mul3A_553 = arith.mulf %sub3A_552, %sub3A_552 : vector<16xf32>
        %add3A_554 = arith.addf %add3A_512, %mul3A_553 : vector<16xf32>
        %broadcast_in_dim3A_555 = arith.constant 0 : i32
        %broadcast_in_dim3A_556 = vector.broadcast %broadcast_in_dim3A_555 : i32 to vector<16xi32>
        %mul3A_557 = arith.constant 8 : i32
        %mul3A_558 = arith.muli %scan3A_380, %mul3A_557 : i32
        %add3A_559 = arith.constant 4 : i32
        %add3A_560 = arith.addi %mul3A_558, %add3A_559 : i32
        %add3A_561 = vector.broadcast %add3A_560 : i32 to vector<16xi32>
        %add3A_562 = arith.addi %broadcast_in_dim3A_556, %add3A_561 : vector<16xi32>
        %add3A_563 = arith.addi %gather3A, %add3A_562 : vector<16xi32>
        %gather3A_564 = tpu.vector_load_idx %arg8[%mul3A_3, %add3A_563] : memref<192x128xf32, #tpu.memory_space<vmem>>[vector<16xi32>, vector<16xi32>], vector<16xf32>,
        %mul3A_565 = arith.mulf %gather3A_564, %gather3A_564 : vector<16xf32>
        %add3A_566 = arith.addf %add3A_524, %mul3A_565 : vector<16xf32>
        %add3A_567 = arith.constant 1 : i32
        %add3A_568 = vector.broadcast %add3A_567 : i32 to vector<16xi32>
        %add3A_569 = arith.addi %mul3A_3, %add3A_568 : vector<16xi32>
        %add3A_570 = arith.addi %gather3A_103, %add3A_562 : vector<16xi32>
        %gather3A_571 = tpu.vector_load_idx %arg8[%add3A_569, %add3A_570] : memref<192x128xf32, #tpu.memory_space<vmem>>[vector<16xi32>, vector<16xi32>], vector<16xf32>,
        %mul3A_572 = arith.mulf %gather3A_571, %gather3A_571 : vector<16xf32>
        %add3A_573 = arith.addf %add3A_531, %mul3A_572 : vector<16xf32>
        %sub3A_574 = arith.subf %gather3A_564, %gather3A_571 : vector<16xf32>
        %mul3A_575 = arith.mulf %sub3A_574, %sub3A_574 : vector<16xf32>
        %add3A_576 = arith.addf %add3A_534, %mul3A_575 : vector<16xf32>
        %add3A_577 = arith.constant 2 : i32
        %add3A_578 = vector.broadcast %add3A_577 : i32 to vector<16xi32>
        %add3A_579 = arith.addi %mul3A_3, %add3A_578 : vector<16xi32>
        %add3A_580 = arith.addi %gather3A_107, %add3A_562 : vector<16xi32>
        %gather3A_581 = tpu.vector_load_idx %arg8[%add3A_579, %add3A_580] : memref<192x128xf32, #tpu.memory_space<vmem>>[vector<16xi32>, vector<16xi32>], vector<16xf32>,
        %mul3A_582 = arith.mulf %gather3A_581, %gather3A_581 : vector<16xf32>
        %add3A_583 = arith.addf %add3A_541, %mul3A_582 : vector<16xf32>
        %sub3A_584 = arith.subf %gather3A_564, %gather3A_581 : vector<16xf32>
        %mul3A_585 = arith.mulf %sub3A_584, %sub3A_584 : vector<16xf32>
        %add3A_586 = arith.addf %add3A_544, %mul3A_585 : vector<16xf32>
        %add3A_587 = arith.constant 3 : i32
        %add3A_588 = vector.broadcast %add3A_587 : i32 to vector<16xi32>
        %add3A_589 = arith.addi %mul3A_3, %add3A_588 : vector<16xi32>
        %add3A_590 = arith.addi %gather3A_111, %add3A_562 : vector<16xi32>
        %gather3A_591 = tpu.vector_load_idx %arg8[%add3A_589, %add3A_590] : memref<192x128xf32, #tpu.memory_space<vmem>>[vector<16xi32>, vector<16xi32>], vector<16xf32>,
        %mul3A_592 = arith.mulf %gather3A_591, %gather3A_591 : vector<16xf32>
        %add3A_593 = arith.addf %add3A_551, %mul3A_592 : vector<16xf32>
        %sub3A_594 = arith.subf %gather3A_564, %gather3A_591 : vector<16xf32>
        %mul3A_595 = arith.mulf %sub3A_594, %sub3A_594 : vector<16xf32>
        %add3A_596 = arith.addf %add3A_554, %mul3A_595 : vector<16xf32>
        %broadcast_in_dim3A_597 = arith.constant 0 : i32
        %broadcast_in_dim3A_598 = vector.broadcast %broadcast_in_dim3A_597 : i32 to vector<16xi32>
        %mul3A_599 = arith.constant 8 : i32
        %mul3A_600 = arith.muli %scan3A_380, %mul3A_599 : i32
        %add3A_601 = arith.constant 5 : i32
        %add3A_602 = arith.addi %mul3A_600, %add3A_601 : i32
        %add3A_603 = vector.broadcast %add3A_602 : i32 to vector<16xi32>
        %add3A_604 = arith.addi %broadcast_in_dim3A_598, %add3A_603 : vector<16xi32>
        %add3A_605 = arith.addi %gather3A, %add3A_604 : vector<16xi32>
        %gather3A_606 = tpu.vector_load_idx %arg8[%mul3A_3, %add3A_605] : memref<192x128xf32, #tpu.memory_space<vmem>>[vector<16xi32>, vector<16xi32>], vector<16xf32>,
        %mul3A_607 = arith.mulf %gather3A_606, %gather3A_606 : vector<16xf32>
        %add3A_608 = arith.addf %add3A_566, %mul3A_607 : vector<16xf32>
        %add3A_609 = arith.constant 1 : i32
        %add3A_610 = vector.broadcast %add3A_609 : i32 to vector<16xi32>
        %add3A_611 = arith.addi %mul3A_3, %add3A_610 : vector<16xi32>
        %add3A_612 = arith.addi %gather3A_103, %add3A_604 : vector<16xi32>
        %gather3A_613 = tpu.vector_load_idx %arg8[%add3A_611, %add3A_612] : memref<192x128xf32, #tpu.memory_space<vmem>>[vector<16xi32>, vector<16xi32>], vector<16xf32>,
        %mul3A_614 = arith.mulf %gather3A_613, %gather3A_613 : vector<16xf32>
        %add3A_615 = arith.addf %add3A_573, %mul3A_614 : vector<16xf32>
        %sub3A_616 = arith.subf %gather3A_606, %gather3A_613 : vector<16xf32>
        %mul3A_617 = arith.mulf %sub3A_616, %sub3A_616 : vector<16xf32>
        %add3A_618 = arith.addf %add3A_576, %mul3A_617 : vector<16xf32>
        %add3A_619 = arith.constant 2 : i32
        %add3A_620 = vector.broadcast %add3A_619 : i32 to vector<16xi32>
        %add3A_621 = arith.addi %mul3A_3, %add3A_620 : vector<16xi32>
        %add3A_622 = arith.addi %gather3A_107, %add3A_604 : vector<16xi32>
        %gather3A_623 = tpu.vector_load_idx %arg8[%add3A_621, %add3A_622] : memref<192x128xf32, #tpu.memory_space<vmem>>[vector<16xi32>, vector<16xi32>], vector<16xf32>,
        %mul3A_624 = arith.mulf %gather3A_623, %gather3A_623 : vector<16xf32>
        %add3A_625 = arith.addf %add3A_583, %mul3A_624 : vector<16xf32>
        %sub3A_626 = arith.subf %gather3A_606, %gather3A_623 : vector<16xf32>
        %mul3A_627 = arith.mulf %sub3A_626, %sub3A_626 : vector<16xf32>
        %add3A_628 = arith.addf %add3A_586, %mul3A_627 : vector<16xf32>
        %add3A_629 = arith.constant 3 : i32
        %add3A_630 = vector.broadcast %add3A_629 : i32 to vector<16xi32>
        %add3A_631 = arith.addi %mul3A_3, %add3A_630 : vector<16xi32>
        %add3A_632 = arith.addi %gather3A_111, %add3A_604 : vector<16xi32>
        %gather3A_633 = tpu.vector_load_idx %arg8[%add3A_631, %add3A_632] : memref<192x128xf32, #tpu.memory_space<vmem>>[vector<16xi32>, vector<16xi32>], vector<16xf32>,
        %mul3A_634 = arith.mulf %gather3A_633, %gather3A_633 : vector<16xf32>
        %add3A_635 = arith.addf %add3A_593, %mul3A_634 : vector<16xf32>
        %sub3A_636 = arith.subf %gather3A_606, %gather3A_633 : vector<16xf32>
        %mul3A_637 = arith.mulf %sub3A_636, %sub3A_636 : vector<16xf32>
        %add3A_638 = arith.addf %add3A_596, %mul3A_637 : vector<16xf32>
        %broadcast_in_dim3A_639 = arith.constant 0 : i32
        %broadcast_in_dim3A_640 = vector.broadcast %broadcast_in_dim3A_639 : i32 to vector<16xi32>
        %mul3A_641 = arith.constant 8 : i32
        %mul3A_642 = arith.muli %scan3A_380, %mul3A_641 : i32
        %add3A_643 = arith.constant 6 : i32
        %add3A_644 = arith.addi %mul3A_642, %add3A_643 : i32
        %add3A_645 = vector.broadcast %add3A_644 : i32 to vector<16xi32>
        %add3A_646 = arith.addi %broadcast_in_dim3A_640, %add3A_645 : vector<16xi32>
        %add3A_647 = arith.addi %gather3A, %add3A_646 : vector<16xi32>
        %gather3A_648 = tpu.vector_load_idx %arg8[%mul3A_3, %add3A_647] : memref<192x128xf32, #tpu.memory_space<vmem>>[vector<16xi32>, vector<16xi32>], vector<16xf32>,
        %mul3A_649 = arith.mulf %gather3A_648, %gather3A_648 : vector<16xf32>
        %add3A_650 = arith.addf %add3A_608, %mul3A_649 : vector<16xf32>
        %add3A_651 = arith.constant 1 : i32
        %add3A_652 = vector.broadcast %add3A_651 : i32 to vector<16xi32>
        %add3A_653 = arith.addi %mul3A_3, %add3A_652 : vector<16xi32>
        %add3A_654 = arith.addi %gather3A_103, %add3A_646 : vector<16xi32>
        %gather3A_655 = tpu.vector_load_idx %arg8[%add3A_653, %add3A_654] : memref<192x128xf32, #tpu.memory_space<vmem>>[vector<16xi32>, vector<16xi32>], vector<16xf32>,
        %mul3A_656 = arith.mulf %gather3A_655, %gather3A_655 : vector<16xf32>
        %add3A_657 = arith.addf %add3A_615, %mul3A_656 : vector<16xf32>
        %sub3A_658 = arith.subf %gather3A_648, %gather3A_655 : vector<16xf32>
        %mul3A_659 = arith.mulf %sub3A_658, %sub3A_658 : vector<16xf32>
        %add3A_660 = arith.addf %add3A_618, %mul3A_659 : vector<16xf32>
        %add3A_661 = arith.constant 2 : i32
        %add3A_662 = vector.broadcast %add3A_661 : i32 to vector<16xi32>
        %add3A_663 = arith.addi %mul3A_3, %add3A_662 : vector<16xi32>
        %add3A_664 = arith.addi %gather3A_107, %add3A_646 : vector<16xi32>
        %gather3A_665 = tpu.vector_load_idx %arg8[%add3A_663, %add3A_664] : memref<192x128xf32, #tpu.memory_space<vmem>>[vector<16xi32>, vector<16xi32>], vector<16xf32>,
        %mul3A_666 = arith.mulf %gather3A_665, %gather3A_665 : vector<16xf32>
        %add3A_667 = arith.addf %add3A_625, %mul3A_666 : vector<16xf32>
        %sub3A_668 = arith.subf %gather3A_648, %gather3A_665 : vector<16xf32>
        %mul3A_669 = arith.mulf %sub3A_668, %sub3A_668 : vector<16xf32>
        %add3A_670 = arith.addf %add3A_628, %mul3A_669 : vector<16xf32>
        %add3A_671 = arith.constant 3 : i32
        %add3A_672 = vector.broadcast %add3A_671 : i32 to vector<16xi32>
        %add3A_673 = arith.addi %mul3A_3, %add3A_672 : vector<16xi32>
        %add3A_674 = arith.addi %gather3A_111, %add3A_646 : vector<16xi32>
        %gather3A_675 = tpu.vector_load_idx %arg8[%add3A_673, %add3A_674] : memref<192x128xf32, #tpu.memory_space<vmem>>[vector<16xi32>, vector<16xi32>], vector<16xf32>,
        %mul3A_676 = arith.mulf %gather3A_675, %gather3A_675 : vector<16xf32>
        %add3A_677 = arith.addf %add3A_635, %mul3A_676 : vector<16xf32>
        %sub3A_678 = arith.subf %gather3A_648, %gather3A_675 : vector<16xf32>
        %mul3A_679 = arith.mulf %sub3A_678, %sub3A_678 : vector<16xf32>
        %add3A_680 = arith.addf %add3A_638, %mul3A_679 : vector<16xf32>
        %broadcast_in_dim3A_681 = arith.constant 0 : i32
        %broadcast_in_dim3A_682 = vector.broadcast %broadcast_in_dim3A_681 : i32 to vector<16xi32>
        %mul3A_683 = arith.constant 8 : i32
        %mul3A_684 = arith.muli %scan3A_380, %mul3A_683 : i32
        %add3A_685 = arith.constant 7 : i32
        %add3A_686 = arith.addi %mul3A_684, %add3A_685 : i32
        %add3A_687 = vector.broadcast %add3A_686 : i32 to vector<16xi32>
        %add3A_688 = arith.addi %broadcast_in_dim3A_682, %add3A_687 : vector<16xi32>
        %add3A_689 = arith.addi %gather3A, %add3A_688 : vector<16xi32>
        %gather3A_690 = tpu.vector_load_idx %arg8[%mul3A_3, %add3A_689] : memref<192x128xf32, #tpu.memory_space<vmem>>[vector<16xi32>, vector<16xi32>], vector<16xf32>,
        %mul3A_691 = arith.mulf %gather3A_690, %gather3A_690 : vector<16xf32>
        %add3A_692 = arith.addf %add3A_650, %mul3A_691 : vector<16xf32>
        %add3A_693 = arith.constant 1 : i32
        %add3A_694 = vector.broadcast %add3A_693 : i32 to vector<16xi32>
        %add3A_695 = arith.addi %mul3A_3, %add3A_694 : vector<16xi32>
        %add3A_696 = arith.addi %gather3A_103, %add3A_688 : vector<16xi32>
        %gather3A_697 = tpu.vector_load_idx %arg8[%add3A_695, %add3A_696] : memref<192x128xf32, #tpu.memory_space<vmem>>[vector<16xi32>, vector<16xi32>], vector<16xf32>,
        %mul3A_698 = arith.mulf %gather3A_697, %gather3A_697 : vector<16xf32>
        %add3A_699 = arith.addf %add3A_657, %mul3A_698 : vector<16xf32>
        %sub3A_700 = arith.subf %gather3A_690, %gather3A_697 : vector<16xf32>
        %mul3A_701 = arith.mulf %sub3A_700, %sub3A_700 : vector<16xf32>
        %add3A_702 = arith.addf %add3A_660, %mul3A_701 : vector<16xf32>
        %add3A_703 = arith.constant 2 : i32
        %add3A_704 = vector.broadcast %add3A_703 : i32 to vector<16xi32>
        %add3A_705 = arith.addi %mul3A_3, %add3A_704 : vector<16xi32>
        %add3A_706 = arith.addi %gather3A_107, %add3A_688 : vector<16xi32>
        %gather3A_707 = tpu.vector_load_idx %arg8[%add3A_705, %add3A_706] : memref<192x128xf32, #tpu.memory_space<vmem>>[vector<16xi32>, vector<16xi32>], vector<16xf32>,
        %mul3A_708 = arith.mulf %gather3A_707, %gather3A_707 : vector<16xf32>
        %add3A_709 = arith.addf %add3A_667, %mul3A_708 : vector<16xf32>
        %sub3A_710 = arith.subf %gather3A_690, %gather3A_707 : vector<16xf32>
        %mul3A_711 = arith.mulf %sub3A_710, %sub3A_710 : vector<16xf32>
        %add3A_712 = arith.addf %add3A_670, %mul3A_711 : vector<16xf32>
        %add3A_713 = arith.constant 3 : i32
        %add3A_714 = vector.broadcast %add3A_713 : i32 to vector<16xi32>
        %add3A_715 = arith.addi %mul3A_3, %add3A_714 : vector<16xi32>
        %add3A_716 = arith.addi %gather3A_111, %add3A_688 : vector<16xi32>
        %gather3A_717 = tpu.vector_load_idx %arg8[%add3A_715, %add3A_716] : memref<192x128xf32, #tpu.memory_space<vmem>>[vector<16xi32>, vector<16xi32>], vector<16xf32>,
        %mul3A_718 = arith.mulf %gather3A_717, %gather3A_717 : vector<16xf32>
        %add3A_719 = arith.addf %add3A_677, %mul3A_718 : vector<16xf32>
        %sub3A_720 = arith.subf %gather3A_690, %gather3A_717 : vector<16xf32>
        %mul3A_721 = arith.mulf %sub3A_720, %sub3A_720 : vector<16xf32>
        %add3A_722 = arith.addf %add3A_680, %mul3A_721 : vector<16xf32>
        scf.yield %add3A_692, %add3A_699, %add3A_709, %add3A_719, %add3A_702, %add3A_712, %add3A_722 : vector<16xf32>, vector<16xf32>, vector<16xf32>, vector<16xf32>, vector<16xf32>, vector<16xf32>, vector<16xf32>
      }
      %scan3A_117 = arith.constant 4 : i32
      %broadcast_in_dim3A_118 = arith.constant 0 : i32
      %broadcast_in_dim3A_119 = vector.broadcast %broadcast_in_dim3A_118 : i32 to vector<16xi32>
      tpu.vector_store_idx %arg10[%add3A_99, %broadcast_in_dim3A_119], %scan3A_116#0 : memref<256x128xf32, #tpu.memory_space<vmem>>[vector<16xi32>, vector<16xi32>], vector<16xf32>,
      %broadcast_in_dim3A_120 = arith.constant 1 : i32
      %broadcast_in_dim3A_121 = vector.broadcast %broadcast_in_dim3A_120 : i32 to vector<16xi32>
      tpu.vector_store_idx %arg10[%add3A_99, %broadcast_in_dim3A_121], %scan3A_116#1 : memref<256x128xf32, #tpu.memory_space<vmem>>[vector<16xi32>, vector<16xi32>], vector<16xf32>,
      %broadcast_in_dim3A_122 = arith.constant 12 : i32
      %broadcast_in_dim3A_123 = vector.broadcast %broadcast_in_dim3A_122 : i32 to vector<16xi32>
      tpu.vector_store_idx %arg10[%add3A_99, %broadcast_in_dim3A_123], %scan3A_116#4 : memref<256x128xf32, #tpu.memory_space<vmem>>[vector<16xi32>, vector<16xi32>], vector<16xf32>,
      %broadcast_in_dim3A_124 = arith.constant 2 : i32
      %broadcast_in_dim3A_125 = vector.broadcast %broadcast_in_dim3A_124 : i32 to vector<16xi32>
      tpu.vector_store_idx %arg10[%add3A_99, %broadcast_in_dim3A_125], %scan3A_116#2 : memref<256x128xf32, #tpu.memory_space<vmem>>[vector<16xi32>, vector<16xi32>], vector<16xf32>,
      %broadcast_in_dim3A_126 = arith.constant 13 : i32
      %broadcast_in_dim3A_127 = vector.broadcast %broadcast_in_dim3A_126 : i32 to vector<16xi32>
      tpu.vector_store_idx %arg10[%add3A_99, %broadcast_in_dim3A_127], %scan3A_116#5 : memref<256x128xf32, #tpu.memory_space<vmem>>[vector<16xi32>, vector<16xi32>], vector<16xf32>,
      %broadcast_in_dim3A_128 = arith.constant 3 : i32
      %broadcast_in_dim3A_129 = vector.broadcast %broadcast_in_dim3A_128 : i32 to vector<16xi32>
      tpu.vector_store_idx %arg10[%add3A_99, %broadcast_in_dim3A_129], %scan3A_116#3 : memref<256x128xf32, #tpu.memory_space<vmem>>[vector<16xi32>, vector<16xi32>], vector<16xf32>,
      %broadcast_in_dim3A_130 = arith.constant 14 : i32
      %broadcast_in_dim3A_131 = vector.broadcast %broadcast_in_dim3A_130 : i32 to vector<16xi32>
      tpu.vector_store_idx %arg10[%add3A_99, %broadcast_in_dim3A_131], %scan3A_116#6 : memref<256x128xf32, #tpu.memory_space<vmem>>[vector<16xi32>, vector<16xi32>], vector<16xf32>,
      %add3A_132 = arith.constant 4 : i32
      %add3A_133 = vector.broadcast %add3A_132 : i32 to vector<16xi32>
      %add3A_134 = arith.addi %add3A_93, %add3A_133 : vector<16xi32>
      %gather3A_135 = tpu.vector_load_idx %arg7[%add3A_134] : memref<6144xi32, #tpu.memory_space<vmem>>[vector<16xi32>], vector<16xi32>,
      %add3A_136 = arith.constant 5 : i32
      %add3A_137 = vector.broadcast %add3A_136 : i32 to vector<16xi32>
      %add3A_138 = arith.addi %add3A_93, %add3A_137 : vector<16xi32>
      %gather3A_139 = tpu.vector_load_idx %arg7[%add3A_138] : memref<6144xi32, #tpu.memory_space<vmem>>[vector<16xi32>], vector<16xi32>,
      %add3A_140 = arith.constant 6 : i32
      %add3A_141 = vector.broadcast %add3A_140 : i32 to vector<16xi32>
      %add3A_142 = arith.addi %add3A_93, %add3A_141 : vector<16xi32>
      %gather3A_143 = tpu.vector_load_idx %arg7[%add3A_142] : memref<6144xi32, #tpu.memory_space<vmem>>[vector<16xi32>], vector<16xi32>,
      %scan3A_144 = arith.constant 0 : i32
      %scan3A_145 = arith.constant 4 : i32
      %scan3A_146 = arith.addi %scan3A_144, %scan3A_145 : i32
      %scan3A_147 = arith.constant 1 : i32
      %scan3A_148:6 = scf.for %scan3A_380 = %scan3A_144 to %scan3A_146 step %scan3A_147 iter_args(%scan3A_381 = %broadcast_in_dim3A_94, %scan3A_382 = %broadcast_in_dim3A_94, %scan3A_383 = %broadcast_in_dim3A_94, %scan3A_384 = %broadcast_in_dim3A_94, %scan3A_385 = %broadcast_in_dim3A_94, %scan3A_386 = %broadcast_in_dim3A_94) -> (vector<16xf32>, vector<16xf32>, vector<16xf32>, vector<16xf32>, vector<16xf32>, vector<16xf32>)  : i32 {
        %broadcast_in_dim3A_387 = arith.constant 0 : i32
        %broadcast_in_dim3A_388 = vector.broadcast %broadcast_in_dim3A_387 : i32 to vector<16xi32>
        %mul3A_389 = arith.constant 8 : i32
        %mul3A_390 = arith.muli %scan3A_380, %mul3A_389 : i32
        %add3A_391 = arith.constant 0 : i32
        %add3A_392 = arith.addi %mul3A_390, %add3A_391 : i32
        %add3A_393 = vector.broadcast %add3A_392 : i32 to vector<16xi32>
        %add3A_394 = arith.addi %broadcast_in_dim3A_388, %add3A_393 : vector<16xi32>
        %add3A_395 = arith.addi %gather3A, %add3A_394 : vector<16xi32>
        %gather3A_396 = tpu.vector_load_idx %arg8[%mul3A_3, %add3A_395] : memref<192x128xf32, #tpu.memory_space<vmem>>[vector<16xi32>, vector<16xi32>], vector<16xf32>,
        %add3A_397 = arith.constant 4 : i32
        %add3A_398 = vector.broadcast %add3A_397 : i32 to vector<16xi32>
        %add3A_399 = arith.addi %mul3A_3, %add3A_398 : vector<16xi32>
        %add3A_400 = arith.addi %gather3A_135, %add3A_394 : vector<16xi32>
        %gather3A_401 = tpu.vector_load_idx %arg8[%add3A_399, %add3A_400] : memref<192x128xf32, #tpu.memory_space<vmem>>[vector<16xi32>, vector<16xi32>], vector<16xf32>,
        %mul3A_402 = arith.mulf %gather3A_401, %gather3A_401 : vector<16xf32>
        %add3A_403 = arith.addf %scan3A_381, %mul3A_402 : vector<16xf32>
        %sub3A = arith.subf %gather3A_396, %gather3A_401 : vector<16xf32>
        %mul3A_404 = arith.mulf %sub3A, %sub3A : vector<16xf32>
        %add3A_405 = arith.addf %scan3A_384, %mul3A_404 : vector<16xf32>
        %add3A_406 = arith.constant 5 : i32
        %add3A_407 = vector.broadcast %add3A_406 : i32 to vector<16xi32>
        %add3A_408 = arith.addi %mul3A_3, %add3A_407 : vector<16xi32>
        %add3A_409 = arith.addi %gather3A_139, %add3A_394 : vector<16xi32>
        %gather3A_410 = tpu.vector_load_idx %arg8[%add3A_408, %add3A_409] : memref<192x128xf32, #tpu.memory_space<vmem>>[vector<16xi32>, vector<16xi32>], vector<16xf32>,
        %mul3A_411 = arith.mulf %gather3A_410, %gather3A_410 : vector<16xf32>
        %add3A_412 = arith.addf %scan3A_382, %mul3A_411 : vector<16xf32>
        %sub3A_413 = arith.subf %gather3A_396, %gather3A_410 : vector<16xf32>
        %mul3A_414 = arith.mulf %sub3A_413, %sub3A_413 : vector<16xf32>
        %add3A_415 = arith.addf %scan3A_385, %mul3A_414 : vector<16xf32>
        %add3A_416 = arith.constant 6 : i32
        %add3A_417 = vector.broadcast %add3A_416 : i32 to vector<16xi32>
        %add3A_418 = arith.addi %mul3A_3, %add3A_417 : vector<16xi32>
        %add3A_419 = arith.addi %gather3A_143, %add3A_394 : vector<16xi32>
        %gather3A_420 = tpu.vector_load_idx %arg8[%add3A_418, %add3A_419] : memref<192x128xf32, #tpu.memory_space<vmem>>[vector<16xi32>, vector<16xi32>], vector<16xf32>,
        %mul3A_421 = arith.mulf %gather3A_420, %gather3A_420 : vector<16xf32>
        %add3A_422 = arith.addf %scan3A_383, %mul3A_421 : vector<16xf32>
        %sub3A_423 = arith.subf %gather3A_396, %gather3A_420 : vector<16xf32>
        %mul3A_424 = arith.mulf %sub3A_423, %sub3A_423 : vector<16xf32>
        %add3A_425 = arith.addf %scan3A_386, %mul3A_424 : vector<16xf32>
        %broadcast_in_dim3A_426 = arith.constant 0 : i32
        %broadcast_in_dim3A_427 = vector.broadcast %broadcast_in_dim3A_426 : i32 to vector<16xi32>
        %mul3A_428 = arith.constant 8 : i32
        %mul3A_429 = arith.muli %scan3A_380, %mul3A_428 : i32
        %add3A_430 = arith.constant 1 : i32
        %add3A_431 = arith.addi %mul3A_429, %add3A_430 : i32
        %add3A_432 = vector.broadcast %add3A_431 : i32 to vector<16xi32>
        %add3A_433 = arith.addi %broadcast_in_dim3A_427, %add3A_432 : vector<16xi32>
        %add3A_434 = arith.addi %gather3A, %add3A_433 : vector<16xi32>
        %gather3A_435 = tpu.vector_load_idx %arg8[%mul3A_3, %add3A_434] : memref<192x128xf32, #tpu.memory_space<vmem>>[vector<16xi32>, vector<16xi32>], vector<16xf32>,
        %add3A_436 = arith.constant 4 : i32
        %add3A_437 = vector.broadcast %add3A_436 : i32 to vector<16xi32>
        %add3A_438 = arith.addi %mul3A_3, %add3A_437 : vector<16xi32>
        %add3A_439 = arith.addi %gather3A_135, %add3A_433 : vector<16xi32>
        %gather3A_440 = tpu.vector_load_idx %arg8[%add3A_438, %add3A_439] : memref<192x128xf32, #tpu.memory_space<vmem>>[vector<16xi32>, vector<16xi32>], vector<16xf32>,
        %mul3A_441 = arith.mulf %gather3A_440, %gather3A_440 : vector<16xf32>
        %add3A_442 = arith.addf %add3A_403, %mul3A_441 : vector<16xf32>
        %sub3A_443 = arith.subf %gather3A_435, %gather3A_440 : vector<16xf32>
        %mul3A_444 = arith.mulf %sub3A_443, %sub3A_443 : vector<16xf32>
        %add3A_445 = arith.addf %add3A_405, %mul3A_444 : vector<16xf32>
        %add3A_446 = arith.constant 5 : i32
        %add3A_447 = vector.broadcast %add3A_446 : i32 to vector<16xi32>
        %add3A_448 = arith.addi %mul3A_3, %add3A_447 : vector<16xi32>
        %add3A_449 = arith.addi %gather3A_139, %add3A_433 : vector<16xi32>
        %gather3A_450 = tpu.vector_load_idx %arg8[%add3A_448, %add3A_449] : memref<192x128xf32, #tpu.memory_space<vmem>>[vector<16xi32>, vector<16xi32>], vector<16xf32>,
        %mul3A_451 = arith.mulf %gather3A_450, %gather3A_450 : vector<16xf32>
        %add3A_452 = arith.addf %add3A_412, %mul3A_451 : vector<16xf32>
        %sub3A_453 = arith.subf %gather3A_435, %gather3A_450 : vector<16xf32>
        %mul3A_454 = arith.mulf %sub3A_453, %sub3A_453 : vector<16xf32>
        %add3A_455 = arith.addf %add3A_415, %mul3A_454 : vector<16xf32>
        %add3A_456 = arith.constant 6 : i32
        %add3A_457 = vector.broadcast %add3A_456 : i32 to vector<16xi32>
        %add3A_458 = arith.addi %mul3A_3, %add3A_457 : vector<16xi32>
        %add3A_459 = arith.addi %gather3A_143, %add3A_433 : vector<16xi32>
        %gather3A_460 = tpu.vector_load_idx %arg8[%add3A_458, %add3A_459] : memref<192x128xf32, #tpu.memory_space<vmem>>[vector<16xi32>, vector<16xi32>], vector<16xf32>,
        %mul3A_461 = arith.mulf %gather3A_460, %gather3A_460 : vector<16xf32>
        %add3A_462 = arith.addf %add3A_422, %mul3A_461 : vector<16xf32>
        %sub3A_463 = arith.subf %gather3A_435, %gather3A_460 : vector<16xf32>
        %mul3A_464 = arith.mulf %sub3A_463, %sub3A_463 : vector<16xf32>
        %add3A_465 = arith.addf %add3A_425, %mul3A_464 : vector<16xf32>
        %broadcast_in_dim3A_466 = arith.constant 0 : i32
        %broadcast_in_dim3A_467 = vector.broadcast %broadcast_in_dim3A_466 : i32 to vector<16xi32>
        %mul3A_468 = arith.constant 8 : i32
        %mul3A_469 = arith.muli %scan3A_380, %mul3A_468 : i32
        %add3A_470 = arith.constant 2 : i32
        %add3A_471 = arith.addi %mul3A_469, %add3A_470 : i32
        %add3A_472 = vector.broadcast %add3A_471 : i32 to vector<16xi32>
        %add3A_473 = arith.addi %broadcast_in_dim3A_467, %add3A_472 : vector<16xi32>
        %add3A_474 = arith.addi %gather3A, %add3A_473 : vector<16xi32>
        %gather3A_475 = tpu.vector_load_idx %arg8[%mul3A_3, %add3A_474] : memref<192x128xf32, #tpu.memory_space<vmem>>[vector<16xi32>, vector<16xi32>], vector<16xf32>,
        %add3A_476 = arith.constant 4 : i32
        %add3A_477 = vector.broadcast %add3A_476 : i32 to vector<16xi32>
        %add3A_478 = arith.addi %mul3A_3, %add3A_477 : vector<16xi32>
        %add3A_479 = arith.addi %gather3A_135, %add3A_473 : vector<16xi32>
        %gather3A_480 = tpu.vector_load_idx %arg8[%add3A_478, %add3A_479] : memref<192x128xf32, #tpu.memory_space<vmem>>[vector<16xi32>, vector<16xi32>], vector<16xf32>,
        %mul3A_481 = arith.mulf %gather3A_480, %gather3A_480 : vector<16xf32>
        %add3A_482 = arith.addf %add3A_442, %mul3A_481 : vector<16xf32>
        %sub3A_483 = arith.subf %gather3A_475, %gather3A_480 : vector<16xf32>
        %mul3A_484 = arith.mulf %sub3A_483, %sub3A_483 : vector<16xf32>
        %add3A_485 = arith.addf %add3A_445, %mul3A_484 : vector<16xf32>
        %add3A_486 = arith.constant 5 : i32
        %add3A_487 = vector.broadcast %add3A_486 : i32 to vector<16xi32>
        %add3A_488 = arith.addi %mul3A_3, %add3A_487 : vector<16xi32>
        %add3A_489 = arith.addi %gather3A_139, %add3A_473 : vector<16xi32>
        %gather3A_490 = tpu.vector_load_idx %arg8[%add3A_488, %add3A_489] : memref<192x128xf32, #tpu.memory_space<vmem>>[vector<16xi32>, vector<16xi32>], vector<16xf32>,
        %mul3A_491 = arith.mulf %gather3A_490, %gather3A_490 : vector<16xf32>
        %add3A_492 = arith.addf %add3A_452, %mul3A_491 : vector<16xf32>
        %sub3A_493 = arith.subf %gather3A_475, %gather3A_490 : vector<16xf32>
        %mul3A_494 = arith.mulf %sub3A_493, %sub3A_493 : vector<16xf32>
        %add3A_495 = arith.addf %add3A_455, %mul3A_494 : vector<16xf32>
        %add3A_496 = arith.constant 6 : i32
        %add3A_497 = vector.broadcast %add3A_496 : i32 to vector<16xi32>
        %add3A_498 = arith.addi %mul3A_3, %add3A_497 : vector<16xi32>
        %add3A_499 = arith.addi %gather3A_143, %add3A_473 : vector<16xi32>
        %gather3A_500 = tpu.vector_load_idx %arg8[%add3A_498, %add3A_499] : memref<192x128xf32, #tpu.memory_space<vmem>>[vector<16xi32>, vector<16xi32>], vector<16xf32>,
        %mul3A_501 = arith.mulf %gather3A_500, %gather3A_500 : vector<16xf32>
        %add3A_502 = arith.addf %add3A_462, %mul3A_501 : vector<16xf32>
        %sub3A_503 = arith.subf %gather3A_475, %gather3A_500 : vector<16xf32>
        %mul3A_504 = arith.mulf %sub3A_503, %sub3A_503 : vector<16xf32>
        %add3A_505 = arith.addf %add3A_465, %mul3A_504 : vector<16xf32>
        %broadcast_in_dim3A_506 = arith.constant 0 : i32
        %broadcast_in_dim3A_507 = vector.broadcast %broadcast_in_dim3A_506 : i32 to vector<16xi32>
        %mul3A_508 = arith.constant 8 : i32
        %mul3A_509 = arith.muli %scan3A_380, %mul3A_508 : i32
        %add3A_510 = arith.constant 3 : i32
        %add3A_511 = arith.addi %mul3A_509, %add3A_510 : i32
        %add3A_512 = vector.broadcast %add3A_511 : i32 to vector<16xi32>
        %add3A_513 = arith.addi %broadcast_in_dim3A_507, %add3A_512 : vector<16xi32>
        %add3A_514 = arith.addi %gather3A, %add3A_513 : vector<16xi32>
        %gather3A_515 = tpu.vector_load_idx %arg8[%mul3A_3, %add3A_514] : memref<192x128xf32, #tpu.memory_space<vmem>>[vector<16xi32>, vector<16xi32>], vector<16xf32>,
        %add3A_516 = arith.constant 4 : i32
        %add3A_517 = vector.broadcast %add3A_516 : i32 to vector<16xi32>
        %add3A_518 = arith.addi %mul3A_3, %add3A_517 : vector<16xi32>
        %add3A_519 = arith.addi %gather3A_135, %add3A_513 : vector<16xi32>
        %gather3A_520 = tpu.vector_load_idx %arg8[%add3A_518, %add3A_519] : memref<192x128xf32, #tpu.memory_space<vmem>>[vector<16xi32>, vector<16xi32>], vector<16xf32>,
        %mul3A_521 = arith.mulf %gather3A_520, %gather3A_520 : vector<16xf32>
        %add3A_522 = arith.addf %add3A_482, %mul3A_521 : vector<16xf32>
        %sub3A_523 = arith.subf %gather3A_515, %gather3A_520 : vector<16xf32>
        %mul3A_524 = arith.mulf %sub3A_523, %sub3A_523 : vector<16xf32>
        %add3A_525 = arith.addf %add3A_485, %mul3A_524 : vector<16xf32>
        %add3A_526 = arith.constant 5 : i32
        %add3A_527 = vector.broadcast %add3A_526 : i32 to vector<16xi32>
        %add3A_528 = arith.addi %mul3A_3, %add3A_527 : vector<16xi32>
        %add3A_529 = arith.addi %gather3A_139, %add3A_513 : vector<16xi32>
        %gather3A_530 = tpu.vector_load_idx %arg8[%add3A_528, %add3A_529] : memref<192x128xf32, #tpu.memory_space<vmem>>[vector<16xi32>, vector<16xi32>], vector<16xf32>,
        %mul3A_531 = arith.mulf %gather3A_530, %gather3A_530 : vector<16xf32>
        %add3A_532 = arith.addf %add3A_492, %mul3A_531 : vector<16xf32>
        %sub3A_533 = arith.subf %gather3A_515, %gather3A_530 : vector<16xf32>
        %mul3A_534 = arith.mulf %sub3A_533, %sub3A_533 : vector<16xf32>
        %add3A_535 = arith.addf %add3A_495, %mul3A_534 : vector<16xf32>
        %add3A_536 = arith.constant 6 : i32
        %add3A_537 = vector.broadcast %add3A_536 : i32 to vector<16xi32>
        %add3A_538 = arith.addi %mul3A_3, %add3A_537 : vector<16xi32>
        %add3A_539 = arith.addi %gather3A_143, %add3A_513 : vector<16xi32>
        %gather3A_540 = tpu.vector_load_idx %arg8[%add3A_538, %add3A_539] : memref<192x128xf32, #tpu.memory_space<vmem>>[vector<16xi32>, vector<16xi32>], vector<16xf32>,
        %mul3A_541 = arith.mulf %gather3A_540, %gather3A_540 : vector<16xf32>
        %add3A_542 = arith.addf %add3A_502, %mul3A_541 : vector<16xf32>
        %sub3A_543 = arith.subf %gather3A_515, %gather3A_540 : vector<16xf32>
        %mul3A_544 = arith.mulf %sub3A_543, %sub3A_543 : vector<16xf32>
        %add3A_545 = arith.addf %add3A_505, %mul3A_544 : vector<16xf32>
        %broadcast_in_dim3A_546 = arith.constant 0 : i32
        %broadcast_in_dim3A_547 = vector.broadcast %broadcast_in_dim3A_546 : i32 to vector<16xi32>
        %mul3A_548 = arith.constant 8 : i32
        %mul3A_549 = arith.muli %scan3A_380, %mul3A_548 : i32
        %add3A_550 = arith.constant 4 : i32
        %add3A_551 = arith.addi %mul3A_549, %add3A_550 : i32
        %add3A_552 = vector.broadcast %add3A_551 : i32 to vector<16xi32>
        %add3A_553 = arith.addi %broadcast_in_dim3A_547, %add3A_552 : vector<16xi32>
        %add3A_554 = arith.addi %gather3A, %add3A_553 : vector<16xi32>
        %gather3A_555 = tpu.vector_load_idx %arg8[%mul3A_3, %add3A_554] : memref<192x128xf32, #tpu.memory_space<vmem>>[vector<16xi32>, vector<16xi32>], vector<16xf32>,
        %add3A_556 = arith.constant 4 : i32
        %add3A_557 = vector.broadcast %add3A_556 : i32 to vector<16xi32>
        %add3A_558 = arith.addi %mul3A_3, %add3A_557 : vector<16xi32>
        %add3A_559 = arith.addi %gather3A_135, %add3A_553 : vector<16xi32>
        %gather3A_560 = tpu.vector_load_idx %arg8[%add3A_558, %add3A_559] : memref<192x128xf32, #tpu.memory_space<vmem>>[vector<16xi32>, vector<16xi32>], vector<16xf32>,
        %mul3A_561 = arith.mulf %gather3A_560, %gather3A_560 : vector<16xf32>
        %add3A_562 = arith.addf %add3A_522, %mul3A_561 : vector<16xf32>
        %sub3A_563 = arith.subf %gather3A_555, %gather3A_560 : vector<16xf32>
        %mul3A_564 = arith.mulf %sub3A_563, %sub3A_563 : vector<16xf32>
        %add3A_565 = arith.addf %add3A_525, %mul3A_564 : vector<16xf32>
        %add3A_566 = arith.constant 5 : i32
        %add3A_567 = vector.broadcast %add3A_566 : i32 to vector<16xi32>
        %add3A_568 = arith.addi %mul3A_3, %add3A_567 : vector<16xi32>
        %add3A_569 = arith.addi %gather3A_139, %add3A_553 : vector<16xi32>
        %gather3A_570 = tpu.vector_load_idx %arg8[%add3A_568, %add3A_569] : memref<192x128xf32, #tpu.memory_space<vmem>>[vector<16xi32>, vector<16xi32>], vector<16xf32>,
        %mul3A_571 = arith.mulf %gather3A_570, %gather3A_570 : vector<16xf32>
        %add3A_572 = arith.addf %add3A_532, %mul3A_571 : vector<16xf32>
        %sub3A_573 = arith.subf %gather3A_555, %gather3A_570 : vector<16xf32>
        %mul3A_574 = arith.mulf %sub3A_573, %sub3A_573 : vector<16xf32>
        %add3A_575 = arith.addf %add3A_535, %mul3A_574 : vector<16xf32>
        %add3A_576 = arith.constant 6 : i32
        %add3A_577 = vector.broadcast %add3A_576 : i32 to vector<16xi32>
        %add3A_578 = arith.addi %mul3A_3, %add3A_577 : vector<16xi32>
        %add3A_579 = arith.addi %gather3A_143, %add3A_553 : vector<16xi32>
        %gather3A_580 = tpu.vector_load_idx %arg8[%add3A_578, %add3A_579] : memref<192x128xf32, #tpu.memory_space<vmem>>[vector<16xi32>, vector<16xi32>], vector<16xf32>,
        %mul3A_581 = arith.mulf %gather3A_580, %gather3A_580 : vector<16xf32>
        %add3A_582 = arith.addf %add3A_542, %mul3A_581 : vector<16xf32>
        %sub3A_583 = arith.subf %gather3A_555, %gather3A_580 : vector<16xf32>
        %mul3A_584 = arith.mulf %sub3A_583, %sub3A_583 : vector<16xf32>
        %add3A_585 = arith.addf %add3A_545, %mul3A_584 : vector<16xf32>
        %broadcast_in_dim3A_586 = arith.constant 0 : i32
        %broadcast_in_dim3A_587 = vector.broadcast %broadcast_in_dim3A_586 : i32 to vector<16xi32>
        %mul3A_588 = arith.constant 8 : i32
        %mul3A_589 = arith.muli %scan3A_380, %mul3A_588 : i32
        %add3A_590 = arith.constant 5 : i32
        %add3A_591 = arith.addi %mul3A_589, %add3A_590 : i32
        %add3A_592 = vector.broadcast %add3A_591 : i32 to vector<16xi32>
        %add3A_593 = arith.addi %broadcast_in_dim3A_587, %add3A_592 : vector<16xi32>
        %add3A_594 = arith.addi %gather3A, %add3A_593 : vector<16xi32>
        %gather3A_595 = tpu.vector_load_idx %arg8[%mul3A_3, %add3A_594] : memref<192x128xf32, #tpu.memory_space<vmem>>[vector<16xi32>, vector<16xi32>], vector<16xf32>,
        %add3A_596 = arith.constant 4 : i32
        %add3A_597 = vector.broadcast %add3A_596 : i32 to vector<16xi32>
        %add3A_598 = arith.addi %mul3A_3, %add3A_597 : vector<16xi32>
        %add3A_599 = arith.addi %gather3A_135, %add3A_593 : vector<16xi32>
        %gather3A_600 = tpu.vector_load_idx %arg8[%add3A_598, %add3A_599] : memref<192x128xf32, #tpu.memory_space<vmem>>[vector<16xi32>, vector<16xi32>], vector<16xf32>,
        %mul3A_601 = arith.mulf %gather3A_600, %gather3A_600 : vector<16xf32>
        %add3A_602 = arith.addf %add3A_562, %mul3A_601 : vector<16xf32>
        %sub3A_603 = arith.subf %gather3A_595, %gather3A_600 : vector<16xf32>
        %mul3A_604 = arith.mulf %sub3A_603, %sub3A_603 : vector<16xf32>
        %add3A_605 = arith.addf %add3A_565, %mul3A_604 : vector<16xf32>
        %add3A_606 = arith.constant 5 : i32
        %add3A_607 = vector.broadcast %add3A_606 : i32 to vector<16xi32>
        %add3A_608 = arith.addi %mul3A_3, %add3A_607 : vector<16xi32>
        %add3A_609 = arith.addi %gather3A_139, %add3A_593 : vector<16xi32>
        %gather3A_610 = tpu.vector_load_idx %arg8[%add3A_608, %add3A_609] : memref<192x128xf32, #tpu.memory_space<vmem>>[vector<16xi32>, vector<16xi32>], vector<16xf32>,
        %mul3A_611 = arith.mulf %gather3A_610, %gather3A_610 : vector<16xf32>
        %add3A_612 = arith.addf %add3A_572, %mul3A_611 : vector<16xf32>
        %sub3A_613 = arith.subf %gather3A_595, %gather3A_610 : vector<16xf32>
        %mul3A_614 = arith.mulf %sub3A_613, %sub3A_613 : vector<16xf32>
        %add3A_615 = arith.addf %add3A_575, %mul3A_614 : vector<16xf32>
        %add3A_616 = arith.constant 6 : i32
        %add3A_617 = vector.broadcast %add3A_616 : i32 to vector<16xi32>
        %add3A_618 = arith.addi %mul3A_3, %add3A_617 : vector<16xi32>
        %add3A_619 = arith.addi %gather3A_143, %add3A_593 : vector<16xi32>
        %gather3A_620 = tpu.vector_load_idx %arg8[%add3A_618, %add3A_619] : memref<192x128xf32, #tpu.memory_space<vmem>>[vector<16xi32>, vector<16xi32>], vector<16xf32>,
        %mul3A_621 = arith.mulf %gather3A_620, %gather3A_620 : vector<16xf32>
        %add3A_622 = arith.addf %add3A_582, %mul3A_621 : vector<16xf32>
        %sub3A_623 = arith.subf %gather3A_595, %gather3A_620 : vector<16xf32>
        %mul3A_624 = arith.mulf %sub3A_623, %sub3A_623 : vector<16xf32>
        %add3A_625 = arith.addf %add3A_585, %mul3A_624 : vector<16xf32>
        %broadcast_in_dim3A_626 = arith.constant 0 : i32
        %broadcast_in_dim3A_627 = vector.broadcast %broadcast_in_dim3A_626 : i32 to vector<16xi32>
        %mul3A_628 = arith.constant 8 : i32
        %mul3A_629 = arith.muli %scan3A_380, %mul3A_628 : i32
        %add3A_630 = arith.constant 6 : i32
        %add3A_631 = arith.addi %mul3A_629, %add3A_630 : i32
        %add3A_632 = vector.broadcast %add3A_631 : i32 to vector<16xi32>
        %add3A_633 = arith.addi %broadcast_in_dim3A_627, %add3A_632 : vector<16xi32>
        %add3A_634 = arith.addi %gather3A, %add3A_633 : vector<16xi32>
        %gather3A_635 = tpu.vector_load_idx %arg8[%mul3A_3, %add3A_634] : memref<192x128xf32, #tpu.memory_space<vmem>>[vector<16xi32>, vector<16xi32>], vector<16xf32>,
        %add3A_636 = arith.constant 4 : i32
        %add3A_637 = vector.broadcast %add3A_636 : i32 to vector<16xi32>
        %add3A_638 = arith.addi %mul3A_3, %add3A_637 : vector<16xi32>
        %add3A_639 = arith.addi %gather3A_135, %add3A_633 : vector<16xi32>
        %gather3A_640 = tpu.vector_load_idx %arg8[%add3A_638, %add3A_639] : memref<192x128xf32, #tpu.memory_space<vmem>>[vector<16xi32>, vector<16xi32>], vector<16xf32>,
        %mul3A_641 = arith.mulf %gather3A_640, %gather3A_640 : vector<16xf32>
        %add3A_642 = arith.addf %add3A_602, %mul3A_641 : vector<16xf32>
        %sub3A_643 = arith.subf %gather3A_635, %gather3A_640 : vector<16xf32>
        %mul3A_644 = arith.mulf %sub3A_643, %sub3A_643 : vector<16xf32>
        %add3A_645 = arith.addf %add3A_605, %mul3A_644 : vector<16xf32>
        %add3A_646 = arith.constant 5 : i32
        %add3A_647 = vector.broadcast %add3A_646 : i32 to vector<16xi32>
        %add3A_648 = arith.addi %mul3A_3, %add3A_647 : vector<16xi32>
        %add3A_649 = arith.addi %gather3A_139, %add3A_633 : vector<16xi32>
        %gather3A_650 = tpu.vector_load_idx %arg8[%add3A_648, %add3A_649] : memref<192x128xf32, #tpu.memory_space<vmem>>[vector<16xi32>, vector<16xi32>], vector<16xf32>,
        %mul3A_651 = arith.mulf %gather3A_650, %gather3A_650 : vector<16xf32>
        %add3A_652 = arith.addf %add3A_612, %mul3A_651 : vector<16xf32>
        %sub3A_653 = arith.subf %gather3A_635, %gather3A_650 : vector<16xf32>
        %mul3A_654 = arith.mulf %sub3A_653, %sub3A_653 : vector<16xf32>
        %add3A_655 = arith.addf %add3A_615, %mul3A_654 : vector<16xf32>
        %add3A_656 = arith.constant 6 : i32
        %add3A_657 = vector.broadcast %add3A_656 : i32 to vector<16xi32>
        %add3A_658 = arith.addi %mul3A_3, %add3A_657 : vector<16xi32>
        %add3A_659 = arith.addi %gather3A_143, %add3A_633 : vector<16xi32>
        %gather3A_660 = tpu.vector_load_idx %arg8[%add3A_658, %add3A_659] : memref<192x128xf32, #tpu.memory_space<vmem>>[vector<16xi32>, vector<16xi32>], vector<16xf32>,
        %mul3A_661 = arith.mulf %gather3A_660, %gather3A_660 : vector<16xf32>
        %add3A_662 = arith.addf %add3A_622, %mul3A_661 : vector<16xf32>
        %sub3A_663 = arith.subf %gather3A_635, %gather3A_660 : vector<16xf32>
        %mul3A_664 = arith.mulf %sub3A_663, %sub3A_663 : vector<16xf32>
        %add3A_665 = arith.addf %add3A_625, %mul3A_664 : vector<16xf32>
        %broadcast_in_dim3A_666 = arith.constant 0 : i32
        %broadcast_in_dim3A_667 = vector.broadcast %broadcast_in_dim3A_666 : i32 to vector<16xi32>
        %mul3A_668 = arith.constant 8 : i32
        %mul3A_669 = arith.muli %scan3A_380, %mul3A_668 : i32
        %add3A_670 = arith.constant 7 : i32
        %add3A_671 = arith.addi %mul3A_669, %add3A_670 : i32
        %add3A_672 = vector.broadcast %add3A_671 : i32 to vector<16xi32>
        %add3A_673 = arith.addi %broadcast_in_dim3A_667, %add3A_672 : vector<16xi32>
        %add3A_674 = arith.addi %gather3A, %add3A_673 : vector<16xi32>
        %gather3A_675 = tpu.vector_load_idx %arg8[%mul3A_3, %add3A_674] : memref<192x128xf32, #tpu.memory_space<vmem>>[vector<16xi32>, vector<16xi32>], vector<16xf32>,
        %add3A_676 = arith.constant 4 : i32
        %add3A_677 = vector.broadcast %add3A_676 : i32 to vector<16xi32>
        %add3A_678 = arith.addi %mul3A_3, %add3A_677 : vector<16xi32>
        %add3A_679 = arith.addi %gather3A_135, %add3A_673 : vector<16xi32>
        %gather3A_680 = tpu.vector_load_idx %arg8[%add3A_678, %add3A_679] : memref<192x128xf32, #tpu.memory_space<vmem>>[vector<16xi32>, vector<16xi32>], vector<16xf32>,
        %mul3A_681 = arith.mulf %gather3A_680, %gather3A_680 : vector<16xf32>
        %add3A_682 = arith.addf %add3A_642, %mul3A_681 : vector<16xf32>
        %sub3A_683 = arith.subf %gather3A_675, %gather3A_680 : vector<16xf32>
        %mul3A_684 = arith.mulf %sub3A_683, %sub3A_683 : vector<16xf32>
        %add3A_685 = arith.addf %add3A_645, %mul3A_684 : vector<16xf32>
        %add3A_686 = arith.constant 5 : i32
        %add3A_687 = vector.broadcast %add3A_686 : i32 to vector<16xi32>
        %add3A_688 = arith.addi %mul3A_3, %add3A_687 : vector<16xi32>
        %add3A_689 = arith.addi %gather3A_139, %add3A_673 : vector<16xi32>
        %gather3A_690 = tpu.vector_load_idx %arg8[%add3A_688, %add3A_689] : memref<192x128xf32, #tpu.memory_space<vmem>>[vector<16xi32>, vector<16xi32>], vector<16xf32>,
        %mul3A_691 = arith.mulf %gather3A_690, %gather3A_690 : vector<16xf32>
        %add3A_692 = arith.addf %add3A_652, %mul3A_691 : vector<16xf32>
        %sub3A_693 = arith.subf %gather3A_675, %gather3A_690 : vector<16xf32>
        %mul3A_694 = arith.mulf %sub3A_693, %sub3A_693 : vector<16xf32>
        %add3A_695 = arith.addf %add3A_655, %mul3A_694 : vector<16xf32>
        %add3A_696 = arith.constant 6 : i32
        %add3A_697 = vector.broadcast %add3A_696 : i32 to vector<16xi32>
        %add3A_698 = arith.addi %mul3A_3, %add3A_697 : vector<16xi32>
        %add3A_699 = arith.addi %gather3A_143, %add3A_673 : vector<16xi32>
        %gather3A_700 = tpu.vector_load_idx %arg8[%add3A_698, %add3A_699] : memref<192x128xf32, #tpu.memory_space<vmem>>[vector<16xi32>, vector<16xi32>], vector<16xf32>,
        %mul3A_701 = arith.mulf %gather3A_700, %gather3A_700 : vector<16xf32>
        %add3A_702 = arith.addf %add3A_662, %mul3A_701 : vector<16xf32>
        %sub3A_703 = arith.subf %gather3A_675, %gather3A_700 : vector<16xf32>
        %mul3A_704 = arith.mulf %sub3A_703, %sub3A_703 : vector<16xf32>
        %add3A_705 = arith.addf %add3A_665, %mul3A_704 : vector<16xf32>
        scf.yield %add3A_682, %add3A_692, %add3A_702, %add3A_685, %add3A_695, %add3A_705 : vector<16xf32>, vector<16xf32>, vector<16xf32>, vector<16xf32>, vector<16xf32>, vector<16xf32>
      }
      %scan3A_149 = arith.constant 4 : i32
      %broadcast_in_dim3A_150 = arith.constant 4 : i32
      %broadcast_in_dim3A_151 = vector.broadcast %broadcast_in_dim3A_150 : i32 to vector<16xi32>
      tpu.vector_store_idx %arg10[%add3A_99, %broadcast_in_dim3A_151], %scan3A_148#0 : memref<256x128xf32, #tpu.memory_space<vmem>>[vector<16xi32>, vector<16xi32>], vector<16xf32>,
      %broadcast_in_dim3A_152 = arith.constant 15 : i32
      %broadcast_in_dim3A_153 = vector.broadcast %broadcast_in_dim3A_152 : i32 to vector<16xi32>
      tpu.vector_store_idx %arg10[%add3A_99, %broadcast_in_dim3A_153], %scan3A_148#3 : memref<256x128xf32, #tpu.memory_space<vmem>>[vector<16xi32>, vector<16xi32>], vector<16xf32>,
      %broadcast_in_dim3A_154 = arith.constant 5 : i32
      %broadcast_in_dim3A_155 = vector.broadcast %broadcast_in_dim3A_154 : i32 to vector<16xi32>
      tpu.vector_store_idx %arg10[%add3A_99, %broadcast_in_dim3A_155], %scan3A_148#1 : memref<256x128xf32, #tpu.memory_space<vmem>>[vector<16xi32>, vector<16xi32>], vector<16xf32>,
      %broadcast_in_dim3A_156 = arith.constant 16 : i32
      %broadcast_in_dim3A_157 = vector.broadcast %broadcast_in_dim3A_156 : i32 to vector<16xi32>
      tpu.vector_store_idx %arg10[%add3A_99, %broadcast_in_dim3A_157], %scan3A_148#4 : memref<256x128xf32, #tpu.memory_space<vmem>>[vector<16xi32>, vector<16xi32>], vector<16xf32>,
      %broadcast_in_dim3A_158 = arith.constant 6 : i32
      %broadcast_in_dim3A_159 = vector.broadcast %broadcast_in_dim3A_158 : i32 to vector<16xi32>
      tpu.vector_store_idx %arg10[%add3A_99, %broadcast_in_dim3A_159], %scan3A_148#2 : memref<256x128xf32, #tpu.memory_space<vmem>>[vector<16xi32>, vector<16xi32>], vector<16xf32>,
      %broadcast_in_dim3A_160 = arith.constant 17 : i32
      %broadcast_in_dim3A_161 = vector.broadcast %broadcast_in_dim3A_160 : i32 to vector<16xi32>
      tpu.vector_store_idx %arg10[%add3A_99, %broadcast_in_dim3A_161], %scan3A_148#5 : memref<256x128xf32, #tpu.memory_space<vmem>>[vector<16xi32>, vector<16xi32>], vector<16xf32>,
      %add3A_162 = arith.constant 7 : i32
      %add3A_163 = vector.broadcast %add3A_162 : i32 to vector<16xi32>
      %add3A_164 = arith.addi %add3A_93, %add3A_163 : vector<16xi32>
      %gather3A_165 = tpu.vector_load_idx %arg7[%add3A_164] : memref<6144xi32, #tpu.memory_space<vmem>>[vector<16xi32>], vector<16xi32>,
      %add3A_166 = arith.constant 8 : i32
      %add3A_167 = vector.broadcast %add3A_166 : i32 to vector<16xi32>
      %add3A_168 = arith.addi %add3A_93, %add3A_167 : vector<16xi32>
      %gather3A_169 = tpu.vector_load_idx %arg7[%add3A_168] : memref<6144xi32, #tpu.memory_space<vmem>>[vector<16xi32>], vector<16xi32>,
      %add3A_170 = arith.constant 9 : i32
      %add3A_171 = vector.broadcast %add3A_170 : i32 to vector<16xi32>
      %add3A_172 = arith.addi %add3A_93, %add3A_171 : vector<16xi32>
      %gather3A_173 = tpu.vector_load_idx %arg7[%add3A_172] : memref<6144xi32, #tpu.memory_space<vmem>>[vector<16xi32>], vector<16xi32>,
      %scan3A_174 = arith.constant 0 : i32
      %scan3A_175 = arith.constant 4 : i32
      %scan3A_176 = arith.addi %scan3A_174, %scan3A_175 : i32
      %scan3A_177 = arith.constant 1 : i32
      %scan3A_178:6 = scf.for %scan3A_380 = %scan3A_174 to %scan3A_176 step %scan3A_177 iter_args(%scan3A_381 = %broadcast_in_dim3A_94, %scan3A_382 = %broadcast_in_dim3A_94, %scan3A_383 = %broadcast_in_dim3A_94, %scan3A_384 = %broadcast_in_dim3A_94, %scan3A_385 = %broadcast_in_dim3A_94, %scan3A_386 = %broadcast_in_dim3A_94) -> (vector<16xf32>, vector<16xf32>, vector<16xf32>, vector<16xf32>, vector<16xf32>, vector<16xf32>)  : i32 {
        %broadcast_in_dim3A_387 = arith.constant 0 : i32
        %broadcast_in_dim3A_388 = vector.broadcast %broadcast_in_dim3A_387 : i32 to vector<16xi32>
        %mul3A_389 = arith.constant 8 : i32
        %mul3A_390 = arith.muli %scan3A_380, %mul3A_389 : i32
        %add3A_391 = arith.constant 0 : i32
        %add3A_392 = arith.addi %mul3A_390, %add3A_391 : i32
        %add3A_393 = vector.broadcast %add3A_392 : i32 to vector<16xi32>
        %add3A_394 = arith.addi %broadcast_in_dim3A_388, %add3A_393 : vector<16xi32>
        %add3A_395 = arith.addi %gather3A, %add3A_394 : vector<16xi32>
        %gather3A_396 = tpu.vector_load_idx %arg8[%mul3A_3, %add3A_395] : memref<192x128xf32, #tpu.memory_space<vmem>>[vector<16xi32>, vector<16xi32>], vector<16xf32>,
        %add3A_397 = arith.constant 7 : i32
        %add3A_398 = vector.broadcast %add3A_397 : i32 to vector<16xi32>
        %add3A_399 = arith.addi %mul3A_3, %add3A_398 : vector<16xi32>
        %add3A_400 = arith.addi %gather3A_165, %add3A_394 : vector<16xi32>
        %gather3A_401 = tpu.vector_load_idx %arg8[%add3A_399, %add3A_400] : memref<192x128xf32, #tpu.memory_space<vmem>>[vector<16xi32>, vector<16xi32>], vector<16xf32>,
        %mul3A_402 = arith.mulf %gather3A_401, %gather3A_401 : vector<16xf32>
        %add3A_403 = arith.addf %scan3A_381, %mul3A_402 : vector<16xf32>
        %sub3A = arith.subf %gather3A_396, %gather3A_401 : vector<16xf32>
        %mul3A_404 = arith.mulf %sub3A, %sub3A : vector<16xf32>
        %add3A_405 = arith.addf %scan3A_384, %mul3A_404 : vector<16xf32>
        %add3A_406 = arith.constant 8 : i32
        %add3A_407 = vector.broadcast %add3A_406 : i32 to vector<16xi32>
        %add3A_408 = arith.addi %mul3A_3, %add3A_407 : vector<16xi32>
        %add3A_409 = arith.addi %gather3A_169, %add3A_394 : vector<16xi32>
        %gather3A_410 = tpu.vector_load_idx %arg8[%add3A_408, %add3A_409] : memref<192x128xf32, #tpu.memory_space<vmem>>[vector<16xi32>, vector<16xi32>], vector<16xf32>,
        %mul3A_411 = arith.mulf %gather3A_410, %gather3A_410 : vector<16xf32>
        %add3A_412 = arith.addf %scan3A_382, %mul3A_411 : vector<16xf32>
        %sub3A_413 = arith.subf %gather3A_396, %gather3A_410 : vector<16xf32>
        %mul3A_414 = arith.mulf %sub3A_413, %sub3A_413 : vector<16xf32>
        %add3A_415 = arith.addf %scan3A_385, %mul3A_414 : vector<16xf32>
        %add3A_416 = arith.constant 9 : i32
        %add3A_417 = vector.broadcast %add3A_416 : i32 to vector<16xi32>
        %add3A_418 = arith.addi %mul3A_3, %add3A_417 : vector<16xi32>
        %add3A_419 = arith.addi %gather3A_173, %add3A_394 : vector<16xi32>
        %gather3A_420 = tpu.vector_load_idx %arg8[%add3A_418, %add3A_419] : memref<192x128xf32, #tpu.memory_space<vmem>>[vector<16xi32>, vector<16xi32>], vector<16xf32>,
        %mul3A_421 = arith.mulf %gather3A_420, %gather3A_420 : vector<16xf32>
        %add3A_422 = arith.addf %scan3A_383, %mul3A_421 : vector<16xf32>
        %sub3A_423 = arith.subf %gather3A_396, %gather3A_420 : vector<16xf32>
        %mul3A_424 = arith.mulf %sub3A_423, %sub3A_423 : vector<16xf32>
        %add3A_425 = arith.addf %scan3A_386, %mul3A_424 : vector<16xf32>
        %broadcast_in_dim3A_426 = arith.constant 0 : i32
        %broadcast_in_dim3A_427 = vector.broadcast %broadcast_in_dim3A_426 : i32 to vector<16xi32>
        %mul3A_428 = arith.constant 8 : i32
        %mul3A_429 = arith.muli %scan3A_380, %mul3A_428 : i32
        %add3A_430 = arith.constant 1 : i32
        %add3A_431 = arith.addi %mul3A_429, %add3A_430 : i32
        %add3A_432 = vector.broadcast %add3A_431 : i32 to vector<16xi32>
        %add3A_433 = arith.addi %broadcast_in_dim3A_427, %add3A_432 : vector<16xi32>
        %add3A_434 = arith.addi %gather3A, %add3A_433 : vector<16xi32>
        %gather3A_435 = tpu.vector_load_idx %arg8[%mul3A_3, %add3A_434] : memref<192x128xf32, #tpu.memory_space<vmem>>[vector<16xi32>, vector<16xi32>], vector<16xf32>,
        %add3A_436 = arith.constant 7 : i32
        %add3A_437 = vector.broadcast %add3A_436 : i32 to vector<16xi32>
        %add3A_438 = arith.addi %mul3A_3, %add3A_437 : vector<16xi32>
        %add3A_439 = arith.addi %gather3A_165, %add3A_433 : vector<16xi32>
        %gather3A_440 = tpu.vector_load_idx %arg8[%add3A_438, %add3A_439] : memref<192x128xf32, #tpu.memory_space<vmem>>[vector<16xi32>, vector<16xi32>], vector<16xf32>,
        %mul3A_441 = arith.mulf %gather3A_440, %gather3A_440 : vector<16xf32>
        %add3A_442 = arith.addf %add3A_403, %mul3A_441 : vector<16xf32>
        %sub3A_443 = arith.subf %gather3A_435, %gather3A_440 : vector<16xf32>
        %mul3A_444 = arith.mulf %sub3A_443, %sub3A_443 : vector<16xf32>
        %add3A_445 = arith.addf %add3A_405, %mul3A_444 : vector<16xf32>
        %add3A_446 = arith.constant 8 : i32
        %add3A_447 = vector.broadcast %add3A_446 : i32 to vector<16xi32>
        %add3A_448 = arith.addi %mul3A_3, %add3A_447 : vector<16xi32>
        %add3A_449 = arith.addi %gather3A_169, %add3A_433 : vector<16xi32>
        %gather3A_450 = tpu.vector_load_idx %arg8[%add3A_448, %add3A_449] : memref<192x128xf32, #tpu.memory_space<vmem>>[vector<16xi32>, vector<16xi32>], vector<16xf32>,
        %mul3A_451 = arith.mulf %gather3A_450, %gather3A_450 : vector<16xf32>
        %add3A_452 = arith.addf %add3A_412, %mul3A_451 : vector<16xf32>
        %sub3A_453 = arith.subf %gather3A_435, %gather3A_450 : vector<16xf32>
        %mul3A_454 = arith.mulf %sub3A_453, %sub3A_453 : vector<16xf32>
        %add3A_455 = arith.addf %add3A_415, %mul3A_454 : vector<16xf32>
        %add3A_456 = arith.constant 9 : i32
        %add3A_457 = vector.broadcast %add3A_456 : i32 to vector<16xi32>
        %add3A_458 = arith.addi %mul3A_3, %add3A_457 : vector<16xi32>
        %add3A_459 = arith.addi %gather3A_173, %add3A_433 : vector<16xi32>
        %gather3A_460 = tpu.vector_load_idx %arg8[%add3A_458, %add3A_459] : memref<192x128xf32, #tpu.memory_space<vmem>>[vector<16xi32>, vector<16xi32>], vector<16xf32>,
        %mul3A_461 = arith.mulf %gather3A_460, %gather3A_460 : vector<16xf32>
        %add3A_462 = arith.addf %add3A_422, %mul3A_461 : vector<16xf32>
        %sub3A_463 = arith.subf %gather3A_435, %gather3A_460 : vector<16xf32>
        %mul3A_464 = arith.mulf %sub3A_463, %sub3A_463 : vector<16xf32>
        %add3A_465 = arith.addf %add3A_425, %mul3A_464 : vector<16xf32>
        %broadcast_in_dim3A_466 = arith.constant 0 : i32
        %broadcast_in_dim3A_467 = vector.broadcast %broadcast_in_dim3A_466 : i32 to vector<16xi32>
        %mul3A_468 = arith.constant 8 : i32
        %mul3A_469 = arith.muli %scan3A_380, %mul3A_468 : i32
        %add3A_470 = arith.constant 2 : i32
        %add3A_471 = arith.addi %mul3A_469, %add3A_470 : i32
        %add3A_472 = vector.broadcast %add3A_471 : i32 to vector<16xi32>
        %add3A_473 = arith.addi %broadcast_in_dim3A_467, %add3A_472 : vector<16xi32>
        %add3A_474 = arith.addi %gather3A, %add3A_473 : vector<16xi32>
        %gather3A_475 = tpu.vector_load_idx %arg8[%mul3A_3, %add3A_474] : memref<192x128xf32, #tpu.memory_space<vmem>>[vector<16xi32>, vector<16xi32>], vector<16xf32>,
        %add3A_476 = arith.constant 7 : i32
        %add3A_477 = vector.broadcast %add3A_476 : i32 to vector<16xi32>
        %add3A_478 = arith.addi %mul3A_3, %add3A_477 : vector<16xi32>
        %add3A_479 = arith.addi %gather3A_165, %add3A_473 : vector<16xi32>
        %gather3A_480 = tpu.vector_load_idx %arg8[%add3A_478, %add3A_479] : memref<192x128xf32, #tpu.memory_space<vmem>>[vector<16xi32>, vector<16xi32>], vector<16xf32>,
        %mul3A_481 = arith.mulf %gather3A_480, %gather3A_480 : vector<16xf32>
        %add3A_482 = arith.addf %add3A_442, %mul3A_481 : vector<16xf32>
        %sub3A_483 = arith.subf %gather3A_475, %gather3A_480 : vector<16xf32>
        %mul3A_484 = arith.mulf %sub3A_483, %sub3A_483 : vector<16xf32>
        %add3A_485 = arith.addf %add3A_445, %mul3A_484 : vector<16xf32>
        %add3A_486 = arith.constant 8 : i32
        %add3A_487 = vector.broadcast %add3A_486 : i32 to vector<16xi32>
        %add3A_488 = arith.addi %mul3A_3, %add3A_487 : vector<16xi32>
        %add3A_489 = arith.addi %gather3A_169, %add3A_473 : vector<16xi32>
        %gather3A_490 = tpu.vector_load_idx %arg8[%add3A_488, %add3A_489] : memref<192x128xf32, #tpu.memory_space<vmem>>[vector<16xi32>, vector<16xi32>], vector<16xf32>,
        %mul3A_491 = arith.mulf %gather3A_490, %gather3A_490 : vector<16xf32>
        %add3A_492 = arith.addf %add3A_452, %mul3A_491 : vector<16xf32>
        %sub3A_493 = arith.subf %gather3A_475, %gather3A_490 : vector<16xf32>
        %mul3A_494 = arith.mulf %sub3A_493, %sub3A_493 : vector<16xf32>
        %add3A_495 = arith.addf %add3A_455, %mul3A_494 : vector<16xf32>
        %add3A_496 = arith.constant 9 : i32
        %add3A_497 = vector.broadcast %add3A_496 : i32 to vector<16xi32>
        %add3A_498 = arith.addi %mul3A_3, %add3A_497 : vector<16xi32>
        %add3A_499 = arith.addi %gather3A_173, %add3A_473 : vector<16xi32>
        %gather3A_500 = tpu.vector_load_idx %arg8[%add3A_498, %add3A_499] : memref<192x128xf32, #tpu.memory_space<vmem>>[vector<16xi32>, vector<16xi32>], vector<16xf32>,
        %mul3A_501 = arith.mulf %gather3A_500, %gather3A_500 : vector<16xf32>
        %add3A_502 = arith.addf %add3A_462, %mul3A_501 : vector<16xf32>
        %sub3A_503 = arith.subf %gather3A_475, %gather3A_500 : vector<16xf32>
        %mul3A_504 = arith.mulf %sub3A_503, %sub3A_503 : vector<16xf32>
        %add3A_505 = arith.addf %add3A_465, %mul3A_504 : vector<16xf32>
        %broadcast_in_dim3A_506 = arith.constant 0 : i32
        %broadcast_in_dim3A_507 = vector.broadcast %broadcast_in_dim3A_506 : i32 to vector<16xi32>
        %mul3A_508 = arith.constant 8 : i32
        %mul3A_509 = arith.muli %scan3A_380, %mul3A_508 : i32
        %add3A_510 = arith.constant 3 : i32
        %add3A_511 = arith.addi %mul3A_509, %add3A_510 : i32
        %add3A_512 = vector.broadcast %add3A_511 : i32 to vector<16xi32>
        %add3A_513 = arith.addi %broadcast_in_dim3A_507, %add3A_512 : vector<16xi32>
        %add3A_514 = arith.addi %gather3A, %add3A_513 : vector<16xi32>
        %gather3A_515 = tpu.vector_load_idx %arg8[%mul3A_3, %add3A_514] : memref<192x128xf32, #tpu.memory_space<vmem>>[vector<16xi32>, vector<16xi32>], vector<16xf32>,
        %add3A_516 = arith.constant 7 : i32
        %add3A_517 = vector.broadcast %add3A_516 : i32 to vector<16xi32>
        %add3A_518 = arith.addi %mul3A_3, %add3A_517 : vector<16xi32>
        %add3A_519 = arith.addi %gather3A_165, %add3A_513 : vector<16xi32>
        %gather3A_520 = tpu.vector_load_idx %arg8[%add3A_518, %add3A_519] : memref<192x128xf32, #tpu.memory_space<vmem>>[vector<16xi32>, vector<16xi32>], vector<16xf32>,
        %mul3A_521 = arith.mulf %gather3A_520, %gather3A_520 : vector<16xf32>
        %add3A_522 = arith.addf %add3A_482, %mul3A_521 : vector<16xf32>
        %sub3A_523 = arith.subf %gather3A_515, %gather3A_520 : vector<16xf32>
        %mul3A_524 = arith.mulf %sub3A_523, %sub3A_523 : vector<16xf32>
        %add3A_525 = arith.addf %add3A_485, %mul3A_524 : vector<16xf32>
        %add3A_526 = arith.constant 8 : i32
        %add3A_527 = vector.broadcast %add3A_526 : i32 to vector<16xi32>
        %add3A_528 = arith.addi %mul3A_3, %add3A_527 : vector<16xi32>
        %add3A_529 = arith.addi %gather3A_169, %add3A_513 : vector<16xi32>
        %gather3A_530 = tpu.vector_load_idx %arg8[%add3A_528, %add3A_529] : memref<192x128xf32, #tpu.memory_space<vmem>>[vector<16xi32>, vector<16xi32>], vector<16xf32>,
        %mul3A_531 = arith.mulf %gather3A_530, %gather3A_530 : vector<16xf32>
        %add3A_532 = arith.addf %add3A_492, %mul3A_531 : vector<16xf32>
        %sub3A_533 = arith.subf %gather3A_515, %gather3A_530 : vector<16xf32>
        %mul3A_534 = arith.mulf %sub3A_533, %sub3A_533 : vector<16xf32>
        %add3A_535 = arith.addf %add3A_495, %mul3A_534 : vector<16xf32>
        %add3A_536 = arith.constant 9 : i32
        %add3A_537 = vector.broadcast %add3A_536 : i32 to vector<16xi32>
        %add3A_538 = arith.addi %mul3A_3, %add3A_537 : vector<16xi32>
        %add3A_539 = arith.addi %gather3A_173, %add3A_513 : vector<16xi32>
        %gather3A_540 = tpu.vector_load_idx %arg8[%add3A_538, %add3A_539] : memref<192x128xf32, #tpu.memory_space<vmem>>[vector<16xi32>, vector<16xi32>], vector<16xf32>,
        %mul3A_541 = arith.mulf %gather3A_540, %gather3A_540 : vector<16xf32>
        %add3A_542 = arith.addf %add3A_502, %mul3A_541 : vector<16xf32>
        %sub3A_543 = arith.subf %gather3A_515, %gather3A_540 : vector<16xf32>
        %mul3A_544 = arith.mulf %sub3A_543, %sub3A_543 : vector<16xf32>
        %add3A_545 = arith.addf %add3A_505, %mul3A_544 : vector<16xf32>
        %broadcast_in_dim3A_546 = arith.constant 0 : i32
        %broadcast_in_dim3A_547 = vector.broadcast %broadcast_in_dim3A_546 : i32 to vector<16xi32>
        %mul3A_548 = arith.constant 8 : i32
        %mul3A_549 = arith.muli %scan3A_380, %mul3A_548 : i32
        %add3A_550 = arith.constant 4 : i32
        %add3A_551 = arith.addi %mul3A_549, %add3A_550 : i32
        %add3A_552 = vector.broadcast %add3A_551 : i32 to vector<16xi32>
        %add3A_553 = arith.addi %broadcast_in_dim3A_547, %add3A_552 : vector<16xi32>
        %add3A_554 = arith.addi %gather3A, %add3A_553 : vector<16xi32>
        %gather3A_555 = tpu.vector_load_idx %arg8[%mul3A_3, %add3A_554] : memref<192x128xf32, #tpu.memory_space<vmem>>[vector<16xi32>, vector<16xi32>], vector<16xf32>,
        %add3A_556 = arith.constant 7 : i32
        %add3A_557 = vector.broadcast %add3A_556 : i32 to vector<16xi32>
        %add3A_558 = arith.addi %mul3A_3, %add3A_557 : vector<16xi32>
        %add3A_559 = arith.addi %gather3A_165, %add3A_553 : vector<16xi32>
        %gather3A_560 = tpu.vector_load_idx %arg8[%add3A_558, %add3A_559] : memref<192x128xf32, #tpu.memory_space<vmem>>[vector<16xi32>, vector<16xi32>], vector<16xf32>,
        %mul3A_561 = arith.mulf %gather3A_560, %gather3A_560 : vector<16xf32>
        %add3A_562 = arith.addf %add3A_522, %mul3A_561 : vector<16xf32>
        %sub3A_563 = arith.subf %gather3A_555, %gather3A_560 : vector<16xf32>
        %mul3A_564 = arith.mulf %sub3A_563, %sub3A_563 : vector<16xf32>
        %add3A_565 = arith.addf %add3A_525, %mul3A_564 : vector<16xf32>
        %add3A_566 = arith.constant 8 : i32
        %add3A_567 = vector.broadcast %add3A_566 : i32 to vector<16xi32>
        %add3A_568 = arith.addi %mul3A_3, %add3A_567 : vector<16xi32>
        %add3A_569 = arith.addi %gather3A_169, %add3A_553 : vector<16xi32>
        %gather3A_570 = tpu.vector_load_idx %arg8[%add3A_568, %add3A_569] : memref<192x128xf32, #tpu.memory_space<vmem>>[vector<16xi32>, vector<16xi32>], vector<16xf32>,
        %mul3A_571 = arith.mulf %gather3A_570, %gather3A_570 : vector<16xf32>
        %add3A_572 = arith.addf %add3A_532, %mul3A_571 : vector<16xf32>
        %sub3A_573 = arith.subf %gather3A_555, %gather3A_570 : vector<16xf32>
        %mul3A_574 = arith.mulf %sub3A_573, %sub3A_573 : vector<16xf32>
        %add3A_575 = arith.addf %add3A_535, %mul3A_574 : vector<16xf32>
        %add3A_576 = arith.constant 9 : i32
        %add3A_577 = vector.broadcast %add3A_576 : i32 to vector<16xi32>
        %add3A_578 = arith.addi %mul3A_3, %add3A_577 : vector<16xi32>
        %add3A_579 = arith.addi %gather3A_173, %add3A_553 : vector<16xi32>
        %gather3A_580 = tpu.vector_load_idx %arg8[%add3A_578, %add3A_579] : memref<192x128xf32, #tpu.memory_space<vmem>>[vector<16xi32>, vector<16xi32>], vector<16xf32>,
        %mul3A_581 = arith.mulf %gather3A_580, %gather3A_580 : vector<16xf32>
        %add3A_582 = arith.addf %add3A_542, %mul3A_581 : vector<16xf32>
        %sub3A_583 = arith.subf %gather3A_555, %gather3A_580 : vector<16xf32>
        %mul3A_584 = arith.mulf %sub3A_583, %sub3A_583 : vector<16xf32>
        %add3A_585 = arith.addf %add3A_545, %mul3A_584 : vector<16xf32>
        %broadcast_in_dim3A_586 = arith.constant 0 : i32
        %broadcast_in_dim3A_587 = vector.broadcast %broadcast_in_dim3A_586 : i32 to vector<16xi32>
        %mul3A_588 = arith.constant 8 : i32
        %mul3A_589 = arith.muli %scan3A_380, %mul3A_588 : i32
        %add3A_590 = arith.constant 5 : i32
        %add3A_591 = arith.addi %mul3A_589, %add3A_590 : i32
        %add3A_592 = vector.broadcast %add3A_591 : i32 to vector<16xi32>
        %add3A_593 = arith.addi %broadcast_in_dim3A_587, %add3A_592 : vector<16xi32>
        %add3A_594 = arith.addi %gather3A, %add3A_593 : vector<16xi32>
        %gather3A_595 = tpu.vector_load_idx %arg8[%mul3A_3, %add3A_594] : memref<192x128xf32, #tpu.memory_space<vmem>>[vector<16xi32>, vector<16xi32>], vector<16xf32>,
        %add3A_596 = arith.constant 7 : i32
        %add3A_597 = vector.broadcast %add3A_596 : i32 to vector<16xi32>
        %add3A_598 = arith.addi %mul3A_3, %add3A_597 : vector<16xi32>
        %add3A_599 = arith.addi %gather3A_165, %add3A_593 : vector<16xi32>
        %gather3A_600 = tpu.vector_load_idx %arg8[%add3A_598, %add3A_599] : memref<192x128xf32, #tpu.memory_space<vmem>>[vector<16xi32>, vector<16xi32>], vector<16xf32>,
        %mul3A_601 = arith.mulf %gather3A_600, %gather3A_600 : vector<16xf32>
        %add3A_602 = arith.addf %add3A_562, %mul3A_601 : vector<16xf32>
        %sub3A_603 = arith.subf %gather3A_595, %gather3A_600 : vector<16xf32>
        %mul3A_604 = arith.mulf %sub3A_603, %sub3A_603 : vector<16xf32>
        %add3A_605 = arith.addf %add3A_565, %mul3A_604 : vector<16xf32>
        %add3A_606 = arith.constant 8 : i32
        %add3A_607 = vector.broadcast %add3A_606 : i32 to vector<16xi32>
        %add3A_608 = arith.addi %mul3A_3, %add3A_607 : vector<16xi32>
        %add3A_609 = arith.addi %gather3A_169, %add3A_593 : vector<16xi32>
        %gather3A_610 = tpu.vector_load_idx %arg8[%add3A_608, %add3A_609] : memref<192x128xf32, #tpu.memory_space<vmem>>[vector<16xi32>, vector<16xi32>], vector<16xf32>,
        %mul3A_611 = arith.mulf %gather3A_610, %gather3A_610 : vector<16xf32>
        %add3A_612 = arith.addf %add3A_572, %mul3A_611 : vector<16xf32>
        %sub3A_613 = arith.subf %gather3A_595, %gather3A_610 : vector<16xf32>
        %mul3A_614 = arith.mulf %sub3A_613, %sub3A_613 : vector<16xf32>
        %add3A_615 = arith.addf %add3A_575, %mul3A_614 : vector<16xf32>
        %add3A_616 = arith.constant 9 : i32
        %add3A_617 = vector.broadcast %add3A_616 : i32 to vector<16xi32>
        %add3A_618 = arith.addi %mul3A_3, %add3A_617 : vector<16xi32>
        %add3A_619 = arith.addi %gather3A_173, %add3A_593 : vector<16xi32>
        %gather3A_620 = tpu.vector_load_idx %arg8[%add3A_618, %add3A_619] : memref<192x128xf32, #tpu.memory_space<vmem>>[vector<16xi32>, vector<16xi32>], vector<16xf32>,
        %mul3A_621 = arith.mulf %gather3A_620, %gather3A_620 : vector<16xf32>
        %add3A_622 = arith.addf %add3A_582, %mul3A_621 : vector<16xf32>
        %sub3A_623 = arith.subf %gather3A_595, %gather3A_620 : vector<16xf32>
        %mul3A_624 = arith.mulf %sub3A_623, %sub3A_623 : vector<16xf32>
        %add3A_625 = arith.addf %add3A_585, %mul3A_624 : vector<16xf32>
        %broadcast_in_dim3A_626 = arith.constant 0 : i32
        %broadcast_in_dim3A_627 = vector.broadcast %broadcast_in_dim3A_626 : i32 to vector<16xi32>
        %mul3A_628 = arith.constant 8 : i32
        %mul3A_629 = arith.muli %scan3A_380, %mul3A_628 : i32
        %add3A_630 = arith.constant 6 : i32
        %add3A_631 = arith.addi %mul3A_629, %add3A_630 : i32
        %add3A_632 = vector.broadcast %add3A_631 : i32 to vector<16xi32>
        %add3A_633 = arith.addi %broadcast_in_dim3A_627, %add3A_632 : vector<16xi32>
        %add3A_634 = arith.addi %gather3A, %add3A_633 : vector<16xi32>
        %gather3A_635 = tpu.vector_load_idx %arg8[%mul3A_3, %add3A_634] : memref<192x128xf32, #tpu.memory_space<vmem>>[vector<16xi32>, vector<16xi32>], vector<16xf32>,
        %add3A_636 = arith.constant 7 : i32
        %add3A_637 = vector.broadcast %add3A_636 : i32 to vector<16xi32>
        %add3A_638 = arith.addi %mul3A_3, %add3A_637 : vector<16xi32>
        %add3A_639 = arith.addi %gather3A_165, %add3A_633 : vector<16xi32>
        %gather3A_640 = tpu.vector_load_idx %arg8[%add3A_638, %add3A_639] : memref<192x128xf32, #tpu.memory_space<vmem>>[vector<16xi32>, vector<16xi32>], vector<16xf32>,
        %mul3A_641 = arith.mulf %gather3A_640, %gather3A_640 : vector<16xf32>
        %add3A_642 = arith.addf %add3A_602, %mul3A_641 : vector<16xf32>
        %sub3A_643 = arith.subf %gather3A_635, %gather3A_640 : vector<16xf32>
        %mul3A_644 = arith.mulf %sub3A_643, %sub3A_643 : vector<16xf32>
        %add3A_645 = arith.addf %add3A_605, %mul3A_644 : vector<16xf32>
        %add3A_646 = arith.constant 8 : i32
        %add3A_647 = vector.broadcast %add3A_646 : i32 to vector<16xi32>
        %add3A_648 = arith.addi %mul3A_3, %add3A_647 : vector<16xi32>
        %add3A_649 = arith.addi %gather3A_169, %add3A_633 : vector<16xi32>
        %gather3A_650 = tpu.vector_load_idx %arg8[%add3A_648, %add3A_649] : memref<192x128xf32, #tpu.memory_space<vmem>>[vector<16xi32>, vector<16xi32>], vector<16xf32>,
        %mul3A_651 = arith.mulf %gather3A_650, %gather3A_650 : vector<16xf32>
        %add3A_652 = arith.addf %add3A_612, %mul3A_651 : vector<16xf32>
        %sub3A_653 = arith.subf %gather3A_635, %gather3A_650 : vector<16xf32>
        %mul3A_654 = arith.mulf %sub3A_653, %sub3A_653 : vector<16xf32>
        %add3A_655 = arith.addf %add3A_615, %mul3A_654 : vector<16xf32>
        %add3A_656 = arith.constant 9 : i32
        %add3A_657 = vector.broadcast %add3A_656 : i32 to vector<16xi32>
        %add3A_658 = arith.addi %mul3A_3, %add3A_657 : vector<16xi32>
        %add3A_659 = arith.addi %gather3A_173, %add3A_633 : vector<16xi32>
        %gather3A_660 = tpu.vector_load_idx %arg8[%add3A_658, %add3A_659] : memref<192x128xf32, #tpu.memory_space<vmem>>[vector<16xi32>, vector<16xi32>], vector<16xf32>,
        %mul3A_661 = arith.mulf %gather3A_660, %gather3A_660 : vector<16xf32>
        %add3A_662 = arith.addf %add3A_622, %mul3A_661 : vector<16xf32>
        %sub3A_663 = arith.subf %gather3A_635, %gather3A_660 : vector<16xf32>
        %mul3A_664 = arith.mulf %sub3A_663, %sub3A_663 : vector<16xf32>
        %add3A_665 = arith.addf %add3A_625, %mul3A_664 : vector<16xf32>
        %broadcast_in_dim3A_666 = arith.constant 0 : i32
        %broadcast_in_dim3A_667 = vector.broadcast %broadcast_in_dim3A_666 : i32 to vector<16xi32>
        %mul3A_668 = arith.constant 8 : i32
        %mul3A_669 = arith.muli %scan3A_380, %mul3A_668 : i32
        %add3A_670 = arith.constant 7 : i32
        %add3A_671 = arith.addi %mul3A_669, %add3A_670 : i32
        %add3A_672 = vector.broadcast %add3A_671 : i32 to vector<16xi32>
        %add3A_673 = arith.addi %broadcast_in_dim3A_667, %add3A_672 : vector<16xi32>
        %add3A_674 = arith.addi %gather3A, %add3A_673 : vector<16xi32>
        %gather3A_675 = tpu.vector_load_idx %arg8[%mul3A_3, %add3A_674] : memref<192x128xf32, #tpu.memory_space<vmem>>[vector<16xi32>, vector<16xi32>], vector<16xf32>,
        %add3A_676 = arith.constant 7 : i32
        %add3A_677 = vector.broadcast %add3A_676 : i32 to vector<16xi32>
        %add3A_678 = arith.addi %mul3A_3, %add3A_677 : vector<16xi32>
        %add3A_679 = arith.addi %gather3A_165, %add3A_673 : vector<16xi32>
        %gather3A_680 = tpu.vector_load_idx %arg8[%add3A_678, %add3A_679] : memref<192x128xf32, #tpu.memory_space<vmem>>[vector<16xi32>, vector<16xi32>], vector<16xf32>,
        %mul3A_681 = arith.mulf %gather3A_680, %gather3A_680 : vector<16xf32>
        %add3A_682 = arith.addf %add3A_642, %mul3A_681 : vector<16xf32>
        %sub3A_683 = arith.subf %gather3A_675, %gather3A_680 : vector<16xf32>
        %mul3A_684 = arith.mulf %sub3A_683, %sub3A_683 : vector<16xf32>
        %add3A_685 = arith.addf %add3A_645, %mul3A_684 : vector<16xf32>
        %add3A_686 = arith.constant 8 : i32
        %add3A_687 = vector.broadcast %add3A_686 : i32 to vector<16xi32>
        %add3A_688 = arith.addi %mul3A_3, %add3A_687 : vector<16xi32>
        %add3A_689 = arith.addi %gather3A_169, %add3A_673 : vector<16xi32>
        %gather3A_690 = tpu.vector_load_idx %arg8[%add3A_688, %add3A_689] : memref<192x128xf32, #tpu.memory_space<vmem>>[vector<16xi32>, vector<16xi32>], vector<16xf32>,
        %mul3A_691 = arith.mulf %gather3A_690, %gather3A_690 : vector<16xf32>
        %add3A_692 = arith.addf %add3A_652, %mul3A_691 : vector<16xf32>
        %sub3A_693 = arith.subf %gather3A_675, %gather3A_690 : vector<16xf32>
        %mul3A_694 = arith.mulf %sub3A_693, %sub3A_693 : vector<16xf32>
        %add3A_695 = arith.addf %add3A_655, %mul3A_694 : vector<16xf32>
        %add3A_696 = arith.constant 9 : i32
        %add3A_697 = vector.broadcast %add3A_696 : i32 to vector<16xi32>
        %add3A_698 = arith.addi %mul3A_3, %add3A_697 : vector<16xi32>
        %add3A_699 = arith.addi %gather3A_173, %add3A_673 : vector<16xi32>
        %gather3A_700 = tpu.vector_load_idx %arg8[%add3A_698, %add3A_699] : memref<192x128xf32, #tpu.memory_space<vmem>>[vector<16xi32>, vector<16xi32>], vector<16xf32>,
        %mul3A_701 = arith.mulf %gather3A_700, %gather3A_700 : vector<16xf32>
        %add3A_702 = arith.addf %add3A_662, %mul3A_701 : vector<16xf32>
        %sub3A_703 = arith.subf %gather3A_675, %gather3A_700 : vector<16xf32>
        %mul3A_704 = arith.mulf %sub3A_703, %sub3A_703 : vector<16xf32>
        %add3A_705 = arith.addf %add3A_665, %mul3A_704 : vector<16xf32>
        scf.yield %add3A_682, %add3A_692, %add3A_702, %add3A_685, %add3A_695, %add3A_705 : vector<16xf32>, vector<16xf32>, vector<16xf32>, vector<16xf32>, vector<16xf32>, vector<16xf32>
      }
      %scan3A_179 = arith.constant 4 : i32
      %broadcast_in_dim3A_180 = arith.constant 7 : i32
      %broadcast_in_dim3A_181 = vector.broadcast %broadcast_in_dim3A_180 : i32 to vector<16xi32>
      tpu.vector_store_idx %arg10[%add3A_99, %broadcast_in_dim3A_181], %scan3A_178#0 : memref<256x128xf32, #tpu.memory_space<vmem>>[vector<16xi32>, vector<16xi32>], vector<16xf32>,
      %broadcast_in_dim3A_182 = arith.constant 18 : i32
      %broadcast_in_dim3A_183 = vector.broadcast %broadcast_in_dim3A_182 : i32 to vector<16xi32>
      tpu.vector_store_idx %arg10[%add3A_99, %broadcast_in_dim3A_183], %scan3A_178#3 : memref<256x128xf32, #tpu.memory_space<vmem>>[vector<16xi32>, vector<16xi32>], vector<16xf32>,
      %broadcast_in_dim3A_184 = arith.constant 8 : i32
      %broadcast_in_dim3A_185 = vector.broadcast %broadcast_in_dim3A_184 : i32 to vector<16xi32>
      tpu.vector_store_idx %arg10[%add3A_99, %broadcast_in_dim3A_185], %scan3A_178#1 : memref<256x128xf32, #tpu.memory_space<vmem>>[vector<16xi32>, vector<16xi32>], vector<16xf32>,
      %broadcast_in_dim3A_186 = arith.constant 19 : i32
      %broadcast_in_dim3A_187 = vector.broadcast %broadcast_in_dim3A_186 : i32 to vector<16xi32>
      tpu.vector_store_idx %arg10[%add3A_99, %broadcast_in_dim3A_187], %scan3A_178#4 : memref<256x128xf32, #tpu.memory_space<vmem>>[vector<16xi32>, vector<16xi32>], vector<16xf32>,
      %broadcast_in_dim3A_188 = arith.constant 9 : i32
      %broadcast_in_dim3A_189 = vector.broadcast %broadcast_in_dim3A_188 : i32 to vector<16xi32>
      tpu.vector_store_idx %arg10[%add3A_99, %broadcast_in_dim3A_189], %scan3A_178#2 : memref<256x128xf32, #tpu.memory_space<vmem>>[vector<16xi32>, vector<16xi32>], vector<16xf32>,
      %broadcast_in_dim3A_190 = arith.constant 20 : i32
      %broadcast_in_dim3A_191 = vector.broadcast %broadcast_in_dim3A_190 : i32 to vector<16xi32>
      tpu.vector_store_idx %arg10[%add3A_99, %broadcast_in_dim3A_191], %scan3A_178#5 : memref<256x128xf32, #tpu.memory_space<vmem>>[vector<16xi32>, vector<16xi32>], vector<16xf32>,
      %add3A_192 = arith.constant 10 : i32
      %add3A_193 = vector.broadcast %add3A_192 : i32 to vector<16xi32>
      %add3A_194 = arith.addi %add3A_93, %add3A_193 : vector<16xi32>
      %gather3A_195 = tpu.vector_load_idx %arg7[%add3A_194] : memref<6144xi32, #tpu.memory_space<vmem>>[vector<16xi32>], vector<16xi32>,
      %add3A_196 = arith.constant 11 : i32
      %add3A_197 = vector.broadcast %add3A_196 : i32 to vector<16xi32>
      %add3A_198 = arith.addi %add3A_93, %add3A_197 : vector<16xi32>
      %gather3A_199 = tpu.vector_load_idx %arg7[%add3A_198] : memref<6144xi32, #tpu.memory_space<vmem>>[vector<16xi32>], vector<16xi32>,
      %scan3A_200 = arith.constant 0 : i32
      %scan3A_201 = arith.constant 4 : i32
      %scan3A_202 = arith.addi %scan3A_200, %scan3A_201 : i32
      %scan3A_203 = arith.constant 1 : i32
      %scan3A_204:4 = scf.for %scan3A_380 = %scan3A_200 to %scan3A_202 step %scan3A_203 iter_args(%scan3A_381 = %broadcast_in_dim3A_94, %scan3A_382 = %broadcast_in_dim3A_94, %scan3A_383 = %broadcast_in_dim3A_94, %scan3A_384 = %broadcast_in_dim3A_94) -> (vector<16xf32>, vector<16xf32>, vector<16xf32>, vector<16xf32>)  : i32 {
        %broadcast_in_dim3A_385 = arith.constant 0 : i32
        %broadcast_in_dim3A_386 = vector.broadcast %broadcast_in_dim3A_385 : i32 to vector<16xi32>
        %mul3A_387 = arith.constant 8 : i32
        %mul3A_388 = arith.muli %scan3A_380, %mul3A_387 : i32
        %add3A_389 = arith.constant 0 : i32
        %add3A_390 = arith.addi %mul3A_388, %add3A_389 : i32
        %add3A_391 = vector.broadcast %add3A_390 : i32 to vector<16xi32>
        %add3A_392 = arith.addi %broadcast_in_dim3A_386, %add3A_391 : vector<16xi32>
        %add3A_393 = arith.addi %gather3A, %add3A_392 : vector<16xi32>
        %gather3A_394 = tpu.vector_load_idx %arg8[%mul3A_3, %add3A_393] : memref<192x128xf32, #tpu.memory_space<vmem>>[vector<16xi32>, vector<16xi32>], vector<16xf32>,
        %add3A_395 = arith.constant 10 : i32
        %add3A_396 = vector.broadcast %add3A_395 : i32 to vector<16xi32>
        %add3A_397 = arith.addi %mul3A_3, %add3A_396 : vector<16xi32>
        %add3A_398 = arith.addi %gather3A_195, %add3A_392 : vector<16xi32>
        %gather3A_399 = tpu.vector_load_idx %arg8[%add3A_397, %add3A_398] : memref<192x128xf32, #tpu.memory_space<vmem>>[vector<16xi32>, vector<16xi32>], vector<16xf32>,
        %mul3A_400 = arith.mulf %gather3A_399, %gather3A_399 : vector<16xf32>
        %add3A_401 = arith.addf %scan3A_381, %mul3A_400 : vector<16xf32>
        %sub3A = arith.subf %gather3A_394, %gather3A_399 : vector<16xf32>
        %mul3A_402 = arith.mulf %sub3A, %sub3A : vector<16xf32>
        %add3A_403 = arith.addf %scan3A_383, %mul3A_402 : vector<16xf32>
        %add3A_404 = arith.constant 11 : i32
        %add3A_405 = vector.broadcast %add3A_404 : i32 to vector<16xi32>
        %add3A_406 = arith.addi %mul3A_3, %add3A_405 : vector<16xi32>
        %add3A_407 = arith.addi %gather3A_199, %add3A_392 : vector<16xi32>
        %gather3A_408 = tpu.vector_load_idx %arg8[%add3A_406, %add3A_407] : memref<192x128xf32, #tpu.memory_space<vmem>>[vector<16xi32>, vector<16xi32>], vector<16xf32>,
        %mul3A_409 = arith.mulf %gather3A_408, %gather3A_408 : vector<16xf32>
        %add3A_410 = arith.addf %scan3A_382, %mul3A_409 : vector<16xf32>
        %sub3A_411 = arith.subf %gather3A_394, %gather3A_408 : vector<16xf32>
        %mul3A_412 = arith.mulf %sub3A_411, %sub3A_411 : vector<16xf32>
        %add3A_413 = arith.addf %scan3A_384, %mul3A_412 : vector<16xf32>
        %broadcast_in_dim3A_414 = arith.constant 0 : i32
        %broadcast_in_dim3A_415 = vector.broadcast %broadcast_in_dim3A_414 : i32 to vector<16xi32>
        %mul3A_416 = arith.constant 8 : i32
        %mul3A_417 = arith.muli %scan3A_380, %mul3A_416 : i32
        %add3A_418 = arith.constant 1 : i32
        %add3A_419 = arith.addi %mul3A_417, %add3A_418 : i32
        %add3A_420 = vector.broadcast %add3A_419 : i32 to vector<16xi32>
        %add3A_421 = arith.addi %broadcast_in_dim3A_415, %add3A_420 : vector<16xi32>
        %add3A_422 = arith.addi %gather3A, %add3A_421 : vector<16xi32>
        %gather3A_423 = tpu.vector_load_idx %arg8[%mul3A_3, %add3A_422] : memref<192x128xf32, #tpu.memory_space<vmem>>[vector<16xi32>, vector<16xi32>], vector<16xf32>,
        %add3A_424 = arith.constant 10 : i32
        %add3A_425 = vector.broadcast %add3A_424 : i32 to vector<16xi32>
        %add3A_426 = arith.addi %mul3A_3, %add3A_425 : vector<16xi32>
        %add3A_427 = arith.addi %gather3A_195, %add3A_421 : vector<16xi32>
        %gather3A_428 = tpu.vector_load_idx %arg8[%add3A_426, %add3A_427] : memref<192x128xf32, #tpu.memory_space<vmem>>[vector<16xi32>, vector<16xi32>], vector<16xf32>,
        %mul3A_429 = arith.mulf %gather3A_428, %gather3A_428 : vector<16xf32>
        %add3A_430 = arith.addf %add3A_401, %mul3A_429 : vector<16xf32>
        %sub3A_431 = arith.subf %gather3A_423, %gather3A_428 : vector<16xf32>
        %mul3A_432 = arith.mulf %sub3A_431, %sub3A_431 : vector<16xf32>
        %add3A_433 = arith.addf %add3A_403, %mul3A_432 : vector<16xf32>
        %add3A_434 = arith.constant 11 : i32
        %add3A_435 = vector.broadcast %add3A_434 : i32 to vector<16xi32>
        %add3A_436 = arith.addi %mul3A_3, %add3A_435 : vector<16xi32>
        %add3A_437 = arith.addi %gather3A_199, %add3A_421 : vector<16xi32>
        %gather3A_438 = tpu.vector_load_idx %arg8[%add3A_436, %add3A_437] : memref<192x128xf32, #tpu.memory_space<vmem>>[vector<16xi32>, vector<16xi32>], vector<16xf32>,
        %mul3A_439 = arith.mulf %gather3A_438, %gather3A_438 : vector<16xf32>
        %add3A_440 = arith.addf %add3A_410, %mul3A_439 : vector<16xf32>
        %sub3A_441 = arith.subf %gather3A_423, %gather3A_438 : vector<16xf32>
        %mul3A_442 = arith.mulf %sub3A_441, %sub3A_441 : vector<16xf32>
        %add3A_443 = arith.addf %add3A_413, %mul3A_442 : vector<16xf32>
        %broadcast_in_dim3A_444 = arith.constant 0 : i32
        %broadcast_in_dim3A_445 = vector.broadcast %broadcast_in_dim3A_444 : i32 to vector<16xi32>
        %mul3A_446 = arith.constant 8 : i32
        %mul3A_447 = arith.muli %scan3A_380, %mul3A_446 : i32
        %add3A_448 = arith.constant 2 : i32
        %add3A_449 = arith.addi %mul3A_447, %add3A_448 : i32
        %add3A_450 = vector.broadcast %add3A_449 : i32 to vector<16xi32>
        %add3A_451 = arith.addi %broadcast_in_dim3A_445, %add3A_450 : vector<16xi32>
        %add3A_452 = arith.addi %gather3A, %add3A_451 : vector<16xi32>
        %gather3A_453 = tpu.vector_load_idx %arg8[%mul3A_3, %add3A_452] : memref<192x128xf32, #tpu.memory_space<vmem>>[vector<16xi32>, vector<16xi32>], vector<16xf32>,
        %add3A_454 = arith.constant 10 : i32
        %add3A_455 = vector.broadcast %add3A_454 : i32 to vector<16xi32>
        %add3A_456 = arith.addi %mul3A_3, %add3A_455 : vector<16xi32>
        %add3A_457 = arith.addi %gather3A_195, %add3A_451 : vector<16xi32>
        %gather3A_458 = tpu.vector_load_idx %arg8[%add3A_456, %add3A_457] : memref<192x128xf32, #tpu.memory_space<vmem>>[vector<16xi32>, vector<16xi32>], vector<16xf32>,
        %mul3A_459 = arith.mulf %gather3A_458, %gather3A_458 : vector<16xf32>
        %add3A_460 = arith.addf %add3A_430, %mul3A_459 : vector<16xf32>
        %sub3A_461 = arith.subf %gather3A_453, %gather3A_458 : vector<16xf32>
        %mul3A_462 = arith.mulf %sub3A_461, %sub3A_461 : vector<16xf32>
        %add3A_463 = arith.addf %add3A_433, %mul3A_462 : vector<16xf32>
        %add3A_464 = arith.constant 11 : i32
        %add3A_465 = vector.broadcast %add3A_464 : i32 to vector<16xi32>
        %add3A_466 = arith.addi %mul3A_3, %add3A_465 : vector<16xi32>
        %add3A_467 = arith.addi %gather3A_199, %add3A_451 : vector<16xi32>
        %gather3A_468 = tpu.vector_load_idx %arg8[%add3A_466, %add3A_467] : memref<192x128xf32, #tpu.memory_space<vmem>>[vector<16xi32>, vector<16xi32>], vector<16xf32>,
        %mul3A_469 = arith.mulf %gather3A_468, %gather3A_468 : vector<16xf32>
        %add3A_470 = arith.addf %add3A_440, %mul3A_469 : vector<16xf32>
        %sub3A_471 = arith.subf %gather3A_453, %gather3A_468 : vector<16xf32>
        %mul3A_472 = arith.mulf %sub3A_471, %sub3A_471 : vector<16xf32>
        %add3A_473 = arith.addf %add3A_443, %mul3A_472 : vector<16xf32>
        %broadcast_in_dim3A_474 = arith.constant 0 : i32
        %broadcast_in_dim3A_475 = vector.broadcast %broadcast_in_dim3A_474 : i32 to vector<16xi32>
        %mul3A_476 = arith.constant 8 : i32
        %mul3A_477 = arith.muli %scan3A_380, %mul3A_476 : i32
        %add3A_478 = arith.constant 3 : i32
        %add3A_479 = arith.addi %mul3A_477, %add3A_478 : i32
        %add3A_480 = vector.broadcast %add3A_479 : i32 to vector<16xi32>
        %add3A_481 = arith.addi %broadcast_in_dim3A_475, %add3A_480 : vector<16xi32>
        %add3A_482 = arith.addi %gather3A, %add3A_481 : vector<16xi32>
        %gather3A_483 = tpu.vector_load_idx %arg8[%mul3A_3, %add3A_482] : memref<192x128xf32, #tpu.memory_space<vmem>>[vector<16xi32>, vector<16xi32>], vector<16xf32>,
        %add3A_484 = arith.constant 10 : i32
        %add3A_485 = vector.broadcast %add3A_484 : i32 to vector<16xi32>
        %add3A_486 = arith.addi %mul3A_3, %add3A_485 : vector<16xi32>
        %add3A_487 = arith.addi %gather3A_195, %add3A_481 : vector<16xi32>
        %gather3A_488 = tpu.vector_load_idx %arg8[%add3A_486, %add3A_487] : memref<192x128xf32, #tpu.memory_space<vmem>>[vector<16xi32>, vector<16xi32>], vector<16xf32>,
        %mul3A_489 = arith.mulf %gather3A_488, %gather3A_488 : vector<16xf32>
        %add3A_490 = arith.addf %add3A_460, %mul3A_489 : vector<16xf32>
        %sub3A_491 = arith.subf %gather3A_483, %gather3A_488 : vector<16xf32>
        %mul3A_492 = arith.mulf %sub3A_491, %sub3A_491 : vector<16xf32>
        %add3A_493 = arith.addf %add3A_463, %mul3A_492 : vector<16xf32>
        %add3A_494 = arith.constant 11 : i32
        %add3A_495 = vector.broadcast %add3A_494 : i32 to vector<16xi32>
        %add3A_496 = arith.addi %mul3A_3, %add3A_495 : vector<16xi32>
        %add3A_497 = arith.addi %gather3A_199, %add3A_481 : vector<16xi32>
        %gather3A_498 = tpu.vector_load_idx %arg8[%add3A_496, %add3A_497] : memref<192x128xf32, #tpu.memory_space<vmem>>[vector<16xi32>, vector<16xi32>], vector<16xf32>,
        %mul3A_499 = arith.mulf %gather3A_498, %gather3A_498 : vector<16xf32>
        %add3A_500 = arith.addf %add3A_470, %mul3A_499 : vector<16xf32>
        %sub3A_501 = arith.subf %gather3A_483, %gather3A_498 : vector<16xf32>
        %mul3A_502 = arith.mulf %sub3A_501, %sub3A_501 : vector<16xf32>
        %add3A_503 = arith.addf %add3A_473, %mul3A_502 : vector<16xf32>
        %broadcast_in_dim3A_504 = arith.constant 0 : i32
        %broadcast_in_dim3A_505 = vector.broadcast %broadcast_in_dim3A_504 : i32 to vector<16xi32>
        %mul3A_506 = arith.constant 8 : i32
        %mul3A_507 = arith.muli %scan3A_380, %mul3A_506 : i32
        %add3A_508 = arith.constant 4 : i32
        %add3A_509 = arith.addi %mul3A_507, %add3A_508 : i32
        %add3A_510 = vector.broadcast %add3A_509 : i32 to vector<16xi32>
        %add3A_511 = arith.addi %broadcast_in_dim3A_505, %add3A_510 : vector<16xi32>
        %add3A_512 = arith.addi %gather3A, %add3A_511 : vector<16xi32>
        %gather3A_513 = tpu.vector_load_idx %arg8[%mul3A_3, %add3A_512] : memref<192x128xf32, #tpu.memory_space<vmem>>[vector<16xi32>, vector<16xi32>], vector<16xf32>,
        %add3A_514 = arith.constant 10 : i32
        %add3A_515 = vector.broadcast %add3A_514 : i32 to vector<16xi32>
        %add3A_516 = arith.addi %mul3A_3, %add3A_515 : vector<16xi32>
        %add3A_517 = arith.addi %gather3A_195, %add3A_511 : vector<16xi32>
        %gather3A_518 = tpu.vector_load_idx %arg8[%add3A_516, %add3A_517] : memref<192x128xf32, #tpu.memory_space<vmem>>[vector<16xi32>, vector<16xi32>], vector<16xf32>,
        %mul3A_519 = arith.mulf %gather3A_518, %gather3A_518 : vector<16xf32>
        %add3A_520 = arith.addf %add3A_490, %mul3A_519 : vector<16xf32>
        %sub3A_521 = arith.subf %gather3A_513, %gather3A_518 : vector<16xf32>
        %mul3A_522 = arith.mulf %sub3A_521, %sub3A_521 : vector<16xf32>
        %add3A_523 = arith.addf %add3A_493, %mul3A_522 : vector<16xf32>
        %add3A_524 = arith.constant 11 : i32
        %add3A_525 = vector.broadcast %add3A_524 : i32 to vector<16xi32>
        %add3A_526 = arith.addi %mul3A_3, %add3A_525 : vector<16xi32>
        %add3A_527 = arith.addi %gather3A_199, %add3A_511 : vector<16xi32>
        %gather3A_528 = tpu.vector_load_idx %arg8[%add3A_526, %add3A_527] : memref<192x128xf32, #tpu.memory_space<vmem>>[vector<16xi32>, vector<16xi32>], vector<16xf32>,
        %mul3A_529 = arith.mulf %gather3A_528, %gather3A_528 : vector<16xf32>
        %add3A_530 = arith.addf %add3A_500, %mul3A_529 : vector<16xf32>
        %sub3A_531 = arith.subf %gather3A_513, %gather3A_528 : vector<16xf32>
        %mul3A_532 = arith.mulf %sub3A_531, %sub3A_531 : vector<16xf32>
        %add3A_533 = arith.addf %add3A_503, %mul3A_532 : vector<16xf32>
        %broadcast_in_dim3A_534 = arith.constant 0 : i32
        %broadcast_in_dim3A_535 = vector.broadcast %broadcast_in_dim3A_534 : i32 to vector<16xi32>
        %mul3A_536 = arith.constant 8 : i32
        %mul3A_537 = arith.muli %scan3A_380, %mul3A_536 : i32
        %add3A_538 = arith.constant 5 : i32
        %add3A_539 = arith.addi %mul3A_537, %add3A_538 : i32
        %add3A_540 = vector.broadcast %add3A_539 : i32 to vector<16xi32>
        %add3A_541 = arith.addi %broadcast_in_dim3A_535, %add3A_540 : vector<16xi32>
        %add3A_542 = arith.addi %gather3A, %add3A_541 : vector<16xi32>
        %gather3A_543 = tpu.vector_load_idx %arg8[%mul3A_3, %add3A_542] : memref<192x128xf32, #tpu.memory_space<vmem>>[vector<16xi32>, vector<16xi32>], vector<16xf32>,
        %add3A_544 = arith.constant 10 : i32
        %add3A_545 = vector.broadcast %add3A_544 : i32 to vector<16xi32>
        %add3A_546 = arith.addi %mul3A_3, %add3A_545 : vector<16xi32>
        %add3A_547 = arith.addi %gather3A_195, %add3A_541 : vector<16xi32>
        %gather3A_548 = tpu.vector_load_idx %arg8[%add3A_546, %add3A_547] : memref<192x128xf32, #tpu.memory_space<vmem>>[vector<16xi32>, vector<16xi32>], vector<16xf32>,
        %mul3A_549 = arith.mulf %gather3A_548, %gather3A_548 : vector<16xf32>
        %add3A_550 = arith.addf %add3A_520, %mul3A_549 : vector<16xf32>
        %sub3A_551 = arith.subf %gather3A_543, %gather3A_548 : vector<16xf32>
        %mul3A_552 = arith.mulf %sub3A_551, %sub3A_551 : vector<16xf32>
        %add3A_553 = arith.addf %add3A_523, %mul3A_552 : vector<16xf32>
        %add3A_554 = arith.constant 11 : i32
        %add3A_555 = vector.broadcast %add3A_554 : i32 to vector<16xi32>
        %add3A_556 = arith.addi %mul3A_3, %add3A_555 : vector<16xi32>
        %add3A_557 = arith.addi %gather3A_199, %add3A_541 : vector<16xi32>
        %gather3A_558 = tpu.vector_load_idx %arg8[%add3A_556, %add3A_557] : memref<192x128xf32, #tpu.memory_space<vmem>>[vector<16xi32>, vector<16xi32>], vector<16xf32>,
        %mul3A_559 = arith.mulf %gather3A_558, %gather3A_558 : vector<16xf32>
        %add3A_560 = arith.addf %add3A_530, %mul3A_559 : vector<16xf32>
        %sub3A_561 = arith.subf %gather3A_543, %gather3A_558 : vector<16xf32>
        %mul3A_562 = arith.mulf %sub3A_561, %sub3A_561 : vector<16xf32>
        %add3A_563 = arith.addf %add3A_533, %mul3A_562 : vector<16xf32>
        %broadcast_in_dim3A_564 = arith.constant 0 : i32
        %broadcast_in_dim3A_565 = vector.broadcast %broadcast_in_dim3A_564 : i32 to vector<16xi32>
        %mul3A_566 = arith.constant 8 : i32
        %mul3A_567 = arith.muli %scan3A_380, %mul3A_566 : i32
        %add3A_568 = arith.constant 6 : i32
        %add3A_569 = arith.addi %mul3A_567, %add3A_568 : i32
        %add3A_570 = vector.broadcast %add3A_569 : i32 to vector<16xi32>
        %add3A_571 = arith.addi %broadcast_in_dim3A_565, %add3A_570 : vector<16xi32>
        %add3A_572 = arith.addi %gather3A, %add3A_571 : vector<16xi32>
        %gather3A_573 = tpu.vector_load_idx %arg8[%mul3A_3, %add3A_572] : memref<192x128xf32, #tpu.memory_space<vmem>>[vector<16xi32>, vector<16xi32>], vector<16xf32>,
        %add3A_574 = arith.constant 10 : i32
        %add3A_575 = vector.broadcast %add3A_574 : i32 to vector<16xi32>
        %add3A_576 = arith.addi %mul3A_3, %add3A_575 : vector<16xi32>
        %add3A_577 = arith.addi %gather3A_195, %add3A_571 : vector<16xi32>
        %gather3A_578 = tpu.vector_load_idx %arg8[%add3A_576, %add3A_577] : memref<192x128xf32, #tpu.memory_space<vmem>>[vector<16xi32>, vector<16xi32>], vector<16xf32>,
        %mul3A_579 = arith.mulf %gather3A_578, %gather3A_578 : vector<16xf32>
        %add3A_580 = arith.addf %add3A_550, %mul3A_579 : vector<16xf32>
        %sub3A_581 = arith.subf %gather3A_573, %gather3A_578 : vector<16xf32>
        %mul3A_582 = arith.mulf %sub3A_581, %sub3A_581 : vector<16xf32>
        %add3A_583 = arith.addf %add3A_553, %mul3A_582 : vector<16xf32>
        %add3A_584 = arith.constant 11 : i32
        %add3A_585 = vector.broadcast %add3A_584 : i32 to vector<16xi32>
        %add3A_586 = arith.addi %mul3A_3, %add3A_585 : vector<16xi32>
        %add3A_587 = arith.addi %gather3A_199, %add3A_571 : vector<16xi32>
        %gather3A_588 = tpu.vector_load_idx %arg8[%add3A_586, %add3A_587] : memref<192x128xf32, #tpu.memory_space<vmem>>[vector<16xi32>, vector<16xi32>], vector<16xf32>,
        %mul3A_589 = arith.mulf %gather3A_588, %gather3A_588 : vector<16xf32>
        %add3A_590 = arith.addf %add3A_560, %mul3A_589 : vector<16xf32>
        %sub3A_591 = arith.subf %gather3A_573, %gather3A_588 : vector<16xf32>
        %mul3A_592 = arith.mulf %sub3A_591, %sub3A_591 : vector<16xf32>
        %add3A_593 = arith.addf %add3A_563, %mul3A_592 : vector<16xf32>
        %broadcast_in_dim3A_594 = arith.constant 0 : i32
        %broadcast_in_dim3A_595 = vector.broadcast %broadcast_in_dim3A_594 : i32 to vector<16xi32>
        %mul3A_596 = arith.constant 8 : i32
        %mul3A_597 = arith.muli %scan3A_380, %mul3A_596 : i32
        %add3A_598 = arith.constant 7 : i32
        %add3A_599 = arith.addi %mul3A_597, %add3A_598 : i32
        %add3A_600 = vector.broadcast %add3A_599 : i32 to vector<16xi32>
        %add3A_601 = arith.addi %broadcast_in_dim3A_595, %add3A_600 : vector<16xi32>
        %add3A_602 = arith.addi %gather3A, %add3A_601 : vector<16xi32>
        %gather3A_603 = tpu.vector_load_idx %arg8[%mul3A_3, %add3A_602] : memref<192x128xf32, #tpu.memory_space<vmem>>[vector<16xi32>, vector<16xi32>], vector<16xf32>,
        %add3A_604 = arith.constant 10 : i32
        %add3A_605 = vector.broadcast %add3A_604 : i32 to vector<16xi32>
        %add3A_606 = arith.addi %mul3A_3, %add3A_605 : vector<16xi32>
        %add3A_607 = arith.addi %gather3A_195, %add3A_601 : vector<16xi32>
        %gather3A_608 = tpu.vector_load_idx %arg8[%add3A_606, %add3A_607] : memref<192x128xf32, #tpu.memory_space<vmem>>[vector<16xi32>, vector<16xi32>], vector<16xf32>,
        %mul3A_609 = arith.mulf %gather3A_608, %gather3A_608 : vector<16xf32>
        %add3A_610 = arith.addf %add3A_580, %mul3A_609 : vector<16xf32>
        %sub3A_611 = arith.subf %gather3A_603, %gather3A_608 : vector<16xf32>
        %mul3A_612 = arith.mulf %sub3A_611, %sub3A_611 : vector<16xf32>
        %add3A_613 = arith.addf %add3A_583, %mul3A_612 : vector<16xf32>
        %add3A_614 = arith.constant 11 : i32
        %add3A_615 = vector.broadcast %add3A_614 : i32 to vector<16xi32>
        %add3A_616 = arith.addi %mul3A_3, %add3A_615 : vector<16xi32>
        %add3A_617 = arith.addi %gather3A_199, %add3A_601 : vector<16xi32>
        %gather3A_618 = tpu.vector_load_idx %arg8[%add3A_616, %add3A_617] : memref<192x128xf32, #tpu.memory_space<vmem>>[vector<16xi32>, vector<16xi32>], vector<16xf32>,
        %mul3A_619 = arith.mulf %gather3A_618, %gather3A_618 : vector<16xf32>
        %add3A_620 = arith.addf %add3A_590, %mul3A_619 : vector<16xf32>
        %sub3A_621 = arith.subf %gather3A_603, %gather3A_618 : vector<16xf32>
        %mul3A_622 = arith.mulf %sub3A_621, %sub3A_621 : vector<16xf32>
        %add3A_623 = arith.addf %add3A_593, %mul3A_622 : vector<16xf32>
        scf.yield %add3A_610, %add3A_620, %add3A_613, %add3A_623 : vector<16xf32>, vector<16xf32>, vector<16xf32>, vector<16xf32>
      }
      %scan3A_205 = arith.constant 4 : i32
      %broadcast_in_dim3A_206 = arith.constant 10 : i32
      %broadcast_in_dim3A_207 = vector.broadcast %broadcast_in_dim3A_206 : i32 to vector<16xi32>
      tpu.vector_store_idx %arg10[%add3A_99, %broadcast_in_dim3A_207], %scan3A_204#0 : memref<256x128xf32, #tpu.memory_space<vmem>>[vector<16xi32>, vector<16xi32>], vector<16xf32>,
      %broadcast_in_dim3A_208 = arith.constant 21 : i32
      %broadcast_in_dim3A_209 = vector.broadcast %broadcast_in_dim3A_208 : i32 to vector<16xi32>
      tpu.vector_store_idx %arg10[%add3A_99, %broadcast_in_dim3A_209], %scan3A_204#2 : memref<256x128xf32, #tpu.memory_space<vmem>>[vector<16xi32>, vector<16xi32>], vector<16xf32>,
      %broadcast_in_dim3A_210 = arith.constant 11 : i32
      %broadcast_in_dim3A_211 = vector.broadcast %broadcast_in_dim3A_210 : i32 to vector<16xi32>
      tpu.vector_store_idx %arg10[%add3A_99, %broadcast_in_dim3A_211], %scan3A_204#1 : memref<256x128xf32, #tpu.memory_space<vmem>>[vector<16xi32>, vector<16xi32>], vector<16xf32>,
      %broadcast_in_dim3A_212 = arith.constant 22 : i32
      %broadcast_in_dim3A_213 = vector.broadcast %broadcast_in_dim3A_212 : i32 to vector<16xi32>
      tpu.vector_store_idx %arg10[%add3A_99, %broadcast_in_dim3A_213], %scan3A_204#3 : memref<256x128xf32, #tpu.memory_space<vmem>>[vector<16xi32>, vector<16xi32>], vector<16xf32>,
      %eq3A = arith.constant 15 : i32
      %eq3A_214 = arith.cmpi eq, %add3A_40, %eq3A : i32
      %convert_element_type3A = arith.extui %eq3A_214 : i1 to i32
      %cond3A = arith.constant 0 : i32
      %cond3A_215 = arith.cmpi ne, %convert_element_type3A, %cond3A : i32
      scf.if %cond3A_215 {
        %mul3A_380 = arith.constant 512 : i32
        %mul3A_381 = arith.muli %add3A, %mul3A_380 : i32
        "tpu.region"() ({
          %run_scoped3A = tpu.sem_alloc : memref<!tpu.dma_semaphore, #tpu.memory_space<semaphore_mem>>
          %dma_start3A_382 = arith.constant 0 : i32
          %dma_start3A_383 = tpu.memref_slice %arg5[%mul3A_381, %dma_start3A_382] : memref<16384x128xf32, #tpu.memory_space<hbm>> -> memref<256x128xf32, #tpu.memory_space<hbm>>
          %dma_start3A_384 = arith.constant 0 : i32
          %dma_start3A_385 = tpu.memref_slice %arg5[%mul3A_381, %dma_start3A_384] : memref<16384x128xf32, #tpu.memory_space<hbm>> -> memref<256x128xf32, #tpu.memory_space<hbm>>
          tpu.enqueue_dma source(%arg10 : memref<256x128xf32, #tpu.memory_space<vmem>>) target(%dma_start3A_385 : memref<256x128xf32, #tpu.memory_space<hbm>>) target_semaphore(%run_scoped3A : memref<!tpu.dma_semaphore, #tpu.memory_space<semaphore_mem>>)
          %dma_wait3A_386 = arith.constant 0 : i32
          %dma_wait3A_387 = tpu.memref_slice %arg5[%mul3A_381, %dma_wait3A_386] : memref<16384x128xf32, #tpu.memory_space<hbm>> -> memref<256x128xf32, #tpu.memory_space<hbm>>
          %dma_wait3A_388 = arith.constant 0 : i32
          %dma_wait3A_389 = tpu.memref_slice %arg5[%mul3A_381, %dma_wait3A_388] : memref<16384x128xf32, #tpu.memory_space<hbm>> -> memref<256x128xf32, #tpu.memory_space<hbm>>
          tpu.wait_dma2 semaphore(%run_scoped3A : memref<!tpu.dma_semaphore, #tpu.memory_space<semaphore_mem>>) src(%arg10 : memref<256x128xf32, #tpu.memory_space<vmem>>) dst(%dma_wait3A_389 : memref<256x128xf32, #tpu.memory_space<hbm>>)
          tpu.yield
        }) : () -> ()
      } else {
      }
      %add3A_216 = arith.constant 1 : i32
      %add3A_217 = arith.addi %mul3A_38, %add3A_216 : i32
      %add3A_218 = arith.constant 1 : i32
      %add3A_219 = arith.addi %add3A_217, %add3A_218 : i32
      %lt3A = arith.constant 32 : i32
      %lt3A_220 = arith.cmpi slt, %add3A_219, %lt3A : i32
      %convert_element_type3A_221 = arith.extui %lt3A_220 : i1 to i32
      %cond3A_222 = arith.constant 0 : i32
      %cond3A_223 = arith.cmpi ne, %convert_element_type3A_221, %cond3A_222 : i32
      scf.if %cond3A_223 {
        %add3A_380 = arith.constant 1 : i32
        %add3A_381 = arith.addi %add3A_217, %add3A_380 : i32
        %mul3A_382 = arith.constant 192 : i32
        %mul3A_383 = arith.muli %add3A_381, %mul3A_382 : i32
        %add3A_384 = arith.constant 0 : i32
        %add3A_385 = arith.addi %mul3A_383, %add3A_384 : i32
        %multiple_of3A_386 = tpu.assume_multiple %add3A_385, 96 : i32
        %dma_start3A_387 = arith.constant 0 : i32
        %dma_start3A_388 = arith.constant 0 : i32
        %dma_start3A_389 = tpu.memref_slice %arg8[%dma_start3A_387, %dma_start3A_388] : memref<192x128xf32, #tpu.memory_space<vmem>> -> memref<96x128xf32, #tpu.memory_space<vmem>>
        %dma_start3A_390 = tpu.memref_slice %arg6[%multiple_of3A_386] : memref<6144xi32, #tpu.memory_space<vmem>> -> memref<96xi32, #tpu.memory_space<vmem>>
        %dma_start3A_391 = arith.constant 0 : i32
        %dma_start3A_392 = arith.constant 0 : i32
        %dma_start3A_393 = tpu.memref_slice %arg4[%dma_start3A_391, %dma_start3A_392] : memref<253952x128xf32, #tpu.memory_space<hbm>> -> memref<253952x128xf32, #tpu.memory_space<hbm>>
        tpu.enqueue_indirect_dma source(%dma_start3A_393 : memref<253952x128xf32, #tpu.memory_space<hbm>>) target(%dma_start3A_389 : memref<96x128xf32, #tpu.memory_space<vmem>>) offsets(%dma_start3A_390 : memref<96xi32, #tpu.memory_space<vmem>>) semaphore(%arg11 : memref<!tpu.dma_semaphore, #tpu.memory_space<semaphore_mem>>)
        %mul3A_394 = arith.constant 192 : i32
        %mul3A_395 = arith.muli %add3A_381, %mul3A_394 : i32
        %add3A_396 = arith.constant 96 : i32
        %add3A_397 = arith.addi %mul3A_395, %add3A_396 : i32
        %multiple_of3A_398 = tpu.assume_multiple %add3A_397, 96 : i32
        %dma_start3A_399 = arith.constant 96 : i32
        %dma_start3A_400 = arith.constant 0 : i32
        %dma_start3A_401 = tpu.memref_slice %arg8[%dma_start3A_399, %dma_start3A_400] : memref<192x128xf32, #tpu.memory_space<vmem>> -> memref<96x128xf32, #tpu.memory_space<vmem>>
        %dma_start3A_402 = tpu.memref_slice %arg6[%multiple_of3A_398] : memref<6144xi32, #tpu.memory_space<vmem>> -> memref<96xi32, #tpu.memory_space<vmem>>
        %dma_start3A_403 = arith.constant 0 : i32
        %dma_start3A_404 = arith.constant 0 : i32
        %dma_start3A_405 = tpu.memref_slice %arg4[%dma_start3A_403, %dma_start3A_404] : memref<253952x128xf32, #tpu.memory_space<hbm>> -> memref<253952x128xf32, #tpu.memory_space<hbm>>
        tpu.enqueue_indirect_dma source(%dma_start3A_405 : memref<253952x128xf32, #tpu.memory_space<hbm>>) target(%dma_start3A_401 : memref<96x128xf32, #tpu.memory_space<vmem>>) offsets(%dma_start3A_402 : memref<96xi32, #tpu.memory_space<vmem>>) semaphore(%arg11 : memref<!tpu.dma_semaphore, #tpu.memory_space<semaphore_mem>>)
      } else {
      }
      %dma_wait3A_224 = arith.constant 0 : i32
      %dma_wait3A_225 = arith.constant 0 : i32
      %dma_wait3A_226 = tpu.memref_slice %arg9[%dma_wait3A_224, %dma_wait3A_225] : memref<192x128xf32, #tpu.memory_space<vmem>> -> memref<96x128xf32, #tpu.memory_space<vmem>>
      %dma_wait3A_227 = arith.constant 0 : i32
      %dma_wait3A_228 = arith.constant 0 : i32
      %dma_wait3A_229 = tpu.memref_slice %arg4[%dma_wait3A_227, %dma_wait3A_228] : memref<253952x128xf32, #tpu.memory_space<hbm>> -> memref<96x128xf32, #tpu.memory_space<hbm>>
      %dma_wait3A_230 = arith.constant 0 : i32
      %dma_wait3A_231 = arith.constant 0 : i32
      %dma_wait3A_232 = tpu.memref_slice %arg9[%dma_wait3A_230, %dma_wait3A_231] : memref<192x128xf32, #tpu.memory_space<vmem>> -> memref<96x128xf32, #tpu.memory_space<vmem>>
      %dma_wait3A_233 = arith.constant 0 : i32
      %dma_wait3A_234 = arith.constant 0 : i32
      %dma_wait3A_235 = tpu.memref_slice %arg4[%dma_wait3A_233, %dma_wait3A_234] : memref<253952x128xf32, #tpu.memory_space<hbm>> -> memref<96x128xf32, #tpu.memory_space<hbm>>
      tpu.wait_dma2 semaphore(%arg12 : memref<!tpu.dma_semaphore, #tpu.memory_space<semaphore_mem>>) src(%dma_wait3A_235 : memref<96x128xf32, #tpu.memory_space<hbm>>) dst(%dma_wait3A_232 : memref<96x128xf32, #tpu.memory_space<vmem>>)
      %dma_wait3A_236 = arith.constant 96 : i32
      %dma_wait3A_237 = arith.constant 0 : i32
      %dma_wait3A_238 = tpu.memref_slice %arg9[%dma_wait3A_236, %dma_wait3A_237] : memref<192x128xf32, #tpu.memory_space<vmem>> -> memref<96x128xf32, #tpu.memory_space<vmem>>
      %dma_wait3A_239 = arith.constant 0 : i32
      %dma_wait3A_240 = arith.constant 0 : i32
      %dma_wait3A_241 = tpu.memref_slice %arg4[%dma_wait3A_239, %dma_wait3A_240] : memref<253952x128xf32, #tpu.memory_space<hbm>> -> memref<96x128xf32, #tpu.memory_space<hbm>>
      %dma_wait3A_242 = arith.constant 96 : i32
      %dma_wait3A_243 = arith.constant 0 : i32
      %dma_wait3A_244 = tpu.memref_slice %arg9[%dma_wait3A_242, %dma_wait3A_243] : memref<192x128xf32, #tpu.memory_space<vmem>> -> memref<96x128xf32, #tpu.memory_space<vmem>>
      %dma_wait3A_245 = arith.constant 0 : i32
      %dma_wait3A_246 = arith.constant 0 : i32
      %dma_wait3A_247 = tpu.memref_slice %arg4[%dma_wait3A_245, %dma_wait3A_246] : memref<253952x128xf32, #tpu.memory_space<hbm>> -> memref<96x128xf32, #tpu.memory_space<hbm>>
      tpu.wait_dma2 semaphore(%arg12 : memref<!tpu.dma_semaphore, #tpu.memory_space<semaphore_mem>>) src(%dma_wait3A_247 : memref<96x128xf32, #tpu.memory_space<hbm>>) dst(%dma_wait3A_244 : memref<96x128xf32, #tpu.memory_space<vmem>>)
      %mul3A_248 = arith.constant 192 : i32
      %mul3A_249 = arith.muli %add3A_217, %mul3A_248 : i32
      %add3A_250 = vector.broadcast %mul3A_249 : i32 to vector<16xi32>
      %add3A_251 = arith.addi %add3A_250, %mul3A_3 : vector<16xi32>
      %broadcast_in_dim3A_252 = arith.constant 0.000000e+00 : f32
      %broadcast_in_dim3A_253 = vector.broadcast %broadcast_in_dim3A_252 : f32 to vector<16xf32>
      %mul3A_254 = arith.constant 16 : i32
      %mul3A_255 = arith.muli %add3A_217, %mul3A_254 : i32
      %rem3A_256 = arith.constant 256 : i32
      %rem3A_257 = arith.remsi %mul3A_255, %rem3A_256 : i32
      %add3A_258 = vector.broadcast %rem3A_257 : i32 to vector<16xi32>
      %add3A_259 = arith.addi %add3A_258, %iota3A : vector<16xi32>
      %gather3A_260 = tpu.vector_load_idx %arg7[%add3A_251] : memref<6144xi32, #tpu.memory_space<vmem>>[vector<16xi32>], vector<16xi32>,
      %add3A_261 = arith.constant 1 : i32
      %add3A_262 = vector.broadcast %add3A_261 : i32 to vector<16xi32>
      %add3A_263 = arith.addi %add3A_251, %add3A_262 : vector<16xi32>
      %gather3A_264 = tpu.vector_load_idx %arg7[%add3A_263] : memref<6144xi32, #tpu.memory_space<vmem>>[vector<16xi32>], vector<16xi32>,
      %add3A_265 = arith.constant 2 : i32
      %add3A_266 = vector.broadcast %add3A_265 : i32 to vector<16xi32>
      %add3A_267 = arith.addi %add3A_251, %add3A_266 : vector<16xi32>
      %gather3A_268 = tpu.vector_load_idx %arg7[%add3A_267] : memref<6144xi32, #tpu.memory_space<vmem>>[vector<16xi32>], vector<16xi32>,
      %add3A_269 = arith.constant 3 : i32
      %add3A_270 = vector.broadcast %add3A_269 : i32 to vector<16xi32>
      %add3A_271 = arith.addi %add3A_251, %add3A_270 : vector<16xi32>
      %gather3A_272 = tpu.vector_load_idx %arg7[%add3A_271] : memref<6144xi32, #tpu.memory_space<vmem>>[vector<16xi32>], vector<16xi32>,
      %scan3A_273 = arith.constant 0 : i32
      %scan3A_274 = arith.constant 4 : i32
      %scan3A_275 = arith.addi %scan3A_273, %scan3A_274 : i32
      %scan3A_276 = arith.constant 1 : i32
      %scan3A_277:7 = scf.for %scan3A_380 = %scan3A_273 to %scan3A_275 step %scan3A_276 iter_args(%scan3A_381 = %broadcast_in_dim3A_253, %scan3A_382 = %broadcast_in_dim3A_253, %scan3A_383 = %broadcast_in_dim3A_253, %scan3A_384 = %broadcast_in_dim3A_253, %scan3A_385 = %broadcast_in_dim3A_253, %scan3A_386 = %broadcast_in_dim3A_253, %scan3A_387 = %broadcast_in_dim3A_253) -> (vector<16xf32>, vector<16xf32>, vector<16xf32>, vector<16xf32>, vector<16xf32>, vector<16xf32>, vector<16xf32>)  : i32 {
        %broadcast_in_dim3A_388 = arith.constant 0 : i32
        %broadcast_in_dim3A_389 = vector.broadcast %broadcast_in_dim3A_388 : i32 to vector<16xi32>
        %mul3A_390 = arith.constant 8 : i32
        %mul3A_391 = arith.muli %scan3A_380, %mul3A_390 : i32
        %add3A_392 = arith.constant 0 : i32
        %add3A_393 = arith.addi %mul3A_391, %add3A_392 : i32
        %add3A_394 = vector.broadcast %add3A_393 : i32 to vector<16xi32>
        %add3A_395 = arith.addi %broadcast_in_dim3A_389, %add3A_394 : vector<16xi32>
        %add3A_396 = arith.addi %gather3A_260, %add3A_395 : vector<16xi32>
        %gather3A_397 = tpu.vector_load_idx %arg9[%mul3A_3, %add3A_396] : memref<192x128xf32, #tpu.memory_space<vmem>>[vector<16xi32>, vector<16xi32>], vector<16xf32>,
        %mul3A_398 = arith.mulf %gather3A_397, %gather3A_397 : vector<16xf32>
        %add3A_399 = arith.addf %scan3A_381, %mul3A_398 : vector<16xf32>
        %add3A_400 = arith.constant 1 : i32
        %add3A_401 = vector.broadcast %add3A_400 : i32 to vector<16xi32>
        %add3A_402 = arith.addi %mul3A_3, %add3A_401 : vector<16xi32>
        %add3A_403 = arith.addi %gather3A_264, %add3A_395 : vector<16xi32>
        %gather3A_404 = tpu.vector_load_idx %arg9[%add3A_402, %add3A_403] : memref<192x128xf32, #tpu.memory_space<vmem>>[vector<16xi32>, vector<16xi32>], vector<16xf32>,
        %mul3A_405 = arith.mulf %gather3A_404, %gather3A_404 : vector<16xf32>
        %add3A_406 = arith.addf %scan3A_382, %mul3A_405 : vector<16xf32>
        %sub3A = arith.subf %gather3A_397, %gather3A_404 : vector<16xf32>
        %mul3A_407 = arith.mulf %sub3A, %sub3A : vector<16xf32>
        %add3A_408 = arith.addf %scan3A_385, %mul3A_407 : vector<16xf32>
        %add3A_409 = arith.constant 2 : i32
        %add3A_410 = vector.broadcast %add3A_409 : i32 to vector<16xi32>
        %add3A_411 = arith.addi %mul3A_3, %add3A_410 : vector<16xi32>
        %add3A_412 = arith.addi %gather3A_268, %add3A_395 : vector<16xi32>
        %gather3A_413 = tpu.vector_load_idx %arg9[%add3A_411, %add3A_412] : memref<192x128xf32, #tpu.memory_space<vmem>>[vector<16xi32>, vector<16xi32>], vector<16xf32>,
        %mul3A_414 = arith.mulf %gather3A_413, %gather3A_413 : vector<16xf32>
        %add3A_415 = arith.addf %scan3A_383, %mul3A_414 : vector<16xf32>
        %sub3A_416 = arith.subf %gather3A_397, %gather3A_413 : vector<16xf32>
        %mul3A_417 = arith.mulf %sub3A_416, %sub3A_416 : vector<16xf32>
        %add3A_418 = arith.addf %scan3A_386, %mul3A_417 : vector<16xf32>
        %add3A_419 = arith.constant 3 : i32
        %add3A_420 = vector.broadcast %add3A_419 : i32 to vector<16xi32>
        %add3A_421 = arith.addi %mul3A_3, %add3A_420 : vector<16xi32>
        %add3A_422 = arith.addi %gather3A_272, %add3A_395 : vector<16xi32>
        %gather3A_423 = tpu.vector_load_idx %arg9[%add3A_421, %add3A_422] : memref<192x128xf32, #tpu.memory_space<vmem>>[vector<16xi32>, vector<16xi32>], vector<16xf32>,
        %mul3A_424 = arith.mulf %gather3A_423, %gather3A_423 : vector<16xf32>
        %add3A_425 = arith.addf %scan3A_384, %mul3A_424 : vector<16xf32>
        %sub3A_426 = arith.subf %gather3A_397, %gather3A_423 : vector<16xf32>
        %mul3A_427 = arith.mulf %sub3A_426, %sub3A_426 : vector<16xf32>
        %add3A_428 = arith.addf %scan3A_387, %mul3A_427 : vector<16xf32>
        %broadcast_in_dim3A_429 = arith.constant 0 : i32
        %broadcast_in_dim3A_430 = vector.broadcast %broadcast_in_dim3A_429 : i32 to vector<16xi32>
        %mul3A_431 = arith.constant 8 : i32
        %mul3A_432 = arith.muli %scan3A_380, %mul3A_431 : i32
        %add3A_433 = arith.constant 1 : i32
        %add3A_434 = arith.addi %mul3A_432, %add3A_433 : i32
        %add3A_435 = vector.broadcast %add3A_434 : i32 to vector<16xi32>
        %add3A_436 = arith.addi %broadcast_in_dim3A_430, %add3A_435 : vector<16xi32>
        %add3A_437 = arith.addi %gather3A_260, %add3A_436 : vector<16xi32>
        %gather3A_438 = tpu.vector_load_idx %arg9[%mul3A_3, %add3A_437] : memref<192x128xf32, #tpu.memory_space<vmem>>[vector<16xi32>, vector<16xi32>], vector<16xf32>,
        %mul3A_439 = arith.mulf %gather3A_438, %gather3A_438 : vector<16xf32>
        %add3A_440 = arith.addf %add3A_399, %mul3A_439 : vector<16xf32>
        %add3A_441 = arith.constant 1 : i32
        %add3A_442 = vector.broadcast %add3A_441 : i32 to vector<16xi32>
        %add3A_443 = arith.addi %mul3A_3, %add3A_442 : vector<16xi32>
        %add3A_444 = arith.addi %gather3A_264, %add3A_436 : vector<16xi32>
        %gather3A_445 = tpu.vector_load_idx %arg9[%add3A_443, %add3A_444] : memref<192x128xf32, #tpu.memory_space<vmem>>[vector<16xi32>, vector<16xi32>], vector<16xf32>,
        %mul3A_446 = arith.mulf %gather3A_445, %gather3A_445 : vector<16xf32>
        %add3A_447 = arith.addf %add3A_406, %mul3A_446 : vector<16xf32>
        %sub3A_448 = arith.subf %gather3A_438, %gather3A_445 : vector<16xf32>
        %mul3A_449 = arith.mulf %sub3A_448, %sub3A_448 : vector<16xf32>
        %add3A_450 = arith.addf %add3A_408, %mul3A_449 : vector<16xf32>
        %add3A_451 = arith.constant 2 : i32
        %add3A_452 = vector.broadcast %add3A_451 : i32 to vector<16xi32>
        %add3A_453 = arith.addi %mul3A_3, %add3A_452 : vector<16xi32>
        %add3A_454 = arith.addi %gather3A_268, %add3A_436 : vector<16xi32>
        %gather3A_455 = tpu.vector_load_idx %arg9[%add3A_453, %add3A_454] : memref<192x128xf32, #tpu.memory_space<vmem>>[vector<16xi32>, vector<16xi32>], vector<16xf32>,
        %mul3A_456 = arith.mulf %gather3A_455, %gather3A_455 : vector<16xf32>
        %add3A_457 = arith.addf %add3A_415, %mul3A_456 : vector<16xf32>
        %sub3A_458 = arith.subf %gather3A_438, %gather3A_455 : vector<16xf32>
        %mul3A_459 = arith.mulf %sub3A_458, %sub3A_458 : vector<16xf32>
        %add3A_460 = arith.addf %add3A_418, %mul3A_459 : vector<16xf32>
        %add3A_461 = arith.constant 3 : i32
        %add3A_462 = vector.broadcast %add3A_461 : i32 to vector<16xi32>
        %add3A_463 = arith.addi %mul3A_3, %add3A_462 : vector<16xi32>
        %add3A_464 = arith.addi %gather3A_272, %add3A_436 : vector<16xi32>
        %gather3A_465 = tpu.vector_load_idx %arg9[%add3A_463, %add3A_464] : memref<192x128xf32, #tpu.memory_space<vmem>>[vector<16xi32>, vector<16xi32>], vector<16xf32>,
        %mul3A_466 = arith.mulf %gather3A_465, %gather3A_465 : vector<16xf32>
        %add3A_467 = arith.addf %add3A_425, %mul3A_466 : vector<16xf32>
        %sub3A_468 = arith.subf %gather3A_438, %gather3A_465 : vector<16xf32>
        %mul3A_469 = arith.mulf %sub3A_468, %sub3A_468 : vector<16xf32>
        %add3A_470 = arith.addf %add3A_428, %mul3A_469 : vector<16xf32>
        %broadcast_in_dim3A_471 = arith.constant 0 : i32
        %broadcast_in_dim3A_472 = vector.broadcast %broadcast_in_dim3A_471 : i32 to vector<16xi32>
        %mul3A_473 = arith.constant 8 : i32
        %mul3A_474 = arith.muli %scan3A_380, %mul3A_473 : i32
        %add3A_475 = arith.constant 2 : i32
        %add3A_476 = arith.addi %mul3A_474, %add3A_475 : i32
        %add3A_477 = vector.broadcast %add3A_476 : i32 to vector<16xi32>
        %add3A_478 = arith.addi %broadcast_in_dim3A_472, %add3A_477 : vector<16xi32>
        %add3A_479 = arith.addi %gather3A_260, %add3A_478 : vector<16xi32>
        %gather3A_480 = tpu.vector_load_idx %arg9[%mul3A_3, %add3A_479] : memref<192x128xf32, #tpu.memory_space<vmem>>[vector<16xi32>, vector<16xi32>], vector<16xf32>,
        %mul3A_481 = arith.mulf %gather3A_480, %gather3A_480 : vector<16xf32>
        %add3A_482 = arith.addf %add3A_440, %mul3A_481 : vector<16xf32>
        %add3A_483 = arith.constant 1 : i32
        %add3A_484 = vector.broadcast %add3A_483 : i32 to vector<16xi32>
        %add3A_485 = arith.addi %mul3A_3, %add3A_484 : vector<16xi32>
        %add3A_486 = arith.addi %gather3A_264, %add3A_478 : vector<16xi32>
        %gather3A_487 = tpu.vector_load_idx %arg9[%add3A_485, %add3A_486] : memref<192x128xf32, #tpu.memory_space<vmem>>[vector<16xi32>, vector<16xi32>], vector<16xf32>,
        %mul3A_488 = arith.mulf %gather3A_487, %gather3A_487 : vector<16xf32>
        %add3A_489 = arith.addf %add3A_447, %mul3A_488 : vector<16xf32>
        %sub3A_490 = arith.subf %gather3A_480, %gather3A_487 : vector<16xf32>
        %mul3A_491 = arith.mulf %sub3A_490, %sub3A_490 : vector<16xf32>
        %add3A_492 = arith.addf %add3A_450, %mul3A_491 : vector<16xf32>
        %add3A_493 = arith.constant 2 : i32
        %add3A_494 = vector.broadcast %add3A_493 : i32 to vector<16xi32>
        %add3A_495 = arith.addi %mul3A_3, %add3A_494 : vector<16xi32>
        %add3A_496 = arith.addi %gather3A_268, %add3A_478 : vector<16xi32>
        %gather3A_497 = tpu.vector_load_idx %arg9[%add3A_495, %add3A_496] : memref<192x128xf32, #tpu.memory_space<vmem>>[vector<16xi32>, vector<16xi32>], vector<16xf32>,
        %mul3A_498 = arith.mulf %gather3A_497, %gather3A_497 : vector<16xf32>
        %add3A_499 = arith.addf %add3A_457, %mul3A_498 : vector<16xf32>
        %sub3A_500 = arith.subf %gather3A_480, %gather3A_497 : vector<16xf32>
        %mul3A_501 = arith.mulf %sub3A_500, %sub3A_500 : vector<16xf32>
        %add3A_502 = arith.addf %add3A_460, %mul3A_501 : vector<16xf32>
        %add3A_503 = arith.constant 3 : i32
        %add3A_504 = vector.broadcast %add3A_503 : i32 to vector<16xi32>
        %add3A_505 = arith.addi %mul3A_3, %add3A_504 : vector<16xi32>
        %add3A_506 = arith.addi %gather3A_272, %add3A_478 : vector<16xi32>
        %gather3A_507 = tpu.vector_load_idx %arg9[%add3A_505, %add3A_506] : memref<192x128xf32, #tpu.memory_space<vmem>>[vector<16xi32>, vector<16xi32>], vector<16xf32>,
        %mul3A_508 = arith.mulf %gather3A_507, %gather3A_507 : vector<16xf32>
        %add3A_509 = arith.addf %add3A_467, %mul3A_508 : vector<16xf32>
        %sub3A_510 = arith.subf %gather3A_480, %gather3A_507 : vector<16xf32>
        %mul3A_511 = arith.mulf %sub3A_510, %sub3A_510 : vector<16xf32>
        %add3A_512 = arith.addf %add3A_470, %mul3A_511 : vector<16xf32>
        %broadcast_in_dim3A_513 = arith.constant 0 : i32
        %broadcast_in_dim3A_514 = vector.broadcast %broadcast_in_dim3A_513 : i32 to vector<16xi32>
        %mul3A_515 = arith.constant 8 : i32
        %mul3A_516 = arith.muli %scan3A_380, %mul3A_515 : i32
        %add3A_517 = arith.constant 3 : i32
        %add3A_518 = arith.addi %mul3A_516, %add3A_517 : i32
        %add3A_519 = vector.broadcast %add3A_518 : i32 to vector<16xi32>
        %add3A_520 = arith.addi %broadcast_in_dim3A_514, %add3A_519 : vector<16xi32>
        %add3A_521 = arith.addi %gather3A_260, %add3A_520 : vector<16xi32>
        %gather3A_522 = tpu.vector_load_idx %arg9[%mul3A_3, %add3A_521] : memref<192x128xf32, #tpu.memory_space<vmem>>[vector<16xi32>, vector<16xi32>], vector<16xf32>,
        %mul3A_523 = arith.mulf %gather3A_522, %gather3A_522 : vector<16xf32>
        %add3A_524 = arith.addf %add3A_482, %mul3A_523 : vector<16xf32>
        %add3A_525 = arith.constant 1 : i32
        %add3A_526 = vector.broadcast %add3A_525 : i32 to vector<16xi32>
        %add3A_527 = arith.addi %mul3A_3, %add3A_526 : vector<16xi32>
        %add3A_528 = arith.addi %gather3A_264, %add3A_520 : vector<16xi32>
        %gather3A_529 = tpu.vector_load_idx %arg9[%add3A_527, %add3A_528] : memref<192x128xf32, #tpu.memory_space<vmem>>[vector<16xi32>, vector<16xi32>], vector<16xf32>,
        %mul3A_530 = arith.mulf %gather3A_529, %gather3A_529 : vector<16xf32>
        %add3A_531 = arith.addf %add3A_489, %mul3A_530 : vector<16xf32>
        %sub3A_532 = arith.subf %gather3A_522, %gather3A_529 : vector<16xf32>
        %mul3A_533 = arith.mulf %sub3A_532, %sub3A_532 : vector<16xf32>
        %add3A_534 = arith.addf %add3A_492, %mul3A_533 : vector<16xf32>
        %add3A_535 = arith.constant 2 : i32
        %add3A_536 = vector.broadcast %add3A_535 : i32 to vector<16xi32>
        %add3A_537 = arith.addi %mul3A_3, %add3A_536 : vector<16xi32>
        %add3A_538 = arith.addi %gather3A_268, %add3A_520 : vector<16xi32>
        %gather3A_539 = tpu.vector_load_idx %arg9[%add3A_537, %add3A_538] : memref<192x128xf32, #tpu.memory_space<vmem>>[vector<16xi32>, vector<16xi32>], vector<16xf32>,
        %mul3A_540 = arith.mulf %gather3A_539, %gather3A_539 : vector<16xf32>
        %add3A_541 = arith.addf %add3A_499, %mul3A_540 : vector<16xf32>
        %sub3A_542 = arith.subf %gather3A_522, %gather3A_539 : vector<16xf32>
        %mul3A_543 = arith.mulf %sub3A_542, %sub3A_542 : vector<16xf32>
        %add3A_544 = arith.addf %add3A_502, %mul3A_543 : vector<16xf32>
        %add3A_545 = arith.constant 3 : i32
        %add3A_546 = vector.broadcast %add3A_545 : i32 to vector<16xi32>
        %add3A_547 = arith.addi %mul3A_3, %add3A_546 : vector<16xi32>
        %add3A_548 = arith.addi %gather3A_272, %add3A_520 : vector<16xi32>
        %gather3A_549 = tpu.vector_load_idx %arg9[%add3A_547, %add3A_548] : memref<192x128xf32, #tpu.memory_space<vmem>>[vector<16xi32>, vector<16xi32>], vector<16xf32>,
        %mul3A_550 = arith.mulf %gather3A_549, %gather3A_549 : vector<16xf32>
        %add3A_551 = arith.addf %add3A_509, %mul3A_550 : vector<16xf32>
        %sub3A_552 = arith.subf %gather3A_522, %gather3A_549 : vector<16xf32>
        %mul3A_553 = arith.mulf %sub3A_552, %sub3A_552 : vector<16xf32>
        %add3A_554 = arith.addf %add3A_512, %mul3A_553 : vector<16xf32>
        %broadcast_in_dim3A_555 = arith.constant 0 : i32
        %broadcast_in_dim3A_556 = vector.broadcast %broadcast_in_dim3A_555 : i32 to vector<16xi32>
        %mul3A_557 = arith.constant 8 : i32
        %mul3A_558 = arith.muli %scan3A_380, %mul3A_557 : i32
        %add3A_559 = arith.constant 4 : i32
        %add3A_560 = arith.addi %mul3A_558, %add3A_559 : i32
        %add3A_561 = vector.broadcast %add3A_560 : i32 to vector<16xi32>
        %add3A_562 = arith.addi %broadcast_in_dim3A_556, %add3A_561 : vector<16xi32>
        %add3A_563 = arith.addi %gather3A_260, %add3A_562 : vector<16xi32>
        %gather3A_564 = tpu.vector_load_idx %arg9[%mul3A_3, %add3A_563] : memref<192x128xf32, #tpu.memory_space<vmem>>[vector<16xi32>, vector<16xi32>], vector<16xf32>,
        %mul3A_565 = arith.mulf %gather3A_564, %gather3A_564 : vector<16xf32>
        %add3A_566 = arith.addf %add3A_524, %mul3A_565 : vector<16xf32>
        %add3A_567 = arith.constant 1 : i32
        %add3A_568 = vector.broadcast %add3A_567 : i32 to vector<16xi32>
        %add3A_569 = arith.addi %mul3A_3, %add3A_568 : vector<16xi32>
        %add3A_570 = arith.addi %gather3A_264, %add3A_562 : vector<16xi32>
        %gather3A_571 = tpu.vector_load_idx %arg9[%add3A_569, %add3A_570] : memref<192x128xf32, #tpu.memory_space<vmem>>[vector<16xi32>, vector<16xi32>], vector<16xf32>,
        %mul3A_572 = arith.mulf %gather3A_571, %gather3A_571 : vector<16xf32>
        %add3A_573 = arith.addf %add3A_531, %mul3A_572 : vector<16xf32>
        %sub3A_574 = arith.subf %gather3A_564, %gather3A_571 : vector<16xf32>
        %mul3A_575 = arith.mulf %sub3A_574, %sub3A_574 : vector<16xf32>
        %add3A_576 = arith.addf %add3A_534, %mul3A_575 : vector<16xf32>
        %add3A_577 = arith.constant 2 : i32
        %add3A_578 = vector.broadcast %add3A_577 : i32 to vector<16xi32>
        %add3A_579 = arith.addi %mul3A_3, %add3A_578 : vector<16xi32>
        %add3A_580 = arith.addi %gather3A_268, %add3A_562 : vector<16xi32>
        %gather3A_581 = tpu.vector_load_idx %arg9[%add3A_579, %add3A_580] : memref<192x128xf32, #tpu.memory_space<vmem>>[vector<16xi32>, vector<16xi32>], vector<16xf32>,
        %mul3A_582 = arith.mulf %gather3A_581, %gather3A_581 : vector<16xf32>
        %add3A_583 = arith.addf %add3A_541, %mul3A_582 : vector<16xf32>
        %sub3A_584 = arith.subf %gather3A_564, %gather3A_581 : vector<16xf32>
        %mul3A_585 = arith.mulf %sub3A_584, %sub3A_584 : vector<16xf32>
        %add3A_586 = arith.addf %add3A_544, %mul3A_585 : vector<16xf32>
        %add3A_587 = arith.constant 3 : i32
        %add3A_588 = vector.broadcast %add3A_587 : i32 to vector<16xi32>
        %add3A_589 = arith.addi %mul3A_3, %add3A_588 : vector<16xi32>
        %add3A_590 = arith.addi %gather3A_272, %add3A_562 : vector<16xi32>
        %gather3A_591 = tpu.vector_load_idx %arg9[%add3A_589, %add3A_590] : memref<192x128xf32, #tpu.memory_space<vmem>>[vector<16xi32>, vector<16xi32>], vector<16xf32>,
        %mul3A_592 = arith.mulf %gather3A_591, %gather3A_591 : vector<16xf32>
        %add3A_593 = arith.addf %add3A_551, %mul3A_592 : vector<16xf32>
        %sub3A_594 = arith.subf %gather3A_564, %gather3A_591 : vector<16xf32>
        %mul3A_595 = arith.mulf %sub3A_594, %sub3A_594 : vector<16xf32>
        %add3A_596 = arith.addf %add3A_554, %mul3A_595 : vector<16xf32>
        %broadcast_in_dim3A_597 = arith.constant 0 : i32
        %broadcast_in_dim3A_598 = vector.broadcast %broadcast_in_dim3A_597 : i32 to vector<16xi32>
        %mul3A_599 = arith.constant 8 : i32
        %mul3A_600 = arith.muli %scan3A_380, %mul3A_599 : i32
        %add3A_601 = arith.constant 5 : i32
        %add3A_602 = arith.addi %mul3A_600, %add3A_601 : i32
        %add3A_603 = vector.broadcast %add3A_602 : i32 to vector<16xi32>
        %add3A_604 = arith.addi %broadcast_in_dim3A_598, %add3A_603 : vector<16xi32>
        %add3A_605 = arith.addi %gather3A_260, %add3A_604 : vector<16xi32>
        %gather3A_606 = tpu.vector_load_idx %arg9[%mul3A_3, %add3A_605] : memref<192x128xf32, #tpu.memory_space<vmem>>[vector<16xi32>, vector<16xi32>], vector<16xf32>,
        %mul3A_607 = arith.mulf %gather3A_606, %gather3A_606 : vector<16xf32>
        %add3A_608 = arith.addf %add3A_566, %mul3A_607 : vector<16xf32>
        %add3A_609 = arith.constant 1 : i32
        %add3A_610 = vector.broadcast %add3A_609 : i32 to vector<16xi32>
        %add3A_611 = arith.addi %mul3A_3, %add3A_610 : vector<16xi32>
        %add3A_612 = arith.addi %gather3A_264, %add3A_604 : vector<16xi32>
        %gather3A_613 = tpu.vector_load_idx %arg9[%add3A_611, %add3A_612] : memref<192x128xf32, #tpu.memory_space<vmem>>[vector<16xi32>, vector<16xi32>], vector<16xf32>,
        %mul3A_614 = arith.mulf %gather3A_613, %gather3A_613 : vector<16xf32>
        %add3A_615 = arith.addf %add3A_573, %mul3A_614 : vector<16xf32>
        %sub3A_616 = arith.subf %gather3A_606, %gather3A_613 : vector<16xf32>
        %mul3A_617 = arith.mulf %sub3A_616, %sub3A_616 : vector<16xf32>
        %add3A_618 = arith.addf %add3A_576, %mul3A_617 : vector<16xf32>
        %add3A_619 = arith.constant 2 : i32
        %add3A_620 = vector.broadcast %add3A_619 : i32 to vector<16xi32>
        %add3A_621 = arith.addi %mul3A_3, %add3A_620 : vector<16xi32>
        %add3A_622 = arith.addi %gather3A_268, %add3A_604 : vector<16xi32>
        %gather3A_623 = tpu.vector_load_idx %arg9[%add3A_621, %add3A_622] : memref<192x128xf32, #tpu.memory_space<vmem>>[vector<16xi32>, vector<16xi32>], vector<16xf32>,
        %mul3A_624 = arith.mulf %gather3A_623, %gather3A_623 : vector<16xf32>
        %add3A_625 = arith.addf %add3A_583, %mul3A_624 : vector<16xf32>
        %sub3A_626 = arith.subf %gather3A_606, %gather3A_623 : vector<16xf32>
        %mul3A_627 = arith.mulf %sub3A_626, %sub3A_626 : vector<16xf32>
        %add3A_628 = arith.addf %add3A_586, %mul3A_627 : vector<16xf32>
        %add3A_629 = arith.constant 3 : i32
        %add3A_630 = vector.broadcast %add3A_629 : i32 to vector<16xi32>
        %add3A_631 = arith.addi %mul3A_3, %add3A_630 : vector<16xi32>
        %add3A_632 = arith.addi %gather3A_272, %add3A_604 : vector<16xi32>
        %gather3A_633 = tpu.vector_load_idx %arg9[%add3A_631, %add3A_632] : memref<192x128xf32, #tpu.memory_space<vmem>>[vector<16xi32>, vector<16xi32>], vector<16xf32>,
        %mul3A_634 = arith.mulf %gather3A_633, %gather3A_633 : vector<16xf32>
        %add3A_635 = arith.addf %add3A_593, %mul3A_634 : vector<16xf32>
        %sub3A_636 = arith.subf %gather3A_606, %gather3A_633 : vector<16xf32>
        %mul3A_637 = arith.mulf %sub3A_636, %sub3A_636 : vector<16xf32>
        %add3A_638 = arith.addf %add3A_596, %mul3A_637 : vector<16xf32>
        %broadcast_in_dim3A_639 = arith.constant 0 : i32
        %broadcast_in_dim3A_640 = vector.broadcast %broadcast_in_dim3A_639 : i32 to vector<16xi32>
        %mul3A_641 = arith.constant 8 : i32
        %mul3A_642 = arith.muli %scan3A_380, %mul3A_641 : i32
        %add3A_643 = arith.constant 6 : i32
        %add3A_644 = arith.addi %mul3A_642, %add3A_643 : i32
        %add3A_645 = vector.broadcast %add3A_644 : i32 to vector<16xi32>
        %add3A_646 = arith.addi %broadcast_in_dim3A_640, %add3A_645 : vector<16xi32>
        %add3A_647 = arith.addi %gather3A_260, %add3A_646 : vector<16xi32>
        %gather3A_648 = tpu.vector_load_idx %arg9[%mul3A_3, %add3A_647] : memref<192x128xf32, #tpu.memory_space<vmem>>[vector<16xi32>, vector<16xi32>], vector<16xf32>,
        %mul3A_649 = arith.mulf %gather3A_648, %gather3A_648 : vector<16xf32>
        %add3A_650 = arith.addf %add3A_608, %mul3A_649 : vector<16xf32>
        %add3A_651 = arith.constant 1 : i32
        %add3A_652 = vector.broadcast %add3A_651 : i32 to vector<16xi32>
        %add3A_653 = arith.addi %mul3A_3, %add3A_652 : vector<16xi32>
        %add3A_654 = arith.addi %gather3A_264, %add3A_646 : vector<16xi32>
        %gather3A_655 = tpu.vector_load_idx %arg9[%add3A_653, %add3A_654] : memref<192x128xf32, #tpu.memory_space<vmem>>[vector<16xi32>, vector<16xi32>], vector<16xf32>,
        %mul3A_656 = arith.mulf %gather3A_655, %gather3A_655 : vector<16xf32>
        %add3A_657 = arith.addf %add3A_615, %mul3A_656 : vector<16xf32>
        %sub3A_658 = arith.subf %gather3A_648, %gather3A_655 : vector<16xf32>
        %mul3A_659 = arith.mulf %sub3A_658, %sub3A_658 : vector<16xf32>
        %add3A_660 = arith.addf %add3A_618, %mul3A_659 : vector<16xf32>
        %add3A_661 = arith.constant 2 : i32
        %add3A_662 = vector.broadcast %add3A_661 : i32 to vector<16xi32>
        %add3A_663 = arith.addi %mul3A_3, %add3A_662 : vector<16xi32>
        %add3A_664 = arith.addi %gather3A_268, %add3A_646 : vector<16xi32>
        %gather3A_665 = tpu.vector_load_idx %arg9[%add3A_663, %add3A_664] : memref<192x128xf32, #tpu.memory_space<vmem>>[vector<16xi32>, vector<16xi32>], vector<16xf32>,
        %mul3A_666 = arith.mulf %gather3A_665, %gather3A_665 : vector<16xf32>
        %add3A_667 = arith.addf %add3A_625, %mul3A_666 : vector<16xf32>
        %sub3A_668 = arith.subf %gather3A_648, %gather3A_665 : vector<16xf32>
        %mul3A_669 = arith.mulf %sub3A_668, %sub3A_668 : vector<16xf32>
        %add3A_670 = arith.addf %add3A_628, %mul3A_669 : vector<16xf32>
        %add3A_671 = arith.constant 3 : i32
        %add3A_672 = vector.broadcast %add3A_671 : i32 to vector<16xi32>
        %add3A_673 = arith.addi %mul3A_3, %add3A_672 : vector<16xi32>
        %add3A_674 = arith.addi %gather3A_272, %add3A_646 : vector<16xi32>
        %gather3A_675 = tpu.vector_load_idx %arg9[%add3A_673, %add3A_674] : memref<192x128xf32, #tpu.memory_space<vmem>>[vector<16xi32>, vector<16xi32>], vector<16xf32>,
        %mul3A_676 = arith.mulf %gather3A_675, %gather3A_675 : vector<16xf32>
        %add3A_677 = arith.addf %add3A_635, %mul3A_676 : vector<16xf32>
        %sub3A_678 = arith.subf %gather3A_648, %gather3A_675 : vector<16xf32>
        %mul3A_679 = arith.mulf %sub3A_678, %sub3A_678 : vector<16xf32>
        %add3A_680 = arith.addf %add3A_638, %mul3A_679 : vector<16xf32>
        %broadcast_in_dim3A_681 = arith.constant 0 : i32
        %broadcast_in_dim3A_682 = vector.broadcast %broadcast_in_dim3A_681 : i32 to vector<16xi32>
        %mul3A_683 = arith.constant 8 : i32
        %mul3A_684 = arith.muli %scan3A_380, %mul3A_683 : i32
        %add3A_685 = arith.constant 7 : i32
        %add3A_686 = arith.addi %mul3A_684, %add3A_685 : i32
        %add3A_687 = vector.broadcast %add3A_686 : i32 to vector<16xi32>
        %add3A_688 = arith.addi %broadcast_in_dim3A_682, %add3A_687 : vector<16xi32>
        %add3A_689 = arith.addi %gather3A_260, %add3A_688 : vector<16xi32>
        %gather3A_690 = tpu.vector_load_idx %arg9[%mul3A_3, %add3A_689] : memref<192x128xf32, #tpu.memory_space<vmem>>[vector<16xi32>, vector<16xi32>], vector<16xf32>,
        %mul3A_691 = arith.mulf %gather3A_690, %gather3A_690 : vector<16xf32>
        %add3A_692 = arith.addf %add3A_650, %mul3A_691 : vector<16xf32>
        %add3A_693 = arith.constant 1 : i32
        %add3A_694 = vector.broadcast %add3A_693 : i32 to vector<16xi32>
        %add3A_695 = arith.addi %mul3A_3, %add3A_694 : vector<16xi32>
        %add3A_696 = arith.addi %gather3A_264, %add3A_688 : vector<16xi32>
        %gather3A_697 = tpu.vector_load_idx %arg9[%add3A_695, %add3A_696] : memref<192x128xf32, #tpu.memory_space<vmem>>[vector<16xi32>, vector<16xi32>], vector<16xf32>,
        %mul3A_698 = arith.mulf %gather3A_697, %gather3A_697 : vector<16xf32>
        %add3A_699 = arith.addf %add3A_657, %mul3A_698 : vector<16xf32>
        %sub3A_700 = arith.subf %gather3A_690, %gather3A_697 : vector<16xf32>
        %mul3A_701 = arith.mulf %sub3A_700, %sub3A_700 : vector<16xf32>
        %add3A_702 = arith.addf %add3A_660, %mul3A_701 : vector<16xf32>
        %add3A_703 = arith.constant 2 : i32
        %add3A_704 = vector.broadcast %add3A_703 : i32 to vector<16xi32>
        %add3A_705 = arith.addi %mul3A_3, %add3A_704 : vector<16xi32>
        %add3A_706 = arith.addi %gather3A_268, %add3A_688 : vector<16xi32>
        %gather3A_707 = tpu.vector_load_idx %arg9[%add3A_705, %add3A_706] : memref<192x128xf32, #tpu.memory_space<vmem>>[vector<16xi32>, vector<16xi32>], vector<16xf32>,
        %mul3A_708 = arith.mulf %gather3A_707, %gather3A_707 : vector<16xf32>
        %add3A_709 = arith.addf %add3A_667, %mul3A_708 : vector<16xf32>
        %sub3A_710 = arith.subf %gather3A_690, %gather3A_707 : vector<16xf32>
        %mul3A_711 = arith.mulf %sub3A_710, %sub3A_710 : vector<16xf32>
        %add3A_712 = arith.addf %add3A_670, %mul3A_711 : vector<16xf32>
        %add3A_713 = arith.constant 3 : i32
        %add3A_714 = vector.broadcast %add3A_713 : i32 to vector<16xi32>
        %add3A_715 = arith.addi %mul3A_3, %add3A_714 : vector<16xi32>
        %add3A_716 = arith.addi %gather3A_272, %add3A_688 : vector<16xi32>
        %gather3A_717 = tpu.vector_load_idx %arg9[%add3A_715, %add3A_716] : memref<192x128xf32, #tpu.memory_space<vmem>>[vector<16xi32>, vector<16xi32>], vector<16xf32>,
        %mul3A_718 = arith.mulf %gather3A_717, %gather3A_717 : vector<16xf32>
        %add3A_719 = arith.addf %add3A_677, %mul3A_718 : vector<16xf32>
        %sub3A_720 = arith.subf %gather3A_690, %gather3A_717 : vector<16xf32>
        %mul3A_721 = arith.mulf %sub3A_720, %sub3A_720 : vector<16xf32>
        %add3A_722 = arith.addf %add3A_680, %mul3A_721 : vector<16xf32>
        scf.yield %add3A_692, %add3A_699, %add3A_709, %add3A_719, %add3A_702, %add3A_712, %add3A_722 : vector<16xf32>, vector<16xf32>, vector<16xf32>, vector<16xf32>, vector<16xf32>, vector<16xf32>, vector<16xf32>
      }
      %scan3A_278 = arith.constant 4 : i32
      %broadcast_in_dim3A_279 = arith.constant 0 : i32
      %broadcast_in_dim3A_280 = vector.broadcast %broadcast_in_dim3A_279 : i32 to vector<16xi32>
      tpu.vector_store_idx %arg10[%add3A_259, %broadcast_in_dim3A_280], %scan3A_277#0 : memref<256x128xf32, #tpu.memory_space<vmem>>[vector<16xi32>, vector<16xi32>], vector<16xf32>,
      %broadcast_in_dim3A_281 = arith.constant 1 : i32
      %broadcast_in_dim3A_282 = vector.broadcast %broadcast_in_dim3A_281 : i32 to vector<16xi32>
      tpu.vector_store_idx %arg10[%add3A_259, %broadcast_in_dim3A_282], %scan3A_277#1 : memref<256x128xf32, #tpu.memory_space<vmem>>[vector<16xi32>, vector<16xi32>], vector<16xf32>,
      %broadcast_in_dim3A_283 = arith.constant 12 : i32
      %broadcast_in_dim3A_284 = vector.broadcast %broadcast_in_dim3A_283 : i32 to vector<16xi32>
      tpu.vector_store_idx %arg10[%add3A_259, %broadcast_in_dim3A_284], %scan3A_277#4 : memref<256x128xf32, #tpu.memory_space<vmem>>[vector<16xi32>, vector<16xi32>], vector<16xf32>,
      %broadcast_in_dim3A_285 = arith.constant 2 : i32
      %broadcast_in_dim3A_286 = vector.broadcast %broadcast_in_dim3A_285 : i32 to vector<16xi32>
      tpu.vector_store_idx %arg10[%add3A_259, %broadcast_in_dim3A_286], %scan3A_277#2 : memref<256x128xf32, #tpu.memory_space<vmem>>[vector<16xi32>, vector<16xi32>], vector<16xf32>,
      %broadcast_in_dim3A_287 = arith.constant 13 : i32
      %broadcast_in_dim3A_288 = vector.broadcast %broadcast_in_dim3A_287 : i32 to vector<16xi32>
      tpu.vector_store_idx %arg10[%add3A_259, %broadcast_in_dim3A_288], %scan3A_277#5 : memref<256x128xf32, #tpu.memory_space<vmem>>[vector<16xi32>, vector<16xi32>], vector<16xf32>,
      %broadcast_in_dim3A_289 = arith.constant 3 : i32
      %broadcast_in_dim3A_290 = vector.broadcast %broadcast_in_dim3A_289 : i32 to vector<16xi32>
      tpu.vector_store_idx %arg10[%add3A_259, %broadcast_in_dim3A_290], %scan3A_277#3 : memref<256x128xf32, #tpu.memory_space<vmem>>[vector<16xi32>, vector<16xi32>], vector<16xf32>,
      %broadcast_in_dim3A_291 = arith.constant 14 : i32
      %broadcast_in_dim3A_292 = vector.broadcast %broadcast_in_dim3A_291 : i32 to vector<16xi32>
      tpu.vector_store_idx %arg10[%add3A_259, %broadcast_in_dim3A_292], %scan3A_277#6 : memref<256x128xf32, #tpu.memory_space<vmem>>[vector<16xi32>, vector<16xi32>], vector<16xf32>,
      %add3A_293 = arith.constant 4 : i32
      %add3A_294 = vector.broadcast %add3A_293 : i32 to vector<16xi32>
      %add3A_295 = arith.addi %add3A_251, %add3A_294 : vector<16xi32>
      %gather3A_296 = tpu.vector_load_idx %arg7[%add3A_295] : memref<6144xi32, #tpu.memory_space<vmem>>[vector<16xi32>], vector<16xi32>,
      %add3A_297 = arith.constant 5 : i32
      %add3A_298 = vector.broadcast %add3A_297 : i32 to vector<16xi32>
      %add3A_299 = arith.addi %add3A_251, %add3A_298 : vector<16xi32>
      %gather3A_300 = tpu.vector_load_idx %arg7[%add3A_299] : memref<6144xi32, #tpu.memory_space<vmem>>[vector<16xi32>], vector<16xi32>,
      %add3A_301 = arith.constant 6 : i32
      %add3A_302 = vector.broadcast %add3A_301 : i32 to vector<16xi32>
      %add3A_303 = arith.addi %add3A_251, %add3A_302 : vector<16xi32>
      %gather3A_304 = tpu.vector_load_idx %arg7[%add3A_303] : memref<6144xi32, #tpu.memory_space<vmem>>[vector<16xi32>], vector<16xi32>,
      %scan3A_305 = arith.constant 0 : i32
      %scan3A_306 = arith.constant 4 : i32
      %scan3A_307 = arith.addi %scan3A_305, %scan3A_306 : i32
      %scan3A_308 = arith.constant 1 : i32
      %scan3A_309:6 = scf.for %scan3A_380 = %scan3A_305 to %scan3A_307 step %scan3A_308 iter_args(%scan3A_381 = %broadcast_in_dim3A_253, %scan3A_382 = %broadcast_in_dim3A_253, %scan3A_383 = %broadcast_in_dim3A_253, %scan3A_384 = %broadcast_in_dim3A_253, %scan3A_385 = %broadcast_in_dim3A_253, %scan3A_386 = %broadcast_in_dim3A_253) -> (vector<16xf32>, vector<16xf32>, vector<16xf32>, vector<16xf32>, vector<16xf32>, vector<16xf32>)  : i32 {
        %broadcast_in_dim3A_387 = arith.constant 0 : i32
        %broadcast_in_dim3A_388 = vector.broadcast %broadcast_in_dim3A_387 : i32 to vector<16xi32>
        %mul3A_389 = arith.constant 8 : i32
        %mul3A_390 = arith.muli %scan3A_380, %mul3A_389 : i32
        %add3A_391 = arith.constant 0 : i32
        %add3A_392 = arith.addi %mul3A_390, %add3A_391 : i32
        %add3A_393 = vector.broadcast %add3A_392 : i32 to vector<16xi32>
        %add3A_394 = arith.addi %broadcast_in_dim3A_388, %add3A_393 : vector<16xi32>
        %add3A_395 = arith.addi %gather3A_260, %add3A_394 : vector<16xi32>
        %gather3A_396 = tpu.vector_load_idx %arg9[%mul3A_3, %add3A_395] : memref<192x128xf32, #tpu.memory_space<vmem>>[vector<16xi32>, vector<16xi32>], vector<16xf32>,
        %add3A_397 = arith.constant 4 : i32
        %add3A_398 = vector.broadcast %add3A_397 : i32 to vector<16xi32>
        %add3A_399 = arith.addi %mul3A_3, %add3A_398 : vector<16xi32>
        %add3A_400 = arith.addi %gather3A_296, %add3A_394 : vector<16xi32>
        %gather3A_401 = tpu.vector_load_idx %arg9[%add3A_399, %add3A_400] : memref<192x128xf32, #tpu.memory_space<vmem>>[vector<16xi32>, vector<16xi32>], vector<16xf32>,
        %mul3A_402 = arith.mulf %gather3A_401, %gather3A_401 : vector<16xf32>
        %add3A_403 = arith.addf %scan3A_381, %mul3A_402 : vector<16xf32>
        %sub3A = arith.subf %gather3A_396, %gather3A_401 : vector<16xf32>
        %mul3A_404 = arith.mulf %sub3A, %sub3A : vector<16xf32>
        %add3A_405 = arith.addf %scan3A_384, %mul3A_404 : vector<16xf32>
        %add3A_406 = arith.constant 5 : i32
        %add3A_407 = vector.broadcast %add3A_406 : i32 to vector<16xi32>
        %add3A_408 = arith.addi %mul3A_3, %add3A_407 : vector<16xi32>
        %add3A_409 = arith.addi %gather3A_300, %add3A_394 : vector<16xi32>
        %gather3A_410 = tpu.vector_load_idx %arg9[%add3A_408, %add3A_409] : memref<192x128xf32, #tpu.memory_space<vmem>>[vector<16xi32>, vector<16xi32>], vector<16xf32>,
        %mul3A_411 = arith.mulf %gather3A_410, %gather3A_410 : vector<16xf32>
        %add3A_412 = arith.addf %scan3A_382, %mul3A_411 : vector<16xf32>
        %sub3A_413 = arith.subf %gather3A_396, %gather3A_410 : vector<16xf32>
        %mul3A_414 = arith.mulf %sub3A_413, %sub3A_413 : vector<16xf32>
        %add3A_415 = arith.addf %scan3A_385, %mul3A_414 : vector<16xf32>
        %add3A_416 = arith.constant 6 : i32
        %add3A_417 = vector.broadcast %add3A_416 : i32 to vector<16xi32>
        %add3A_418 = arith.addi %mul3A_3, %add3A_417 : vector<16xi32>
        %add3A_419 = arith.addi %gather3A_304, %add3A_394 : vector<16xi32>
        %gather3A_420 = tpu.vector_load_idx %arg9[%add3A_418, %add3A_419] : memref<192x128xf32, #tpu.memory_space<vmem>>[vector<16xi32>, vector<16xi32>], vector<16xf32>,
        %mul3A_421 = arith.mulf %gather3A_420, %gather3A_420 : vector<16xf32>
        %add3A_422 = arith.addf %scan3A_383, %mul3A_421 : vector<16xf32>
        %sub3A_423 = arith.subf %gather3A_396, %gather3A_420 : vector<16xf32>
        %mul3A_424 = arith.mulf %sub3A_423, %sub3A_423 : vector<16xf32>
        %add3A_425 = arith.addf %scan3A_386, %mul3A_424 : vector<16xf32>
        %broadcast_in_dim3A_426 = arith.constant 0 : i32
        %broadcast_in_dim3A_427 = vector.broadcast %broadcast_in_dim3A_426 : i32 to vector<16xi32>
        %mul3A_428 = arith.constant 8 : i32
        %mul3A_429 = arith.muli %scan3A_380, %mul3A_428 : i32
        %add3A_430 = arith.constant 1 : i32
        %add3A_431 = arith.addi %mul3A_429, %add3A_430 : i32
        %add3A_432 = vector.broadcast %add3A_431 : i32 to vector<16xi32>
        %add3A_433 = arith.addi %broadcast_in_dim3A_427, %add3A_432 : vector<16xi32>
        %add3A_434 = arith.addi %gather3A_260, %add3A_433 : vector<16xi32>
        %gather3A_435 = tpu.vector_load_idx %arg9[%mul3A_3, %add3A_434] : memref<192x128xf32, #tpu.memory_space<vmem>>[vector<16xi32>, vector<16xi32>], vector<16xf32>,
        %add3A_436 = arith.constant 4 : i32
        %add3A_437 = vector.broadcast %add3A_436 : i32 to vector<16xi32>
        %add3A_438 = arith.addi %mul3A_3, %add3A_437 : vector<16xi32>
        %add3A_439 = arith.addi %gather3A_296, %add3A_433 : vector<16xi32>
        %gather3A_440 = tpu.vector_load_idx %arg9[%add3A_438, %add3A_439] : memref<192x128xf32, #tpu.memory_space<vmem>>[vector<16xi32>, vector<16xi32>], vector<16xf32>,
        %mul3A_441 = arith.mulf %gather3A_440, %gather3A_440 : vector<16xf32>
        %add3A_442 = arith.addf %add3A_403, %mul3A_441 : vector<16xf32>
        %sub3A_443 = arith.subf %gather3A_435, %gather3A_440 : vector<16xf32>
        %mul3A_444 = arith.mulf %sub3A_443, %sub3A_443 : vector<16xf32>
        %add3A_445 = arith.addf %add3A_405, %mul3A_444 : vector<16xf32>
        %add3A_446 = arith.constant 5 : i32
        %add3A_447 = vector.broadcast %add3A_446 : i32 to vector<16xi32>
        %add3A_448 = arith.addi %mul3A_3, %add3A_447 : vector<16xi32>
        %add3A_449 = arith.addi %gather3A_300, %add3A_433 : vector<16xi32>
        %gather3A_450 = tpu.vector_load_idx %arg9[%add3A_448, %add3A_449] : memref<192x128xf32, #tpu.memory_space<vmem>>[vector<16xi32>, vector<16xi32>], vector<16xf32>,
        %mul3A_451 = arith.mulf %gather3A_450, %gather3A_450 : vector<16xf32>
        %add3A_452 = arith.addf %add3A_412, %mul3A_451 : vector<16xf32>
        %sub3A_453 = arith.subf %gather3A_435, %gather3A_450 : vector<16xf32>
        %mul3A_454 = arith.mulf %sub3A_453, %sub3A_453 : vector<16xf32>
        %add3A_455 = arith.addf %add3A_415, %mul3A_454 : vector<16xf32>
        %add3A_456 = arith.constant 6 : i32
        %add3A_457 = vector.broadcast %add3A_456 : i32 to vector<16xi32>
        %add3A_458 = arith.addi %mul3A_3, %add3A_457 : vector<16xi32>
        %add3A_459 = arith.addi %gather3A_304, %add3A_433 : vector<16xi32>
        %gather3A_460 = tpu.vector_load_idx %arg9[%add3A_458, %add3A_459] : memref<192x128xf32, #tpu.memory_space<vmem>>[vector<16xi32>, vector<16xi32>], vector<16xf32>,
        %mul3A_461 = arith.mulf %gather3A_460, %gather3A_460 : vector<16xf32>
        %add3A_462 = arith.addf %add3A_422, %mul3A_461 : vector<16xf32>
        %sub3A_463 = arith.subf %gather3A_435, %gather3A_460 : vector<16xf32>
        %mul3A_464 = arith.mulf %sub3A_463, %sub3A_463 : vector<16xf32>
        %add3A_465 = arith.addf %add3A_425, %mul3A_464 : vector<16xf32>
        %broadcast_in_dim3A_466 = arith.constant 0 : i32
        %broadcast_in_dim3A_467 = vector.broadcast %broadcast_in_dim3A_466 : i32 to vector<16xi32>
        %mul3A_468 = arith.constant 8 : i32
        %mul3A_469 = arith.muli %scan3A_380, %mul3A_468 : i32
        %add3A_470 = arith.constant 2 : i32
        %add3A_471 = arith.addi %mul3A_469, %add3A_470 : i32
        %add3A_472 = vector.broadcast %add3A_471 : i32 to vector<16xi32>
        %add3A_473 = arith.addi %broadcast_in_dim3A_467, %add3A_472 : vector<16xi32>
        %add3A_474 = arith.addi %gather3A_260, %add3A_473 : vector<16xi32>
        %gather3A_475 = tpu.vector_load_idx %arg9[%mul3A_3, %add3A_474] : memref<192x128xf32, #tpu.memory_space<vmem>>[vector<16xi32>, vector<16xi32>], vector<16xf32>,
        %add3A_476 = arith.constant 4 : i32
        %add3A_477 = vector.broadcast %add3A_476 : i32 to vector<16xi32>
        %add3A_478 = arith.addi %mul3A_3, %add3A_477 : vector<16xi32>
        %add3A_479 = arith.addi %gather3A_296, %add3A_473 : vector<16xi32>
        %gather3A_480 = tpu.vector_load_idx %arg9[%add3A_478, %add3A_479] : memref<192x128xf32, #tpu.memory_space<vmem>>[vector<16xi32>, vector<16xi32>], vector<16xf32>,
        %mul3A_481 = arith.mulf %gather3A_480, %gather3A_480 : vector<16xf32>
        %add3A_482 = arith.addf %add3A_442, %mul3A_481 : vector<16xf32>
        %sub3A_483 = arith.subf %gather3A_475, %gather3A_480 : vector<16xf32>
        %mul3A_484 = arith.mulf %sub3A_483, %sub3A_483 : vector<16xf32>
        %add3A_485 = arith.addf %add3A_445, %mul3A_484 : vector<16xf32>
        %add3A_486 = arith.constant 5 : i32
        %add3A_487 = vector.broadcast %add3A_486 : i32 to vector<16xi32>
        %add3A_488 = arith.addi %mul3A_3, %add3A_487 : vector<16xi32>
        %add3A_489 = arith.addi %gather3A_300, %add3A_473 : vector<16xi32>
        %gather3A_490 = tpu.vector_load_idx %arg9[%add3A_488, %add3A_489] : memref<192x128xf32, #tpu.memory_space<vmem>>[vector<16xi32>, vector<16xi32>], vector<16xf32>,
        %mul3A_491 = arith.mulf %gather3A_490, %gather3A_490 : vector<16xf32>
        %add3A_492 = arith.addf %add3A_452, %mul3A_491 : vector<16xf32>
        %sub3A_493 = arith.subf %gather3A_475, %gather3A_490 : vector<16xf32>
        %mul3A_494 = arith.mulf %sub3A_493, %sub3A_493 : vector<16xf32>
        %add3A_495 = arith.addf %add3A_455, %mul3A_494 : vector<16xf32>
        %add3A_496 = arith.constant 6 : i32
        %add3A_497 = vector.broadcast %add3A_496 : i32 to vector<16xi32>
        %add3A_498 = arith.addi %mul3A_3, %add3A_497 : vector<16xi32>
        %add3A_499 = arith.addi %gather3A_304, %add3A_473 : vector<16xi32>
        %gather3A_500 = tpu.vector_load_idx %arg9[%add3A_498, %add3A_499] : memref<192x128xf32, #tpu.memory_space<vmem>>[vector<16xi32>, vector<16xi32>], vector<16xf32>,
        %mul3A_501 = arith.mulf %gather3A_500, %gather3A_500 : vector<16xf32>
        %add3A_502 = arith.addf %add3A_462, %mul3A_501 : vector<16xf32>
        %sub3A_503 = arith.subf %gather3A_475, %gather3A_500 : vector<16xf32>
        %mul3A_504 = arith.mulf %sub3A_503, %sub3A_503 : vector<16xf32>
        %add3A_505 = arith.addf %add3A_465, %mul3A_504 : vector<16xf32>
        %broadcast_in_dim3A_506 = arith.constant 0 : i32
        %broadcast_in_dim3A_507 = vector.broadcast %broadcast_in_dim3A_506 : i32 to vector<16xi32>
        %mul3A_508 = arith.constant 8 : i32
        %mul3A_509 = arith.muli %scan3A_380, %mul3A_508 : i32
        %add3A_510 = arith.constant 3 : i32
        %add3A_511 = arith.addi %mul3A_509, %add3A_510 : i32
        %add3A_512 = vector.broadcast %add3A_511 : i32 to vector<16xi32>
        %add3A_513 = arith.addi %broadcast_in_dim3A_507, %add3A_512 : vector<16xi32>
        %add3A_514 = arith.addi %gather3A_260, %add3A_513 : vector<16xi32>
        %gather3A_515 = tpu.vector_load_idx %arg9[%mul3A_3, %add3A_514] : memref<192x128xf32, #tpu.memory_space<vmem>>[vector<16xi32>, vector<16xi32>], vector<16xf32>,
        %add3A_516 = arith.constant 4 : i32
        %add3A_517 = vector.broadcast %add3A_516 : i32 to vector<16xi32>
        %add3A_518 = arith.addi %mul3A_3, %add3A_517 : vector<16xi32>
        %add3A_519 = arith.addi %gather3A_296, %add3A_513 : vector<16xi32>
        %gather3A_520 = tpu.vector_load_idx %arg9[%add3A_518, %add3A_519] : memref<192x128xf32, #tpu.memory_space<vmem>>[vector<16xi32>, vector<16xi32>], vector<16xf32>,
        %mul3A_521 = arith.mulf %gather3A_520, %gather3A_520 : vector<16xf32>
        %add3A_522 = arith.addf %add3A_482, %mul3A_521 : vector<16xf32>
        %sub3A_523 = arith.subf %gather3A_515, %gather3A_520 : vector<16xf32>
        %mul3A_524 = arith.mulf %sub3A_523, %sub3A_523 : vector<16xf32>
        %add3A_525 = arith.addf %add3A_485, %mul3A_524 : vector<16xf32>
        %add3A_526 = arith.constant 5 : i32
        %add3A_527 = vector.broadcast %add3A_526 : i32 to vector<16xi32>
        %add3A_528 = arith.addi %mul3A_3, %add3A_527 : vector<16xi32>
        %add3A_529 = arith.addi %gather3A_300, %add3A_513 : vector<16xi32>
        %gather3A_530 = tpu.vector_load_idx %arg9[%add3A_528, %add3A_529] : memref<192x128xf32, #tpu.memory_space<vmem>>[vector<16xi32>, vector<16xi32>], vector<16xf32>,
        %mul3A_531 = arith.mulf %gather3A_530, %gather3A_530 : vector<16xf32>
        %add3A_532 = arith.addf %add3A_492, %mul3A_531 : vector<16xf32>
        %sub3A_533 = arith.subf %gather3A_515, %gather3A_530 : vector<16xf32>
        %mul3A_534 = arith.mulf %sub3A_533, %sub3A_533 : vector<16xf32>
        %add3A_535 = arith.addf %add3A_495, %mul3A_534 : vector<16xf32>
        %add3A_536 = arith.constant 6 : i32
        %add3A_537 = vector.broadcast %add3A_536 : i32 to vector<16xi32>
        %add3A_538 = arith.addi %mul3A_3, %add3A_537 : vector<16xi32>
        %add3A_539 = arith.addi %gather3A_304, %add3A_513 : vector<16xi32>
        %gather3A_540 = tpu.vector_load_idx %arg9[%add3A_538, %add3A_539] : memref<192x128xf32, #tpu.memory_space<vmem>>[vector<16xi32>, vector<16xi32>], vector<16xf32>,
        %mul3A_541 = arith.mulf %gather3A_540, %gather3A_540 : vector<16xf32>
        %add3A_542 = arith.addf %add3A_502, %mul3A_541 : vector<16xf32>
        %sub3A_543 = arith.subf %gather3A_515, %gather3A_540 : vector<16xf32>
        %mul3A_544 = arith.mulf %sub3A_543, %sub3A_543 : vector<16xf32>
        %add3A_545 = arith.addf %add3A_505, %mul3A_544 : vector<16xf32>
        %broadcast_in_dim3A_546 = arith.constant 0 : i32
        %broadcast_in_dim3A_547 = vector.broadcast %broadcast_in_dim3A_546 : i32 to vector<16xi32>
        %mul3A_548 = arith.constant 8 : i32
        %mul3A_549 = arith.muli %scan3A_380, %mul3A_548 : i32
        %add3A_550 = arith.constant 4 : i32
        %add3A_551 = arith.addi %mul3A_549, %add3A_550 : i32
        %add3A_552 = vector.broadcast %add3A_551 : i32 to vector<16xi32>
        %add3A_553 = arith.addi %broadcast_in_dim3A_547, %add3A_552 : vector<16xi32>
        %add3A_554 = arith.addi %gather3A_260, %add3A_553 : vector<16xi32>
        %gather3A_555 = tpu.vector_load_idx %arg9[%mul3A_3, %add3A_554] : memref<192x128xf32, #tpu.memory_space<vmem>>[vector<16xi32>, vector<16xi32>], vector<16xf32>,
        %add3A_556 = arith.constant 4 : i32
        %add3A_557 = vector.broadcast %add3A_556 : i32 to vector<16xi32>
        %add3A_558 = arith.addi %mul3A_3, %add3A_557 : vector<16xi32>
        %add3A_559 = arith.addi %gather3A_296, %add3A_553 : vector<16xi32>
        %gather3A_560 = tpu.vector_load_idx %arg9[%add3A_558, %add3A_559] : memref<192x128xf32, #tpu.memory_space<vmem>>[vector<16xi32>, vector<16xi32>], vector<16xf32>,
        %mul3A_561 = arith.mulf %gather3A_560, %gather3A_560 : vector<16xf32>
        %add3A_562 = arith.addf %add3A_522, %mul3A_561 : vector<16xf32>
        %sub3A_563 = arith.subf %gather3A_555, %gather3A_560 : vector<16xf32>
        %mul3A_564 = arith.mulf %sub3A_563, %sub3A_563 : vector<16xf32>
        %add3A_565 = arith.addf %add3A_525, %mul3A_564 : vector<16xf32>
        %add3A_566 = arith.constant 5 : i32
        %add3A_567 = vector.broadcast %add3A_566 : i32 to vector<16xi32>
        %add3A_568 = arith.addi %mul3A_3, %add3A_567 : vector<16xi32>
        %add3A_569 = arith.addi %gather3A_300, %add3A_553 : vector<16xi32>
        %gather3A_570 = tpu.vector_load_idx %arg9[%add3A_568, %add3A_569] : memref<192x128xf32, #tpu.memory_space<vmem>>[vector<16xi32>, vector<16xi32>], vector<16xf32>,
        %mul3A_571 = arith.mulf %gather3A_570, %gather3A_570 : vector<16xf32>
        %add3A_572 = arith.addf %add3A_532, %mul3A_571 : vector<16xf32>
        %sub3A_573 = arith.subf %gather3A_555, %gather3A_570 : vector<16xf32>
        %mul3A_574 = arith.mulf %sub3A_573, %sub3A_573 : vector<16xf32>
        %add3A_575 = arith.addf %add3A_535, %mul3A_574 : vector<16xf32>
        %add3A_576 = arith.constant 6 : i32
        %add3A_577 = vector.broadcast %add3A_576 : i32 to vector<16xi32>
        %add3A_578 = arith.addi %mul3A_3, %add3A_577 : vector<16xi32>
        %add3A_579 = arith.addi %gather3A_304, %add3A_553 : vector<16xi32>
        %gather3A_580 = tpu.vector_load_idx %arg9[%add3A_578, %add3A_579] : memref<192x128xf32, #tpu.memory_space<vmem>>[vector<16xi32>, vector<16xi32>], vector<16xf32>,
        %mul3A_581 = arith.mulf %gather3A_580, %gather3A_580 : vector<16xf32>
        %add3A_582 = arith.addf %add3A_542, %mul3A_581 : vector<16xf32>
        %sub3A_583 = arith.subf %gather3A_555, %gather3A_580 : vector<16xf32>
        %mul3A_584 = arith.mulf %sub3A_583, %sub3A_583 : vector<16xf32>
        %add3A_585 = arith.addf %add3A_545, %mul3A_584 : vector<16xf32>
        %broadcast_in_dim3A_586 = arith.constant 0 : i32
        %broadcast_in_dim3A_587 = vector.broadcast %broadcast_in_dim3A_586 : i32 to vector<16xi32>
        %mul3A_588 = arith.constant 8 : i32
        %mul3A_589 = arith.muli %scan3A_380, %mul3A_588 : i32
        %add3A_590 = arith.constant 5 : i32
        %add3A_591 = arith.addi %mul3A_589, %add3A_590 : i32
        %add3A_592 = vector.broadcast %add3A_591 : i32 to vector<16xi32>
        %add3A_593 = arith.addi %broadcast_in_dim3A_587, %add3A_592 : vector<16xi32>
        %add3A_594 = arith.addi %gather3A_260, %add3A_593 : vector<16xi32>
        %gather3A_595 = tpu.vector_load_idx %arg9[%mul3A_3, %add3A_594] : memref<192x128xf32, #tpu.memory_space<vmem>>[vector<16xi32>, vector<16xi32>], vector<16xf32>,
        %add3A_596 = arith.constant 4 : i32
        %add3A_597 = vector.broadcast %add3A_596 : i32 to vector<16xi32>
        %add3A_598 = arith.addi %mul3A_3, %add3A_597 : vector<16xi32>
        %add3A_599 = arith.addi %gather3A_296, %add3A_593 : vector<16xi32>
        %gather3A_600 = tpu.vector_load_idx %arg9[%add3A_598, %add3A_599] : memref<192x128xf32, #tpu.memory_space<vmem>>[vector<16xi32>, vector<16xi32>], vector<16xf32>,
        %mul3A_601 = arith.mulf %gather3A_600, %gather3A_600 : vector<16xf32>
        %add3A_602 = arith.addf %add3A_562, %mul3A_601 : vector<16xf32>
        %sub3A_603 = arith.subf %gather3A_595, %gather3A_600 : vector<16xf32>
        %mul3A_604 = arith.mulf %sub3A_603, %sub3A_603 : vector<16xf32>
        %add3A_605 = arith.addf %add3A_565, %mul3A_604 : vector<16xf32>
        %add3A_606 = arith.constant 5 : i32
        %add3A_607 = vector.broadcast %add3A_606 : i32 to vector<16xi32>
        %add3A_608 = arith.addi %mul3A_3, %add3A_607 : vector<16xi32>
        %add3A_609 = arith.addi %gather3A_300, %add3A_593 : vector<16xi32>
        %gather3A_610 = tpu.vector_load_idx %arg9[%add3A_608, %add3A_609] : memref<192x128xf32, #tpu.memory_space<vmem>>[vector<16xi32>, vector<16xi32>], vector<16xf32>,
        %mul3A_611 = arith.mulf %gather3A_610, %gather3A_610 : vector<16xf32>
        %add3A_612 = arith.addf %add3A_572, %mul3A_611 : vector<16xf32>
        %sub3A_613 = arith.subf %gather3A_595, %gather3A_610 : vector<16xf32>
        %mul3A_614 = arith.mulf %sub3A_613, %sub3A_613 : vector<16xf32>
        %add3A_615 = arith.addf %add3A_575, %mul3A_614 : vector<16xf32>
        %add3A_616 = arith.constant 6 : i32
        %add3A_617 = vector.broadcast %add3A_616 : i32 to vector<16xi32>
        %add3A_618 = arith.addi %mul3A_3, %add3A_617 : vector<16xi32>
        %add3A_619 = arith.addi %gather3A_304, %add3A_593 : vector<16xi32>
        %gather3A_620 = tpu.vector_load_idx %arg9[%add3A_618, %add3A_619] : memref<192x128xf32, #tpu.memory_space<vmem>>[vector<16xi32>, vector<16xi32>], vector<16xf32>,
        %mul3A_621 = arith.mulf %gather3A_620, %gather3A_620 : vector<16xf32>
        %add3A_622 = arith.addf %add3A_582, %mul3A_621 : vector<16xf32>
        %sub3A_623 = arith.subf %gather3A_595, %gather3A_620 : vector<16xf32>
        %mul3A_624 = arith.mulf %sub3A_623, %sub3A_623 : vector<16xf32>
        %add3A_625 = arith.addf %add3A_585, %mul3A_624 : vector<16xf32>
        %broadcast_in_dim3A_626 = arith.constant 0 : i32
        %broadcast_in_dim3A_627 = vector.broadcast %broadcast_in_dim3A_626 : i32 to vector<16xi32>
        %mul3A_628 = arith.constant 8 : i32
        %mul3A_629 = arith.muli %scan3A_380, %mul3A_628 : i32
        %add3A_630 = arith.constant 6 : i32
        %add3A_631 = arith.addi %mul3A_629, %add3A_630 : i32
        %add3A_632 = vector.broadcast %add3A_631 : i32 to vector<16xi32>
        %add3A_633 = arith.addi %broadcast_in_dim3A_627, %add3A_632 : vector<16xi32>
        %add3A_634 = arith.addi %gather3A_260, %add3A_633 : vector<16xi32>
        %gather3A_635 = tpu.vector_load_idx %arg9[%mul3A_3, %add3A_634] : memref<192x128xf32, #tpu.memory_space<vmem>>[vector<16xi32>, vector<16xi32>], vector<16xf32>,
        %add3A_636 = arith.constant 4 : i32
        %add3A_637 = vector.broadcast %add3A_636 : i32 to vector<16xi32>
        %add3A_638 = arith.addi %mul3A_3, %add3A_637 : vector<16xi32>
        %add3A_639 = arith.addi %gather3A_296, %add3A_633 : vector<16xi32>
        %gather3A_640 = tpu.vector_load_idx %arg9[%add3A_638, %add3A_639] : memref<192x128xf32, #tpu.memory_space<vmem>>[vector<16xi32>, vector<16xi32>], vector<16xf32>,
        %mul3A_641 = arith.mulf %gather3A_640, %gather3A_640 : vector<16xf32>
        %add3A_642 = arith.addf %add3A_602, %mul3A_641 : vector<16xf32>
        %sub3A_643 = arith.subf %gather3A_635, %gather3A_640 : vector<16xf32>
        %mul3A_644 = arith.mulf %sub3A_643, %sub3A_643 : vector<16xf32>
        %add3A_645 = arith.addf %add3A_605, %mul3A_644 : vector<16xf32>
        %add3A_646 = arith.constant 5 : i32
        %add3A_647 = vector.broadcast %add3A_646 : i32 to vector<16xi32>
        %add3A_648 = arith.addi %mul3A_3, %add3A_647 : vector<16xi32>
        %add3A_649 = arith.addi %gather3A_300, %add3A_633 : vector<16xi32>
        %gather3A_650 = tpu.vector_load_idx %arg9[%add3A_648, %add3A_649] : memref<192x128xf32, #tpu.memory_space<vmem>>[vector<16xi32>, vector<16xi32>], vector<16xf32>,
        %mul3A_651 = arith.mulf %gather3A_650, %gather3A_650 : vector<16xf32>
        %add3A_652 = arith.addf %add3A_612, %mul3A_651 : vector<16xf32>
        %sub3A_653 = arith.subf %gather3A_635, %gather3A_650 : vector<16xf32>
        %mul3A_654 = arith.mulf %sub3A_653, %sub3A_653 : vector<16xf32>
        %add3A_655 = arith.addf %add3A_615, %mul3A_654 : vector<16xf32>
        %add3A_656 = arith.constant 6 : i32
        %add3A_657 = vector.broadcast %add3A_656 : i32 to vector<16xi32>
        %add3A_658 = arith.addi %mul3A_3, %add3A_657 : vector<16xi32>
        %add3A_659 = arith.addi %gather3A_304, %add3A_633 : vector<16xi32>
        %gather3A_660 = tpu.vector_load_idx %arg9[%add3A_658, %add3A_659] : memref<192x128xf32, #tpu.memory_space<vmem>>[vector<16xi32>, vector<16xi32>], vector<16xf32>,
        %mul3A_661 = arith.mulf %gather3A_660, %gather3A_660 : vector<16xf32>
        %add3A_662 = arith.addf %add3A_622, %mul3A_661 : vector<16xf32>
        %sub3A_663 = arith.subf %gather3A_635, %gather3A_660 : vector<16xf32>
        %mul3A_664 = arith.mulf %sub3A_663, %sub3A_663 : vector<16xf32>
        %add3A_665 = arith.addf %add3A_625, %mul3A_664 : vector<16xf32>
        %broadcast_in_dim3A_666 = arith.constant 0 : i32
        %broadcast_in_dim3A_667 = vector.broadcast %broadcast_in_dim3A_666 : i32 to vector<16xi32>
        %mul3A_668 = arith.constant 8 : i32
        %mul3A_669 = arith.muli %scan3A_380, %mul3A_668 : i32
        %add3A_670 = arith.constant 7 : i32
        %add3A_671 = arith.addi %mul3A_669, %add3A_670 : i32
        %add3A_672 = vector.broadcast %add3A_671 : i32 to vector<16xi32>
        %add3A_673 = arith.addi %broadcast_in_dim3A_667, %add3A_672 : vector<16xi32>
        %add3A_674 = arith.addi %gather3A_260, %add3A_673 : vector<16xi32>
        %gather3A_675 = tpu.vector_load_idx %arg9[%mul3A_3, %add3A_674] : memref<192x128xf32, #tpu.memory_space<vmem>>[vector<16xi32>, vector<16xi32>], vector<16xf32>,
        %add3A_676 = arith.constant 4 : i32
        %add3A_677 = vector.broadcast %add3A_676 : i32 to vector<16xi32>
        %add3A_678 = arith.addi %mul3A_3, %add3A_677 : vector<16xi32>
        %add3A_679 = arith.addi %gather3A_296, %add3A_673 : vector<16xi32>
        %gather3A_680 = tpu.vector_load_idx %arg9[%add3A_678, %add3A_679] : memref<192x128xf32, #tpu.memory_space<vmem>>[vector<16xi32>, vector<16xi32>], vector<16xf32>,
        %mul3A_681 = arith.mulf %gather3A_680, %gather3A_680 : vector<16xf32>
        %add3A_682 = arith.addf %add3A_642, %mul3A_681 : vector<16xf32>
        %sub3A_683 = arith.subf %gather3A_675, %gather3A_680 : vector<16xf32>
        %mul3A_684 = arith.mulf %sub3A_683, %sub3A_683 : vector<16xf32>
        %add3A_685 = arith.addf %add3A_645, %mul3A_684 : vector<16xf32>
        %add3A_686 = arith.constant 5 : i32
        %add3A_687 = vector.broadcast %add3A_686 : i32 to vector<16xi32>
        %add3A_688 = arith.addi %mul3A_3, %add3A_687 : vector<16xi32>
        %add3A_689 = arith.addi %gather3A_300, %add3A_673 : vector<16xi32>
        %gather3A_690 = tpu.vector_load_idx %arg9[%add3A_688, %add3A_689] : memref<192x128xf32, #tpu.memory_space<vmem>>[vector<16xi32>, vector<16xi32>], vector<16xf32>,
        %mul3A_691 = arith.mulf %gather3A_690, %gather3A_690 : vector<16xf32>
        %add3A_692 = arith.addf %add3A_652, %mul3A_691 : vector<16xf32>
        %sub3A_693 = arith.subf %gather3A_675, %gather3A_690 : vector<16xf32>
        %mul3A_694 = arith.mulf %sub3A_693, %sub3A_693 : vector<16xf32>
        %add3A_695 = arith.addf %add3A_655, %mul3A_694 : vector<16xf32>
        %add3A_696 = arith.constant 6 : i32
        %add3A_697 = vector.broadcast %add3A_696 : i32 to vector<16xi32>
        %add3A_698 = arith.addi %mul3A_3, %add3A_697 : vector<16xi32>
        %add3A_699 = arith.addi %gather3A_304, %add3A_673 : vector<16xi32>
        %gather3A_700 = tpu.vector_load_idx %arg9[%add3A_698, %add3A_699] : memref<192x128xf32, #tpu.memory_space<vmem>>[vector<16xi32>, vector<16xi32>], vector<16xf32>,
        %mul3A_701 = arith.mulf %gather3A_700, %gather3A_700 : vector<16xf32>
        %add3A_702 = arith.addf %add3A_662, %mul3A_701 : vector<16xf32>
        %sub3A_703 = arith.subf %gather3A_675, %gather3A_700 : vector<16xf32>
        %mul3A_704 = arith.mulf %sub3A_703, %sub3A_703 : vector<16xf32>
        %add3A_705 = arith.addf %add3A_665, %mul3A_704 : vector<16xf32>
        scf.yield %add3A_682, %add3A_692, %add3A_702, %add3A_685, %add3A_695, %add3A_705 : vector<16xf32>, vector<16xf32>, vector<16xf32>, vector<16xf32>, vector<16xf32>, vector<16xf32>
      }
      %scan3A_310 = arith.constant 4 : i32
      %broadcast_in_dim3A_311 = arith.constant 4 : i32
      %broadcast_in_dim3A_312 = vector.broadcast %broadcast_in_dim3A_311 : i32 to vector<16xi32>
      tpu.vector_store_idx %arg10[%add3A_259, %broadcast_in_dim3A_312], %scan3A_309#0 : memref<256x128xf32, #tpu.memory_space<vmem>>[vector<16xi32>, vector<16xi32>], vector<16xf32>,
      %broadcast_in_dim3A_313 = arith.constant 15 : i32
      %broadcast_in_dim3A_314 = vector.broadcast %broadcast_in_dim3A_313 : i32 to vector<16xi32>
      tpu.vector_store_idx %arg10[%add3A_259, %broadcast_in_dim3A_314], %scan3A_309#3 : memref<256x128xf32, #tpu.memory_space<vmem>>[vector<16xi32>, vector<16xi32>], vector<16xf32>,
      %broadcast_in_dim3A_315 = arith.constant 5 : i32
      %broadcast_in_dim3A_316 = vector.broadcast %broadcast_in_dim3A_315 : i32 to vector<16xi32>
      tpu.vector_store_idx %arg10[%add3A_259, %broadcast_in_dim3A_316], %scan3A_309#1 : memref<256x128xf32, #tpu.memory_space<vmem>>[vector<16xi32>, vector<16xi32>], vector<16xf32>,
      %broadcast_in_dim3A_317 = arith.constant 16 : i32
      %broadcast_in_dim3A_318 = vector.broadcast %broadcast_in_dim3A_317 : i32 to vector<16xi32>
      tpu.vector_store_idx %arg10[%add3A_259, %broadcast_in_dim3A_318], %scan3A_309#4 : memref<256x128xf32, #tpu.memory_space<vmem>>[vector<16xi32>, vector<16xi32>], vector<16xf32>,
      %broadcast_in_dim3A_319 = arith.constant 6 : i32
      %broadcast_in_dim3A_320 = vector.broadcast %broadcast_in_dim3A_319 : i32 to vector<16xi32>
      tpu.vector_store_idx %arg10[%add3A_259, %broadcast_in_dim3A_320], %scan3A_309#2 : memref<256x128xf32, #tpu.memory_space<vmem>>[vector<16xi32>, vector<16xi32>], vector<16xf32>,
      %broadcast_in_dim3A_321 = arith.constant 17 : i32
      %broadcast_in_dim3A_322 = vector.broadcast %broadcast_in_dim3A_321 : i32 to vector<16xi32>
      tpu.vector_store_idx %arg10[%add3A_259, %broadcast_in_dim3A_322], %scan3A_309#5 : memref<256x128xf32, #tpu.memory_space<vmem>>[vector<16xi32>, vector<16xi32>], vector<16xf32>,
      %add3A_323 = arith.constant 7 : i32
      %add3A_324 = vector.broadcast %add3A_323 : i32 to vector<16xi32>
      %add3A_325 = arith.addi %add3A_251, %add3A_324 : vector<16xi32>
      %gather3A_326 = tpu.vector_load_idx %arg7[%add3A_325] : memref<6144xi32, #tpu.memory_space<vmem>>[vector<16xi32>], vector<16xi32>,
      %add3A_327 = arith.constant 8 : i32
      %add3A_328 = vector.broadcast %add3A_327 : i32 to vector<16xi32>
      %add3A_329 = arith.addi %add3A_251, %add3A_328 : vector<16xi32>
      %gather3A_330 = tpu.vector_load_idx %arg7[%add3A_329] : memref<6144xi32, #tpu.memory_space<vmem>>[vector<16xi32>], vector<16xi32>,
      %add3A_331 = arith.constant 9 : i32
      %add3A_332 = vector.broadcast %add3A_331 : i32 to vector<16xi32>
      %add3A_333 = arith.addi %add3A_251, %add3A_332 : vector<16xi32>
      %gather3A_334 = tpu.vector_load_idx %arg7[%add3A_333] : memref<6144xi32, #tpu.memory_space<vmem>>[vector<16xi32>], vector<16xi32>,
      %scan3A_335 = arith.constant 0 : i32
      %scan3A_336 = arith.constant 4 : i32
      %scan3A_337 = arith.addi %scan3A_335, %scan3A_336 : i32
      %scan3A_338 = arith.constant 1 : i32
      %scan3A_339:6 = scf.for %scan3A_380 = %scan3A_335 to %scan3A_337 step %scan3A_338 iter_args(%scan3A_381 = %broadcast_in_dim3A_253, %scan3A_382 = %broadcast_in_dim3A_253, %scan3A_383 = %broadcast_in_dim3A_253, %scan3A_384 = %broadcast_in_dim3A_253, %scan3A_385 = %broadcast_in_dim3A_253, %scan3A_386 = %broadcast_in_dim3A_253) -> (vector<16xf32>, vector<16xf32>, vector<16xf32>, vector<16xf32>, vector<16xf32>, vector<16xf32>)  : i32 {
        %broadcast_in_dim3A_387 = arith.constant 0 : i32
        %broadcast_in_dim3A_388 = vector.broadcast %broadcast_in_dim3A_387 : i32 to vector<16xi32>
        %mul3A_389 = arith.constant 8 : i32
        %mul3A_390 = arith.muli %scan3A_380, %mul3A_389 : i32
        %add3A_391 = arith.constant 0 : i32
        %add3A_392 = arith.addi %mul3A_390, %add3A_391 : i32
        %add3A_393 = vector.broadcast %add3A_392 : i32 to vector<16xi32>
        %add3A_394 = arith.addi %broadcast_in_dim3A_388, %add3A_393 : vector<16xi32>
        %add3A_395 = arith.addi %gather3A_260, %add3A_394 : vector<16xi32>
        %gather3A_396 = tpu.vector_load_idx %arg9[%mul3A_3, %add3A_395] : memref<192x128xf32, #tpu.memory_space<vmem>>[vector<16xi32>, vector<16xi32>], vector<16xf32>,
        %add3A_397 = arith.constant 7 : i32
        %add3A_398 = vector.broadcast %add3A_397 : i32 to vector<16xi32>
        %add3A_399 = arith.addi %mul3A_3, %add3A_398 : vector<16xi32>
        %add3A_400 = arith.addi %gather3A_326, %add3A_394 : vector<16xi32>
        %gather3A_401 = tpu.vector_load_idx %arg9[%add3A_399, %add3A_400] : memref<192x128xf32, #tpu.memory_space<vmem>>[vector<16xi32>, vector<16xi32>], vector<16xf32>,
        %mul3A_402 = arith.mulf %gather3A_401, %gather3A_401 : vector<16xf32>
        %add3A_403 = arith.addf %scan3A_381, %mul3A_402 : vector<16xf32>
        %sub3A = arith.subf %gather3A_396, %gather3A_401 : vector<16xf32>
        %mul3A_404 = arith.mulf %sub3A, %sub3A : vector<16xf32>
        %add3A_405 = arith.addf %scan3A_384, %mul3A_404 : vector<16xf32>
        %add3A_406 = arith.constant 8 : i32
        %add3A_407 = vector.broadcast %add3A_406 : i32 to vector<16xi32>
        %add3A_408 = arith.addi %mul3A_3, %add3A_407 : vector<16xi32>
        %add3A_409 = arith.addi %gather3A_330, %add3A_394 : vector<16xi32>
        %gather3A_410 = tpu.vector_load_idx %arg9[%add3A_408, %add3A_409] : memref<192x128xf32, #tpu.memory_space<vmem>>[vector<16xi32>, vector<16xi32>], vector<16xf32>,
        %mul3A_411 = arith.mulf %gather3A_410, %gather3A_410 : vector<16xf32>
        %add3A_412 = arith.addf %scan3A_382, %mul3A_411 : vector<16xf32>
        %sub3A_413 = arith.subf %gather3A_396, %gather3A_410 : vector<16xf32>
        %mul3A_414 = arith.mulf %sub3A_413, %sub3A_413 : vector<16xf32>
        %add3A_415 = arith.addf %scan3A_385, %mul3A_414 : vector<16xf32>
        %add3A_416 = arith.constant 9 : i32
        %add3A_417 = vector.broadcast %add3A_416 : i32 to vector<16xi32>
        %add3A_418 = arith.addi %mul3A_3, %add3A_417 : vector<16xi32>
        %add3A_419 = arith.addi %gather3A_334, %add3A_394 : vector<16xi32>
        %gather3A_420 = tpu.vector_load_idx %arg9[%add3A_418, %add3A_419] : memref<192x128xf32, #tpu.memory_space<vmem>>[vector<16xi32>, vector<16xi32>], vector<16xf32>,
        %mul3A_421 = arith.mulf %gather3A_420, %gather3A_420 : vector<16xf32>
        %add3A_422 = arith.addf %scan3A_383, %mul3A_421 : vector<16xf32>
        %sub3A_423 = arith.subf %gather3A_396, %gather3A_420 : vector<16xf32>
        %mul3A_424 = arith.mulf %sub3A_423, %sub3A_423 : vector<16xf32>
        %add3A_425 = arith.addf %scan3A_386, %mul3A_424 : vector<16xf32>
        %broadcast_in_dim3A_426 = arith.constant 0 : i32
        %broadcast_in_dim3A_427 = vector.broadcast %broadcast_in_dim3A_426 : i32 to vector<16xi32>
        %mul3A_428 = arith.constant 8 : i32
        %mul3A_429 = arith.muli %scan3A_380, %mul3A_428 : i32
        %add3A_430 = arith.constant 1 : i32
        %add3A_431 = arith.addi %mul3A_429, %add3A_430 : i32
        %add3A_432 = vector.broadcast %add3A_431 : i32 to vector<16xi32>
        %add3A_433 = arith.addi %broadcast_in_dim3A_427, %add3A_432 : vector<16xi32>
        %add3A_434 = arith.addi %gather3A_260, %add3A_433 : vector<16xi32>
        %gather3A_435 = tpu.vector_load_idx %arg9[%mul3A_3, %add3A_434] : memref<192x128xf32, #tpu.memory_space<vmem>>[vector<16xi32>, vector<16xi32>], vector<16xf32>,
        %add3A_436 = arith.constant 7 : i32
        %add3A_437 = vector.broadcast %add3A_436 : i32 to vector<16xi32>
        %add3A_438 = arith.addi %mul3A_3, %add3A_437 : vector<16xi32>
        %add3A_439 = arith.addi %gather3A_326, %add3A_433 : vector<16xi32>
        %gather3A_440 = tpu.vector_load_idx %arg9[%add3A_438, %add3A_439] : memref<192x128xf32, #tpu.memory_space<vmem>>[vector<16xi32>, vector<16xi32>], vector<16xf32>,
        %mul3A_441 = arith.mulf %gather3A_440, %gather3A_440 : vector<16xf32>
        %add3A_442 = arith.addf %add3A_403, %mul3A_441 : vector<16xf32>
        %sub3A_443 = arith.subf %gather3A_435, %gather3A_440 : vector<16xf32>
        %mul3A_444 = arith.mulf %sub3A_443, %sub3A_443 : vector<16xf32>
        %add3A_445 = arith.addf %add3A_405, %mul3A_444 : vector<16xf32>
        %add3A_446 = arith.constant 8 : i32
        %add3A_447 = vector.broadcast %add3A_446 : i32 to vector<16xi32>
        %add3A_448 = arith.addi %mul3A_3, %add3A_447 : vector<16xi32>
        %add3A_449 = arith.addi %gather3A_330, %add3A_433 : vector<16xi32>
        %gather3A_450 = tpu.vector_load_idx %arg9[%add3A_448, %add3A_449] : memref<192x128xf32, #tpu.memory_space<vmem>>[vector<16xi32>, vector<16xi32>], vector<16xf32>,
        %mul3A_451 = arith.mulf %gather3A_450, %gather3A_450 : vector<16xf32>
        %add3A_452 = arith.addf %add3A_412, %mul3A_451 : vector<16xf32>
        %sub3A_453 = arith.subf %gather3A_435, %gather3A_450 : vector<16xf32>
        %mul3A_454 = arith.mulf %sub3A_453, %sub3A_453 : vector<16xf32>
        %add3A_455 = arith.addf %add3A_415, %mul3A_454 : vector<16xf32>
        %add3A_456 = arith.constant 9 : i32
        %add3A_457 = vector.broadcast %add3A_456 : i32 to vector<16xi32>
        %add3A_458 = arith.addi %mul3A_3, %add3A_457 : vector<16xi32>
        %add3A_459 = arith.addi %gather3A_334, %add3A_433 : vector<16xi32>
        %gather3A_460 = tpu.vector_load_idx %arg9[%add3A_458, %add3A_459] : memref<192x128xf32, #tpu.memory_space<vmem>>[vector<16xi32>, vector<16xi32>], vector<16xf32>,
        %mul3A_461 = arith.mulf %gather3A_460, %gather3A_460 : vector<16xf32>
        %add3A_462 = arith.addf %add3A_422, %mul3A_461 : vector<16xf32>
        %sub3A_463 = arith.subf %gather3A_435, %gather3A_460 : vector<16xf32>
        %mul3A_464 = arith.mulf %sub3A_463, %sub3A_463 : vector<16xf32>
        %add3A_465 = arith.addf %add3A_425, %mul3A_464 : vector<16xf32>
        %broadcast_in_dim3A_466 = arith.constant 0 : i32
        %broadcast_in_dim3A_467 = vector.broadcast %broadcast_in_dim3A_466 : i32 to vector<16xi32>
        %mul3A_468 = arith.constant 8 : i32
        %mul3A_469 = arith.muli %scan3A_380, %mul3A_468 : i32
        %add3A_470 = arith.constant 2 : i32
        %add3A_471 = arith.addi %mul3A_469, %add3A_470 : i32
        %add3A_472 = vector.broadcast %add3A_471 : i32 to vector<16xi32>
        %add3A_473 = arith.addi %broadcast_in_dim3A_467, %add3A_472 : vector<16xi32>
        %add3A_474 = arith.addi %gather3A_260, %add3A_473 : vector<16xi32>
        %gather3A_475 = tpu.vector_load_idx %arg9[%mul3A_3, %add3A_474] : memref<192x128xf32, #tpu.memory_space<vmem>>[vector<16xi32>, vector<16xi32>], vector<16xf32>,
        %add3A_476 = arith.constant 7 : i32
        %add3A_477 = vector.broadcast %add3A_476 : i32 to vector<16xi32>
        %add3A_478 = arith.addi %mul3A_3, %add3A_477 : vector<16xi32>
        %add3A_479 = arith.addi %gather3A_326, %add3A_473 : vector<16xi32>
        %gather3A_480 = tpu.vector_load_idx %arg9[%add3A_478, %add3A_479] : memref<192x128xf32, #tpu.memory_space<vmem>>[vector<16xi32>, vector<16xi32>], vector<16xf32>,
        %mul3A_481 = arith.mulf %gather3A_480, %gather3A_480 : vector<16xf32>
        %add3A_482 = arith.addf %add3A_442, %mul3A_481 : vector<16xf32>
        %sub3A_483 = arith.subf %gather3A_475, %gather3A_480 : vector<16xf32>
        %mul3A_484 = arith.mulf %sub3A_483, %sub3A_483 : vector<16xf32>
        %add3A_485 = arith.addf %add3A_445, %mul3A_484 : vector<16xf32>
        %add3A_486 = arith.constant 8 : i32
        %add3A_487 = vector.broadcast %add3A_486 : i32 to vector<16xi32>
        %add3A_488 = arith.addi %mul3A_3, %add3A_487 : vector<16xi32>
        %add3A_489 = arith.addi %gather3A_330, %add3A_473 : vector<16xi32>
        %gather3A_490 = tpu.vector_load_idx %arg9[%add3A_488, %add3A_489] : memref<192x128xf32, #tpu.memory_space<vmem>>[vector<16xi32>, vector<16xi32>], vector<16xf32>,
        %mul3A_491 = arith.mulf %gather3A_490, %gather3A_490 : vector<16xf32>
        %add3A_492 = arith.addf %add3A_452, %mul3A_491 : vector<16xf32>
        %sub3A_493 = arith.subf %gather3A_475, %gather3A_490 : vector<16xf32>
        %mul3A_494 = arith.mulf %sub3A_493, %sub3A_493 : vector<16xf32>
        %add3A_495 = arith.addf %add3A_455, %mul3A_494 : vector<16xf32>
        %add3A_496 = arith.constant 9 : i32
        %add3A_497 = vector.broadcast %add3A_496 : i32 to vector<16xi32>
        %add3A_498 = arith.addi %mul3A_3, %add3A_497 : vector<16xi32>
        %add3A_499 = arith.addi %gather3A_334, %add3A_473 : vector<16xi32>
        %gather3A_500 = tpu.vector_load_idx %arg9[%add3A_498, %add3A_499] : memref<192x128xf32, #tpu.memory_space<vmem>>[vector<16xi32>, vector<16xi32>], vector<16xf32>,
        %mul3A_501 = arith.mulf %gather3A_500, %gather3A_500 : vector<16xf32>
        %add3A_502 = arith.addf %add3A_462, %mul3A_501 : vector<16xf32>
        %sub3A_503 = arith.subf %gather3A_475, %gather3A_500 : vector<16xf32>
        %mul3A_504 = arith.mulf %sub3A_503, %sub3A_503 : vector<16xf32>
        %add3A_505 = arith.addf %add3A_465, %mul3A_504 : vector<16xf32>
        %broadcast_in_dim3A_506 = arith.constant 0 : i32
        %broadcast_in_dim3A_507 = vector.broadcast %broadcast_in_dim3A_506 : i32 to vector<16xi32>
        %mul3A_508 = arith.constant 8 : i32
        %mul3A_509 = arith.muli %scan3A_380, %mul3A_508 : i32
        %add3A_510 = arith.constant 3 : i32
        %add3A_511 = arith.addi %mul3A_509, %add3A_510 : i32
        %add3A_512 = vector.broadcast %add3A_511 : i32 to vector<16xi32>
        %add3A_513 = arith.addi %broadcast_in_dim3A_507, %add3A_512 : vector<16xi32>
        %add3A_514 = arith.addi %gather3A_260, %add3A_513 : vector<16xi32>
        %gather3A_515 = tpu.vector_load_idx %arg9[%mul3A_3, %add3A_514] : memref<192x128xf32, #tpu.memory_space<vmem>>[vector<16xi32>, vector<16xi32>], vector<16xf32>,
        %add3A_516 = arith.constant 7 : i32
        %add3A_517 = vector.broadcast %add3A_516 : i32 to vector<16xi32>
        %add3A_518 = arith.addi %mul3A_3, %add3A_517 : vector<16xi32>
        %add3A_519 = arith.addi %gather3A_326, %add3A_513 : vector<16xi32>
        %gather3A_520 = tpu.vector_load_idx %arg9[%add3A_518, %add3A_519] : memref<192x128xf32, #tpu.memory_space<vmem>>[vector<16xi32>, vector<16xi32>], vector<16xf32>,
        %mul3A_521 = arith.mulf %gather3A_520, %gather3A_520 : vector<16xf32>
        %add3A_522 = arith.addf %add3A_482, %mul3A_521 : vector<16xf32>
        %sub3A_523 = arith.subf %gather3A_515, %gather3A_520 : vector<16xf32>
        %mul3A_524 = arith.mulf %sub3A_523, %sub3A_523 : vector<16xf32>
        %add3A_525 = arith.addf %add3A_485, %mul3A_524 : vector<16xf32>
        %add3A_526 = arith.constant 8 : i32
        %add3A_527 = vector.broadcast %add3A_526 : i32 to vector<16xi32>
        %add3A_528 = arith.addi %mul3A_3, %add3A_527 : vector<16xi32>
        %add3A_529 = arith.addi %gather3A_330, %add3A_513 : vector<16xi32>
        %gather3A_530 = tpu.vector_load_idx %arg9[%add3A_528, %add3A_529] : memref<192x128xf32, #tpu.memory_space<vmem>>[vector<16xi32>, vector<16xi32>], vector<16xf32>,
        %mul3A_531 = arith.mulf %gather3A_530, %gather3A_530 : vector<16xf32>
        %add3A_532 = arith.addf %add3A_492, %mul3A_531 : vector<16xf32>
        %sub3A_533 = arith.subf %gather3A_515, %gather3A_530 : vector<16xf32>
        %mul3A_534 = arith.mulf %sub3A_533, %sub3A_533 : vector<16xf32>
        %add3A_535 = arith.addf %add3A_495, %mul3A_534 : vector<16xf32>
        %add3A_536 = arith.constant 9 : i32
        %add3A_537 = vector.broadcast %add3A_536 : i32 to vector<16xi32>
        %add3A_538 = arith.addi %mul3A_3, %add3A_537 : vector<16xi32>
        %add3A_539 = arith.addi %gather3A_334, %add3A_513 : vector<16xi32>
        %gather3A_540 = tpu.vector_load_idx %arg9[%add3A_538, %add3A_539] : memref<192x128xf32, #tpu.memory_space<vmem>>[vector<16xi32>, vector<16xi32>], vector<16xf32>,
        %mul3A_541 = arith.mulf %gather3A_540, %gather3A_540 : vector<16xf32>
        %add3A_542 = arith.addf %add3A_502, %mul3A_541 : vector<16xf32>
        %sub3A_543 = arith.subf %gather3A_515, %gather3A_540 : vector<16xf32>
        %mul3A_544 = arith.mulf %sub3A_543, %sub3A_543 : vector<16xf32>
        %add3A_545 = arith.addf %add3A_505, %mul3A_544 : vector<16xf32>
        %broadcast_in_dim3A_546 = arith.constant 0 : i32
        %broadcast_in_dim3A_547 = vector.broadcast %broadcast_in_dim3A_546 : i32 to vector<16xi32>
        %mul3A_548 = arith.constant 8 : i32
        %mul3A_549 = arith.muli %scan3A_380, %mul3A_548 : i32
        %add3A_550 = arith.constant 4 : i32
        %add3A_551 = arith.addi %mul3A_549, %add3A_550 : i32
        %add3A_552 = vector.broadcast %add3A_551 : i32 to vector<16xi32>
        %add3A_553 = arith.addi %broadcast_in_dim3A_547, %add3A_552 : vector<16xi32>
        %add3A_554 = arith.addi %gather3A_260, %add3A_553 : vector<16xi32>
        %gather3A_555 = tpu.vector_load_idx %arg9[%mul3A_3, %add3A_554] : memref<192x128xf32, #tpu.memory_space<vmem>>[vector<16xi32>, vector<16xi32>], vector<16xf32>,
        %add3A_556 = arith.constant 7 : i32
        %add3A_557 = vector.broadcast %add3A_556 : i32 to vector<16xi32>
        %add3A_558 = arith.addi %mul3A_3, %add3A_557 : vector<16xi32>
        %add3A_559 = arith.addi %gather3A_326, %add3A_553 : vector<16xi32>
        %gather3A_560 = tpu.vector_load_idx %arg9[%add3A_558, %add3A_559] : memref<192x128xf32, #tpu.memory_space<vmem>>[vector<16xi32>, vector<16xi32>], vector<16xf32>,
        %mul3A_561 = arith.mulf %gather3A_560, %gather3A_560 : vector<16xf32>
        %add3A_562 = arith.addf %add3A_522, %mul3A_561 : vector<16xf32>
        %sub3A_563 = arith.subf %gather3A_555, %gather3A_560 : vector<16xf32>
        %mul3A_564 = arith.mulf %sub3A_563, %sub3A_563 : vector<16xf32>
        %add3A_565 = arith.addf %add3A_525, %mul3A_564 : vector<16xf32>
        %add3A_566 = arith.constant 8 : i32
        %add3A_567 = vector.broadcast %add3A_566 : i32 to vector<16xi32>
        %add3A_568 = arith.addi %mul3A_3, %add3A_567 : vector<16xi32>
        %add3A_569 = arith.addi %gather3A_330, %add3A_553 : vector<16xi32>
        %gather3A_570 = tpu.vector_load_idx %arg9[%add3A_568, %add3A_569] : memref<192x128xf32, #tpu.memory_space<vmem>>[vector<16xi32>, vector<16xi32>], vector<16xf32>,
        %mul3A_571 = arith.mulf %gather3A_570, %gather3A_570 : vector<16xf32>
        %add3A_572 = arith.addf %add3A_532, %mul3A_571 : vector<16xf32>
        %sub3A_573 = arith.subf %gather3A_555, %gather3A_570 : vector<16xf32>
        %mul3A_574 = arith.mulf %sub3A_573, %sub3A_573 : vector<16xf32>
        %add3A_575 = arith.addf %add3A_535, %mul3A_574 : vector<16xf32>
        %add3A_576 = arith.constant 9 : i32
        %add3A_577 = vector.broadcast %add3A_576 : i32 to vector<16xi32>
        %add3A_578 = arith.addi %mul3A_3, %add3A_577 : vector<16xi32>
        %add3A_579 = arith.addi %gather3A_334, %add3A_553 : vector<16xi32>
        %gather3A_580 = tpu.vector_load_idx %arg9[%add3A_578, %add3A_579] : memref<192x128xf32, #tpu.memory_space<vmem>>[vector<16xi32>, vector<16xi32>], vector<16xf32>,
        %mul3A_581 = arith.mulf %gather3A_580, %gather3A_580 : vector<16xf32>
        %add3A_582 = arith.addf %add3A_542, %mul3A_581 : vector<16xf32>
        %sub3A_583 = arith.subf %gather3A_555, %gather3A_580 : vector<16xf32>
        %mul3A_584 = arith.mulf %sub3A_583, %sub3A_583 : vector<16xf32>
        %add3A_585 = arith.addf %add3A_545, %mul3A_584 : vector<16xf32>
        %broadcast_in_dim3A_586 = arith.constant 0 : i32
        %broadcast_in_dim3A_587 = vector.broadcast %broadcast_in_dim3A_586 : i32 to vector<16xi32>
        %mul3A_588 = arith.constant 8 : i32
        %mul3A_589 = arith.muli %scan3A_380, %mul3A_588 : i32
        %add3A_590 = arith.constant 5 : i32
        %add3A_591 = arith.addi %mul3A_589, %add3A_590 : i32
        %add3A_592 = vector.broadcast %add3A_591 : i32 to vector<16xi32>
        %add3A_593 = arith.addi %broadcast_in_dim3A_587, %add3A_592 : vector<16xi32>
        %add3A_594 = arith.addi %gather3A_260, %add3A_593 : vector<16xi32>
        %gather3A_595 = tpu.vector_load_idx %arg9[%mul3A_3, %add3A_594] : memref<192x128xf32, #tpu.memory_space<vmem>>[vector<16xi32>, vector<16xi32>], vector<16xf32>,
        %add3A_596 = arith.constant 7 : i32
        %add3A_597 = vector.broadcast %add3A_596 : i32 to vector<16xi32>
        %add3A_598 = arith.addi %mul3A_3, %add3A_597 : vector<16xi32>
        %add3A_599 = arith.addi %gather3A_326, %add3A_593 : vector<16xi32>
        %gather3A_600 = tpu.vector_load_idx %arg9[%add3A_598, %add3A_599] : memref<192x128xf32, #tpu.memory_space<vmem>>[vector<16xi32>, vector<16xi32>], vector<16xf32>,
        %mul3A_601 = arith.mulf %gather3A_600, %gather3A_600 : vector<16xf32>
        %add3A_602 = arith.addf %add3A_562, %mul3A_601 : vector<16xf32>
        %sub3A_603 = arith.subf %gather3A_595, %gather3A_600 : vector<16xf32>
        %mul3A_604 = arith.mulf %sub3A_603, %sub3A_603 : vector<16xf32>
        %add3A_605 = arith.addf %add3A_565, %mul3A_604 : vector<16xf32>
        %add3A_606 = arith.constant 8 : i32
        %add3A_607 = vector.broadcast %add3A_606 : i32 to vector<16xi32>
        %add3A_608 = arith.addi %mul3A_3, %add3A_607 : vector<16xi32>
        %add3A_609 = arith.addi %gather3A_330, %add3A_593 : vector<16xi32>
        %gather3A_610 = tpu.vector_load_idx %arg9[%add3A_608, %add3A_609] : memref<192x128xf32, #tpu.memory_space<vmem>>[vector<16xi32>, vector<16xi32>], vector<16xf32>,
        %mul3A_611 = arith.mulf %gather3A_610, %gather3A_610 : vector<16xf32>
        %add3A_612 = arith.addf %add3A_572, %mul3A_611 : vector<16xf32>
        %sub3A_613 = arith.subf %gather3A_595, %gather3A_610 : vector<16xf32>
        %mul3A_614 = arith.mulf %sub3A_613, %sub3A_613 : vector<16xf32>
        %add3A_615 = arith.addf %add3A_575, %mul3A_614 : vector<16xf32>
        %add3A_616 = arith.constant 9 : i32
        %add3A_617 = vector.broadcast %add3A_616 : i32 to vector<16xi32>
        %add3A_618 = arith.addi %mul3A_3, %add3A_617 : vector<16xi32>
        %add3A_619 = arith.addi %gather3A_334, %add3A_593 : vector<16xi32>
        %gather3A_620 = tpu.vector_load_idx %arg9[%add3A_618, %add3A_619] : memref<192x128xf32, #tpu.memory_space<vmem>>[vector<16xi32>, vector<16xi32>], vector<16xf32>,
        %mul3A_621 = arith.mulf %gather3A_620, %gather3A_620 : vector<16xf32>
        %add3A_622 = arith.addf %add3A_582, %mul3A_621 : vector<16xf32>
        %sub3A_623 = arith.subf %gather3A_595, %gather3A_620 : vector<16xf32>
        %mul3A_624 = arith.mulf %sub3A_623, %sub3A_623 : vector<16xf32>
        %add3A_625 = arith.addf %add3A_585, %mul3A_624 : vector<16xf32>
        %broadcast_in_dim3A_626 = arith.constant 0 : i32
        %broadcast_in_dim3A_627 = vector.broadcast %broadcast_in_dim3A_626 : i32 to vector<16xi32>
        %mul3A_628 = arith.constant 8 : i32
        %mul3A_629 = arith.muli %scan3A_380, %mul3A_628 : i32
        %add3A_630 = arith.constant 6 : i32
        %add3A_631 = arith.addi %mul3A_629, %add3A_630 : i32
        %add3A_632 = vector.broadcast %add3A_631 : i32 to vector<16xi32>
        %add3A_633 = arith.addi %broadcast_in_dim3A_627, %add3A_632 : vector<16xi32>
        %add3A_634 = arith.addi %gather3A_260, %add3A_633 : vector<16xi32>
        %gather3A_635 = tpu.vector_load_idx %arg9[%mul3A_3, %add3A_634] : memref<192x128xf32, #tpu.memory_space<vmem>>[vector<16xi32>, vector<16xi32>], vector<16xf32>,
        %add3A_636 = arith.constant 7 : i32
        %add3A_637 = vector.broadcast %add3A_636 : i32 to vector<16xi32>
        %add3A_638 = arith.addi %mul3A_3, %add3A_637 : vector<16xi32>
        %add3A_639 = arith.addi %gather3A_326, %add3A_633 : vector<16xi32>
        %gather3A_640 = tpu.vector_load_idx %arg9[%add3A_638, %add3A_639] : memref<192x128xf32, #tpu.memory_space<vmem>>[vector<16xi32>, vector<16xi32>], vector<16xf32>,
        %mul3A_641 = arith.mulf %gather3A_640, %gather3A_640 : vector<16xf32>
        %add3A_642 = arith.addf %add3A_602, %mul3A_641 : vector<16xf32>
        %sub3A_643 = arith.subf %gather3A_635, %gather3A_640 : vector<16xf32>
        %mul3A_644 = arith.mulf %sub3A_643, %sub3A_643 : vector<16xf32>
        %add3A_645 = arith.addf %add3A_605, %mul3A_644 : vector<16xf32>
        %add3A_646 = arith.constant 8 : i32
        %add3A_647 = vector.broadcast %add3A_646 : i32 to vector<16xi32>
        %add3A_648 = arith.addi %mul3A_3, %add3A_647 : vector<16xi32>
        %add3A_649 = arith.addi %gather3A_330, %add3A_633 : vector<16xi32>
        %gather3A_650 = tpu.vector_load_idx %arg9[%add3A_648, %add3A_649] : memref<192x128xf32, #tpu.memory_space<vmem>>[vector<16xi32>, vector<16xi32>], vector<16xf32>,
        %mul3A_651 = arith.mulf %gather3A_650, %gather3A_650 : vector<16xf32>
        %add3A_652 = arith.addf %add3A_612, %mul3A_651 : vector<16xf32>
        %sub3A_653 = arith.subf %gather3A_635, %gather3A_650 : vector<16xf32>
        %mul3A_654 = arith.mulf %sub3A_653, %sub3A_653 : vector<16xf32>
        %add3A_655 = arith.addf %add3A_615, %mul3A_654 : vector<16xf32>
        %add3A_656 = arith.constant 9 : i32
        %add3A_657 = vector.broadcast %add3A_656 : i32 to vector<16xi32>
        %add3A_658 = arith.addi %mul3A_3, %add3A_657 : vector<16xi32>
        %add3A_659 = arith.addi %gather3A_334, %add3A_633 : vector<16xi32>
        %gather3A_660 = tpu.vector_load_idx %arg9[%add3A_658, %add3A_659] : memref<192x128xf32, #tpu.memory_space<vmem>>[vector<16xi32>, vector<16xi32>], vector<16xf32>,
        %mul3A_661 = arith.mulf %gather3A_660, %gather3A_660 : vector<16xf32>
        %add3A_662 = arith.addf %add3A_622, %mul3A_661 : vector<16xf32>
        %sub3A_663 = arith.subf %gather3A_635, %gather3A_660 : vector<16xf32>
        %mul3A_664 = arith.mulf %sub3A_663, %sub3A_663 : vector<16xf32>
        %add3A_665 = arith.addf %add3A_625, %mul3A_664 : vector<16xf32>
        %broadcast_in_dim3A_666 = arith.constant 0 : i32
        %broadcast_in_dim3A_667 = vector.broadcast %broadcast_in_dim3A_666 : i32 to vector<16xi32>
        %mul3A_668 = arith.constant 8 : i32
        %mul3A_669 = arith.muli %scan3A_380, %mul3A_668 : i32
        %add3A_670 = arith.constant 7 : i32
        %add3A_671 = arith.addi %mul3A_669, %add3A_670 : i32
        %add3A_672 = vector.broadcast %add3A_671 : i32 to vector<16xi32>
        %add3A_673 = arith.addi %broadcast_in_dim3A_667, %add3A_672 : vector<16xi32>
        %add3A_674 = arith.addi %gather3A_260, %add3A_673 : vector<16xi32>
        %gather3A_675 = tpu.vector_load_idx %arg9[%mul3A_3, %add3A_674] : memref<192x128xf32, #tpu.memory_space<vmem>>[vector<16xi32>, vector<16xi32>], vector<16xf32>,
        %add3A_676 = arith.constant 7 : i32
        %add3A_677 = vector.broadcast %add3A_676 : i32 to vector<16xi32>
        %add3A_678 = arith.addi %mul3A_3, %add3A_677 : vector<16xi32>
        %add3A_679 = arith.addi %gather3A_326, %add3A_673 : vector<16xi32>
        %gather3A_680 = tpu.vector_load_idx %arg9[%add3A_678, %add3A_679] : memref<192x128xf32, #tpu.memory_space<vmem>>[vector<16xi32>, vector<16xi32>], vector<16xf32>,
        %mul3A_681 = arith.mulf %gather3A_680, %gather3A_680 : vector<16xf32>
        %add3A_682 = arith.addf %add3A_642, %mul3A_681 : vector<16xf32>
        %sub3A_683 = arith.subf %gather3A_675, %gather3A_680 : vector<16xf32>
        %mul3A_684 = arith.mulf %sub3A_683, %sub3A_683 : vector<16xf32>
        %add3A_685 = arith.addf %add3A_645, %mul3A_684 : vector<16xf32>
        %add3A_686 = arith.constant 8 : i32
        %add3A_687 = vector.broadcast %add3A_686 : i32 to vector<16xi32>
        %add3A_688 = arith.addi %mul3A_3, %add3A_687 : vector<16xi32>
        %add3A_689 = arith.addi %gather3A_330, %add3A_673 : vector<16xi32>
        %gather3A_690 = tpu.vector_load_idx %arg9[%add3A_688, %add3A_689] : memref<192x128xf32, #tpu.memory_space<vmem>>[vector<16xi32>, vector<16xi32>], vector<16xf32>,
        %mul3A_691 = arith.mulf %gather3A_690, %gather3A_690 : vector<16xf32>
        %add3A_692 = arith.addf %add3A_652, %mul3A_691 : vector<16xf32>
        %sub3A_693 = arith.subf %gather3A_675, %gather3A_690 : vector<16xf32>
        %mul3A_694 = arith.mulf %sub3A_693, %sub3A_693 : vector<16xf32>
        %add3A_695 = arith.addf %add3A_655, %mul3A_694 : vector<16xf32>
        %add3A_696 = arith.constant 9 : i32
        %add3A_697 = vector.broadcast %add3A_696 : i32 to vector<16xi32>
        %add3A_698 = arith.addi %mul3A_3, %add3A_697 : vector<16xi32>
        %add3A_699 = arith.addi %gather3A_334, %add3A_673 : vector<16xi32>
        %gather3A_700 = tpu.vector_load_idx %arg9[%add3A_698, %add3A_699] : memref<192x128xf32, #tpu.memory_space<vmem>>[vector<16xi32>, vector<16xi32>], vector<16xf32>,
        %mul3A_701 = arith.mulf %gather3A_700, %gather3A_700 : vector<16xf32>
        %add3A_702 = arith.addf %add3A_662, %mul3A_701 : vector<16xf32>
        %sub3A_703 = arith.subf %gather3A_675, %gather3A_700 : vector<16xf32>
        %mul3A_704 = arith.mulf %sub3A_703, %sub3A_703 : vector<16xf32>
        %add3A_705 = arith.addf %add3A_665, %mul3A_704 : vector<16xf32>
        scf.yield %add3A_682, %add3A_692, %add3A_702, %add3A_685, %add3A_695, %add3A_705 : vector<16xf32>, vector<16xf32>, vector<16xf32>, vector<16xf32>, vector<16xf32>, vector<16xf32>
      }
      %scan3A_340 = arith.constant 4 : i32
      %broadcast_in_dim3A_341 = arith.constant 7 : i32
      %broadcast_in_dim3A_342 = vector.broadcast %broadcast_in_dim3A_341 : i32 to vector<16xi32>
      tpu.vector_store_idx %arg10[%add3A_259, %broadcast_in_dim3A_342], %scan3A_339#0 : memref<256x128xf32, #tpu.memory_space<vmem>>[vector<16xi32>, vector<16xi32>], vector<16xf32>,
      %broadcast_in_dim3A_343 = arith.constant 18 : i32
      %broadcast_in_dim3A_344 = vector.broadcast %broadcast_in_dim3A_343 : i32 to vector<16xi32>
      tpu.vector_store_idx %arg10[%add3A_259, %broadcast_in_dim3A_344], %scan3A_339#3 : memref<256x128xf32, #tpu.memory_space<vmem>>[vector<16xi32>, vector<16xi32>], vector<16xf32>,
      %broadcast_in_dim3A_345 = arith.constant 8 : i32
      %broadcast_in_dim3A_346 = vector.broadcast %broadcast_in_dim3A_345 : i32 to vector<16xi32>
      tpu.vector_store_idx %arg10[%add3A_259, %broadcast_in_dim3A_346], %scan3A_339#1 : memref<256x128xf32, #tpu.memory_space<vmem>>[vector<16xi32>, vector<16xi32>], vector<16xf32>,
      %broadcast_in_dim3A_347 = arith.constant 19 : i32
      %broadcast_in_dim3A_348 = vector.broadcast %broadcast_in_dim3A_347 : i32 to vector<16xi32>
      tpu.vector_store_idx %arg10[%add3A_259, %broadcast_in_dim3A_348], %scan3A_339#4 : memref<256x128xf32, #tpu.memory_space<vmem>>[vector<16xi32>, vector<16xi32>], vector<16xf32>,
      %broadcast_in_dim3A_349 = arith.constant 9 : i32
      %broadcast_in_dim3A_350 = vector.broadcast %broadcast_in_dim3A_349 : i32 to vector<16xi32>
      tpu.vector_store_idx %arg10[%add3A_259, %broadcast_in_dim3A_350], %scan3A_339#2 : memref<256x128xf32, #tpu.memory_space<vmem>>[vector<16xi32>, vector<16xi32>], vector<16xf32>,
      %broadcast_in_dim3A_351 = arith.constant 20 : i32
      %broadcast_in_dim3A_352 = vector.broadcast %broadcast_in_dim3A_351 : i32 to vector<16xi32>
      tpu.vector_store_idx %arg10[%add3A_259, %broadcast_in_dim3A_352], %scan3A_339#5 : memref<256x128xf32, #tpu.memory_space<vmem>>[vector<16xi32>, vector<16xi32>], vector<16xf32>,
      %add3A_353 = arith.constant 10 : i32
      %add3A_354 = vector.broadcast %add3A_353 : i32 to vector<16xi32>
      %add3A_355 = arith.addi %add3A_251, %add3A_354 : vector<16xi32>
      %gather3A_356 = tpu.vector_load_idx %arg7[%add3A_355] : memref<6144xi32, #tpu.memory_space<vmem>>[vector<16xi32>], vector<16xi32>,
      %add3A_357 = arith.constant 11 : i32
      %add3A_358 = vector.broadcast %add3A_357 : i32 to vector<16xi32>
      %add3A_359 = arith.addi %add3A_251, %add3A_358 : vector<16xi32>
      %gather3A_360 = tpu.vector_load_idx %arg7[%add3A_359] : memref<6144xi32, #tpu.memory_space<vmem>>[vector<16xi32>], vector<16xi32>,
      %scan3A_361 = arith.constant 0 : i32
      %scan3A_362 = arith.constant 4 : i32
      %scan3A_363 = arith.addi %scan3A_361, %scan3A_362 : i32
      %scan3A_364 = arith.constant 1 : i32
      %scan3A_365:4 = scf.for %scan3A_380 = %scan3A_361 to %scan3A_363 step %scan3A_364 iter_args(%scan3A_381 = %broadcast_in_dim3A_253, %scan3A_382 = %broadcast_in_dim3A_253, %scan3A_383 = %broadcast_in_dim3A_253, %scan3A_384 = %broadcast_in_dim3A_253) -> (vector<16xf32>, vector<16xf32>, vector<16xf32>, vector<16xf32>)  : i32 {
        %broadcast_in_dim3A_385 = arith.constant 0 : i32
        %broadcast_in_dim3A_386 = vector.broadcast %broadcast_in_dim3A_385 : i32 to vector<16xi32>
        %mul3A_387 = arith.constant 8 : i32
        %mul3A_388 = arith.muli %scan3A_380, %mul3A_387 : i32
        %add3A_389 = arith.constant 0 : i32
        %add3A_390 = arith.addi %mul3A_388, %add3A_389 : i32
        %add3A_391 = vector.broadcast %add3A_390 : i32 to vector<16xi32>
        %add3A_392 = arith.addi %broadcast_in_dim3A_386, %add3A_391 : vector<16xi32>
        %add3A_393 = arith.addi %gather3A_260, %add3A_392 : vector<16xi32>
        %gather3A_394 = tpu.vector_load_idx %arg9[%mul3A_3, %add3A_393] : memref<192x128xf32, #tpu.memory_space<vmem>>[vector<16xi32>, vector<16xi32>], vector<16xf32>,
        %add3A_395 = arith.constant 10 : i32
        %add3A_396 = vector.broadcast %add3A_395 : i32 to vector<16xi32>
        %add3A_397 = arith.addi %mul3A_3, %add3A_396 : vector<16xi32>
        %add3A_398 = arith.addi %gather3A_356, %add3A_392 : vector<16xi32>
        %gather3A_399 = tpu.vector_load_idx %arg9[%add3A_397, %add3A_398] : memref<192x128xf32, #tpu.memory_space<vmem>>[vector<16xi32>, vector<16xi32>], vector<16xf32>,
        %mul3A_400 = arith.mulf %gather3A_399, %gather3A_399 : vector<16xf32>
        %add3A_401 = arith.addf %scan3A_381, %mul3A_400 : vector<16xf32>
        %sub3A = arith.subf %gather3A_394, %gather3A_399 : vector<16xf32>
        %mul3A_402 = arith.mulf %sub3A, %sub3A : vector<16xf32>
        %add3A_403 = arith.addf %scan3A_383, %mul3A_402 : vector<16xf32>
        %add3A_404 = arith.constant 11 : i32
        %add3A_405 = vector.broadcast %add3A_404 : i32 to vector<16xi32>
        %add3A_406 = arith.addi %mul3A_3, %add3A_405 : vector<16xi32>
        %add3A_407 = arith.addi %gather3A_360, %add3A_392 : vector<16xi32>
        %gather3A_408 = tpu.vector_load_idx %arg9[%add3A_406, %add3A_407] : memref<192x128xf32, #tpu.memory_space<vmem>>[vector<16xi32>, vector<16xi32>], vector<16xf32>,
        %mul3A_409 = arith.mulf %gather3A_408, %gather3A_408 : vector<16xf32>
        %add3A_410 = arith.addf %scan3A_382, %mul3A_409 : vector<16xf32>
        %sub3A_411 = arith.subf %gather3A_394, %gather3A_408 : vector<16xf32>
        %mul3A_412 = arith.mulf %sub3A_411, %sub3A_411 : vector<16xf32>
        %add3A_413 = arith.addf %scan3A_384, %mul3A_412 : vector<16xf32>
        %broadcast_in_dim3A_414 = arith.constant 0 : i32
        %broadcast_in_dim3A_415 = vector.broadcast %broadcast_in_dim3A_414 : i32 to vector<16xi32>
        %mul3A_416 = arith.constant 8 : i32
        %mul3A_417 = arith.muli %scan3A_380, %mul3A_416 : i32
        %add3A_418 = arith.constant 1 : i32
        %add3A_419 = arith.addi %mul3A_417, %add3A_418 : i32
        %add3A_420 = vector.broadcast %add3A_419 : i32 to vector<16xi32>
        %add3A_421 = arith.addi %broadcast_in_dim3A_415, %add3A_420 : vector<16xi32>
        %add3A_422 = arith.addi %gather3A_260, %add3A_421 : vector<16xi32>
        %gather3A_423 = tpu.vector_load_idx %arg9[%mul3A_3, %add3A_422] : memref<192x128xf32, #tpu.memory_space<vmem>>[vector<16xi32>, vector<16xi32>], vector<16xf32>,
        %add3A_424 = arith.constant 10 : i32
        %add3A_425 = vector.broadcast %add3A_424 : i32 to vector<16xi32>
        %add3A_426 = arith.addi %mul3A_3, %add3A_425 : vector<16xi32>
        %add3A_427 = arith.addi %gather3A_356, %add3A_421 : vector<16xi32>
        %gather3A_428 = tpu.vector_load_idx %arg9[%add3A_426, %add3A_427] : memref<192x128xf32, #tpu.memory_space<vmem>>[vector<16xi32>, vector<16xi32>], vector<16xf32>,
        %mul3A_429 = arith.mulf %gather3A_428, %gather3A_428 : vector<16xf32>
        %add3A_430 = arith.addf %add3A_401, %mul3A_429 : vector<16xf32>
        %sub3A_431 = arith.subf %gather3A_423, %gather3A_428 : vector<16xf32>
        %mul3A_432 = arith.mulf %sub3A_431, %sub3A_431 : vector<16xf32>
        %add3A_433 = arith.addf %add3A_403, %mul3A_432 : vector<16xf32>
        %add3A_434 = arith.constant 11 : i32
        %add3A_435 = vector.broadcast %add3A_434 : i32 to vector<16xi32>
        %add3A_436 = arith.addi %mul3A_3, %add3A_435 : vector<16xi32>
        %add3A_437 = arith.addi %gather3A_360, %add3A_421 : vector<16xi32>
        %gather3A_438 = tpu.vector_load_idx %arg9[%add3A_436, %add3A_437] : memref<192x128xf32, #tpu.memory_space<vmem>>[vector<16xi32>, vector<16xi32>], vector<16xf32>,
        %mul3A_439 = arith.mulf %gather3A_438, %gather3A_438 : vector<16xf32>
        %add3A_440 = arith.addf %add3A_410, %mul3A_439 : vector<16xf32>
        %sub3A_441 = arith.subf %gather3A_423, %gather3A_438 : vector<16xf32>
        %mul3A_442 = arith.mulf %sub3A_441, %sub3A_441 : vector<16xf32>
        %add3A_443 = arith.addf %add3A_413, %mul3A_442 : vector<16xf32>
        %broadcast_in_dim3A_444 = arith.constant 0 : i32
        %broadcast_in_dim3A_445 = vector.broadcast %broadcast_in_dim3A_444 : i32 to vector<16xi32>
        %mul3A_446 = arith.constant 8 : i32
        %mul3A_447 = arith.muli %scan3A_380, %mul3A_446 : i32
        %add3A_448 = arith.constant 2 : i32
        %add3A_449 = arith.addi %mul3A_447, %add3A_448 : i32
        %add3A_450 = vector.broadcast %add3A_449 : i32 to vector<16xi32>
        %add3A_451 = arith.addi %broadcast_in_dim3A_445, %add3A_450 : vector<16xi32>
        %add3A_452 = arith.addi %gather3A_260, %add3A_451 : vector<16xi32>
        %gather3A_453 = tpu.vector_load_idx %arg9[%mul3A_3, %add3A_452] : memref<192x128xf32, #tpu.memory_space<vmem>>[vector<16xi32>, vector<16xi32>], vector<16xf32>,
        %add3A_454 = arith.constant 10 : i32
        %add3A_455 = vector.broadcast %add3A_454 : i32 to vector<16xi32>
        %add3A_456 = arith.addi %mul3A_3, %add3A_455 : vector<16xi32>
        %add3A_457 = arith.addi %gather3A_356, %add3A_451 : vector<16xi32>
        %gather3A_458 = tpu.vector_load_idx %arg9[%add3A_456, %add3A_457] : memref<192x128xf32, #tpu.memory_space<vmem>>[vector<16xi32>, vector<16xi32>], vector<16xf32>,
        %mul3A_459 = arith.mulf %gather3A_458, %gather3A_458 : vector<16xf32>
        %add3A_460 = arith.addf %add3A_430, %mul3A_459 : vector<16xf32>
        %sub3A_461 = arith.subf %gather3A_453, %gather3A_458 : vector<16xf32>
        %mul3A_462 = arith.mulf %sub3A_461, %sub3A_461 : vector<16xf32>
        %add3A_463 = arith.addf %add3A_433, %mul3A_462 : vector<16xf32>
        %add3A_464 = arith.constant 11 : i32
        %add3A_465 = vector.broadcast %add3A_464 : i32 to vector<16xi32>
        %add3A_466 = arith.addi %mul3A_3, %add3A_465 : vector<16xi32>
        %add3A_467 = arith.addi %gather3A_360, %add3A_451 : vector<16xi32>
        %gather3A_468 = tpu.vector_load_idx %arg9[%add3A_466, %add3A_467] : memref<192x128xf32, #tpu.memory_space<vmem>>[vector<16xi32>, vector<16xi32>], vector<16xf32>,
        %mul3A_469 = arith.mulf %gather3A_468, %gather3A_468 : vector<16xf32>
        %add3A_470 = arith.addf %add3A_440, %mul3A_469 : vector<16xf32>
        %sub3A_471 = arith.subf %gather3A_453, %gather3A_468 : vector<16xf32>
        %mul3A_472 = arith.mulf %sub3A_471, %sub3A_471 : vector<16xf32>
        %add3A_473 = arith.addf %add3A_443, %mul3A_472 : vector<16xf32>
        %broadcast_in_dim3A_474 = arith.constant 0 : i32
        %broadcast_in_dim3A_475 = vector.broadcast %broadcast_in_dim3A_474 : i32 to vector<16xi32>
        %mul3A_476 = arith.constant 8 : i32
        %mul3A_477 = arith.muli %scan3A_380, %mul3A_476 : i32
        %add3A_478 = arith.constant 3 : i32
        %add3A_479 = arith.addi %mul3A_477, %add3A_478 : i32
        %add3A_480 = vector.broadcast %add3A_479 : i32 to vector<16xi32>
        %add3A_481 = arith.addi %broadcast_in_dim3A_475, %add3A_480 : vector<16xi32>
        %add3A_482 = arith.addi %gather3A_260, %add3A_481 : vector<16xi32>
        %gather3A_483 = tpu.vector_load_idx %arg9[%mul3A_3, %add3A_482] : memref<192x128xf32, #tpu.memory_space<vmem>>[vector<16xi32>, vector<16xi32>], vector<16xf32>,
        %add3A_484 = arith.constant 10 : i32
        %add3A_485 = vector.broadcast %add3A_484 : i32 to vector<16xi32>
        %add3A_486 = arith.addi %mul3A_3, %add3A_485 : vector<16xi32>
        %add3A_487 = arith.addi %gather3A_356, %add3A_481 : vector<16xi32>
        %gather3A_488 = tpu.vector_load_idx %arg9[%add3A_486, %add3A_487] : memref<192x128xf32, #tpu.memory_space<vmem>>[vector<16xi32>, vector<16xi32>], vector<16xf32>,
        %mul3A_489 = arith.mulf %gather3A_488, %gather3A_488 : vector<16xf32>
        %add3A_490 = arith.addf %add3A_460, %mul3A_489 : vector<16xf32>
        %sub3A_491 = arith.subf %gather3A_483, %gather3A_488 : vector<16xf32>
        %mul3A_492 = arith.mulf %sub3A_491, %sub3A_491 : vector<16xf32>
        %add3A_493 = arith.addf %add3A_463, %mul3A_492 : vector<16xf32>
        %add3A_494 = arith.constant 11 : i32
        %add3A_495 = vector.broadcast %add3A_494 : i32 to vector<16xi32>
        %add3A_496 = arith.addi %mul3A_3, %add3A_495 : vector<16xi32>
        %add3A_497 = arith.addi %gather3A_360, %add3A_481 : vector<16xi32>
        %gather3A_498 = tpu.vector_load_idx %arg9[%add3A_496, %add3A_497] : memref<192x128xf32, #tpu.memory_space<vmem>>[vector<16xi32>, vector<16xi32>], vector<16xf32>,
        %mul3A_499 = arith.mulf %gather3A_498, %gather3A_498 : vector<16xf32>
        %add3A_500 = arith.addf %add3A_470, %mul3A_499 : vector<16xf32>
        %sub3A_501 = arith.subf %gather3A_483, %gather3A_498 : vector<16xf32>
        %mul3A_502 = arith.mulf %sub3A_501, %sub3A_501 : vector<16xf32>
        %add3A_503 = arith.addf %add3A_473, %mul3A_502 : vector<16xf32>
        %broadcast_in_dim3A_504 = arith.constant 0 : i32
        %broadcast_in_dim3A_505 = vector.broadcast %broadcast_in_dim3A_504 : i32 to vector<16xi32>
        %mul3A_506 = arith.constant 8 : i32
        %mul3A_507 = arith.muli %scan3A_380, %mul3A_506 : i32
        %add3A_508 = arith.constant 4 : i32
        %add3A_509 = arith.addi %mul3A_507, %add3A_508 : i32
        %add3A_510 = vector.broadcast %add3A_509 : i32 to vector<16xi32>
        %add3A_511 = arith.addi %broadcast_in_dim3A_505, %add3A_510 : vector<16xi32>
        %add3A_512 = arith.addi %gather3A_260, %add3A_511 : vector<16xi32>
        %gather3A_513 = tpu.vector_load_idx %arg9[%mul3A_3, %add3A_512] : memref<192x128xf32, #tpu.memory_space<vmem>>[vector<16xi32>, vector<16xi32>], vector<16xf32>,
        %add3A_514 = arith.constant 10 : i32
        %add3A_515 = vector.broadcast %add3A_514 : i32 to vector<16xi32>
        %add3A_516 = arith.addi %mul3A_3, %add3A_515 : vector<16xi32>
        %add3A_517 = arith.addi %gather3A_356, %add3A_511 : vector<16xi32>
        %gather3A_518 = tpu.vector_load_idx %arg9[%add3A_516, %add3A_517] : memref<192x128xf32, #tpu.memory_space<vmem>>[vector<16xi32>, vector<16xi32>], vector<16xf32>,
        %mul3A_519 = arith.mulf %gather3A_518, %gather3A_518 : vector<16xf32>
        %add3A_520 = arith.addf %add3A_490, %mul3A_519 : vector<16xf32>
        %sub3A_521 = arith.subf %gather3A_513, %gather3A_518 : vector<16xf32>
        %mul3A_522 = arith.mulf %sub3A_521, %sub3A_521 : vector<16xf32>
        %add3A_523 = arith.addf %add3A_493, %mul3A_522 : vector<16xf32>
        %add3A_524 = arith.constant 11 : i32
        %add3A_525 = vector.broadcast %add3A_524 : i32 to vector<16xi32>
        %add3A_526 = arith.addi %mul3A_3, %add3A_525 : vector<16xi32>
        %add3A_527 = arith.addi %gather3A_360, %add3A_511 : vector<16xi32>
        %gather3A_528 = tpu.vector_load_idx %arg9[%add3A_526, %add3A_527] : memref<192x128xf32, #tpu.memory_space<vmem>>[vector<16xi32>, vector<16xi32>], vector<16xf32>,
        %mul3A_529 = arith.mulf %gather3A_528, %gather3A_528 : vector<16xf32>
        %add3A_530 = arith.addf %add3A_500, %mul3A_529 : vector<16xf32>
        %sub3A_531 = arith.subf %gather3A_513, %gather3A_528 : vector<16xf32>
        %mul3A_532 = arith.mulf %sub3A_531, %sub3A_531 : vector<16xf32>
        %add3A_533 = arith.addf %add3A_503, %mul3A_532 : vector<16xf32>
        %broadcast_in_dim3A_534 = arith.constant 0 : i32
        %broadcast_in_dim3A_535 = vector.broadcast %broadcast_in_dim3A_534 : i32 to vector<16xi32>
        %mul3A_536 = arith.constant 8 : i32
        %mul3A_537 = arith.muli %scan3A_380, %mul3A_536 : i32
        %add3A_538 = arith.constant 5 : i32
        %add3A_539 = arith.addi %mul3A_537, %add3A_538 : i32
        %add3A_540 = vector.broadcast %add3A_539 : i32 to vector<16xi32>
        %add3A_541 = arith.addi %broadcast_in_dim3A_535, %add3A_540 : vector<16xi32>
        %add3A_542 = arith.addi %gather3A_260, %add3A_541 : vector<16xi32>
        %gather3A_543 = tpu.vector_load_idx %arg9[%mul3A_3, %add3A_542] : memref<192x128xf32, #tpu.memory_space<vmem>>[vector<16xi32>, vector<16xi32>], vector<16xf32>,
        %add3A_544 = arith.constant 10 : i32
        %add3A_545 = vector.broadcast %add3A_544 : i32 to vector<16xi32>
        %add3A_546 = arith.addi %mul3A_3, %add3A_545 : vector<16xi32>
        %add3A_547 = arith.addi %gather3A_356, %add3A_541 : vector<16xi32>
        %gather3A_548 = tpu.vector_load_idx %arg9[%add3A_546, %add3A_547] : memref<192x128xf32, #tpu.memory_space<vmem>>[vector<16xi32>, vector<16xi32>], vector<16xf32>,
        %mul3A_549 = arith.mulf %gather3A_548, %gather3A_548 : vector<16xf32>
        %add3A_550 = arith.addf %add3A_520, %mul3A_549 : vector<16xf32>
        %sub3A_551 = arith.subf %gather3A_543, %gather3A_548 : vector<16xf32>
        %mul3A_552 = arith.mulf %sub3A_551, %sub3A_551 : vector<16xf32>
        %add3A_553 = arith.addf %add3A_523, %mul3A_552 : vector<16xf32>
        %add3A_554 = arith.constant 11 : i32
        %add3A_555 = vector.broadcast %add3A_554 : i32 to vector<16xi32>
        %add3A_556 = arith.addi %mul3A_3, %add3A_555 : vector<16xi32>
        %add3A_557 = arith.addi %gather3A_360, %add3A_541 : vector<16xi32>
        %gather3A_558 = tpu.vector_load_idx %arg9[%add3A_556, %add3A_557] : memref<192x128xf32, #tpu.memory_space<vmem>>[vector<16xi32>, vector<16xi32>], vector<16xf32>,
        %mul3A_559 = arith.mulf %gather3A_558, %gather3A_558 : vector<16xf32>
        %add3A_560 = arith.addf %add3A_530, %mul3A_559 : vector<16xf32>
        %sub3A_561 = arith.subf %gather3A_543, %gather3A_558 : vector<16xf32>
        %mul3A_562 = arith.mulf %sub3A_561, %sub3A_561 : vector<16xf32>
        %add3A_563 = arith.addf %add3A_533, %mul3A_562 : vector<16xf32>
        %broadcast_in_dim3A_564 = arith.constant 0 : i32
        %broadcast_in_dim3A_565 = vector.broadcast %broadcast_in_dim3A_564 : i32 to vector<16xi32>
        %mul3A_566 = arith.constant 8 : i32
        %mul3A_567 = arith.muli %scan3A_380, %mul3A_566 : i32
        %add3A_568 = arith.constant 6 : i32
        %add3A_569 = arith.addi %mul3A_567, %add3A_568 : i32
        %add3A_570 = vector.broadcast %add3A_569 : i32 to vector<16xi32>
        %add3A_571 = arith.addi %broadcast_in_dim3A_565, %add3A_570 : vector<16xi32>
        %add3A_572 = arith.addi %gather3A_260, %add3A_571 : vector<16xi32>
        %gather3A_573 = tpu.vector_load_idx %arg9[%mul3A_3, %add3A_572] : memref<192x128xf32, #tpu.memory_space<vmem>>[vector<16xi32>, vector<16xi32>], vector<16xf32>,
        %add3A_574 = arith.constant 10 : i32
        %add3A_575 = vector.broadcast %add3A_574 : i32 to vector<16xi32>
        %add3A_576 = arith.addi %mul3A_3, %add3A_575 : vector<16xi32>
        %add3A_577 = arith.addi %gather3A_356, %add3A_571 : vector<16xi32>
        %gather3A_578 = tpu.vector_load_idx %arg9[%add3A_576, %add3A_577] : memref<192x128xf32, #tpu.memory_space<vmem>>[vector<16xi32>, vector<16xi32>], vector<16xf32>,
        %mul3A_579 = arith.mulf %gather3A_578, %gather3A_578 : vector<16xf32>
        %add3A_580 = arith.addf %add3A_550, %mul3A_579 : vector<16xf32>
        %sub3A_581 = arith.subf %gather3A_573, %gather3A_578 : vector<16xf32>
        %mul3A_582 = arith.mulf %sub3A_581, %sub3A_581 : vector<16xf32>
        %add3A_583 = arith.addf %add3A_553, %mul3A_582 : vector<16xf32>
        %add3A_584 = arith.constant 11 : i32
        %add3A_585 = vector.broadcast %add3A_584 : i32 to vector<16xi32>
        %add3A_586 = arith.addi %mul3A_3, %add3A_585 : vector<16xi32>
        %add3A_587 = arith.addi %gather3A_360, %add3A_571 : vector<16xi32>
        %gather3A_588 = tpu.vector_load_idx %arg9[%add3A_586, %add3A_587] : memref<192x128xf32, #tpu.memory_space<vmem>>[vector<16xi32>, vector<16xi32>], vector<16xf32>,
        %mul3A_589 = arith.mulf %gather3A_588, %gather3A_588 : vector<16xf32>
        %add3A_590 = arith.addf %add3A_560, %mul3A_589 : vector<16xf32>
        %sub3A_591 = arith.subf %gather3A_573, %gather3A_588 : vector<16xf32>
        %mul3A_592 = arith.mulf %sub3A_591, %sub3A_591 : vector<16xf32>
        %add3A_593 = arith.addf %add3A_563, %mul3A_592 : vector<16xf32>
        %broadcast_in_dim3A_594 = arith.constant 0 : i32
        %broadcast_in_dim3A_595 = vector.broadcast %broadcast_in_dim3A_594 : i32 to vector<16xi32>
        %mul3A_596 = arith.constant 8 : i32
        %mul3A_597 = arith.muli %scan3A_380, %mul3A_596 : i32
        %add3A_598 = arith.constant 7 : i32
        %add3A_599 = arith.addi %mul3A_597, %add3A_598 : i32
        %add3A_600 = vector.broadcast %add3A_599 : i32 to vector<16xi32>
        %add3A_601 = arith.addi %broadcast_in_dim3A_595, %add3A_600 : vector<16xi32>
        %add3A_602 = arith.addi %gather3A_260, %add3A_601 : vector<16xi32>
        %gather3A_603 = tpu.vector_load_idx %arg9[%mul3A_3, %add3A_602] : memref<192x128xf32, #tpu.memory_space<vmem>>[vector<16xi32>, vector<16xi32>], vector<16xf32>,
        %add3A_604 = arith.constant 10 : i32
        %add3A_605 = vector.broadcast %add3A_604 : i32 to vector<16xi32>
        %add3A_606 = arith.addi %mul3A_3, %add3A_605 : vector<16xi32>
        %add3A_607 = arith.addi %gather3A_356, %add3A_601 : vector<16xi32>
        %gather3A_608 = tpu.vector_load_idx %arg9[%add3A_606, %add3A_607] : memref<192x128xf32, #tpu.memory_space<vmem>>[vector<16xi32>, vector<16xi32>], vector<16xf32>,
        %mul3A_609 = arith.mulf %gather3A_608, %gather3A_608 : vector<16xf32>
        %add3A_610 = arith.addf %add3A_580, %mul3A_609 : vector<16xf32>
        %sub3A_611 = arith.subf %gather3A_603, %gather3A_608 : vector<16xf32>
        %mul3A_612 = arith.mulf %sub3A_611, %sub3A_611 : vector<16xf32>
        %add3A_613 = arith.addf %add3A_583, %mul3A_612 : vector<16xf32>
        %add3A_614 = arith.constant 11 : i32
        %add3A_615 = vector.broadcast %add3A_614 : i32 to vector<16xi32>
        %add3A_616 = arith.addi %mul3A_3, %add3A_615 : vector<16xi32>
        %add3A_617 = arith.addi %gather3A_360, %add3A_601 : vector<16xi32>
        %gather3A_618 = tpu.vector_load_idx %arg9[%add3A_616, %add3A_617] : memref<192x128xf32, #tpu.memory_space<vmem>>[vector<16xi32>, vector<16xi32>], vector<16xf32>,
        %mul3A_619 = arith.mulf %gather3A_618, %gather3A_618 : vector<16xf32>
        %add3A_620 = arith.addf %add3A_590, %mul3A_619 : vector<16xf32>
        %sub3A_621 = arith.subf %gather3A_603, %gather3A_618 : vector<16xf32>
        %mul3A_622 = arith.mulf %sub3A_621, %sub3A_621 : vector<16xf32>
        %add3A_623 = arith.addf %add3A_593, %mul3A_622 : vector<16xf32>
        scf.yield %add3A_610, %add3A_620, %add3A_613, %add3A_623 : vector<16xf32>, vector<16xf32>, vector<16xf32>, vector<16xf32>
      }
      %scan3A_366 = arith.constant 4 : i32
      %broadcast_in_dim3A_367 = arith.constant 10 : i32
      %broadcast_in_dim3A_368 = vector.broadcast %broadcast_in_dim3A_367 : i32 to vector<16xi32>
      tpu.vector_store_idx %arg10[%add3A_259, %broadcast_in_dim3A_368], %scan3A_365#0 : memref<256x128xf32, #tpu.memory_space<vmem>>[vector<16xi32>, vector<16xi32>], vector<16xf32>,
      %broadcast_in_dim3A_369 = arith.constant 21 : i32
      %broadcast_in_dim3A_370 = vector.broadcast %broadcast_in_dim3A_369 : i32 to vector<16xi32>
      tpu.vector_store_idx %arg10[%add3A_259, %broadcast_in_dim3A_370], %scan3A_365#2 : memref<256x128xf32, #tpu.memory_space<vmem>>[vector<16xi32>, vector<16xi32>], vector<16xf32>,
      %broadcast_in_dim3A_371 = arith.constant 11 : i32
      %broadcast_in_dim3A_372 = vector.broadcast %broadcast_in_dim3A_371 : i32 to vector<16xi32>
      tpu.vector_store_idx %arg10[%add3A_259, %broadcast_in_dim3A_372], %scan3A_365#1 : memref<256x128xf32, #tpu.memory_space<vmem>>[vector<16xi32>, vector<16xi32>], vector<16xf32>,
      %broadcast_in_dim3A_373 = arith.constant 22 : i32
      %broadcast_in_dim3A_374 = vector.broadcast %broadcast_in_dim3A_373 : i32 to vector<16xi32>
      tpu.vector_store_idx %arg10[%add3A_259, %broadcast_in_dim3A_374], %scan3A_365#3 : memref<256x128xf32, #tpu.memory_space<vmem>>[vector<16xi32>, vector<16xi32>], vector<16xf32>,
      %eq3A_375 = arith.constant 15 : i32
      %eq3A_376 = arith.cmpi eq, %add3A_217, %eq3A_375 : i32
      %convert_element_type3A_377 = arith.extui %eq3A_376 : i1 to i32
      %cond3A_378 = arith.constant 0 : i32
      %cond3A_379 = arith.cmpi ne, %convert_element_type3A_377, %cond3A_378 : i32
      scf.if %cond3A_379 {
        %mul3A_380 = arith.constant 512 : i32
        %mul3A_381 = arith.muli %add3A, %mul3A_380 : i32
        "tpu.region"() ({
          %run_scoped3A = tpu.sem_alloc : memref<!tpu.dma_semaphore, #tpu.memory_space<semaphore_mem>>
          %dma_start3A_382 = arith.constant 0 : i32
          %dma_start3A_383 = tpu.memref_slice %arg5[%mul3A_381, %dma_start3A_382] : memref<16384x128xf32, #tpu.memory_space<hbm>> -> memref<256x128xf32, #tpu.memory_space<hbm>>
          %dma_start3A_384 = arith.constant 0 : i32
          %dma_start3A_385 = tpu.memref_slice %arg5[%mul3A_381, %dma_start3A_384] : memref<16384x128xf32, #tpu.memory_space<hbm>> -> memref<256x128xf32, #tpu.memory_space<hbm>>
          tpu.enqueue_dma source(%arg10 : memref<256x128xf32, #tpu.memory_space<vmem>>) target(%dma_start3A_385 : memref<256x128xf32, #tpu.memory_space<hbm>>) target_semaphore(%run_scoped3A : memref<!tpu.dma_semaphore, #tpu.memory_space<semaphore_mem>>)
          %dma_wait3A_386 = arith.constant 0 : i32
          %dma_wait3A_387 = tpu.memref_slice %arg5[%mul3A_381, %dma_wait3A_386] : memref<16384x128xf32, #tpu.memory_space<hbm>> -> memref<256x128xf32, #tpu.memory_space<hbm>>
          %dma_wait3A_388 = arith.constant 0 : i32
          %dma_wait3A_389 = tpu.memref_slice %arg5[%mul3A_381, %dma_wait3A_388] : memref<16384x128xf32, #tpu.memory_space<hbm>> -> memref<256x128xf32, #tpu.memory_space<hbm>>
          tpu.wait_dma2 semaphore(%run_scoped3A : memref<!tpu.dma_semaphore, #tpu.memory_space<semaphore_mem>>) src(%arg10 : memref<256x128xf32, #tpu.memory_space<vmem>>) dst(%dma_wait3A_389 : memref<256x128xf32, #tpu.memory_space<hbm>>)
          tpu.yield
        }) : () -> ()
      } else {
      }
    }
    %scan3A_31 = arith.constant 16 : i32
    %mul3A_32 = arith.constant 512 : i32
    %mul3A_33 = arith.muli %add3A, %mul3A_32 : i32
    %add3A_34 = arith.constant 256 : i32
    %add3A_35 = arith.addi %mul3A_33, %add3A_34 : i32
    "tpu.region"() ({
      %run_scoped3A = tpu.sem_alloc : memref<!tpu.dma_semaphore, #tpu.memory_space<semaphore_mem>>
      %dma_start3A_36 = arith.constant 0 : i32
      %dma_start3A_37 = tpu.memref_slice %arg5[%add3A_35, %dma_start3A_36] : memref<16384x128xf32, #tpu.memory_space<hbm>> -> memref<256x128xf32, #tpu.memory_space<hbm>>
      %dma_start3A_38 = arith.constant 0 : i32
      %dma_start3A_39 = tpu.memref_slice %arg5[%add3A_35, %dma_start3A_38] : memref<16384x128xf32, #tpu.memory_space<hbm>> -> memref<256x128xf32, #tpu.memory_space<hbm>>
      tpu.enqueue_dma source(%arg10 : memref<256x128xf32, #tpu.memory_space<vmem>>) target(%dma_start3A_39 : memref<256x128xf32, #tpu.memory_space<hbm>>) target_semaphore(%run_scoped3A : memref<!tpu.dma_semaphore, #tpu.memory_space<semaphore_mem>>)
      %dma_wait3A = arith.constant 0 : i32
      %dma_wait3A_40 = tpu.memref_slice %arg5[%add3A_35, %dma_wait3A] : memref<16384x128xf32, #tpu.memory_space<hbm>> -> memref<256x128xf32, #tpu.memory_space<hbm>>
      %dma_wait3A_41 = arith.constant 0 : i32
      %dma_wait3A_42 = tpu.memref_slice %arg5[%add3A_35, %dma_wait3A_41] : memref<16384x128xf32, #tpu.memory_space<hbm>> -> memref<256x128xf32, #tpu.memory_space<hbm>>
      tpu.wait_dma2 semaphore(%run_scoped3A : memref<!tpu.dma_semaphore, #tpu.memory_space<semaphore_mem>>) src(%arg10 : memref<256x128xf32, #tpu.memory_space<vmem>>) dst(%dma_wait3A_42 : memref<256x128xf32, #tpu.memory_space<hbm>>)
      tpu.yield
    }) : () -> ()
    return
  }
}

module attributes {stable_mosaic.version = 14 : i64} {
  func.func @_tr_body(%arg0: i32, %arg1: memref<32x32768xf32, #tpu.memory_space<vmem>>, %arg2: memref<8192x128xf32, #tpu.memory_space<vmem>>) attributes {dimension_semantics = [#tpu.dimension_semantics<arbitrary>], iteration_bounds = array<i64: 31>, scalar_prefetch = 0 : i64, scratch_operands = 0 : i64, tpu.core_type = #tpu.core_type<tc>, window_params = [{transform_indices = @transform_0, window_bounds = array<i64: 32, 32768>}, {transform_indices = @transform_1, window_bounds = array<i64: 8192, 128>}]} {
    %get3A = arith.constant 0 : index
    %get3A_0 = arith.constant 0 : index
    %get3A_1 = vector.load %arg1[%get3A, %get3A_0] : memref<32x32768xf32, #tpu.memory_space<vmem>>, vector<32x32768xf32>
    %iota3A = tpu.iota {dimensions = array<i32: 0>} : vector<128x128xi32>
    %iota3A_2 = tpu.iota {dimensions = array<i32: 1>} : vector<128x128xi32>
    %eq3A = arith.cmpi eq, %iota3A, %iota3A_2 : vector<128x128xi32>
    %convert_element_type3A = arith.extui %eq3A : vector<128x128xi1> to vector<128x128xi32>
    %convert_element_type3A_3 = arith.sitofp %convert_element_type3A : vector<128x128xi32> to vector<128x128xf32>
    %slice3A = vector.extract_strided_slice %get3A_1 {offsets = [0, 0], sizes = [32, 512], strides = [1, 1]} : vector<32x32768xf32> to vector<32x512xf32>
    %slice3A_4 = vector.extract_strided_slice %get3A_1 {offsets = [0, 512], sizes = [32, 512], strides = [1, 1]} : vector<32x32768xf32> to vector<32x512xf32>
    %slice3A_5 = vector.extract_strided_slice %get3A_1 {offsets = [0, 1024], sizes = [32, 512], strides = [1, 1]} : vector<32x32768xf32> to vector<32x512xf32>
    %slice3A_6 = vector.extract_strided_slice %get3A_1 {offsets = [0, 1536], sizes = [32, 512], strides = [1, 1]} : vector<32x32768xf32> to vector<32x512xf32>
    %concatenate3A = tpu.concatenate %slice3A, %slice3A_4, %slice3A_5, %slice3A_6 in 0 : vector<32x512xf32>, vector<32x512xf32>, vector<32x512xf32>, vector<32x512xf32> -> vector<128x512xf32>
    %dot_general3A = arith.constant dense<0.000000e+00> : vector<512x128xf32>
    %dot_general3A_7 = tpu.matmul %concatenate3A, %convert_element_type3A_3, %dot_general3A {dimension_numbers = #tpu.dot_dimension_numbers<[0], [0], [1], [1], [0, 1, 1, 1], [], []>, transpose_lhs_hint = false} : vector<128x512xf32>, vector<128x128xf32>, vector<512x128xf32> -> vector<512x128xf32>
    %swap3A = arith.constant 0 : index
    %swap3A_8 = arith.constant 0 : index
    %swap3A_9 = vector.load %arg2[%swap3A, %swap3A_8] : memref<8192x128xf32, #tpu.memory_space<vmem>>, vector<512x128xf32>
    tpu.vector_store %arg2[%swap3A, %swap3A_8], %dot_general3A_7 {strides = array<i32>} : memref<8192x128xf32, #tpu.memory_space<vmem>>, vector<512x128xf32>,
    %slice3A_10 = vector.extract_strided_slice %get3A_1 {offsets = [0, 2048], sizes = [32, 512], strides = [1, 1]} : vector<32x32768xf32> to vector<32x512xf32>
    %slice3A_11 = vector.extract_strided_slice %get3A_1 {offsets = [0, 2560], sizes = [32, 512], strides = [1, 1]} : vector<32x32768xf32> to vector<32x512xf32>
    %slice3A_12 = vector.extract_strided_slice %get3A_1 {offsets = [0, 3072], sizes = [32, 512], strides = [1, 1]} : vector<32x32768xf32> to vector<32x512xf32>
    %slice3A_13 = vector.extract_strided_slice %get3A_1 {offsets = [0, 3584], sizes = [32, 512], strides = [1, 1]} : vector<32x32768xf32> to vector<32x512xf32>
    %concatenate3A_14 = tpu.concatenate %slice3A_10, %slice3A_11, %slice3A_12, %slice3A_13 in 0 : vector<32x512xf32>, vector<32x512xf32>, vector<32x512xf32>, vector<32x512xf32> -> vector<128x512xf32>
    %dot_general3A_15 = arith.constant dense<0.000000e+00> : vector<512x128xf32>
    %dot_general3A_16 = tpu.matmul %concatenate3A_14, %convert_element_type3A_3, %dot_general3A_15 {dimension_numbers = #tpu.dot_dimension_numbers<[0], [0], [1], [1], [0, 1, 1, 1], [], []>, transpose_lhs_hint = false} : vector<128x512xf32>, vector<128x128xf32>, vector<512x128xf32> -> vector<512x128xf32>
    %swap3A_17 = arith.constant 512 : index
    %swap3A_18 = arith.constant 0 : index
    %swap3A_19 = vector.load %arg2[%swap3A_17, %swap3A_18] : memref<8192x128xf32, #tpu.memory_space<vmem>>, vector<512x128xf32>
    tpu.vector_store %arg2[%swap3A_17, %swap3A_18], %dot_general3A_16 {strides = array<i32>} : memref<8192x128xf32, #tpu.memory_space<vmem>>, vector<512x128xf32>,
    %slice3A_20 = vector.extract_strided_slice %get3A_1 {offsets = [0, 4096], sizes = [32, 512], strides = [1, 1]} : vector<32x32768xf32> to vector<32x512xf32>
    %slice3A_21 = vector.extract_strided_slice %get3A_1 {offsets = [0, 4608], sizes = [32, 512], strides = [1, 1]} : vector<32x32768xf32> to vector<32x512xf32>
    %slice3A_22 = vector.extract_strided_slice %get3A_1 {offsets = [0, 5120], sizes = [32, 512], strides = [1, 1]} : vector<32x32768xf32> to vector<32x512xf32>
    %slice3A_23 = vector.extract_strided_slice %get3A_1 {offsets = [0, 5632], sizes = [32, 512], strides = [1, 1]} : vector<32x32768xf32> to vector<32x512xf32>
    %concatenate3A_24 = tpu.concatenate %slice3A_20, %slice3A_21, %slice3A_22, %slice3A_23 in 0 : vector<32x512xf32>, vector<32x512xf32>, vector<32x512xf32>, vector<32x512xf32> -> vector<128x512xf32>
    %dot_general3A_25 = arith.constant dense<0.000000e+00> : vector<512x128xf32>
    %dot_general3A_26 = tpu.matmul %concatenate3A_24, %convert_element_type3A_3, %dot_general3A_25 {dimension_numbers = #tpu.dot_dimension_numbers<[0], [0], [1], [1], [0, 1, 1, 1], [], []>, transpose_lhs_hint = false} : vector<128x512xf32>, vector<128x128xf32>, vector<512x128xf32> -> vector<512x128xf32>
    %swap3A_27 = arith.constant 1024 : index
    %swap3A_28 = arith.constant 0 : index
    %swap3A_29 = vector.load %arg2[%swap3A_27, %swap3A_28] : memref<8192x128xf32, #tpu.memory_space<vmem>>, vector<512x128xf32>
    tpu.vector_store %arg2[%swap3A_27, %swap3A_28], %dot_general3A_26 {strides = array<i32>} : memref<8192x128xf32, #tpu.memory_space<vmem>>, vector<512x128xf32>,
    %slice3A_30 = vector.extract_strided_slice %get3A_1 {offsets = [0, 6144], sizes = [32, 512], strides = [1, 1]} : vector<32x32768xf32> to vector<32x512xf32>
    %slice3A_31 = vector.extract_strided_slice %get3A_1 {offsets = [0, 6656], sizes = [32, 512], strides = [1, 1]} : vector<32x32768xf32> to vector<32x512xf32>
    %slice3A_32 = vector.extract_strided_slice %get3A_1 {offsets = [0, 7168], sizes = [32, 512], strides = [1, 1]} : vector<32x32768xf32> to vector<32x512xf32>
    %slice3A_33 = vector.extract_strided_slice %get3A_1 {offsets = [0, 7680], sizes = [32, 512], strides = [1, 1]} : vector<32x32768xf32> to vector<32x512xf32>
    %concatenate3A_34 = tpu.concatenate %slice3A_30, %slice3A_31, %slice3A_32, %slice3A_33 in 0 : vector<32x512xf32>, vector<32x512xf32>, vector<32x512xf32>, vector<32x512xf32> -> vector<128x512xf32>
    %dot_general3A_35 = arith.constant dense<0.000000e+00> : vector<512x128xf32>
    %dot_general3A_36 = tpu.matmul %concatenate3A_34, %convert_element_type3A_3, %dot_general3A_35 {dimension_numbers = #tpu.dot_dimension_numbers<[0], [0], [1], [1], [0, 1, 1, 1], [], []>, transpose_lhs_hint = false} : vector<128x512xf32>, vector<128x128xf32>, vector<512x128xf32> -> vector<512x128xf32>
    %swap3A_37 = arith.constant 1536 : index
    %swap3A_38 = arith.constant 0 : index
    %swap3A_39 = vector.load %arg2[%swap3A_37, %swap3A_38] : memref<8192x128xf32, #tpu.memory_space<vmem>>, vector<512x128xf32>
    tpu.vector_store %arg2[%swap3A_37, %swap3A_38], %dot_general3A_36 {strides = array<i32>} : memref<8192x128xf32, #tpu.memory_space<vmem>>, vector<512x128xf32>,
    %slice3A_40 = vector.extract_strided_slice %get3A_1 {offsets = [0, 8192], sizes = [32, 512], strides = [1, 1]} : vector<32x32768xf32> to vector<32x512xf32>
    %slice3A_41 = vector.extract_strided_slice %get3A_1 {offsets = [0, 8704], sizes = [32, 512], strides = [1, 1]} : vector<32x32768xf32> to vector<32x512xf32>
    %slice3A_42 = vector.extract_strided_slice %get3A_1 {offsets = [0, 9216], sizes = [32, 512], strides = [1, 1]} : vector<32x32768xf32> to vector<32x512xf32>
    %slice3A_43 = vector.extract_strided_slice %get3A_1 {offsets = [0, 9728], sizes = [32, 512], strides = [1, 1]} : vector<32x32768xf32> to vector<32x512xf32>
    %concatenate3A_44 = tpu.concatenate %slice3A_40, %slice3A_41, %slice3A_42, %slice3A_43 in 0 : vector<32x512xf32>, vector<32x512xf32>, vector<32x512xf32>, vector<32x512xf32> -> vector<128x512xf32>
    %dot_general3A_45 = arith.constant dense<0.000000e+00> : vector<512x128xf32>
    %dot_general3A_46 = tpu.matmul %concatenate3A_44, %convert_element_type3A_3, %dot_general3A_45 {dimension_numbers = #tpu.dot_dimension_numbers<[0], [0], [1], [1], [0, 1, 1, 1], [], []>, transpose_lhs_hint = false} : vector<128x512xf32>, vector<128x128xf32>, vector<512x128xf32> -> vector<512x128xf32>
    %swap3A_47 = arith.constant 2048 : index
    %swap3A_48 = arith.constant 0 : index
    %swap3A_49 = vector.load %arg2[%swap3A_47, %swap3A_48] : memref<8192x128xf32, #tpu.memory_space<vmem>>, vector<512x128xf32>
    tpu.vector_store %arg2[%swap3A_47, %swap3A_48], %dot_general3A_46 {strides = array<i32>} : memref<8192x128xf32, #tpu.memory_space<vmem>>, vector<512x128xf32>,
    %slice3A_50 = vector.extract_strided_slice %get3A_1 {offsets = [0, 10240], sizes = [32, 512], strides = [1, 1]} : vector<32x32768xf32> to vector<32x512xf32>
    %slice3A_51 = vector.extract_strided_slice %get3A_1 {offsets = [0, 10752], sizes = [32, 512], strides = [1, 1]} : vector<32x32768xf32> to vector<32x512xf32>
    %slice3A_52 = vector.extract_strided_slice %get3A_1 {offsets = [0, 11264], sizes = [32, 512], strides = [1, 1]} : vector<32x32768xf32> to vector<32x512xf32>
    %slice3A_53 = vector.extract_strided_slice %get3A_1 {offsets = [0, 11776], sizes = [32, 512], strides = [1, 1]} : vector<32x32768xf32> to vector<32x512xf32>
    %concatenate3A_54 = tpu.concatenate %slice3A_50, %slice3A_51, %slice3A_52, %slice3A_53 in 0 : vector<32x512xf32>, vector<32x512xf32>, vector<32x512xf32>, vector<32x512xf32> -> vector<128x512xf32>
    %dot_general3A_55 = arith.constant dense<0.000000e+00> : vector<512x128xf32>
    %dot_general3A_56 = tpu.matmul %concatenate3A_54, %convert_element_type3A_3, %dot_general3A_55 {dimension_numbers = #tpu.dot_dimension_numbers<[0], [0], [1], [1], [0, 1, 1, 1], [], []>, transpose_lhs_hint = false} : vector<128x512xf32>, vector<128x128xf32>, vector<512x128xf32> -> vector<512x128xf32>
    %swap3A_57 = arith.constant 2560 : index
    %swap3A_58 = arith.constant 0 : index
    %swap3A_59 = vector.load %arg2[%swap3A_57, %swap3A_58] : memref<8192x128xf32, #tpu.memory_space<vmem>>, vector<512x128xf32>
    tpu.vector_store %arg2[%swap3A_57, %swap3A_58], %dot_general3A_56 {strides = array<i32>} : memref<8192x128xf32, #tpu.memory_space<vmem>>, vector<512x128xf32>,
    %slice3A_60 = vector.extract_strided_slice %get3A_1 {offsets = [0, 12288], sizes = [32, 512], strides = [1, 1]} : vector<32x32768xf32> to vector<32x512xf32>
    %slice3A_61 = vector.extract_strided_slice %get3A_1 {offsets = [0, 12800], sizes = [32, 512], strides = [1, 1]} : vector<32x32768xf32> to vector<32x512xf32>
    %slice3A_62 = vector.extract_strided_slice %get3A_1 {offsets = [0, 13312], sizes = [32, 512], strides = [1, 1]} : vector<32x32768xf32> to vector<32x512xf32>
    %slice3A_63 = vector.extract_strided_slice %get3A_1 {offsets = [0, 13824], sizes = [32, 512], strides = [1, 1]} : vector<32x32768xf32> to vector<32x512xf32>
    %concatenate3A_64 = tpu.concatenate %slice3A_60, %slice3A_61, %slice3A_62, %slice3A_63 in 0 : vector<32x512xf32>, vector<32x512xf32>, vector<32x512xf32>, vector<32x512xf32> -> vector<128x512xf32>
    %dot_general3A_65 = arith.constant dense<0.000000e+00> : vector<512x128xf32>
    %dot_general3A_66 = tpu.matmul %concatenate3A_64, %convert_element_type3A_3, %dot_general3A_65 {dimension_numbers = #tpu.dot_dimension_numbers<[0], [0], [1], [1], [0, 1, 1, 1], [], []>, transpose_lhs_hint = false} : vector<128x512xf32>, vector<128x128xf32>, vector<512x128xf32> -> vector<512x128xf32>
    %swap3A_67 = arith.constant 3072 : index
    %swap3A_68 = arith.constant 0 : index
    %swap3A_69 = vector.load %arg2[%swap3A_67, %swap3A_68] : memref<8192x128xf32, #tpu.memory_space<vmem>>, vector<512x128xf32>
    tpu.vector_store %arg2[%swap3A_67, %swap3A_68], %dot_general3A_66 {strides = array<i32>} : memref<8192x128xf32, #tpu.memory_space<vmem>>, vector<512x128xf32>,
    %slice3A_70 = vector.extract_strided_slice %get3A_1 {offsets = [0, 14336], sizes = [32, 512], strides = [1, 1]} : vector<32x32768xf32> to vector<32x512xf32>
    %slice3A_71 = vector.extract_strided_slice %get3A_1 {offsets = [0, 14848], sizes = [32, 512], strides = [1, 1]} : vector<32x32768xf32> to vector<32x512xf32>
    %slice3A_72 = vector.extract_strided_slice %get3A_1 {offsets = [0, 15360], sizes = [32, 512], strides = [1, 1]} : vector<32x32768xf32> to vector<32x512xf32>
    %slice3A_73 = vector.extract_strided_slice %get3A_1 {offsets = [0, 15872], sizes = [32, 512], strides = [1, 1]} : vector<32x32768xf32> to vector<32x512xf32>
    %concatenate3A_74 = tpu.concatenate %slice3A_70, %slice3A_71, %slice3A_72, %slice3A_73 in 0 : vector<32x512xf32>, vector<32x512xf32>, vector<32x512xf32>, vector<32x512xf32> -> vector<128x512xf32>
    %dot_general3A_75 = arith.constant dense<0.000000e+00> : vector<512x128xf32>
    %dot_general3A_76 = tpu.matmul %concatenate3A_74, %convert_element_type3A_3, %dot_general3A_75 {dimension_numbers = #tpu.dot_dimension_numbers<[0], [0], [1], [1], [0, 1, 1, 1], [], []>, transpose_lhs_hint = false} : vector<128x512xf32>, vector<128x128xf32>, vector<512x128xf32> -> vector<512x128xf32>
    %swap3A_77 = arith.constant 3584 : index
    %swap3A_78 = arith.constant 0 : index
    %swap3A_79 = vector.load %arg2[%swap3A_77, %swap3A_78] : memref<8192x128xf32, #tpu.memory_space<vmem>>, vector<512x128xf32>
    tpu.vector_store %arg2[%swap3A_77, %swap3A_78], %dot_general3A_76 {strides = array<i32>} : memref<8192x128xf32, #tpu.memory_space<vmem>>, vector<512x128xf32>,
    %slice3A_80 = vector.extract_strided_slice %get3A_1 {offsets = [0, 16384], sizes = [32, 512], strides = [1, 1]} : vector<32x32768xf32> to vector<32x512xf32>
    %slice3A_81 = vector.extract_strided_slice %get3A_1 {offsets = [0, 16896], sizes = [32, 512], strides = [1, 1]} : vector<32x32768xf32> to vector<32x512xf32>
    %slice3A_82 = vector.extract_strided_slice %get3A_1 {offsets = [0, 17408], sizes = [32, 512], strides = [1, 1]} : vector<32x32768xf32> to vector<32x512xf32>
    %slice3A_83 = vector.extract_strided_slice %get3A_1 {offsets = [0, 17920], sizes = [32, 512], strides = [1, 1]} : vector<32x32768xf32> to vector<32x512xf32>
    %concatenate3A_84 = tpu.concatenate %slice3A_80, %slice3A_81, %slice3A_82, %slice3A_83 in 0 : vector<32x512xf32>, vector<32x512xf32>, vector<32x512xf32>, vector<32x512xf32> -> vector<128x512xf32>
    %dot_general3A_85 = arith.constant dense<0.000000e+00> : vector<512x128xf32>
    %dot_general3A_86 = tpu.matmul %concatenate3A_84, %convert_element_type3A_3, %dot_general3A_85 {dimension_numbers = #tpu.dot_dimension_numbers<[0], [0], [1], [1], [0, 1, 1, 1], [], []>, transpose_lhs_hint = false} : vector<128x512xf32>, vector<128x128xf32>, vector<512x128xf32> -> vector<512x128xf32>
    %swap3A_87 = arith.constant 4096 : index
    %swap3A_88 = arith.constant 0 : index
    %swap3A_89 = vector.load %arg2[%swap3A_87, %swap3A_88] : memref<8192x128xf32, #tpu.memory_space<vmem>>, vector<512x128xf32>
    tpu.vector_store %arg2[%swap3A_87, %swap3A_88], %dot_general3A_86 {strides = array<i32>} : memref<8192x128xf32, #tpu.memory_space<vmem>>, vector<512x128xf32>,
    %slice3A_90 = vector.extract_strided_slice %get3A_1 {offsets = [0, 18432], sizes = [32, 512], strides = [1, 1]} : vector<32x32768xf32> to vector<32x512xf32>
    %slice3A_91 = vector.extract_strided_slice %get3A_1 {offsets = [0, 18944], sizes = [32, 512], strides = [1, 1]} : vector<32x32768xf32> to vector<32x512xf32>
    %slice3A_92 = vector.extract_strided_slice %get3A_1 {offsets = [0, 19456], sizes = [32, 512], strides = [1, 1]} : vector<32x32768xf32> to vector<32x512xf32>
    %slice3A_93 = vector.extract_strided_slice %get3A_1 {offsets = [0, 19968], sizes = [32, 512], strides = [1, 1]} : vector<32x32768xf32> to vector<32x512xf32>
    %concatenate3A_94 = tpu.concatenate %slice3A_90, %slice3A_91, %slice3A_92, %slice3A_93 in 0 : vector<32x512xf32>, vector<32x512xf32>, vector<32x512xf32>, vector<32x512xf32> -> vector<128x512xf32>
    %dot_general3A_95 = arith.constant dense<0.000000e+00> : vector<512x128xf32>
    %dot_general3A_96 = tpu.matmul %concatenate3A_94, %convert_element_type3A_3, %dot_general3A_95 {dimension_numbers = #tpu.dot_dimension_numbers<[0], [0], [1], [1], [0, 1, 1, 1], [], []>, transpose_lhs_hint = false} : vector<128x512xf32>, vector<128x128xf32>, vector<512x128xf32> -> vector<512x128xf32>
    %swap3A_97 = arith.constant 4608 : index
    %swap3A_98 = arith.constant 0 : index
    %swap3A_99 = vector.load %arg2[%swap3A_97, %swap3A_98] : memref<8192x128xf32, #tpu.memory_space<vmem>>, vector<512x128xf32>
    tpu.vector_store %arg2[%swap3A_97, %swap3A_98], %dot_general3A_96 {strides = array<i32>} : memref<8192x128xf32, #tpu.memory_space<vmem>>, vector<512x128xf32>,
    %slice3A_100 = vector.extract_strided_slice %get3A_1 {offsets = [0, 20480], sizes = [32, 512], strides = [1, 1]} : vector<32x32768xf32> to vector<32x512xf32>
    %slice3A_101 = vector.extract_strided_slice %get3A_1 {offsets = [0, 20992], sizes = [32, 512], strides = [1, 1]} : vector<32x32768xf32> to vector<32x512xf32>
    %slice3A_102 = vector.extract_strided_slice %get3A_1 {offsets = [0, 21504], sizes = [32, 512], strides = [1, 1]} : vector<32x32768xf32> to vector<32x512xf32>
    %slice3A_103 = vector.extract_strided_slice %get3A_1 {offsets = [0, 22016], sizes = [32, 512], strides = [1, 1]} : vector<32x32768xf32> to vector<32x512xf32>
    %concatenate3A_104 = tpu.concatenate %slice3A_100, %slice3A_101, %slice3A_102, %slice3A_103 in 0 : vector<32x512xf32>, vector<32x512xf32>, vector<32x512xf32>, vector<32x512xf32> -> vector<128x512xf32>
    %dot_general3A_105 = arith.constant dense<0.000000e+00> : vector<512x128xf32>
    %dot_general3A_106 = tpu.matmul %concatenate3A_104, %convert_element_type3A_3, %dot_general3A_105 {dimension_numbers = #tpu.dot_dimension_numbers<[0], [0], [1], [1], [0, 1, 1, 1], [], []>, transpose_lhs_hint = false} : vector<128x512xf32>, vector<128x128xf32>, vector<512x128xf32> -> vector<512x128xf32>
    %swap3A_107 = arith.constant 5120 : index
    %swap3A_108 = arith.constant 0 : index
    %swap3A_109 = vector.load %arg2[%swap3A_107, %swap3A_108] : memref<8192x128xf32, #tpu.memory_space<vmem>>, vector<512x128xf32>
    tpu.vector_store %arg2[%swap3A_107, %swap3A_108], %dot_general3A_106 {strides = array<i32>} : memref<8192x128xf32, #tpu.memory_space<vmem>>, vector<512x128xf32>,
    %slice3A_110 = vector.extract_strided_slice %get3A_1 {offsets = [0, 22528], sizes = [32, 512], strides = [1, 1]} : vector<32x32768xf32> to vector<32x512xf32>
    %slice3A_111 = vector.extract_strided_slice %get3A_1 {offsets = [0, 23040], sizes = [32, 512], strides = [1, 1]} : vector<32x32768xf32> to vector<32x512xf32>
    %slice3A_112 = vector.extract_strided_slice %get3A_1 {offsets = [0, 23552], sizes = [32, 512], strides = [1, 1]} : vector<32x32768xf32> to vector<32x512xf32>
    %slice3A_113 = vector.extract_strided_slice %get3A_1 {offsets = [0, 24064], sizes = [32, 512], strides = [1, 1]} : vector<32x32768xf32> to vector<32x512xf32>
    %concatenate3A_114 = tpu.concatenate %slice3A_110, %slice3A_111, %slice3A_112, %slice3A_113 in 0 : vector<32x512xf32>, vector<32x512xf32>, vector<32x512xf32>, vector<32x512xf32> -> vector<128x512xf32>
    %dot_general3A_115 = arith.constant dense<0.000000e+00> : vector<512x128xf32>
    %dot_general3A_116 = tpu.matmul %concatenate3A_114, %convert_element_type3A_3, %dot_general3A_115 {dimension_numbers = #tpu.dot_dimension_numbers<[0], [0], [1], [1], [0, 1, 1, 1], [], []>, transpose_lhs_hint = false} : vector<128x512xf32>, vector<128x128xf32>, vector<512x128xf32> -> vector<512x128xf32>
    %swap3A_117 = arith.constant 5632 : index
    %swap3A_118 = arith.constant 0 : index
    %swap3A_119 = vector.load %arg2[%swap3A_117, %swap3A_118] : memref<8192x128xf32, #tpu.memory_space<vmem>>, vector<512x128xf32>
    tpu.vector_store %arg2[%swap3A_117, %swap3A_118], %dot_general3A_116 {strides = array<i32>} : memref<8192x128xf32, #tpu.memory_space<vmem>>, vector<512x128xf32>,
    %slice3A_120 = vector.extract_strided_slice %get3A_1 {offsets = [0, 24576], sizes = [32, 512], strides = [1, 1]} : vector<32x32768xf32> to vector<32x512xf32>
    %slice3A_121 = vector.extract_strided_slice %get3A_1 {offsets = [0, 25088], sizes = [32, 512], strides = [1, 1]} : vector<32x32768xf32> to vector<32x512xf32>
    %slice3A_122 = vector.extract_strided_slice %get3A_1 {offsets = [0, 25600], sizes = [32, 512], strides = [1, 1]} : vector<32x32768xf32> to vector<32x512xf32>
    %slice3A_123 = vector.extract_strided_slice %get3A_1 {offsets = [0, 26112], sizes = [32, 512], strides = [1, 1]} : vector<32x32768xf32> to vector<32x512xf32>
    %concatenate3A_124 = tpu.concatenate %slice3A_120, %slice3A_121, %slice3A_122, %slice3A_123 in 0 : vector<32x512xf32>, vector<32x512xf32>, vector<32x512xf32>, vector<32x512xf32> -> vector<128x512xf32>
    %dot_general3A_125 = arith.constant dense<0.000000e+00> : vector<512x128xf32>
    %dot_general3A_126 = tpu.matmul %concatenate3A_124, %convert_element_type3A_3, %dot_general3A_125 {dimension_numbers = #tpu.dot_dimension_numbers<[0], [0], [1], [1], [0, 1, 1, 1], [], []>, transpose_lhs_hint = false} : vector<128x512xf32>, vector<128x128xf32>, vector<512x128xf32> -> vector<512x128xf32>
    %swap3A_127 = arith.constant 6144 : index
    %swap3A_128 = arith.constant 0 : index
    %swap3A_129 = vector.load %arg2[%swap3A_127, %swap3A_128] : memref<8192x128xf32, #tpu.memory_space<vmem>>, vector<512x128xf32>
    tpu.vector_store %arg2[%swap3A_127, %swap3A_128], %dot_general3A_126 {strides = array<i32>} : memref<8192x128xf32, #tpu.memory_space<vmem>>, vector<512x128xf32>,
    %slice3A_130 = vector.extract_strided_slice %get3A_1 {offsets = [0, 26624], sizes = [32, 512], strides = [1, 1]} : vector<32x32768xf32> to vector<32x512xf32>
    %slice3A_131 = vector.extract_strided_slice %get3A_1 {offsets = [0, 27136], sizes = [32, 512], strides = [1, 1]} : vector<32x32768xf32> to vector<32x512xf32>
    %slice3A_132 = vector.extract_strided_slice %get3A_1 {offsets = [0, 27648], sizes = [32, 512], strides = [1, 1]} : vector<32x32768xf32> to vector<32x512xf32>
    %slice3A_133 = vector.extract_strided_slice %get3A_1 {offsets = [0, 28160], sizes = [32, 512], strides = [1, 1]} : vector<32x32768xf32> to vector<32x512xf32>
    %concatenate3A_134 = tpu.concatenate %slice3A_130, %slice3A_131, %slice3A_132, %slice3A_133 in 0 : vector<32x512xf32>, vector<32x512xf32>, vector<32x512xf32>, vector<32x512xf32> -> vector<128x512xf32>
    %dot_general3A_135 = arith.constant dense<0.000000e+00> : vector<512x128xf32>
    %dot_general3A_136 = tpu.matmul %concatenate3A_134, %convert_element_type3A_3, %dot_general3A_135 {dimension_numbers = #tpu.dot_dimension_numbers<[0], [0], [1], [1], [0, 1, 1, 1], [], []>, transpose_lhs_hint = false} : vector<128x512xf32>, vector<128x128xf32>, vector<512x128xf32> -> vector<512x128xf32>
    %swap3A_137 = arith.constant 6656 : index
    %swap3A_138 = arith.constant 0 : index
    %swap3A_139 = vector.load %arg2[%swap3A_137, %swap3A_138] : memref<8192x128xf32, #tpu.memory_space<vmem>>, vector<512x128xf32>
    tpu.vector_store %arg2[%swap3A_137, %swap3A_138], %dot_general3A_136 {strides = array<i32>} : memref<8192x128xf32, #tpu.memory_space<vmem>>, vector<512x128xf32>,
    %slice3A_140 = vector.extract_strided_slice %get3A_1 {offsets = [0, 28672], sizes = [32, 512], strides = [1, 1]} : vector<32x32768xf32> to vector<32x512xf32>
    %slice3A_141 = vector.extract_strided_slice %get3A_1 {offsets = [0, 29184], sizes = [32, 512], strides = [1, 1]} : vector<32x32768xf32> to vector<32x512xf32>
    %slice3A_142 = vector.extract_strided_slice %get3A_1 {offsets = [0, 29696], sizes = [32, 512], strides = [1, 1]} : vector<32x32768xf32> to vector<32x512xf32>
    %slice3A_143 = vector.extract_strided_slice %get3A_1 {offsets = [0, 30208], sizes = [32, 512], strides = [1, 1]} : vector<32x32768xf32> to vector<32x512xf32>
    %concatenate3A_144 = tpu.concatenate %slice3A_140, %slice3A_141, %slice3A_142, %slice3A_143 in 0 : vector<32x512xf32>, vector<32x512xf32>, vector<32x512xf32>, vector<32x512xf32> -> vector<128x512xf32>
    %dot_general3A_145 = arith.constant dense<0.000000e+00> : vector<512x128xf32>
    %dot_general3A_146 = tpu.matmul %concatenate3A_144, %convert_element_type3A_3, %dot_general3A_145 {dimension_numbers = #tpu.dot_dimension_numbers<[0], [0], [1], [1], [0, 1, 1, 1], [], []>, transpose_lhs_hint = false} : vector<128x512xf32>, vector<128x128xf32>, vector<512x128xf32> -> vector<512x128xf32>
    %swap3A_147 = arith.constant 7168 : index
    %swap3A_148 = arith.constant 0 : index
    %swap3A_149 = vector.load %arg2[%swap3A_147, %swap3A_148] : memref<8192x128xf32, #tpu.memory_space<vmem>>, vector<512x128xf32>
    tpu.vector_store %arg2[%swap3A_147, %swap3A_148], %dot_general3A_146 {strides = array<i32>} : memref<8192x128xf32, #tpu.memory_space<vmem>>, vector<512x128xf32>,
    %slice3A_150 = vector.extract_strided_slice %get3A_1 {offsets = [0, 30720], sizes = [32, 512], strides = [1, 1]} : vector<32x32768xf32> to vector<32x512xf32>
    %slice3A_151 = vector.extract_strided_slice %get3A_1 {offsets = [0, 31232], sizes = [32, 512], strides = [1, 1]} : vector<32x32768xf32> to vector<32x512xf32>
    %slice3A_152 = vector.extract_strided_slice %get3A_1 {offsets = [0, 31744], sizes = [32, 512], strides = [1, 1]} : vector<32x32768xf32> to vector<32x512xf32>
    %slice3A_153 = vector.extract_strided_slice %get3A_1 {offsets = [0, 32256], sizes = [32, 512], strides = [1, 1]} : vector<32x32768xf32> to vector<32x512xf32>
    %concatenate3A_154 = tpu.concatenate %slice3A_150, %slice3A_151, %slice3A_152, %slice3A_153 in 0 : vector<32x512xf32>, vector<32x512xf32>, vector<32x512xf32>, vector<32x512xf32> -> vector<128x512xf32>
    %dot_general3A_155 = arith.constant dense<0.000000e+00> : vector<512x128xf32>
    %dot_general3A_156 = tpu.matmul %concatenate3A_154, %convert_element_type3A_3, %dot_general3A_155 {dimension_numbers = #tpu.dot_dimension_numbers<[0], [0], [1], [1], [0, 1, 1, 1], [], []>, transpose_lhs_hint = false} : vector<128x512xf32>, vector<128x128xf32>, vector<512x128xf32> -> vector<512x128xf32>
    %swap3A_157 = arith.constant 7680 : index
    %swap3A_158 = arith.constant 0 : index
    %swap3A_159 = vector.load %arg2[%swap3A_157, %swap3A_158] : memref<8192x128xf32, #tpu.memory_space<vmem>>, vector<512x128xf32>
    tpu.vector_store %arg2[%swap3A_157, %swap3A_158], %dot_general3A_156 {strides = array<i32>} : memref<8192x128xf32, #tpu.memory_space<vmem>>, vector<512x128xf32>,
    return
  }
  func.func @transform_0(%arg0: i32) -> (i32, i32) {
    %c0_i32 = arith.constant 0 : i32
    %c0_i32_0 = arith.constant 0 : i32
    return %c0_i32, %arg0 : i32, i32
  }
  func.func @transform_1(%arg0: i32) -> (i32, i32) {
    %c0_i32 = arith.constant 0 : i32
    %c0_i32_0 = arith.constant 0 : i32
    return %arg0, %c0_i32 : i32, i32
  }
}

module attributes {stable_mosaic.version = 14 : i64} {
  func.func @_finish_body(%arg0: i32, %arg1: memref<2048x128xf32, #tpu.memory_space<vmem>>, %arg2: memref<2048x1xf32, #tpu.memory_space<vmem>>, %arg3: memref<2048x10xf32, #tpu.memory_space<vmem>>) attributes {dimension_semantics = [#tpu.dimension_semantics<arbitrary>], iteration_bounds = array<i64: 8>, scalar_prefetch = 0 : i64, scratch_operands = 0 : i64, tpu.core_type = #tpu.core_type<tc>, window_params = [{transform_indices = @transform_0, window_bounds = array<i64: 2048, 128>}, {transform_indices = @transform_1, window_bounds = array<i64: 2048, 1>}, {transform_indices = @transform_2, window_bounds = array<i64: 2048, 10>}]} {
    %get3A = arith.constant 0 : index
    %get3A_0 = arith.constant 0 : index
    %get3A_1 = vector.load %arg1[%get3A, %get3A_0] : memref<2048x128xf32, #tpu.memory_space<vmem>>, vector<2048x128xf32>
    %slice3A = vector.extract_strided_slice %get3A_1 {offsets = [0, 0], sizes = [2048, 1], strides = [1, 1]} : vector<2048x128xf32> to vector<2048x1xf32>
    %slice3A_2 = vector.extract_strided_slice %get3A_1 {offsets = [0, 1], sizes = [2048, 11], strides = [1, 1]} : vector<2048x128xf32> to vector<2048x11xf32>
    %slice3A_3 = vector.extract_strided_slice %get3A_1 {offsets = [0, 12], sizes = [2048, 11], strides = [1, 1]} : vector<2048x128xf32> to vector<2048x11xf32>
    %jit3A = arith.constant 0.000000e+00 : f32
    %jit3A_4 = arith.constant 0.999989986 : f32
    %max3A = vector.broadcast %jit3A : f32 to vector<2048x1xf32>
    %max3A_5 = arith.maximumf %max3A, %slice3A : vector<2048x1xf32>
    %min3A = vector.broadcast %jit3A_4 : f32 to vector<2048x1xf32>
    %min3A_6 = arith.minimumf %min3A, %max3A_5 : vector<2048x1xf32>
    %sub3A = arith.constant 1.000000e+00 : f32
    %sub3A_7 = vector.broadcast %sub3A : f32 to vector<2048x1xf32>
    %sub3A_8 = arith.subf %sub3A_7, %min3A_6 : vector<2048x1xf32>
    %jit3A_9 = arith.constant 0.000000e+00 : f32
    %jit3A_10 = arith.constant 0.999989986 : f32
    %max3A_11 = vector.broadcast %jit3A_9 : f32 to vector<2048x11xf32>
    %max3A_12 = arith.maximumf %max3A_11, %slice3A_2 : vector<2048x11xf32>
    %min3A_13 = vector.broadcast %jit3A_10 : f32 to vector<2048x11xf32>
    %min3A_14 = arith.minimumf %min3A_13, %max3A_12 : vector<2048x11xf32>
    %sub3A_15 = arith.constant 1.000000e+00 : f32
    %sub3A_16 = vector.broadcast %sub3A_15 : f32 to vector<2048x11xf32>
    %sub3A_17 = arith.subf %sub3A_16, %min3A_14 : vector<2048x11xf32>
    %add3A = arith.constant 9.99999974E-6 : f32
    %add3A_18 = vector.broadcast %add3A : f32 to vector<2048x11xf32>
    %add3A_19 = arith.addf %slice3A_3, %add3A_18 : vector<2048x11xf32>
    %sqrt3A = math.sqrt %add3A_19 : vector<2048x11xf32>
    %mul3A = arith.constant 2.000000e+00 : f32
    %mul3A_20 = vector.broadcast %mul3A : f32 to vector<2048x11xf32>
    %mul3A_21 = arith.mulf %mul3A_20, %sqrt3A : vector<2048x11xf32>
    %mul3A_22 = vector.broadcast %sub3A_8 : vector<2048x1xf32> to vector<2048x11xf32>
    %mul3A_23 = arith.mulf %mul3A_22, %sub3A_17 : vector<2048x11xf32>
    %div3A = arith.divf %mul3A_21, %mul3A_23 : vector<2048x11xf32>
    %add3A_24 = arith.constant 1.000000e+00 : f32
    %add3A_25 = vector.broadcast %add3A_24 : f32 to vector<2048x11xf32>
    %add3A_26 = arith.addf %add3A_25, %div3A : vector<2048x11xf32>
    %sub3A_27 = arith.constant 1.000000e+00 : f32
    %sub3A_28 = vector.broadcast %sub3A_27 : f32 to vector<2048x11xf32>
    %sub3A_29 = arith.subf %add3A_26, %sub3A_28 : vector<2048x11xf32>
    %add3A_30 = arith.constant 1.000000e+00 : f32
    %add3A_31 = vector.broadcast %add3A_30 : f32 to vector<2048x11xf32>
    %add3A_32 = arith.addf %add3A_26, %add3A_31 : vector<2048x11xf32>
    %mul3A_33 = arith.mulf %sub3A_29, %add3A_32 : vector<2048x11xf32>
    %sqrt3A_34 = math.sqrt %mul3A_33 : vector<2048x11xf32>
    %add3A_35 = arith.addf %add3A_26, %sqrt3A_34 : vector<2048x11xf32>
    %log3A = math.log %add3A_35 : vector<2048x11xf32>
    %slice3A_36 = vector.extract_strided_slice %log3A {offsets = [0, 0], sizes = [2048, 1], strides = [1, 1]} : vector<2048x11xf32> to vector<2048x1xf32>
    %swap3A = arith.constant 0 : index
    %swap3A_37 = arith.constant 0 : index
    %swap3A_38 = vector.load %arg2[%swap3A, %swap3A_37] : memref<2048x1xf32, #tpu.memory_space<vmem>>, vector<2048x1xf32>
    tpu.vector_store %arg2[%swap3A, %swap3A_37], %slice3A_36 {strides = array<i32>} : memref<2048x1xf32, #tpu.memory_space<vmem>>, vector<2048x1xf32>,
    %slice3A_39 = vector.extract_strided_slice %log3A {offsets = [0, 1], sizes = [2048, 10], strides = [1, 1]} : vector<2048x11xf32> to vector<2048x10xf32>
    %swap3A_40 = arith.constant 0 : index
    %swap3A_41 = arith.constant 0 : index
    %swap3A_42 = vector.load %arg3[%swap3A_40, %swap3A_41] : memref<2048x10xf32, #tpu.memory_space<vmem>>, vector<2048x10xf32>
    tpu.vector_store %arg3[%swap3A_40, %swap3A_41], %slice3A_39 {strides = array<i32>} : memref<2048x10xf32, #tpu.memory_space<vmem>>, vector<2048x10xf32>,
    return
  }
  func.func @transform_0(%arg0: i32) -> (i32, i32) {
    %c0_i32 = arith.constant 0 : i32
    %c0_i32_0 = arith.constant 0 : i32
    return %arg0, %c0_i32 : i32, i32
  }
  func.func @transform_1(%arg0: i32) -> (i32, i32) {
    %c0_i32 = arith.constant 0 : i32
    %c0_i32_0 = arith.constant 0 : i32
    return %arg0, %c0_i32 : i32, i32
  }
  func.func @transform_2(%arg0: i32) -> (i32, i32) {
    %c0_i32 = arith.constant 0 : i32
    %c0_i32_0 = arith.constant 0 : i32
    return %arg0, %c0_i32 : i32, i32
  }
}

</mosaic_0001>

<sc_bundles>
// kernel: kernel.5.cloned.1.call-start
scs
__scs_entry_jumppad:
0x0: {  	(pc) =	sbr.rel $0x88, $3  }
0x1: {  	(tag) =	ssettag $0x0;
	lr =	simm.s32 $0x1  }
0x2: {  	[smem:$0x3F9F] =	sst lr;
	_ =	strace $0xD0000000  }
0x3: {  	_ = 	snop  }
0x4: {  	_ = 	snop  }
0x5: {  	_ = 	snop  }
0x6: {  	_ = 	snop  }
0x7: {  	_ = 	snop  }
__scs_overlays_trampoline_lowered:
0x8: {  	[smem:$0x3FAE] =	sst s0  }
0x9: {  	[smem:$0x3FAF] =	sst s1  }
0xa: {  	[smem:$0x3FB0] =	sst s2  }
0xb: {  	[smem:$0x3FB1] =	sst s3  }
0xc: {  	[smem:$0x3FB2] =	sst s4  }
0xd: {  	[smem:$0x3FB3] =	sst s5  }
0xe: {  	[smem:$0x3FB4] =	sst s6  }
0xf: {  	[smem:$0x3FB5] =	sst s7  }
0x10: {  	[smem:$0x3FB6] =	sst s8  }
0x11: {  	[smem:$0x3FB7] =	sst s9;
	s0 =	simm.s32 @!p0 $0x0  }
0x12: {  	s1 =	sld [smem:$0x3F9D];
	s0 =	simm.s32 @p0 $0x1  }
0x13: {  	[smem:$0x3FB8] =	sst s0;
	s0 =	simm.s32 @!p1 $0x0  }
0x14: {  	s2 =	sld [smem:$0x3F9C];
	s0 =	simm.s32 @p1 $0x1  }
0x15: {  	[smem:$0x3FB9] =	sst s0;
	s0 =	simm.s32 @!p2 $0x0  }
0x16: {  	s3 =	sld [smem:$0x3FDB];
	s0 =	simm.s32 @p2 $0x1  }
0x17: {  	s4 =	simm.s32 $0x1BF5;
	[smem:$0x3FBB] =	sst s0  }
0x18: {  	s0 =	sld [smem:$0x3F9E];
	_ =	swait.ge [sflag:s4], $0x0  }
0x19: {  	s7 =	sld [smem:$0x3F9F]  }
0x1a: {  	s8 =	sadd.s32 $0xFFFFE003, lr  }
0x1b: {  	s9 =	sadd.s32 $0xFFFFFEF7, lr;
	s5 =	simm.s32 $0xFFFFFFFF;
	p2 =	slt.u32 s8, $0xFFFFF086  }
0x1c: {  	p1 =	slt.u32 s9, $0xF7A;
	s5 =	simm.s32 @!p2 $0x0  }
0x1d: {  	s5 =	simm.s32 @p1 $0x1;
	p0 =	seq.s32 s7, s2  }
0x1e: {  	s7 =	smul.u32 @!p0 $0xF7A, s2;
	p2 =	seq.s32 @!p0 s5, $0x0  }
0x1f: {  	s9 =	smul.u32 $0xF7A, s1;
	s8 =	simm.s32 @!p0 $0x1BF5;
	p2 =	por !p2, p0  }
0x20: {  	[sflag:s8] =	ssyncset.s32 @!p0 $0xFFFFF086;
	s6 =	sadd.s32 @!p0 s3, s7;
	s7 =	simm.s32 @!p0 $0x108  }
0x21: {  	s3 =	sadd.s32 s3, s9;
	s6 =	sadd.s32 @!p0 $0x88, s6;
	s7 =	simm.s32 @p2 $0x1082  }
0x22: {  	[simem:s7], [sflag:s8] =	dma.local @!p0 [hbm:s6], $0xF7A  }
0x23: {  	s9 =	sor.u32 $0xD0000000, s2;
	s6 =	simm.s32 $0x108;
	_ =	swait.ge @!p0 [sflag:s8], $0x0  }
0x24: {  	s3 =	sadd.s32 $0x88, s3;
	s6 =	simm.s32 @!p1 $0x1082;
	[sflag:s4] =	ssyncset.s32 $0xFFFFF086  }
0x25: {  	[simem:s6], [sflag:s4] =	dma.local [hbm:s3], $0xF7A  }
0x26: {  	[smem:$0x3F9F] =	sst s1;
	(tag) =	ssettag s2;
	_ =	strace s9  }
0x27: {  	s1 =	sld [smem:$0x3FAF]  }
0x28: {  	s2 =	sld [smem:$0x3FB0]  }
0x29: {  	s4 =	sld [smem:$0x3FB2]  }
0x2a: {  	p0 =	seq.s32 s5, $0x0;
	s5 =	sld [smem:$0x3FB3]  }
0x2b: {  	s6 =	sld [smem:$0x3FB4]  }
0x2c: {  	s7 =	sld [smem:$0x3FB5]  }
0x2d: {  	s3 =	simm.s32 $0x108;
	s8 =	sld [smem:$0x3FB6]  }
0x2e: {  	s3 =	simm.s32 @!p0 $0x1082;
	s9 =	sld [smem:$0x3FB7]  }
0x2f: {  	lr =	sadd.s32 s0, s3;
	s0 =	sld [smem:$0x3FAE]  }
0x30: {  	s3 =	sld [smem:$0x3FB1]  }
0x31: {  	[smem:$0x3FBA] =	sst s10  }
0x32: {  	s10 =	sld [smem:$0x3FB8];
	_ =	sdelay $0x3  }
0x33: {  	p0 =	seq.s32 s10, $0x1;
	s10 =	sld [smem:$0x3FBA];
	_ =	sdelay $0x3  }
0x34: {  	[smem:$0x3FBA] =	sst s10  }
0x35: {  	s10 =	sld [smem:$0x3FB9];
	_ =	sdelay $0x3  }
0x36: {  	p1 =	seq.s32 s10, $0x1;
	s10 =	sld [smem:$0x3FBA];
	_ =	sdelay $0x3  }
0x37: {  	[smem:$0x3FBA] =	sst s10  }
0x38: {  	s10 =	sld [smem:$0x3FBB]  }
0x39: {  	_ = 	snop;
	(pc) =	sbr.ind lr, $3  }
0x3a: {  	_ = 	snop  }
0x3b: {  	_ = 	snop  }
0x3c: {  	p2 =	seq.s32 s10, $0x1;
	s10 =	sld [smem:$0x3FBA]  }
0x3d: {  	_ =	shalt  }
0x3e: {  	_ =	shalt  }
0x3f: {  	_ =	shalt  }
0x40: {  	_ =	shalt  }
0x41: {  	_ =	shalt  }
0x42: {  	_ =	shalt  }
0x43: {  	_ =	shalt  }
0x44: {  	_ =	shalt  }
0x45: {  	_ =	shalt  }
0x46: {  	_ =	shalt  }
0x47: {  	_ =	shalt  }
0x48: {  	_ =	shalt  }
0x49: {  	_ =	shalt  }
0x4a: {  	_ =	shalt  }
0x4b: {  	_ =	shalt  }
0x4c: {  	_ =	shalt  }
0x4d: {  	_ =	shalt  }
0x4e: {  	_ =	shalt  }
0x4f: {  	_ =	shalt  }
0x50: {  	_ =	shalt  }
0x51: {  	_ =	shalt  }
0x52: {  	_ =	shalt  }
0x53: {  	_ =	shalt  }
0x54: {  	_ =	shalt  }
0x55: {  	_ =	shalt  }
0x56: {  	_ =	shalt  }
0x57: {  	_ =	shalt  }
0x58: {  	_ =	shalt  }
0x59: {  	_ =	shalt  }
0x5a: {  	_ =	shalt  }
0x5b: {  	_ =	shalt  }
0x5c: {  	_ =	shalt  }
0x5d: {  	_ =	shalt  }
0x5e: {  	_ =	shalt  }
0x5f: {  	_ =	shalt  }
0x60: {  	_ =	shalt  }
0x61: {  	_ =	shalt  }
0x62: {  	_ =	shalt  }
0x63: {  	_ =	shalt  }
0x64: {  	_ =	shalt  }
0x65: {  	_ =	shalt  }
0x66: {  	_ =	shalt  }
0x67: {  	_ =	shalt  }
0x68: {  	_ =	shalt  }
0x69: {  	_ =	shalt  }
0x6a: {  	_ =	shalt  }
0x6b: {  	_ =	shalt  }
0x6c: {  	_ =	shalt  }
0x6d: {  	_ =	shalt  }
0x6e: {  	_ =	shalt  }
0x6f: {  	_ =	shalt  }
0x70: {  	_ =	shalt  }
0x71: {  	_ =	shalt  }
0x72: {  	_ =	shalt  }
0x73: {  	_ =	shalt  }
0x74: {  	_ =	shalt  }
0x75: {  	_ =	shalt  }
0x76: {  	_ =	shalt  }
0x77: {  	_ =	shalt  }
0x78: {  	_ =	shalt  }
0x79: {  	_ =	shalt  }
0x7a: {  	_ =	shalt  }
0x7b: {  	_ =	shalt  }
0x7c: {  	_ =	shalt  }
0x7d: {  	_ =	shalt  }
0x7e: {  	_ =	shalt  }
0x7f: {  	_ =	shalt  }
0x80: {  	_ =	shalt  }
0x81: {  	_ =	shalt  }
0x82: {  	_ =	shalt  }
0x83: {  	_ =	shalt  }
0x84: {  	_ =	shalt  }
0x85: {  	_ =	shalt  }
0x86: {  	_ =	shalt  }
0x87: {  	_ =	shalt  }
.Lfunc_end0:
.L_simem_size_0:
called_computation_lowered:
.L_overlay_start_0:
0x88: {  	s2 =	sld [smem:$0x3FD9]  }
0x89: {  	s3 =	sld [smem:$0x3FFE];
	_ =	sdelay $0x1  }
0x8a: {  	s1 =	srdreg.scid  }
0x8b: {  	s0 =	sand.u32 $0x1, s1  }
0x8c: {  	s14 =	sshll.u32 s0, $0xA;
	s2 =	sadd.s32 s3, s2  }
0x8d: {  	s2 =	sadd.s32 s2, s14  }
0x8e: {  	[smem:$0x3FC6] =	sst s2  }
0x8f: {  	_ = 	snop  }
0x90: {  	s2 =	sld [smem:$0x3FD0];
	_ =	sdelay $0x2  }
0x91: {  	s15 =	simm.s32 $0xA;
	s4 =	simm.s32 $0x10  }
0x92: {  	[smem:s4], [sflag:s15] =	dma.local [hbm:s2], $0x1  }
0x93: {  	_ =	swait.eq [sflag:s15], $0x1  }
0x94: {  	[sflag:s15] =	ssyncset.done $0x0  }
0x95: {  	[sflag:s15] =	ssyncadd.s32 $0xFFFFFFFF  }
0x96: {  	s16 =	sld [smem:$0x11];
	(tm) =	ssettm $0x1  }
0x97: {  	s17 =	sld [smem:$0x3FFB];
	_ =	sdelay $0x3  }
0x98: {  	_ =	strace s17  }
0x99: {  	s3 =	sld [smem:$0x3FFC];
	_ =	sdelay $0x3  }
0x9a: {  	_ =	strace s3  }
0x9b: {  	s3 =	sld [smem:$0x3FFD];
	_ =	sdelay $0x3  }
0x9c: {  	_ =	strace s3  }
0x9d: {  	_ =	strace $0x8FFFFFFF  }
0x9e: {  	s18 =	sld [smem:$0x3FDB];
	_ =	sdelay $0x1  }
0x9f: {  	s19 =	simm.s32 $_scs_section_size  }
0xa0: {  	s5 =	simm.s32 $_size__tile_overlayer_lowered;
	s6 =	simm.s32 $_tile_overlayer_lowered  }
0xa1: {  	s22 =	simm.s32 $0x1BFF;
	s21 =	sshll.u32 s6, $0x1;
	s3 =	sadd.s32 s19, s18  }
0xa2: {  	s7 =	simm.s32 $0x0;
	s20 =	sshll.u32 s5, $0x1;
	s5 =	sadd.s32 s21, s3  }
0xa3: {  	[timem:s7], [sflag:s22] =	dma.local [hbm:s5], s20  }
0xa4: {  	_ =	swait.ge [sflag:s22], s20  }
0xa5: {  	s4 =	ssub.s32 $0x0, s20;
	[sflag:s22] =	ssyncset.done $0x0  }
0xa6: {  	[sflag:s22] =	ssyncadd.s32 s4;
	_ =	sdelay $0x1  }
0xa7: {  	s23 =	simm.s32 $0x1B8B  }
0xa8: {  	_ =	swait.ge [sflag:s23], $0x1  }
0xa9: {  	[sflag:s23] =	ssyncset.done $0x0  }
0xaa: {  	s25 =	simm.s32 $0x1B8E;
	s24 =	sld [smem:$0x3FFE];
	[sflag:s23] =	ssyncadd.s32 $0xFFFFFFFF  }
0xab: {  	s26 =	simm.s32 $execute0_lowered;
	[smem:$0x3FD2] =	sst s25  }
0xac: {  	s5 =	sshll.u32 s26, $0x1;
	_ =	strace $0x80000046;
	[dreg:$0x1] =	wrdreg $0xFFFFFFFF  }
0xad: {  	s28 =	simm.s32 $_size_execute0_lowered;
	s3 =	sadd.s32 s3, s5;
	[dreg:$0x0] =	wrdreg $0x0  }
0xae: {  	s5 =	sshll.u32 s28, $0x1;
	[dreg:$0x2] =	wrdreg s3  }
0xaf: {  	[dreg:$0x3] =	wrdreg s5  }
0xb0: {  	[dreg:$0x4] =	wrdreg $0xC0  }
0xb1: {  	_ =	task [dreg:s7], $0x5FFFF  }
0xb2: {  	[dreg:$0x1] =	wrdreg $0xFFFFFFFF  }
0xb3: {  	[dreg:$0x0] =	wrdreg $0x60  }
0xb4: {  	[dreg:$0x2] =	wrdreg s16  }
0xb5: {  	[dreg:$0x3] =	wrdreg s24  }
0xb6: {  	[dreg:$0x4] =	wrdreg $0x9  }
0xb7: {  	_ =	task.clear_ibuf [dreg:s7], $0x5FFFF;
	_ =	strace $0x90000046  }
0xb8: {  	s29 =	simm.s32 $0x9;
	_ =	strace $0x80000048  }
0xb9: {  	_ =	swait.ge [sflag:s29], $0x1  }
0xba: {  	[sflag:s29] =	ssyncadd.s32 $0xFFFFFFFF  }
0xbb: {  	_ =	strace $0x90000048  }
0xbc: {  	_ =	sfence  }
0xbd: {  	s30 =	sld [smem:$0x0];
	_ =	sdelay $0x2  }
0xbe: {  	s31 =	sshll.u32 s1, $0xD;
	s1 =	sshrl.u32 s1, $0x2  }
0xbf: {  	s3 =	sand.u32 $0x4000, s31;
	s1 =	sadd.s32 s1, s30  }
0xc0: {  	s0 =	sor.u32 s3, s0;
	s1 =	sshll.u32 s1, $0x11  }
0xc1: {  	s0 =	sor.u32 s1, s0  }
0xc2: {  	s0 =	sadd.s32 $0x8F2B, s0  }
0xc3: {  	[sflag:s0] =	ssyncadd.remote.s32 $0x1  }
0xc4: {  	_ =	sfence.sel $0xFFFF  }
0xc5: {  	[dreg:$0x0] =	wrdreg $0xFFFFFFFF;
	(pc) =	sbr.abs _section_cstart, $3  }
0xc6: {  	[dreg:$0x1] =	wrdreg $0xFFFFFFFF  }
0xc7: {  	_ =	task.clear_ibuf [dreg:s7], $0x2FFFF;
	_ =	strace $0x9FFFFFFF  }
0xc8: {  	(tm) =	ssettm $0x7FFFFFFF  }
0xc9: {  	_ =	shalt  }
tec
execute0_lowered:
.L_overlay_start_1:
0x0: {  	(tag) =	ssettag $0x1  }
0x1: {  	s5 =	rddreg [dreg:$0x0]  }
0x2: {  	s4 =	rddreg [dreg:$0x1];
	s2 =	simm.s32 $0x0;
	v0 =	vlaneseq.u32  }
0x3: {  	s1 =	srdreg.scid;
	[smem:$0x7FF] =	sst s2;
	v1 =	vmul.u32 $0xC, v0;
	v2 =	vand.u32 $0x1, v0  }
0x4: {  	s3 =	sand.u32 $0x1, s1;
	s1 =	rddreg [dreg:$0x2];
	_ =	strace $0x80000047;
	[tilespmem:$0x1FF40] =	vst v2  }
0x5: {  	v3 =	vor.u32 $0x1, v1;
	[tilespmem:$0x1FF80] =	vst v1  }
0x6: {  	v62 =	vor.u32 $0x2, v1;
	[tilespmem:$0x1FF50] =	vst v3  }
0x7: {  	s0 =	stileid.u32;
	s12 =	simm.s32 $0x3000;
	s13 =	simm.s32 $0x6000;
	v7 =	vmul.u32 $0x600, v0;
	v2 =	vmul.u32 $0x4, v2;
	v63 =	vor.u32 $0x3, v1;
	[tilespmem:$0x1FF70] =	vst v62  }
0x8: {  	s14 =	simm.s32 $0x9000;
	s15 =	simm.s32 $0xC000;
	s16 =	simm.s32 $0x1;
	[tilespmem:$0x1FF90] =	vst v63  }
0x9: {  	s17 =	simm.s32 $0xF000;
	s18 =	simm.s32 $0x2;
	s31 =	sshll.u32 s0, $0x1;
	v21 =	vor.u32 $0x80, v7;
	[tilespmem:$0x1FFA0] =	vst v2  }
0xa: {  	s19 =	simm.s32 $0x0;
	s6 =	sor.u32 s3, s31;
	s9 =	ssub.s32 $0x2, s3;
	v27 =	vor.u32 $0x100, v7;
	[tilespmem:$0x1FFD0] =	vst v21  }
0xb: {  	s7 =	smul.u32 $0x300, s6;
	s6 =	sshll.u32 s6, $0xD;
	s10 =	sshrl.u32 s9, $0x1;
	v46 =	vor.u32 $0x180, v7;
	[tilespmem:$0x1FFE0] =	vst v27  }
0xc: {  	s3 =	sadd.s32 $0x6800, s4;
	s11 =	sadd.s32 s6, s4;
	s9 =	ssub.s32 s9, s10;
	v61 =	vor.u32 $0x1, v2;
	[tilespmem:$0x1FFF0] =	vst v46  }
0xd: {  	s10 =	simm.s32 $0x1800;
	v42 =	vor.u32 $0x2, v2;
	s8 =	sadd.s32 s7, s4;
	s5 =	sadd.s32 s5, s7;
	[tilespmem:$0x1FF60] =	vst v61  }
0xe: {  	v43 =	vor.u32 $0x3, v2;
	s6 =	sadd.s32 $0x3E6800, s11;
	s7 =	sadd.s32 $0x3E7800, s11;
	s11 =	simm.s32 $0x60;
	[tilespmem:$0x1FFB0] =	vst v42  }
0xf: {  	[tilespmem:$0x1FFC0] =	vst v43;
	s4 =	sadd.s32 $0x800, s8;
	s8 =	smax.u32 s9, $0x1;
	s9 =	simm.s32 $0x3  }
.LBB2_1:
0x10: {  	[tilespmem:s2], [sflag:$0x3] =	stream.linear.gather [hbm4b:s5+s2], $0x1800, $0x38;
	[tilespmem:$0x17000] =	vst v63  }
0x11: {  	_ =	swait.ge [sflag:s9], $0x1800  }
0x12: {  	[sflag:s9] =	ssyncset.done $0x0  }
0x13: {  	[sflag:s9] =	ssyncadd.s32 $0xFFFFE800  }
0x14: {  	[tilespmem:s10], [sflag:$0x3] =	stream.linear.gather [hbm4b:s4+s2], $0x1800, $0x38;
	[tilespmem:$0x17000] =	vst v63  }
0x15: {  	_ =	swait.ge [sflag:s9], $0x1800  }
0x16: {  	[sflag:s9] =	ssyncset.done $0x0  }
0x17: {  	[sflag:s9] =	ssyncadd.s32 $0xFFFFE800  }
0x18: {  	[tilespmem:s12], [sflag:$0x1] =	stream.indirect.gather [hbm4b:s3+s11], $0x80, s2, s11, $0xb8;
	[tilespmem:$0x17000] =	vst v63  }
0x19: {  	s20 =	simm.s32 $0x0  }
0x1a: {  	[tilespmem:s13], [sflag:$0x1] =	stream.indirect.gather [hbm4b:s3+s11], $0x80, s11, s11, $0xb8;
	[tilespmem:$0x17000] =	vst v63  }
.LBB2_2:
0x1b: {  	s21 =	sshllo.u32 s20, $0x1  }
0x1c: {  	s22 =	smul.u32 $0xC0, s21;
	_ =	sdelay $0x1  }
0x1d: {  	[tilespmem:s14], [sflag:$0x2] =	stream.indirect.gather [hbm4b:s3+s11], $0x80, s22, s11, $0xb8;
	[tilespmem:$0x17000] =	vst v63  }
0x1e: {  	s24 =	sadd.s32 $0x60, s22  }
0x1f: {  	[tilespmem:s15], [sflag:$0x2] =	stream.indirect.gather [hbm4b:s3+s11], $0x80, s24, s11, $0xb8;
	[tilespmem:$0x17000] =	vst v63  }
0x20: {  	v0 =	vld [tilespmem:$0x1FF80];
	_ =	swait.ge [sflag:s16], $0x3000  }
0x21: {  	v1 =	vld [tilespmem:$0x1FF50]  }
0x22: {  	v2 =	vld [tilespmem:$0x1FFA0]  }
0x23: {  	s23 =	smul.u32 $0x180, s20  }
0x24: {  	v3 =	vld [tilespmem:$0x1FF60]  }
0x25: {  	v0 =	vadd.s32 s23, v0  }
0x26: {  	v0 =	vand.u32 $0x3FF8, v0  }
0x27: {  	[sflag:s16] =	ssyncset.done $0x0;
	v1 =	vadd.s32 s23, v1;
	v0 =	vor.u32 v2, v0  }
0x28: {  	[sflag:s16] =	ssyncadd.s32 $0xFFFFD000;
	v2 =	vld [tilespmem:$0x1FF70];
	v1 =	vand.u32 $0x3FF8, v1  }
0x29: {  	v1 =	vor.u32 v3, v1;
	v3 =	vld [tilespmem:$0x1FF90];
	_ =	swait.ge [sflag:s16], $0x3000  }
0x2a: {  	[sflag:s16] =	ssyncset.done $0x0  }
0x2b: {  	[sflag:s16] =	ssyncadd.s32 $0xFFFFD000  }
0x2c: {  	v35 =	vld.idx.msk [tilespmem:v0+s10+$0x0], $0xffff  }
0x2d: {  	v2 =	vadd.s32 s23, v2  }
0x2e: {  	v2 =	vand.u32 $0x3FF8, v2  }
0x2f: {  	v3 =	vadd.s32 s23, v3;
	v2 =	vor.u32 v42, v2  }
0x30: {  	s31 =	simm.s32 $0x6;
	v14 =	vld.idx.msk [tilespmem:v1+s10+$0x0], $0xffff;
	v1 =	vmov s23;
	v3 =	vand.u32 $0x3FF8, v3  }
0x31: {  	s25 =	simm.s32 $0x5;
	s26 =	simm.s32 $0x4;
	s28 =	simm.s32 $0x3;
	v3 =	vor.u32 v43, v3;
	v0 =	vand.u32 $0x7, v35;
	v4 =	vadd.s32 s31, v35  }
0x32: {  	s29 =	simm.s32 $0x2;
	v8 =	vadd.s32 s25, v35;
	v13 =	vadd.s32 s26, v35;
	v20 =	vadd.s32 s28, v35  }
0x33: {  	v25 =	vadd.s32 s29, v35;
	v41 =	vor.u32 v7, v0;
	v4 =	vadd.s32 v7, v4  }
0x34: {  	v8 =	vadd.s32 v7, v8;
	v13 =	vadd.s32 v7, v13;
	v37 =	vadd.s32 v7, v25;
	v15 =	vld.idx.msk [tilespmem:v2+s10+$0x0], $0xffff  }
0x35: {  	v0 =	vand.u32 $0x7, v14;
	v5 =	vadd.s32 s31, v14;
	v9 =	vadd.s32 s25, v14  }
0x36: {  	v17 =	vadd.s32 s26, v14;
	v22 =	vadd.s32 s28, v14;
	v26 =	vadd.s32 s29, v14  }
0x37: {  	s30 =	simm.s32 $0x7;
	v63 =	vor.u32 v21, v0;
	v0 =	vimm.f32 $0.0e+00;
	v5 =	vadd.s32 v21, v5  }
0x38: {  	v9 =	vadd.s32 v21, v9;
	v17 =	vadd.s32 v21, v17;
	[tilespmem:$0x1FE90] =	vst v0;
	v0 =	vadd.s32 s30, v35  }
0x39: {  	[tilespmem:$0x1FE80] =	vst v1;
	v16 =	vld.idx.msk [tilespmem:v3+s10+$0x0], $0xffff;
	v0 =	vadd.s32 v7, v0;
	v1 =	vand.u32 $0x7, v15;
	v6 =	vadd.s32 s31, v15  }
0x3a: {  	v11 =	vadd.s32 s25, v15;
	v18 =	vadd.s32 s26, v15;
	v23 =	vadd.s32 s28, v15  }
0x3b: {  	v57 =	vld.idx.msk [tilespmem:v4+s12+$0x0], $0xffff;
	v4 =	vadd.s32 s29, v15;
	v47 =	vor.u32 v27, v1;
	v1 =	vadd.s32 s30, v14  }
0x3c: {  	v38 =	vld.idx.msk [tilespmem:v8+s12+$0x0], $0xffff;
	v6 =	vadd.s32 v27, v6;
	v11 =	vadd.s32 v27, v11;
	v18 =	vadd.s32 v27, v18  }
0x3d: {  	v39 =	vld.idx.msk [tilespmem:v9+s12+$0x0], $0xffff;
	v9 =	vadd.s32 v7, v20;
	v20 =	vadd.s32 v21, v22;
	v25 =	vadd.s32 v27, v23  }
0x3e: {  	v13 =	vld.idx.msk [tilespmem:v13+s12+$0x0], $0xffff;
	v22 =	vadd.s32 v21, v26;
	v2 =	vand.u32 $0x7, v16;
	v3 =	vadd.s32 s30, v16  }
0x3f: {  	v56 =	vld.idx.msk [tilespmem:v37+s12+$0x0], $0xffff;
	v1 =	vadd.s32 v21, v1;
	v10 =	vadd.s32 s31, v16;
	v12 =	vadd.s32 s25, v16  }
0x40: {  	v5 =	vld.idx.msk [tilespmem:v5+s12+$0x0], $0xffff;
	v19 =	vadd.s32 s26, v16;
	v24 =	vadd.s32 s28, v16;
	v28 =	vadd.s32 s29, v16  }
0x41: {  	v17 =	vld.idx.msk [tilespmem:v17+s12+$0x0], $0xffff;
	s31 =	simm.s32 $0x0;
	v50 =	vor.u32 v46, v2;
	v2 =	vadd.s32 s30, v15;
	v3 =	vadd.s32 v46, v3  }
0x42: {  	v0 =	vld.idx.msk [tilespmem:v0+s12+$0x0], $0xffff;
	v10 =	vadd.s32 v46, v10;
	v12 =	vadd.s32 v46, v12;
	v32 =	vadd.s32 s31, v14  }
0x43: {  	v8 =	vadd.s32 s31, v15;
	v33 =	vadd.s32 s31, v16;
	v19 =	vadd.s32 v46, v19;
	v34 =	vld.idx.msk [tilespmem:v6+s12+$0x0], $0xffff  }
0x44: {  	s30 =	simm.s32 $0x1;
	v40 =	vadd.s32 v46, v24;
	v24 =	vadd.s32 v27, v4;
	v23 =	vadd.s32 v46, v28;
	v11 =	vld.idx.msk [tilespmem:v11+s12+$0x0], $0xffff  }
0x45: {  	v2 =	vadd.s32 v27, v2;
	v29 =	vadd.s32 s30, v35;
	v30 =	vadd.s32 s30, v14;
	v18 =	vld.idx.msk [tilespmem:v18+s12+$0x0], $0xffff  }
0x46: {  	v31 =	vadd.s32 s30, v16;
	v54 =	vmul.f32 v13, v13;
	v58 =	vadd.s32 v21, v30;
	v48 =	vld.idx.msk [tilespmem:v9+s12+$0x0], $0xffff  }
0x47: {  	[tilespmem:$0x1FEA0] =	vst v41;
	v26 =	vmovc v21;
	v49 =	vadd.s32 v46, v31;
	v21 =	vimm.f32 $0.0e+00;
	v6 =	vadd.s32 s30, v15;
	v20 =	vld.idx.msk [tilespmem:v20+s12+$0x0], $0xffff  }
0x48: {  	v9 =	vmul.f32 v39, v39;
	v55 =	vmul.f32 v17, v17;
	v60 =	vsub.f32 v13, v17;
	v1 =	vld.idx.msk [tilespmem:v1+s12+$0x0], $0xffff  }
0x49: {  	[tilespmem:$0x1FF10] =	vst v21;
	v21 =	vimm.f32 $0.0e+00;
	v52 =	vadd.s32 v27, v6;
	v6 =	vand.u32 $0xFFFFFFF8, v32;
	v36 =	vld.idx.msk [tilespmem:v10+s12+$0x0], $0xffff  }
0x4a: {  	[tilespmem:$0x1FEC0] =	vst v47;
	v10 =	vadd.s32 s31, v35;
	v44 =	vld.idx.msk [tilespmem:v12+s12+$0x0], $0xffff;
	v12 =	vadd.s32 v7, v29;
	v45 =	vadd.s32 v63, v6  }
0x4b: {  	[tilespmem:$0x1FEF0] =	vst v50;
	v3 =	vld.idx.msk [tilespmem:v3+s12+$0x0], $0xffff;
	v43 =	vmul.f32 v0, v0;
	v6 =	vmul.f32 v57, v57;
	v4 =	vand.u32 $0xFFFFFFF8, v10  }
0x4c: {  	[tilespmem:$0x1FF20] =	vst v21;
	v19 =	vld.idx.msk [tilespmem:v19+s12+$0x0], $0xffff;
	v41 =	vadd.s32 v41, v4;
	v4 =	vand.u32 $0xFFFFFFF8, v8;
	v8 =	vand.u32 $0xFFFFFFF8, v33  }
0x4d: {  	v62 =	vld.idx.msk [tilespmem:v40+s12+$0x0], $0xffff;
	v10 =	vmul.f32 v38, v38;
	v53 =	vadd.s32 v47, v4;
	v51 =	vadd.s32 v50, v8  }
0x4e: {  	v2 =	vld.idx.msk [tilespmem:v2+s12+$0x0], $0xffff;
	v8 =	vmul.f32 v34, v34;
	v33 =	vmul.f32 v11, v11;
	v50 =	vsub.f32 v57, v5  }
0x4f: {  	v47 =	vld.idx.msk [tilespmem:v25+s12+$0x0], $0xffff;
	v34 =	vsub.f32 v57, v34;
	v40 =	vmul.f32 v18, v18;
	v59 =	vmul.f32 v48, v48  }
0x50: {  	v28 =	vmovc v46;
	v21 =	vimm.f32 $0.0e+00;
	v61 =	vsub.f32 v48, v20;
	v42 =	vmul.f32 v1, v1;
	[tilespmem:$0x1FF00] =	vst v8;
	v29 =	vld.idx.msk [tilespmem:v45+s12+$0x0], $0xffff  }
0x51: {  	v25 =	vmul.f32 v36, v36;
	v8 =	vsub.f32 v0, v1;
	v37 =	vsub.f32 v57, v36;
	v57 =	vld.idx.msk [tilespmem:v12+s12+$0x0], $0xffff  }
0x52: {  	v32 =	vmul.f32 v44, v44;
	v31 =	vsub.f32 v0, v3;
	v1 =	vsub.f32 v38, v39;
	v12 =	vld.idx.msk [tilespmem:v58+s12+$0x0], $0xffff  }
0x53: {  	v58 =	vmul.f32 v20, v20;
	v45 =	vsub.f32 v13, v18;
	v20 =	vmul.f32 v56, v56;
	v46 =	vld.idx.msk [tilespmem:v41+s12+$0x0], $0xffff  }
0x54: {  	v39 =	vimm.f32 $0.0e+00;
	v4 =	vmul.f32 v2, v2;
	v30 =	vsub.f32 v0, v2  }
0x55: {  	[tilespmem:$0x1FEB0] =	vst v63;
	v0 =	vsub.f32 v38, v11;
	v2 =	vsub.f32 v38, v44;
	v38 =	vimm.f32 $0.0e+00  }
0x56: {  	v41 =	vmul.f32 v19, v19;
	[tilespmem:$0x1FED0] =	vst v4;
	v4 =	vmul.f32 v3, v3;
	v3 =	vsub.f32 v13, v19  }
0x57: {  	v44 =	vmul.f32 v47, v47;
	v47 =	vsub.f32 v48, v47;
	v48 =	vsub.f32 v48, v62;
	v13 =	vld.idx.msk [tilespmem:v24+s12+$0x0], $0xffff  }
0x58: {  	[tilespmem:$0x1FEE0] =	vst v4;
	v4 =	vmul.f32 v5, v5;
	v5 =	vmul.f32 v62, v62;
	v11 =	vsub.f32 v46, v29  }
0x59: {  	v63 =	vmul.f32 v57, v57;
	v62 =	vld.idx.msk [tilespmem:v22+s12+$0x0], $0xffff;
	v17 =	vmul.f32 v29, v29;
	v19 =	vsub.f32 v57, v12  }
0x5a: {  	s24 =	simm.s32 $0xF;
	[tilespmem:$0x1FF30] =	vst v21;
	v36 =	vmul.f32 v46, v46;
	v29 =	vimm.f32 $0.0e+00;
	v18 =	vmul.f32 v11, v11;
	v11 =	vld.idx.msk [tilespmem:v23+s12+$0x0], $0xffff  }
.LBB2_3:
0x5b: {  	v21 =	vld [tilespmem:$0x1FE90];
	_ =	sdelay $0x4  }
0x5c: {  	v12 =	vmul.f32 v12, v12;
	v17 =	vadd.f32 v17, v38;
	v21 =	vadd.f32 v36, v21  }
0x5d: {  	v18 =	vadd.f32 v18, v39;
	v19 =	vmul.f32 v19, v19;
	v36 =	vld.idx.msk [tilespmem:v52+s12+$0x0], $0xffff;
	v52 =	vsub.f32 v56, v62  }
0x5e: {  	v12 =	vadd.f32 v12, v17;
	v21 =	vadd.f32 v63, v21  }
0x5f: {  	v17 =	vadd.f32 v19, v18;
	v63 =	vmul.f32 v62, v62;
	v18 =	vmul.f32 v52, v52  }
0x60: {  	v20 =	vadd.f32 v20, v21  }
0x61: {  	v12 =	vadd.f32 v63, v12;
	v17 =	vadd.f32 v18, v17;
	v18 =	vmul.f32 v61, v61  }
0x62: {  	v20 =	vadd.f32 v59, v20  }
0x63: {  	v38 =	vld.idx.msk [tilespmem:v49+s12+$0x0], $0xffff;
	v12 =	vadd.f32 v58, v12;
	v17 =	vadd.f32 v18, v17;
	v18 =	vmul.f32 v60, v60  }
0x64: {  	v19 =	vld.idx.msk [tilespmem:v53+s12+$0x0], $0xffff;
	v20 =	vadd.f32 v54, v20  }
0x65: {  	v1 =	vmul.f32 v1, v1;
	v21 =	vld.idx.msk [tilespmem:v51+s12+$0x0], $0xffff;
	v12 =	vadd.f32 v55, v12;
	v17 =	vadd.f32 v18, v17  }
0x66: {  	v10 =	vadd.f32 v10, v20  }
0x67: {  	v9 =	vadd.f32 v9, v12;
	v1 =	vadd.f32 v1, v17;
	v12 =	vmul.f32 v50, v50  }
0x68: {  	v8 =	vmul.f32 v8, v8;
	v62 =	vsub.f32 v57, v38  }
0x69: {  	v6 =	vadd.f32 v6, v10;
	v10 =	vmul.f32 v19, v19;
	v1 =	vadd.f32 v12, v1  }
0x6a: {  	v17 =	vsub.f32 v46, v21;
	v4 =	vadd.f32 v4, v9  }
0x6b: {  	v39 =	vadd.f32 v8, v1;
	v1 =	vadd.f32 v10, v29;
	v10 =	vld [tilespmem:$0x1FF30]  }
0x6c: {  	v63 =	vmul.f32 v38, v38;
	v6 =	vadd.f32 v43, v6;
	v38 =	vadd.f32 v42, v4;
	v4 =	vld [tilespmem:$0x1FF10]  }
0x6d: {  	v3 =	vmul.f32 v3, v3;
	v18 =	vsub.f32 v46, v19  }
0x6e: {  	v0 =	vmul.f32 v0, v0;
	[tilespmem:$0x1FE90] =	vst v6;
	v6 =	vmul.f32 v17, v17  }
0x6f: {  	v2 =	vmul.f32 v2, v2;
	v61 =	vsub.f32 v57, v36;
	v9 =	vmul.f32 v18, v18  }
0x70: {  	v52 =	vsub.f32 v56, v11;
	v6 =	vadd.f32 v6, v10;
	v10 =	vmul.f32 v62, v62  }
0x71: {  	v36 =	vmul.f32 v36, v36;
	v8 =	vmul.f32 v61, v61;
	v4 =	vadd.f32 v9, v4  }
0x72: {  	v49 =	vsub.f32 v56, v13;
	v9 =	vld [tilespmem:$0x1FF20];
	v6 =	vadd.f32 v10, v6;
	v10 =	vmul.f32 v52, v52  }
0x73: {  	v13 =	vmul.f32 v13, v13;
	v1 =	vadd.f32 v36, v1;
	v4 =	vadd.f32 v8, v4  }
0x74: {  	v8 =	vmul.f32 v49, v49;
	v6 =	vadd.f32 v10, v6;
	v10 =	vmul.f32 v48, v48  }
0x75: {  	v11 =	vmul.f32 v11, v11;
	v12 =	vmul.f32 v21, v21;
	v1 =	vadd.f32 v13, v1  }
0x76: {  	s28 =	sadd.s32 $0xFFFFFFFC, s24;
	v4 =	vadd.f32 v8, v4;
	v8 =	vmul.f32 v47, v47;
	v6 =	vadd.f32 v10, v6  }
0x77: {  	v20 =	vadd.s32 s28, v35;
	v1 =	vadd.f32 v44, v1;
	v9 =	vadd.f32 v12, v9  }
0x78: {  	s31 =	sadd.s32 $0xFFFFFFFD, s24;
	v4 =	vadd.f32 v8, v4;
	v8 =	vmul.f32 v45, v45;
	v3 =	vadd.f32 v3, v6;
	v6 =	vld [tilespmem:$0x1FF00]  }
0x79: {  	v18 =	vadd.s32 s31, v15;
	v19 =	vadd.s32 s31, v16;
	v1 =	vadd.f32 v40, v1  }
0x7a: {  	v18 =	vadd.s32 v27, v18;
	v9 =	vadd.f32 v63, v9;
	v4 =	vadd.f32 v8, v4;
	v8 =	vld [tilespmem:$0x1FED0]  }
0x7b: {  	v19 =	vadd.s32 v28, v19;
	v17 =	vadd.s32 s31, v14;
	v1 =	vadd.f32 v33, v1  }
0x7c: {  	v17 =	vadd.s32 v26, v17;
	v13 =	vadd.s32 s31, v35;
	v9 =	vadd.f32 v11, v9  }
0x7d: {  	s26 =	sadd.s32 $0xFFFFFFFE, s24;
	v0 =	vadd.f32 v0, v4;
	v4 =	vmul.f32 v34, v34;
	v1 =	vadd.f32 v6, v1  }
0x7e: {  	v13 =	vadd.s32 v7, v13;
	v12 =	vadd.s32 s26, v16;
	v5 =	vadd.f32 v5, v9  }
0x7f: {  	s25 =	sadd.s32 $0xFFFFFFFF, s24;
	v0 =	vadd.f32 v4, v0;
	v4 =	vmul.f32 v30, v30;
	v1 =	vadd.f32 v8, v1  }
0x80: {  	v18 =	vld.idx.msk [tilespmem:v18+s12+$0x0], $0xffff;
	v10 =	vadd.s32 s25, v16;
	v12 =	vadd.s32 v28, v12;
	v5 =	vadd.f32 v41, v5  }
0x81: {  	v10 =	vadd.s32 v28, v10;
	v0 =	vadd.f32 v4, v0;
	v4 =	vadd.s32 s25, v35;
	[tilespmem:$0x1FE70] =	vst v1;
	v1 =	vld [tilespmem:$0x1FEE0]  }
0x82: {  	v19 =	vld.idx.msk [tilespmem:v19+s12+$0x0], $0xffff;
	v11 =	vadd.s32 s26, v15;
	v5 =	vadd.f32 v32, v5;
	v4 =	vadd.s32 v7, v4  }
0x83: {  	v17 =	vld.idx.msk [tilespmem:v17+s12+$0x0], $0xffff;
	v2 =	vadd.f32 v2, v3;
	v3 =	vmul.f32 v37, v37;
	v9 =	vadd.s32 s26, v14  }
0x84: {  	v63 =	vld.idx.msk [tilespmem:v13+s12+$0x0], $0xffff;
	v11 =	vadd.s32 v27, v11;
	v9 =	vadd.s32 v26, v9;
	v5 =	vadd.f32 v25, v5  }
0x85: {  	v47 =	vld.idx.msk [tilespmem:v12+s12+$0x0], $0xffff;
	v2 =	vadd.f32 v3, v2;
	v3 =	vmul.f32 v31, v31;
	v8 =	vadd.s32 s26, v35  }
0x86: {  	s29 =	sadd.s32 $0xFFFFFFFB, s24;
	s31 =	sadd.s32 $0xFFFFFFF9, s24;
	v41 =	vld.idx.msk [tilespmem:v10+s12+$0x0], $0xffff;
	[tilespmem:$0x1FF10] =	vst v0;
	v0 =	vadd.s32 s24, v14;
	v8 =	vadd.s32 v7, v8;
	v1 =	vadd.f32 v1, v5  }
0x87: {  	v10 =	vadd.s32 s31, v35;
	v0 =	vadd.s32 v26, v0;
	v36 =	vld.idx.msk [tilespmem:v4+s12+$0x0], $0xffff;
	v4 =	vadd.s32 s29, v15  }
0x88: {  	v61 =	vadd.s32 v27, v4;
	v4 =	vand.u32 $0xFFFFFFF8, v10;
	v10 =	vld [tilespmem:$0x1FEA0];
	[tilespmem:$0x1FF20] =	vst v1;
	v1 =	vadd.f32 v3, v2  }
0x89: {  	v22 =	vadd.s32 s28, v14;
	v6 =	vadd.s32 s24, v35;
	v45 =	vld.idx.msk [tilespmem:v9+s12+$0x0], $0xffff;
	v9 =	vadd.s32 v7, v20  }
0x8a: {  	v11 =	vld.idx.msk [tilespmem:v11+s12+$0x0], $0xffff;
	v20 =	vadd.s32 v26, v22;
	[tilespmem:$0x1FF30] =	vst v1;
	v1 =	vadd.s32 v7, v6;
	v6 =	vadd.s32 s25, v15  }
0x8b: {  	v44 =	vld.idx.msk [tilespmem:v8+s12+$0x0], $0xffff;
	v2 =	vadd.s32 s24, v15;
	v6 =	vadd.s32 v27, v6  }
0x8c: {  	v23 =	vadd.s32 s28, v15;
	v31 =	vadd.s32 s29, v16;
	v0 =	vld.idx.msk [tilespmem:v0+s12+$0x0], $0xffff;
	v2 =	vadd.s32 v27, v2  }
0x8d: {  	v21 =	vadd.s32 v28, v31;
	v25 =	vadd.s32 s29, v35;
	v31 =	vadd.s32 v10, v4;
	v10 =	vld [tilespmem:$0x1FEB0]  }
0x8e: {  	v59 =	vadd.s32 v7, v25;
	v25 =	vadd.s32 v27, v23;
	v22 =	vld.idx.msk [tilespmem:v9+s12+$0x0], $0xffff;
	v3 =	vadd.s32 s24, v16  }
0x8f: {  	s30 =	sadd.s32 $0xFFFFFFFA, s24;
	v24 =	vadd.s32 s28, v16;
	v20 =	vld.idx.msk [tilespmem:v20+s12+$0x0], $0xffff;
	v3 =	vadd.s32 v28, v3  }
0x90: {  	v24 =	vadd.s32 v28, v24;
	v57 =	vadd.s32 s31, v14;
	v34 =	vld.idx.msk [tilespmem:v6+s12+$0x0], $0xffff;
	v6 =	vadd.s32 s30, v15  }
0x91: {  	v5 =	vadd.s32 s25, v14;
	v2 =	vld.idx.msk [tilespmem:v2+s12+$0x0], $0xffff;
	v52 =	vadd.s32 v27, v6;
	v6 =	vand.u32 $0xFFFFFFF8, v57  }
0x92: {  	v5 =	vadd.s32 v26, v5;
	v62 =	vadd.s32 v10, v6;
	v6 =	vld [tilespmem:$0x1FEC0]  }
0x93: {  	v56 =	vadd.s32 s30, v16;
	v54 =	vadd.s32 s30, v35;
	v23 =	vld.idx.msk [tilespmem:v25+s12+$0x0], $0xffff  }
0x94: {  	v55 =	vadd.s32 s30, v14;
	v49 =	vadd.s32 v28, v56;
	v12 =	vadd.s32 v7, v54;
	v3 =	vld.idx.msk [tilespmem:v3+s12+$0x0], $0xffff  }
0x95: {  	v40 =	vmul.f32 v18, v18;
	v13 =	vadd.s32 v26, v55;
	v8 =	vadd.s32 s31, v15;
	v25 =	vld.idx.msk [tilespmem:v24+s12+$0x0], $0xffff  }
0x96: {  	v55 =	vmul.f32 v17, v17;
	v30 =	vadd.s32 s29, v14;
	v56 =	vld.idx.msk [tilespmem:v59+s12+$0x0], $0xffff;
	v4 =	vand.u32 $0xFFFFFFF8, v8  }
0x97: {  	v54 =	vmul.f32 v63, v63;
	v5 =	vld.idx.msk [tilespmem:v5+s12+$0x0], $0xffff;
	v53 =	vadd.s32 v6, v4;
	v4 =	vmul.f32 v2, v2  }
0x98: {  	v60 =	vsub.f32 v63, v17;
	v48 =	vadd.s32 v26, v30;
	v32 =	vmul.f32 v47, v47;
	v1 =	vld.idx.msk [tilespmem:v1+s12+$0x0], $0xffff  }
0x99: {  	v58 =	vadd.s32 s31, v16;
	v29 =	vmul.f32 v41, v41;
	v57 =	vld.idx.msk [tilespmem:v12+s12+$0x0], $0xffff;
	[tilespmem:$0x1FED0] =	vst v4;
	v4 =	vmul.f32 v3, v3  }
0x9a: {  	v33 =	vmul.f32 v11, v11;
	v9 =	vmul.f32 v45, v45;
	v37 =	vsub.f32 v36, v41;
	v12 =	vld.idx.msk [tilespmem:v13+s12+$0x0], $0xffff  }
0x9b: {  	v41 =	vmul.f32 v19, v19;
	v8 =	vand.u32 $0xFFFFFFF8, v58;
	v42 =	vmul.f32 v0, v0;
	[tilespmem:$0x1FEE0] =	vst v4;
	v4 =	vld [tilespmem:$0x1FEF0]  }
0x9c: {  	v59 =	vmul.f32 v22, v22;
	v58 =	vmul.f32 v20, v20;
	v50 =	vsub.f32 v36, v5;
	v24 =	vld.idx.msk [tilespmem:v62+s12+$0x0], $0xffff  }
0x9d: {  	v13 =	vld.idx.msk [tilespmem:v61+s12+$0x0], $0xffff;
	v61 =	vsub.f32 v22, v20;
	v20 =	vmul.f32 v56, v56;
	v10 =	vmul.f32 v44, v44  }
0x9e: {  	v46 =	vld.idx.msk [tilespmem:v31+s12+$0x0], $0xffff;
	v43 =	vmul.f32 v1, v1;
	v30 =	vsub.f32 v1, v2;
	v31 =	vsub.f32 v1, v3  }
0x9f: {  	v6 =	vmul.f32 v36, v36;
	v2 =	vsub.f32 v44, v47;
	v47 =	vsub.f32 v22, v23  }
0xa0: {  	p0 =	sne.s32 s24, $0x1F;
	v62 =	vld.idx.msk [tilespmem:v48+s12+$0x0], $0xffff;
	v48 =	vsub.f32 v22, v25;
	v51 =	vadd.s32 v4, v8;
	v8 =	vmul.f32 v34, v34  }
.Ltmp0:
0xa1: {  	v3 =	vsub.f32 v63, v19;
	v17 =	vmul.f32 v24, v24;
	v34 =	vsub.f32 v36, v34;
	(pc) =	sbr.rel @p0 .LBB2_3-.Ltmp0, $4  }
0xa2: {  	v4 =	vmul.f32 v5, v5;
	[tilespmem:$0x1FF00] =	vst v8;
	v8 =	vsub.f32 v1, v0;
	v1 =	vsub.f32 v44, v45  }
0xa3: {  	v5 =	vmul.f32 v25, v25;
	v45 =	vsub.f32 v63, v18;
	v18 =	vsub.f32 v46, v24  }
0xa4: {  	v36 =	vmul.f32 v46, v46;
	v25 =	vmovc v29;
	v29 =	vld [tilespmem:$0x1FE70];
	v0 =	vsub.f32 v44, v11;
	v44 =	vmul.f32 v23, v23  }
0xa5: {  	s24 =	sadd.s32 $0x8, s24;
	v19 =	vsub.f32 v57, v12;
	v63 =	vmul.f32 v57, v57;
	v11 =	vld.idx.msk [tilespmem:v21+s12+$0x0], $0xffff;
	v18 =	vmul.f32 v18, v18  }
0xa6: {  	v12 =	vmul.f32 v12, v12;
	v16 =	vsub.f32 v56, v62  }
0xa7: {  	v14 =	vld [tilespmem:$0x1FE90];
	v17 =	vadd.f32 v17, v38;
	v18 =	vadd.f32 v18, v39;
	v19 =	vmul.f32 v19, v19  }
0xa8: {  	v22 =	vmul.f32 v62, v62  }
0xa9: {  	v12 =	vadd.f32 v12, v17;
	v16 =	vmul.f32 v16, v16;
	v17 =	vadd.f32 v19, v18;
	_ =	sdelay $0x1  }
0xaa: {  	v12 =	vadd.f32 v22, v12;
	v16 =	vadd.f32 v16, v17;
	v17 =	vmul.f32 v61, v61  }
0xab: {  	v14 =	vadd.f32 v36, v14  }
0xac: {  	v12 =	vadd.f32 v58, v12;
	v16 =	vadd.f32 v17, v16;
	v17 =	vmul.f32 v60, v60  }
0xad: {  	v18 =	vld.idx.msk [tilespmem:v53+s12+$0x0], $0xffff;
	v14 =	vadd.f32 v63, v14  }
0xae: {  	v1 =	vmul.f32 v1, v1;
	v12 =	vadd.f32 v55, v12;
	v16 =	vadd.f32 v17, v16  }
0xaf: {  	v14 =	vadd.f32 v20, v14  }
0xb0: {  	v9 =	vadd.f32 v9, v12;
	v12 =	vmul.f32 v50, v50;
	v1 =	vadd.f32 v1, v16  }
0xb1: {  	v15 =	vld.idx.msk [tilespmem:v52+s12+$0x0], $0xffff;
	v8 =	vmul.f32 v8, v8;
	v14 =	vadd.f32 v59, v14  }
0xb2: {  	v22 =	vld.idx.msk [tilespmem:v51+s12+$0x0], $0xffff;
	v4 =	vadd.f32 v4, v9;
	v9 =	vmul.f32 v18, v18;
	v1 =	vadd.f32 v12, v1  }
0xb3: {  	v16 =	vld [tilespmem:$0x1FF20];
	v14 =	vadd.f32 v54, v14  }
0xb4: {  	v1 =	vadd.f32 v8, v1;
	v8 =	vadd.f32 v9, v29;
	v9 =	vld [tilespmem:$0x1FF10]  }
0xb5: {  	v17 =	vsub.f32 v46, v18;
	v10 =	vadd.f32 v10, v14  }
0xb6: {  	v20 =	vsub.f32 v57, v15  }
0xb7: {  	v21 =	vld.idx.msk [tilespmem:v49+s12+$0x0], $0xffff;
	v12 =	vmul.f32 v22, v22;
	v6 =	vadd.f32 v6, v10;
	v10 =	vmul.f32 v17, v17  }
0xb8: {  	v23 =	vsub.f32 v56, v13;
	v13 =	vmul.f32 v13, v13  }
0xb9: {  	v12 =	vadd.f32 v12, v16;
	v16 =	vld [tilespmem:$0x1FF30];
	v9 =	vadd.f32 v10, v9;
	v10 =	vmul.f32 v20, v20  }
0xba: {  	v19 =	vsub.f32 v56, v11;
	v15 =	vmul.f32 v15, v15;
	v14 =	vsub.f32 v46, v22  }
0xbb: {  	v11 =	vmul.f32 v11, v11;
	v9 =	vadd.f32 v10, v9;
	v10 =	vmul.f32 v23, v23  }
0xbc: {  	v24 =	vsub.f32 v57, v21;
	v14 =	vmul.f32 v14, v14;
	v8 =	vadd.f32 v15, v8  }
0xbd: {  	v21 =	vmul.f32 v21, v21;
	v9 =	vadd.f32 v10, v9;
	v10 =	vmul.f32 v47, v47  }
0xbe: {  	v8 =	vadd.f32 v13, v8;
	v14 =	vadd.f32 v14, v16;
	v16 =	vmul.f32 v24, v24  }
0xbf: {  	v12 =	vadd.f32 v21, v12;
	v9 =	vadd.f32 v10, v9;
	v10 =	vmul.f32 v45, v45  }
0xc0: {  	v15 =	vmul.f32 v19, v19;
	v8 =	vadd.f32 v44, v8;
	v14 =	vadd.f32 v16, v14  }
0xc1: {  	v11 =	vadd.f32 v11, v12;
	v9 =	vadd.f32 v10, v9;
	v10 =	vld [tilespmem:$0x1FF00]  }
0xc2: {  	v13 =	vmul.f32 v48, v48;
	v8 =	vadd.f32 v40, v8;
	v12 =	vadd.f32 v15, v14  }
0xc3: {  	v0 =	vmul.f32 v0, v0;
	v5 =	vadd.f32 v5, v11  }
0xc4: {  	v3 =	vmul.f32 v3, v3;
	v8 =	vadd.f32 v33, v8;
	v11 =	vadd.f32 v13, v12  }
0xc5: {  	s24 =	sshll.u32 s20, $0x5;
	v0 =	vadd.f32 v0, v9;
	v9 =	vmul.f32 v34, v34  }
0xc6: {  	s24 =	sand.u32 $0xE0, s24;
	v18 =	vld [tilespmem:$0x1FE80];
	v3 =	vadd.f32 v3, v11;
	v8 =	vadd.f32 v10, v8;
	v10 =	vlaneseq.u32  }
0xc7: {  	v16 =	vld [tilespmem:$0x1FF80];
	v0 =	vadd.f32 v9, v0;
	v9 =	vmov s24;
	v11 =	vmul.u32 $0x80, v10  }
0xc8: {  	v13 =	vld [tilespmem:$0x1FF40];
	v9 =	vshll.u32 v9, $0x7;
	v10 =	vmul.f32 v30, v30  }
0xc9: {  	v5 =	vadd.f32 v41, v5;
	v17 =	vor.u32 v11, v9;
	v9 =	vld [tilespmem:$0x1FED0]  }
0xca: {  	v0 =	vadd.f32 v10, v0;
	v10 =	vld [tilespmem:$0x1FEE0]  }
0xcb: {  	v5 =	vadd.f32 v32, v5  }
0xcc: {  	v2 =	vmul.f32 v2, v2;
	v4 =	vadd.f32 v42, v4  }
0xcd: {  	v6 =	vadd.f32 v43, v6;
	v5 =	vadd.f32 v25, v5;
	v15 =	vadd.s32 $0x4, v16  }
0xce: {  	[tilespmem:$0x1FDD0] =	vst v15;
	v15 =	vadd.s32 v15, v18;
	v8 =	vadd.f32 v9, v8;
	v9 =	vor.u32 $0x1, v17  }
0xcf: {  	v19 =	vmul.u32 $0xFFFFFFFC, v13;
	[tilespmem:$0x1FDC0] =	vst v11;
	v5 =	vadd.f32 v10, v5;
	v10 =	vor.u32 $0xC, v17  }
0xd0: {  	v2 =	vadd.f32 v2, v3;
	v3 =	vmul.f32 v37, v37;
	v11 =	vor.u32 $0x2, v17;
	[tilespmem:$0x1FDE0] =	vst v17  }
0xd1: {  	v12 =	vor.u32 $0xD, v17;
	[tilespmem:v17+s17+$0x0] =	vst.idx.msk $0xffff, v6;
	v6 =	vand.u32 $0x3FF8, v15;
	v15 =	vadd.s32 $0x4, v19  }
0xd2: {  	v2 =	vadd.f32 v3, v2;
	v13 =	vor.u32 $0x3, v17;
	[tilespmem:$0x1FDF0] =	vst v15  }
0xd3: {  	v3 =	vmul.f32 v31, v31;
	v14 =	vor.u32 $0xE, v17;
	v17 =	vadd.s32 $0x5, v16;
	[tilespmem:v9+s17+$0x0] =	vst.idx.msk $0xffff, v4  }
0xd4: {  	v4 =	vor.u32 v15, v6;
	v6 =	vadd.s32 v17, v18;
	[tilespmem:v10+s17+$0x0] =	vst.idx.msk $0xffff, v1  }
0xd5: {  	v9 =	vadd.s32 $0x5, v19;
	v1 =	vand.u32 $0x3FF8, v6;
	[tilespmem:v11+s17+$0x0] =	vst.idx.msk $0xffff, v8  }
0xd6: {  	v2 =	vadd.f32 v3, v2;
	v15 =	vadd.s32 $0x6, v16;
	v1 =	vor.u32 v9, v1;
	[tilespmem:v12+s17+$0x0] =	vst.idx.msk $0xffff, v0  }
0xd7: {  	v6 =	vadd.s32 v15, v18;
	[tilespmem:v13+s17+$0x0] =	vst.idx.msk $0xffff, v5  }
0xd8: {  	v6 =	vand.u32 $0x3FF8, v6;
	v8 =	vadd.s32 $0x6, v19;
	[tilespmem:v14+s17+$0x0] =	vst.idx.msk $0xffff, v2  }
0xd9: {  	v0 =	vor.u32 v8, v6;
	v18 =	vld.idx.msk [tilespmem:v4+s10+$0x0], $0xffff  }
0xda: {  	v29 =	vadd.s32 $0x280, v7  }
0xdb: {  	s25 =	simm.s32 $0x6;
	s31 =	simm.s32 $0x5;
	s28 =	simm.s32 $0x3;
	v32 =	vimm.f32 $0.0e+00;
	v37 =	vadd.s32 $0x200, v7;
	[tilespmem:$0x1FE30] =	vst v19;
	v30 =	vadd.s32 $0x300, v7;
	v19 =	vld.idx.msk [tilespmem:v1+s10+$0x0], $0xffff  }
0xdc: {  	s26 =	simm.s32 $0x4;
	v16 =	vadd.s32 s28, v35;
	[tilespmem:$0x1FE40] =	vst v8;
	v8 =	vadd.s32 s31, v35;
	v4 =	vadd.s32 s25, v35  }
0xdd: {  	v12 =	vadd.s32 s26, v35;
	v8 =	vadd.s32 v7, v8;
	v4 =	vadd.s32 v7, v4  }
0xde: {  	s29 =	simm.s32 $0x2;
	v21 =	vld.idx.msk [tilespmem:v0+s10+$0x0], $0xffff;
	v0 =	vand.u32 $0x7, v18;
	v5 =	vadd.s32 s25, v18;
	v10 =	vadd.s32 s31, v18  }
0xdf: {  	v14 =	vadd.s32 s26, v18;
	v22 =	vadd.s32 s28, v18;
	v26 =	vadd.s32 s29, v18  }
0xe0: {  	s30 =	simm.s32 $0x7;
	[tilespmem:$0x1FE00] =	vst v17;
	v17 =	vor.u32 v37, v0;
	v0 =	vand.u32 $0x7, v19;
	v5 =	vadd.s32 v37, v5  }
0xe1: {  	v2 =	vadd.s32 s30, v19;
	v6 =	vadd.s32 s25, v19;
	v10 =	vadd.s32 v37, v10  }
0xe2: {  	[tilespmem:$0x1FE10] =	vst v15;
	v40 =	vld.idx.msk [tilespmem:v8+s12+$0x0], $0xffff;
	v11 =	vadd.s32 s31, v19;
	v15 =	vadd.s32 s26, v19;
	v14 =	vadd.s32 v37, v14  }
0xe3: {  	v23 =	vadd.s32 s28, v19;
	v36 =	vld.idx.msk [tilespmem:v4+s12+$0x0], $0xffff;
	v4 =	vadd.s32 s29, v35;
	v8 =	vadd.s32 v37, v22  }
0xe4: {  	v27 =	vadd.s32 s29, v19;
	v49 =	vadd.s32 v37, v26;
	v2 =	vadd.s32 v29, v2  }
0xe5: {  	v1 =	vand.u32 $0x7, v21;
	v43 =	vor.u32 v29, v0;
	v6 =	vadd.s32 v29, v6;
	v5 =	vld.idx.msk [tilespmem:v5+s12+$0x0], $0xffff  }
0xe6: {  	v0 =	vadd.s32 s30, v35;
	v3 =	vadd.s32 s30, v21;
	v11 =	vadd.s32 v29, v11;
	v41 =	vld.idx.msk [tilespmem:v10+s12+$0x0], $0xffff  }
0xe7: {  	[tilespmem:$0x1FE20] =	vst v9;
	v9 =	vadd.s32 s25, v21;
	v20 =	vadd.s32 s26, v21;
	v24 =	vadd.s32 s28, v21;
	v25 =	vld.idx.msk [tilespmem:v14+s12+$0x0], $0xffff  }
0xe8: {  	v44 =	vor.u32 v30, v1;
	v1 =	vadd.s32 s30, v18;
	v9 =	vadd.s32 v30, v9;
	v52 =	vld.idx.msk [tilespmem:v8+s12+$0x0], $0xffff  }
0xe9: {  	v28 =	vadd.s32 s29, v21;
	v47 =	vadd.s32 v29, v23;
	v1 =	vadd.s32 v37, v1;
	v2 =	vld.idx.msk [tilespmem:v2+s12+$0x0], $0xffff  }
0xea: {  	v4 =	vadd.s32 v7, v4;
	v61 =	vadd.s32 v29, v27;
	v0 =	vadd.s32 v7, v0;
	s30 =	simm.s32 $0x1;
	v38 =	vld.idx.msk [tilespmem:v6+s12+$0x0], $0xffff  }
0xeb: {  	v3 =	vadd.s32 v30, v3;
	v45 =	vadd.s32 s30, v19;
	v46 =	vadd.s32 s30, v21;
	v48 =	vld.idx.msk [tilespmem:v11+s12+$0x0], $0xffff  }
0xec: {  	v57 =	vadd.s32 v30, v28;
	v54 =	vadd.s32 v29, v45;
	v53 =	vadd.s32 v30, v46;
	v11 =	vld [tilespmem:$0x1FEA0]  }
0xed: {  	v14 =	vadd.s32 v7, v12;
	v6 =	vadd.s32 v29, v15;
	v15 =	vadd.s32 s30, v35;
	v39 =	vld.idx.msk [tilespmem:v9+s12+$0x0], $0xffff  }
0xee: {  	v9 =	vadd.s32 v30, v20;
	v20 =	vadd.s32 s30, v18;
	v13 =	vld.idx.msk [tilespmem:v1+s12+$0x0], $0xffff;
	v1 =	vadd.s32 s31, v21;
	s31 =	simm.s32 $0x0  }
0xef: {  	v27 =	vld.idx.msk [tilespmem:v47+s12+$0x0], $0xffff;
	v12 =	vadd.s32 v7, v15;
	v15 =	vadd.s32 v7, v16;
	v22 =	vadd.s32 s31, v35  }
0xf0: {  	v0 =	vld.idx.msk [tilespmem:v0+s12+$0x0], $0xffff;
	v20 =	vadd.s32 v37, v20;
	v10 =	vand.u32 $0xFFFFFFF8, v22;
	v22 =	vadd.s32 s31, v18  }
0xf1: {  	v3 =	vld.idx.msk [tilespmem:v3+s12+$0x0], $0xffff;
	v16 =	vadd.s32 v30, v24;
	v10 =	vadd.s32 v11, v10;
	v11 =	vand.u32 $0xFFFFFFF8, v22  }
0xf2: {  	v1 =	vadd.s32 v30, v1;
	v22 =	vadd.s32 s31, v21;
	v23 =	vld.idx.msk [tilespmem:v6+s12+$0x0], $0xffff;
	v11 =	vadd.s32 v17, v11  }
0xf3: {  	v28 =	vmul.f32 v41, v41;
	v50 =	vsub.f32 v36, v5;
	v26 =	vld.idx.msk [tilespmem:v9+s12+$0x0], $0xffff;
	v9 =	vand.u32 $0xFFFFFFF8, v22  }
0xf4: {  	v55 =	vmul.f32 v25, v25;
	v56 =	vsub.f32 v40, v41;
	v51 =	vadd.s32 v44, v9;
	v9 =	vld.idx.msk [tilespmem:v12+s12+$0x0], $0xffff  }
0xf5: {  	v60 =	vmul.f32 v52, v52;
	v6 =	vmul.f32 v13, v13;
	v22 =	vsub.f32 v0, v13;
	v13 =	vld.idx.msk [tilespmem:v20+s12+$0x0], $0xffff  }
0xf6: {  	v41 =	vimm.f32 $0.0e+00;
	v34 =	vmul.f32 v2, v2;
	v46 =	vmul.f32 v48, v48;
	v8 =	vld.idx.msk [tilespmem:v10+s12+$0x0], $0xffff  }
0xf7: {  	v33 =	vmul.f32 v3, v3;
	v42 =	vmul.f32 v39, v39;
	v45 =	vsub.f32 v0, v3;
	v62 =	vld.idx.msk [tilespmem:v11+s12+$0x0], $0xffff  }
0xf8: {  	v31 =	vmovc v44;
	v44 =	vsub.f32 v0, v2;
	v0 =	vsub.f32 v36, v38;
	v59 =	vld.idx.msk [tilespmem:v1+s12+$0x0], $0xffff;
	v1 =	vadd.s32 s31, v19  }
0xf9: {  	[tilespmem:$0x1FE60] =	vst v43;
	v61 =	vld.idx.msk [tilespmem:v61+s12+$0x0], $0xffff;
	v2 =	vsub.f32 v36, v39;
	v39 =	vimm.f32 $0.0e+00;
	v1 =	vand.u32 $0xFFFFFFF8, v1  }
0xfa: {  	v24 =	vld.idx.msk [tilespmem:v4+s12+$0x0], $0xffff;
	v1 =	vadd.s32 v43, v1;
	v10 =	vmul.f32 v5, v5;
	v43 =	vmul.f32 v38, v38  }
0xfb: {  	v58 =	vld.idx.msk [tilespmem:v15+s12+$0x0], $0xffff;
	v4 =	vmul.f32 v23, v23;
	v5 =	vsub.f32 v40, v48;
	v48 =	vimm.f32 $0.0e+00  }
0xfc: {  	v12 =	vld.idx.msk [tilespmem:v49+s12+$0x0], $0xffff;
	v38 =	vimm.f32 $0.0e+00;
	v49 =	vmul.f32 v26, v26;
	v20 =	vsub.f32 v8, v62  }
0xfd: {  	v47 =	vmul.f32 v59, v59;
	v3 =	vsub.f32 v40, v59;
	v59 =	vld.idx.msk [tilespmem:v16+s12+$0x0], $0xffff;
	v16 =	vsub.f32 v9, v13  }
0xfe: {  	s24 =	simm.s32 $0xF;
	[tilespmem:$0x1FE50] =	vst v17;
	v11 =	vld.idx.msk [tilespmem:v14+s12+$0x0], $0xffff;
	v40 =	vimm.f32 $0.0e+00;
	v14 =	vmul.f32 v62, v62;
	v15 =	vmul.f32 v20, v20  }
.LBB2_5:
0xff: {  	_ = 	snop  }
0x100: {  	v13 =	vmul.f32 v13, v13;
	v14 =	vadd.f32 v14, v32;
	v16 =	vmul.f32 v16, v16  }
0x101: {  	v15 =	vadd.f32 v15, v48;
	v22 =	vmul.f32 v22, v22;
	v5 =	vmul.f32 v5, v5  }
0x102: {  	v3 =	vmul.f32 v3, v3;
	v0 =	vmul.f32 v0, v0  }
0x103: {  	v36 =	vld.idx.msk [tilespmem:v57+s12+$0x0], $0xffff;
	v2 =	vmul.f32 v2, v2;
	v13 =	vadd.f32 v13, v14;
	v14 =	vadd.f32 v16, v15  }
0x104: {  	v63 =	vld.idx.msk [tilespmem:v54+s12+$0x0], $0xffff;
	v20 =	vsub.f32 v24, v12;
	v57 =	vmul.f32 v27, v27;
	v54 =	vsub.f32 v58, v52  }
0x105: {  	v12 =	vmul.f32 v12, v12;
	v25 =	vsub.f32 v11, v25;
	v23 =	vsub.f32 v11, v23  }
0x106: {  	v11 =	vsub.f32 v11, v26;
	v26 =	vmul.f32 v61, v61;
	v27 =	vsub.f32 v58, v27  }
0x107: {  	s30 =	sadd.s32 $0xFFFFFFFA, s24;
	v16 =	vld.idx.msk [tilespmem:v53+s12+$0x0], $0xffff;
	v61 =	vsub.f32 v24, v61;
	v15 =	vmul.f32 v20, v20;
	v12 =	vadd.f32 v12, v13  }
0x108: {  	v1 =	vld.idx.msk [tilespmem:v1+s12+$0x0], $0xffff;
	v62 =	vsub.f32 v58, v59;
	v58 =	vadd.s32 s30, v19;
	v24 =	vsub.f32 v24, v36  }
0x109: {  	v13 =	vadd.f32 v15, v14;
	v14 =	vmul.f32 v54, v54;
	v15 =	vld.idx.msk [tilespmem:v51+s12+$0x0], $0xffff;
	v12 =	vadd.f32 v60, v12  }
0x10a: {  	v20 =	vmul.f32 v59, v59;
	v51 =	vmul.f32 v36, v36;
	v54 =	vsub.f32 v9, v63  }
0x10b: {  	v13 =	vadd.f32 v14, v13;
	v14 =	vmul.f32 v25, v25;
	v12 =	vadd.f32 v55, v12  }
0x10c: {  	v9 =	vsub.f32 v9, v16;
	v25 =	vmul.f32 v63, v63;
	v63 =	vmul.f32 v16, v16  }
0x10d: {  	v13 =	vadd.f32 v14, v13;
	v14 =	vmul.f32 v56, v56;
	v12 =	vadd.f32 v28, v12  }
0x10e: {  	v28 =	vsub.f32 v8, v1;
	v1 =	vmul.f32 v1, v1;
	v8 =	vsub.f32 v8, v15  }
0x10f: {  	v9 =	vmul.f32 v9, v9;
	v13 =	vadd.f32 v14, v13;
	v14 =	vmul.f32 v50, v50  }
0x110: {  	v10 =	vadd.f32 v10, v12;
	v1 =	vadd.f32 v1, v38;
	v8 =	vmul.f32 v8, v8  }
0x111: {  	v12 =	vadd.f32 v14, v13;
	v13 =	vmul.f32 v28, v28;
	v14 =	vmul.f32 v15, v15  }
0x112: {  	s31 =	sadd.s32 $0xFFFFFFFD, s24;
	v32 =	vadd.f32 v6, v10;
	v10 =	vmul.f32 v54, v54;
	v1 =	vadd.f32 v25, v1  }
0x113: {  	v15 =	vadd.s32 s31, v19;
	v8 =	vadd.f32 v8, v40;
	v48 =	vadd.f32 v22, v12  }
0x114: {  	s26 =	sadd.s32 $0xFFFFFFFE, s24;
	v15 =	vadd.s32 v29, v15;
	v6 =	vadd.f32 v13, v41;
	v12 =	vadd.f32 v14, v39  }
0x115: {  	s28 =	sadd.s32 $0xFFFFFFFC, s24;
	v1 =	vadd.f32 v26, v1;
	v13 =	vadd.s32 s26, v21;
	v14 =	vadd.s32 s31, v18  }
0x116: {  	v22 =	vadd.s32 s28, v18;
	v8 =	vadd.f32 v9, v8;
	v9 =	vmul.f32 v24, v24  }
0x117: {  	v13 =	vadd.s32 v30, v13;
	v14 =	vadd.s32 v37, v14;
	v22 =	vadd.s32 v37, v22  }
0x118: {  	v6 =	vadd.f32 v10, v6;
	v10 =	vmul.f32 v61, v61;
	v12 =	vadd.f32 v63, v12  }
0x119: {  	v1 =	vadd.f32 v57, v1;
	v8 =	vadd.f32 v9, v8;
	v9 =	vmul.f32 v62, v62  }
0x11a: {  	v6 =	vadd.f32 v10, v6;
	v10 =	vmul.f32 v27, v27;
	v12 =	vadd.f32 v51, v12  }
0x11b: {  	v1 =	vadd.f32 v4, v1;
	v8 =	vadd.f32 v9, v8;
	v9 =	vmul.f32 v11, v11  }
0x11c: {  	v6 =	vadd.f32 v10, v6;
	v10 =	vmul.f32 v23, v23;
	v12 =	vadd.f32 v20, v12  }
0x11d: {  	s25 =	sadd.s32 $0xFFFFFFFF, s24;
	v1 =	vadd.f32 v46, v1;
	v20 =	vadd.s32 s31, v21;
	v23 =	vadd.s32 s28, v19  }
0x11e: {  	v8 =	vadd.f32 v9, v8;
	v9 =	vadd.s32 s25, v21;
	v20 =	vadd.s32 v30, v20  }
0x11f: {  	v59 =	vadd.s32 v29, v23;
	v4 =	vadd.f32 v10, v6;
	v6 =	vadd.f32 v49, v12  }
0x120: {  	v63 =	vld.idx.msk [tilespmem:v13+s12+$0x0], $0xffff;
	v1 =	vadd.f32 v43, v1;
	v10 =	vadd.s32 s26, v19;
	v9 =	vadd.s32 v30, v9  }
0x121: {  	v25 =	vld.idx.msk [tilespmem:v14+s12+$0x0], $0xffff;
	v12 =	vadd.s32 s31, v35;
	v3 =	vadd.f32 v3, v8;
	v8 =	vadd.s32 s26, v35  }
0x122: {  	v14 =	vld [tilespmem:$0x1FEA0];
	v10 =	vadd.s32 v29, v10;
	v4 =	vadd.f32 v5, v4;
	v5 =	vadd.f32 v47, v6  }
0x123: {  	v52 =	vld.idx.msk [tilespmem:v22+s12+$0x0], $0xffff;
	v38 =	vadd.f32 v34, v1;
	v1 =	vadd.s32 s24, v18;
	v6 =	vadd.s32 s25, v19  }
0x124: {  	v23 =	vld.idx.msk [tilespmem:v15+s12+$0x0], $0xffff;
	v8 =	vadd.s32 v7, v8;
	v2 =	vadd.f32 v2, v3;
	v3 =	vmul.f32 v45, v45  }
0x125: {  	v15 =	vld [tilespmem:$0x1FE50];
	v1 =	vadd.s32 v37, v1;
	v6 =	vadd.s32 v29, v6;
	v0 =	vadd.f32 v0, v4  }
0x126: {  	v4 =	vmul.f32 v44, v44;
	v26 =	vld.idx.msk [tilespmem:v20+s12+$0x0], $0xffff;
	v40 =	vadd.f32 v3, v2;
	v2 =	vadd.s32 s24, v19  }
0x127: {  	v5 =	vadd.f32 v42, v5;
	v3 =	vadd.s32 s24, v21;
	v49 =	vld.idx.msk [tilespmem:v9+s12+$0x0], $0xffff;
	v2 =	vadd.s32 v29, v2  }
0x128: {  	v41 =	vadd.f32 v4, v0;
	v0 =	vadd.s32 s24, v35;
	v3 =	vadd.s32 v30, v3;
	v62 =	vld.idx.msk [tilespmem:v10+s12+$0x0], $0xffff  }
0x129: {  	s31 =	sadd.s32 $0xFFFFFFF9, s24;
	v39 =	vadd.f32 v33, v5;
	v4 =	vadd.s32 s25, v35;
	v0 =	vadd.s32 v7, v0;
	v61 =	vld.idx.msk [tilespmem:v8+s12+$0x0], $0xffff  }
0x12a: {  	v5 =	vadd.s32 s25, v18;
	v10 =	vadd.s32 s31, v35;
	v4 =	vadd.s32 v7, v4;
	v11 =	vld.idx.msk [tilespmem:v1+s12+$0x0], $0xffff  }
0x12b: {  	v50 =	vadd.s32 s30, v21;
	v5 =	vadd.s32 v37, v5;
	v10 =	vand.u32 $0xFFFFFFF8, v10;
	v36 =	vld.idx.msk [tilespmem:v6+s12+$0x0], $0xffff  }
0x12c: {  	v53 =	vadd.s32 v30, v50;
	v8 =	vadd.s32 s30, v35;
	v10 =	vadd.s32 v14, v10;
	v2 =	vld.idx.msk [tilespmem:v2+s12+$0x0], $0xffff  }
0x12d: {  	s29 =	sadd.s32 $0xFFFFFFFB, s24;
	v47 =	vadd.s32 v7, v12;
	v1 =	vadd.s32 s26, v18;
	v12 =	vadd.s32 v7, v8;
	v3 =	vld.idx.msk [tilespmem:v3+s12+$0x0], $0xffff  }
0x12e: {  	v28 =	vadd.s32 s29, v21;
	v9 =	vadd.s32 s29, v18;
	v1 =	vadd.s32 v37, v1;
	v0 =	vld.idx.msk [tilespmem:v0+s12+$0x0], $0xffff  }
0x12f: {  	v54 =	vadd.s32 v29, v58;
	v60 =	vadd.s32 v37, v9;
	v6 =	vadd.s32 s29, v35;
	v16 =	vld.idx.msk [tilespmem:v4+s12+$0x0], $0xffff  }
0x130: {  	v24 =	vadd.s32 s28, v21;
	v13 =	vadd.s32 s31, v18;
	v6 =	vadd.s32 v7, v6;
	v5 =	vld.idx.msk [tilespmem:v5+s12+$0x0], $0xffff  }
0x131: {  	v57 =	vadd.s32 v30, v28;
	v27 =	vadd.s32 s29, v19;
	v13 =	vand.u32 $0xFFFFFFF8, v13;
	v8 =	vld.idx.msk [tilespmem:v10+s12+$0x0], $0xffff  }
0x132: {  	v17 =	vadd.s32 v29, v27;
	v55 =	vmul.f32 v25, v25;
	v13 =	vadd.s32 v15, v13;
	v9 =	vld.idx.msk [tilespmem:v12+s12+$0x0], $0xffff  }
0x133: {  	v15 =	vadd.s32 s31, v21;
	v20 =	vadd.s32 v30, v24;
	v56 =	vld.idx.msk [tilespmem:v1+s12+$0x0], $0xffff;
	v1 =	vadd.s32 s30, v18  }
0x134: {  	v14 =	vadd.s32 s31, v19;
	v4 =	vadd.s32 s28, v35;
	v12 =	vld.idx.msk [tilespmem:v60+s12+$0x0], $0xffff;
	v43 =	vadd.s32 v37, v1  }
0x135: {  	v42 =	vmul.f32 v49, v49;
	v46 =	vmul.f32 v62, v62;
	v4 =	vadd.s32 v7, v4;
	v24 =	vld.idx.msk [tilespmem:v6+s12+$0x0], $0xffff  }
0x136: {  	v60 =	vmul.f32 v52, v52;
	v6 =	vld [tilespmem:$0x1FE60];
	v1 =	vand.u32 $0xFFFFFFF8, v14;
	v34 =	vmul.f32 v2, v2  }
0x137: {  	v14 =	vld.idx.msk [tilespmem:v13+s12+$0x0], $0xffff;
	v33 =	vmul.f32 v3, v3;
	v22 =	vsub.f32 v0, v11;
	v44 =	vsub.f32 v0, v2  }
0x138: {  	v10 =	vmul.f32 v5, v5;
	v45 =	vsub.f32 v0, v3;
	v50 =	vsub.f32 v16, v5  }
0x139: {  	p0 =	sne.s32 s24, $0x1F;
	v0 =	vsub.f32 v16, v36;
	v2 =	vsub.f32 v16, v49;
	v49 =	vmul.f32 v26, v26;
	v13 =	vld.idx.msk [tilespmem:v43+s12+$0x0], $0xffff  }
.Ltmp1:
0x13a: {  	v5 =	vsub.f32 v61, v62;
	v3 =	vsub.f32 v61, v63;
	v58 =	vld.idx.msk [tilespmem:v4+s12+$0x0], $0xffff;
	v4 =	vmul.f32 v23, v23;
	(pc) =	sbr.rel @p0 .LBB2_5-.Ltmp1, $4  }
0x13b: {  	v27 =	vld.idx.msk [tilespmem:v59+s12+$0x0], $0xffff;
	v1 =	vadd.s32 v6, v1;
	v6 =	vand.u32 $0xFFFFFFF8, v15;
	v28 =	vmul.f32 v56, v56  }
0x13c: {  	v59 =	vld.idx.msk [tilespmem:v20+s12+$0x0], $0xffff;
	v51 =	vadd.s32 v31, v6;
	v6 =	vmul.f32 v11, v11;
	v15 =	vsub.f32 v8, v14  }
0x13d: {  	v56 =	vsub.f32 v61, v56;
	v43 =	vmul.f32 v36, v36;
	v11 =	vld.idx.msk [tilespmem:v47+s12+$0x0], $0xffff;
	v47 =	vmul.f32 v63, v63  }
0x13e: {  	s24 =	sadd.s32 $0x8, s24;
	v61 =	vld.idx.msk [tilespmem:v17+s12+$0x0], $0xffff;
	v14 =	vmul.f32 v14, v14;
	v15 =	vmul.f32 v15, v15;
	v16 =	vsub.f32 v9, v13  }
0x13f: {  	v13 =	vmul.f32 v13, v13  }
0x140: {  	v17 =	vsub.f32 v24, v12;
	v12 =	vmul.f32 v12, v12;
	v14 =	vadd.f32 v14, v32  }
0x141: {  	v20 =	vsub.f32 v58, v52;
	v15 =	vadd.f32 v15, v48;
	v16 =	vmul.f32 v16, v16  }
0x142: {  	[tilespmem:$0x1FD20] =	vst v30;
	v22 =	vmul.f32 v22, v22;
	v21 =	vsub.f32 v11, v25;
	v13 =	vadd.f32 v13, v14  }
0x143: {  	v19 =	vld.idx.msk [tilespmem:v57+s12+$0x0], $0xffff;
	v14 =	vadd.f32 v16, v15;
	v15 =	vmul.f32 v17, v17;
	v17 =	vsub.f32 v11, v23  }
0x144: {  	v1 =	vld.idx.msk [tilespmem:v1+s12+$0x0], $0xffff;
	v18 =	vmul.f32 v27, v27;
	v11 =	vsub.f32 v11, v26;
	v26 =	vsub.f32 v58, v27  }
0x145: {  	v27 =	vld.idx.msk [tilespmem:v51+s12+$0x0], $0xffff;
	v12 =	vadd.f32 v12, v13;
	v13 =	vadd.f32 v15, v14;
	v14 =	vmul.f32 v20, v20  }
0x146: {  	[tilespmem:$0x1FD30] =	vst v29;
	v30 =	vsub.f32 v58, v59;
	v16 =	vmul.f32 v59, v59;
	v29 =	vsub.f32 v24, v61  }
0x147: {  	v25 =	vld.idx.msk [tilespmem:v54+s12+$0x0], $0xffff;
	v12 =	vadd.f32 v60, v12;
	v13 =	vadd.f32 v14, v13;
	v14 =	vmul.f32 v21, v21  }
0x148: {  	v15 =	vmul.f32 v61, v61;
	v20 =	vmul.f32 v19, v19;
	v19 =	vsub.f32 v24, v19  }
0x149: {  	v23 =	vld.idx.msk [tilespmem:v53+s12+$0x0], $0xffff;
	v12 =	vadd.f32 v55, v12;
	v13 =	vadd.f32 v14, v13;
	v14 =	vmul.f32 v56, v56  }
0x14a: {  	v24 =	vsub.f32 v8, v1;
	v1 =	vmul.f32 v1, v1;
	v8 =	vsub.f32 v8, v27  }
0x14b: {  	v12 =	vadd.f32 v28, v12;
	v13 =	vadd.f32 v14, v13;
	v14 =	vmul.f32 v50, v50  }
0x14c: {  	v1 =	vadd.f32 v1, v38;
	v21 =	vmul.f32 v25, v25;
	v8 =	vmul.f32 v8, v8  }
0x14d: {  	v10 =	vadd.f32 v10, v12;
	v12 =	vadd.f32 v14, v13;
	v14 =	vmul.f32 v27, v27  }
0x14e: {  	v25 =	vsub.f32 v9, v25;
	v31 =	vmul.f32 v23, v23;
	v9 =	vsub.f32 v9, v23  }
0x14f: {  	v8 =	vadd.f32 v8, v40;
	v13 =	vmul.f32 v24, v24;
	v14 =	vadd.f32 v14, v39  }
0x150: {  	v9 =	vmul.f32 v9, v9;
	v6 =	vadd.f32 v6, v10;
	v10 =	vadd.f32 v22, v12  }
0x151: {  	v12 =	vadd.f32 v13, v41;
	v13 =	vmul.f32 v25, v25;
	v14 =	vadd.f32 v31, v14  }
0x152: {  	v1 =	vadd.f32 v21, v1;
	v8 =	vadd.f32 v9, v8;
	v9 =	vmul.f32 v19, v19  }
0x153: {  	v12 =	vadd.f32 v13, v12;
	v13 =	vmul.f32 v29, v29;
	v14 =	vadd.f32 v20, v14  }
0x154: {  	v1 =	vadd.f32 v15, v1;
	v8 =	vadd.f32 v9, v8;
	v9 =	vmul.f32 v30, v30  }
0x155: {  	v12 =	vadd.f32 v13, v12;
	v13 =	vmul.f32 v26, v26;
	v14 =	vadd.f32 v16, v14  }
0x156: {  	v1 =	vadd.f32 v18, v1;
	v8 =	vadd.f32 v9, v8;
	v9 =	vmul.f32 v11, v11  }
0x157: {  	v12 =	vadd.f32 v13, v12;
	v13 =	vmul.f32 v17, v17;
	v11 =	vadd.f32 v49, v14;
	v14 =	vld [tilespmem:$0x1FDE0]  }
0x158: {  	v3 =	vmul.f32 v3, v3;
	v8 =	vadd.f32 v9, v8  }
0x159: {  	v5 =	vmul.f32 v5, v5;
	v1 =	vadd.f32 v4, v1;
	v4 =	vadd.f32 v13, v12  }
0x15a: {  	v2 =	vmul.f32 v2, v2;
	v3 =	vadd.f32 v3, v8  }
0x15b: {  	v0 =	vmul.f32 v0, v0;
	v4 =	vadd.f32 v5, v4  }
0x15c: {  	v2 =	vadd.f32 v2, v3;
	v3 =	vor.u32 $0x4, v14  }
0x15d: {  	v0 =	vadd.f32 v0, v4;
	v4 =	vmul.f32 v44, v44  }
0x15e: {  	v1 =	vadd.f32 v46, v1;
	v9 =	vor.u32 $0xF, v14  }
0x15f: {  	v15 =	vld [tilespmem:$0x1FF80];
	v0 =	vadd.f32 v4, v0;
	v4 =	vor.u32 $0x5, v14  }
0x160: {  	v1 =	vadd.f32 v43, v1;
	v17 =	vld [tilespmem:$0x1FE80]  }
0x161: {  	v5 =	vadd.f32 v47, v11;
	v11 =	vor.u32 $0x10, v14;
	[tilespmem:v3+s17+$0x0] =	vst.idx.msk $0xffff, v6;
	v3 =	vld [tilespmem:$0x1FE30]  }
0x162: {  	v1 =	vadd.f32 v34, v1  }
0x163: {  	[tilespmem:v9+s17+$0x0] =	vst.idx.msk $0xffff, v10  }
0x164: {  	v16 =	vadd.s32 $0x8, v15;
	v13 =	vadd.s32 $0x7, v15;
	[tilespmem:v4+s17+$0x0] =	vst.idx.msk $0xffff, v1;
	v1 =	vld [tilespmem:$0x1FFA0]  }
0x165: {  	[tilespmem:$0x1FD50] =	vst v13;
	v13 =	vadd.s32 v13, v17;
	v5 =	vadd.f32 v42, v5;
	v12 =	vor.u32 $0x6, v14  }
0x166: {  	v13 =	vand.u32 $0x3FF8, v13;
	v14 =	vor.u32 $0x11, v14;
	[tilespmem:v11+s17+$0x0] =	vst.idx.msk $0xffff, v0;
	v6 =	vadd.s32 $0x7, v3  }
0x167: {  	v8 =	vmul.f32 v45, v45;
	v0 =	vld [tilespmem:$0x1FF60];
	v3 =	vadd.s32 v16, v17;
	[tilespmem:$0x1FD70] =	vst v6;
	v6 =	vor.u32 v6, v13  }
0x168: {  	v5 =	vadd.f32 v33, v5;
	v3 =	vand.u32 $0x3FF8, v3  }
0x169: {  	v15 =	vadd.s32 $0x9, v15;
	v2 =	vadd.f32 v8, v2;
	v1 =	vor.u32 v1, v3  }
0x16a: {  	v9 =	vadd.s32 v15, v17;
	[tilespmem:v12+s17+$0x0] =	vst.idx.msk $0xffff, v5  }
0x16b: {  	[tilespmem:v14+s17+$0x0] =	vst.idx.msk $0xffff, v2;
	v3 =	vand.u32 $0x3FF8, v9  }
0x16c: {  	v0 =	vor.u32 v0, v3;
	v21 =	vld.idx.msk [tilespmem:v6+s10+$0x0], $0xffff  }
0x16d: {  	s31 =	simm.s32 $0x5;
	v38 =	vimm.f32 $0.0e+00  }
0x16e: {  	s25 =	simm.s32 $0x6;
	v40 =	vadd.s32 $0x400, v7;
	v39 =	vadd.s32 $0x380, v7;
	v8 =	vadd.s32 s31, v35;
	v33 =	vld.idx.msk [tilespmem:v1+s10+$0x0], $0xffff  }
0x16f: {  	s26 =	simm.s32 $0x4;
	s28 =	simm.s32 $0x3;
	v41 =	vadd.s32 $0x480, v7;
	v8 =	vadd.s32 v7, v8;
	v4 =	vadd.s32 s25, v35  }
0x170: {  	[tilespmem:$0x1FD60] =	vst v16;
	v4 =	vadd.s32 v7, v4;
	v12 =	vadd.s32 s26, v35;
	v16 =	vadd.s32 s28, v35  }
0x171: {  	s29 =	simm.s32 $0x2;
	v34 =	vld.idx.msk [tilespmem:v0+s10+$0x0], $0xffff;
	v0 =	vand.u32 $0x7, v21;
	v5 =	vadd.s32 s25, v21;
	v10 =	vadd.s32 s31, v21  }
0x172: {  	v14 =	vadd.s32 s26, v21;
	v18 =	vadd.s32 s28, v21;
	v22 =	vadd.s32 s29, v21  }
0x173: {  	s24 =	simm.s32 $0x7;
	v23 =	vor.u32 v39, v0;
	v0 =	vand.u32 $0x7, v33;
	v5 =	vadd.s32 v39, v5  }
0x174: {  	v2 =	vadd.s32 s24, v33;
	v6 =	vadd.s32 s25, v33;
	v10 =	vadd.s32 v39, v10  }
0x175: {  	[tilespmem:$0x1FD80] =	vst v15;
	v11 =	vadd.s32 s31, v33;
	v15 =	vadd.s32 s26, v33;
	v14 =	vadd.s32 v39, v14  }
0x176: {  	s30 =	simm.s32 $0x1;
	v46 =	vld.idx.msk [tilespmem:v8+s12+$0x0], $0xffff;
	v19 =	vadd.s32 s28, v33;
	v24 =	vadd.s32 s29, v33;
	v8 =	vadd.s32 v39, v18  }
0x177: {  	v36 =	vld.idx.msk [tilespmem:v4+s12+$0x0], $0xffff;
	v28 =	vadd.s32 s30, v33;
	v1 =	vand.u32 $0x7, v34;
	v2 =	vadd.s32 v40, v2  }
0x178: {  	v29 =	vor.u32 v40, v0;
	v0 =	vadd.s32 s24, v35;
	v6 =	vadd.s32 v40, v6;
	v5 =	vld.idx.msk [tilespmem:v5+s12+$0x0], $0xffff  }
0x179: {  	v3 =	vadd.s32 s24, v34;
	v9 =	vadd.s32 s25, v34;
	v11 =	vadd.s32 v40, v11;
	v47 =	vld.idx.msk [tilespmem:v10+s12+$0x0], $0xffff  }
0x17a: {  	v13 =	vadd.s32 s31, v34;
	v17 =	vadd.s32 s26, v34;
	v20 =	vadd.s32 s28, v34;
	v25 =	vld.idx.msk [tilespmem:v14+s12+$0x0], $0xffff  }
0x17b: {  	v27 =	vadd.s32 s29, v34;
	v30 =	vadd.s32 s30, v34;
	v19 =	vadd.s32 v40, v19;
	v31 =	vld.idx.msk [tilespmem:v8+s12+$0x0], $0xffff  }
0x17c: {  	v63 =	vadd.s32 v40, v24;
	v56 =	vadd.s32 v40, v28;
	v51 =	vor.u32 v41, v1;
	v2 =	vld.idx.msk [tilespmem:v2+s12+$0x0], $0xffff  }
0x17d: {  	v0 =	vadd.s32 v7, v0;
	v1 =	vadd.s32 s24, v21;
	v9 =	vadd.s32 v41, v9;
	v44 =	vld.idx.msk [tilespmem:v6+s12+$0x0], $0xffff  }
0x17e: {  	s31 =	simm.s32 $0x0;
	v3 =	vadd.s32 v41, v3;
	v4 =	vadd.s32 v41, v13;
	v13 =	vadd.s32 s29, v35;
	v54 =	vld.idx.msk [tilespmem:v11+s12+$0x0], $0xffff  }
0x17f: {  	v18 =	vadd.s32 s31, v35;
	v53 =	vadd.s32 s31, v34;
	v11 =	vadd.s32 v7, v13;
	v13 =	vld [tilespmem:$0x1FEA0]  }
0x180: {  	v58 =	vadd.s32 v41, v27;
	v32 =	vadd.s32 v41, v30;
	v1 =	vadd.s32 v39, v1;
	v27 =	vld.idx.msk [tilespmem:v19+s12+$0x0], $0xffff  }
0x181: {  	v10 =	vand.u32 $0xFFFFFFF8, v18;
	v18 =	vadd.s32 s31, v21;
	v14 =	vadd.s32 v7, v12;
	v63 =	vld.idx.msk [tilespmem:v63+s12+$0x0], $0xffff  }
0x182: {  	v6 =	vadd.s32 v40, v15;
	v15 =	vadd.s32 s30, v35;
	v45 =	vld.idx.msk [tilespmem:v9+s12+$0x0], $0xffff;
	v9 =	vadd.s32 v41, v17  }
0x183: {  	v0 =	vld.idx.msk [tilespmem:v0+s12+$0x0], $0xffff;
	v17 =	vadd.s32 s30, v21;
	v12 =	vadd.s32 v7, v15;
	v15 =	vadd.s32 v7, v16  }
0x184: {  	v3 =	vld.idx.msk [tilespmem:v3+s12+$0x0], $0xffff;
	v16 =	vadd.s32 v41, v20;
	v10 =	vadd.s32 v13, v10;
	v13 =	vand.u32 $0xFFFFFFF8, v18  }
0x185: {  	v20 =	vadd.s32 v39, v22;
	v1 =	vld.idx.msk [tilespmem:v1+s12+$0x0], $0xffff;
	v17 =	vadd.s32 v39, v17;
	v13 =	vadd.s32 v23, v13  }
0x186: {  	v28 =	vmul.f32 v47, v47;
	v57 =	vmul.f32 v25, v25;
	v59 =	vsub.f32 v46, v47;
	v18 =	vld.idx.msk [tilespmem:v4+s12+$0x0], $0xffff  }
0x187: {  	[tilespmem:$0x1FD90] =	vst v23;
	v62 =	vmul.f32 v31, v31;
	v47 =	vimm.f32 $0.0e+00;
	v43 =	vmul.f32 v2, v2;
	v23 =	vld.idx.msk [tilespmem:v6+s12+$0x0], $0xffff  }
0x188: {  	v4 =	vadd.s32 s31, v33;
	v50 =	vmul.f32 v44, v44;
	v52 =	vmul.f32 v54, v54;
	v26 =	vld.idx.msk [tilespmem:v9+s12+$0x0], $0xffff  }
0x189: {  	[tilespmem:$0x1FDA0] =	vst v29;
	v4 =	vand.u32 $0xFFFFFFF8, v4;
	v42 =	vmul.f32 v3, v3;
	v48 =	vmul.f32 v45, v45;
	v8 =	vld.idx.msk [tilespmem:v10+s12+$0x0], $0xffff  }
0x18a: {  	[tilespmem:$0x1FDB0] =	vst v51;
	v49 =	vsub.f32 v0, v3;
	v29 =	vadd.s32 v29, v4;
	v4 =	vand.u32 $0xFFFFFFF8, v53;
	v13 =	vld.idx.msk [tilespmem:v13+s12+$0x0], $0xffff  }
0x18b: {  	v9 =	vld.idx.msk [tilespmem:v12+s12+$0x0], $0xffff;
	v6 =	vmul.f32 v1, v1;
	v22 =	vsub.f32 v0, v1;
	v1 =	vsub.f32 v36, v5  }
0x18c: {  	v12 =	vld.idx.msk [tilespmem:v17+s12+$0x0], $0xffff;
	v30 =	vadd.s32 v51, v4;
	v51 =	vsub.f32 v0, v2;
	v0 =	vsub.f32 v36, v44  }
0x18d: {  	v24 =	vld.idx.msk [tilespmem:v11+s12+$0x0], $0xffff;
	v2 =	vsub.f32 v36, v45;
	v44 =	vimm.f32 $0.0e+00;
	v45 =	vimm.f32 $0.0e+00  }
0x18e: {  	v11 =	vld.idx.msk [tilespmem:v14+s12+$0x0], $0xffff;
	v10 =	vmul.f32 v5, v5;
	v53 =	vmul.f32 v18, v18;
	v5 =	vsub.f32 v46, v54  }
0x18f: {  	v20 =	vld.idx.msk [tilespmem:v20+s12+$0x0], $0xffff;
	v3 =	vsub.f32 v46, v18;
	v54 =	vimm.f32 $0.0e+00;
	v17 =	vsub.f32 v8, v13  }
0x190: {  	[tilespmem:$0x1FD40] =	vst v37;
	v60 =	vld.idx.msk [tilespmem:v15+s12+$0x0], $0xffff;
	v46 =	vimm.f32 $0.0e+00;
	v4 =	vmul.f32 v23, v23;
	v55 =	vmul.f32 v26, v26  }
0x191: {  	s24 =	simm.s32 $0xF;
	v61 =	vld.idx.msk [tilespmem:v16+s12+$0x0], $0xffff;
	v15 =	vsub.f32 v9, v12;
	v14 =	vmul.f32 v13, v13;
	v13 =	vmul.f32 v17, v17  }
.LBB2_7:
0x192: {  	v12 =	vmul.f32 v12, v12  }
0x193: {  	v15 =	vmul.f32 v15, v15;
	v1 =	vmul.f32 v1, v1  }
0x194: {  	v13 =	vadd.f32 v13, v54;
	v22 =	vmul.f32 v22, v22;
	v5 =	vmul.f32 v5, v5  }
0x195: {  	v3 =	vmul.f32 v3, v3;
	v0 =	vmul.f32 v0, v0  }
0x196: {  	v2 =	vmul.f32 v2, v2;
	v13 =	vadd.f32 v15, v13;
	v16 =	vsub.f32 v24, v20  }
0x197: {  	v17 =	vld.idx.msk [tilespmem:v58+s12+$0x0], $0xffff;
	v18 =	vmul.f32 v27, v27;
	v14 =	vadd.f32 v14, v38;
	v31 =	vsub.f32 v60, v31  }
0x198: {  	v20 =	vmul.f32 v20, v20;
	v25 =	vsub.f32 v11, v25;
	v23 =	vsub.f32 v11, v23  }
0x199: {  	v19 =	vld.idx.msk [tilespmem:v56+s12+$0x0], $0xffff;
	v11 =	vsub.f32 v11, v26;
	v12 =	vadd.f32 v12, v14;
	v14 =	vmul.f32 v16, v16  }
0x19a: {  	v15 =	vld.idx.msk [tilespmem:v32+s12+$0x0], $0xffff;
	v27 =	vsub.f32 v60, v27;
	v16 =	vmul.f32 v61, v61;
	v61 =	vsub.f32 v60, v61  }
0x19b: {  	v26 =	vld.idx.msk [tilespmem:v29+s12+$0x0], $0xffff;
	v12 =	vadd.f32 v20, v12;
	v13 =	vadd.f32 v14, v13;
	v14 =	vmul.f32 v31, v31  }
0x19c: {  	v20 =	vld.idx.msk [tilespmem:v30+s12+$0x0], $0xffff;
	v30 =	vmul.f32 v17, v17;
	v31 =	vsub.f32 v24, v63;
	v17 =	vsub.f32 v24, v17  }
0x19d: {  	v29 =	vmul.f32 v63, v63;
	v12 =	vadd.f32 v62, v12;
	v13 =	vadd.f32 v14, v13  }
0x19e: {  	v14 =	vmul.f32 v25, v25;
	v25 =	vmul.f32 v19, v19;
	v19 =	vsub.f32 v9, v19  }
0x19f: {  	s31 =	sadd.s32 $0xFFFFFFFD, s24;
	v36 =	vmul.f32 v15, v15;
	v9 =	vsub.f32 v9, v15;
	v12 =	vadd.f32 v57, v12  }
0x1a0: {  	v15 =	vadd.s32 s31, v33;
	v13 =	vadd.f32 v14, v13;
	v14 =	vmul.f32 v59, v59  }
0x1a1: {  	v24 =	vmul.f32 v26, v26;
	v15 =	vadd.s32 v40, v15;
	v12 =	vadd.f32 v28, v12  }
0x1a2: {  	s29 =	sadd.s32 $0xFFFFFFFB, s24;
	v9 =	vmul.f32 v9, v9;
	v13 =	vadd.f32 v14, v13;
	v14 =	vsub.f32 v8, v26  }
0x1a3: {  	v8 =	vsub.f32 v8, v20;
	v28 =	vadd.s32 s29, v34;
	v10 =	vadd.f32 v10, v12  }
0x1a4: {  	v1 =	vadd.f32 v1, v13;
	v12 =	vmul.f32 v14, v14;
	v13 =	vmul.f32 v20, v20  }
0x1a5: {  	v8 =	vmul.f32 v8, v8;
	v14 =	vadd.s32 s31, v21;
	v6 =	vadd.f32 v6, v10  }
0x1a6: {  	s28 =	sadd.s32 $0xFFFFFFFC, s24;
	v14 =	vadd.s32 v39, v14;
	v54 =	vadd.f32 v22, v1;
	v1 =	vadd.f32 v24, v44  }
0x1a7: {  	v10 =	vmul.f32 v19, v19;
	v8 =	vadd.f32 v8, v46;
	v19 =	vadd.s32 s28, v33  }
0x1a8: {  	s26 =	sadd.s32 $0xFFFFFFFE, s24;
	v19 =	vadd.s32 v40, v19;
	[tilespmem:$0x1FD10] =	vst v6;
	v6 =	vadd.f32 v12, v47;
	v12 =	vadd.f32 v13, v45  }
0x1a9: {  	v1 =	vadd.f32 v25, v1;
	v8 =	vadd.f32 v9, v8;
	v13 =	vadd.s32 s26, v34  }
0x1aa: {  	v9 =	vmul.f32 v17, v17;
	v17 =	vadd.s32 s31, v34;
	v13 =	vadd.s32 v41, v13  }
0x1ab: {  	v6 =	vadd.f32 v10, v6;
	v10 =	vmul.f32 v31, v31;
	v12 =	vadd.f32 v36, v12  }
0x1ac: {  	v1 =	vadd.f32 v29, v1;
	v8 =	vadd.f32 v9, v8;
	v9 =	vmul.f32 v61, v61  }
0x1ad: {  	v17 =	vadd.s32 v41, v17;
	v6 =	vadd.f32 v10, v6;
	v12 =	vadd.f32 v30, v12  }
0x1ae: {  	v10 =	vmul.f32 v27, v27;
	v1 =	vadd.f32 v18, v1;
	v8 =	vadd.f32 v9, v8  }
0x1af: {  	v9 =	vmul.f32 v11, v11;
	v11 =	vadd.s32 s26, v33;
	v18 =	vadd.s32 s28, v21  }
0x1b0: {  	v6 =	vadd.f32 v10, v6;
	v10 =	vmul.f32 v23, v23;
	v12 =	vadd.f32 v16, v12  }
0x1b1: {  	s25 =	sadd.s32 $0xFFFFFFFF, s24;
	v11 =	vadd.s32 v40, v11;
	v1 =	vadd.f32 v4, v1;
	v8 =	vadd.f32 v9, v8  }
0x1b2: {  	v25 =	vld.idx.msk [tilespmem:v14+s12+$0x0], $0xffff;
	v9 =	vadd.s32 s25, v34;
	v4 =	vadd.f32 v10, v6;
	v6 =	vadd.f32 v55, v12  }
0x1b3: {  	v58 =	vadd.s32 v41, v28;
	v14 =	vld [tilespmem:$0x1FEA0];
	v18 =	vadd.s32 v39, v18;
	v9 =	vadd.s32 v41, v9  }
0x1b4: {  	v27 =	vld.idx.msk [tilespmem:v19+s12+$0x0], $0xffff;
	v4 =	vadd.f32 v5, v4;
	v5 =	vadd.f32 v53, v6;
	v6 =	vadd.s32 s25, v33  }
0x1b5: {  	s30 =	sadd.s32 $0xFFFFFFFA, s24;
	v20 =	vadd.s32 s28, v34;
	v22 =	vadd.s32 s29, v33;
	v13 =	vld.idx.msk [tilespmem:v13+s12+$0x0], $0xffff;
	v6 =	vadd.s32 v40, v6  }
0x1b6: {  	v24 =	vadd.s32 s30, v33;
	v26 =	vld.idx.msk [tilespmem:v17+s12+$0x0], $0xffff;
	v1 =	vadd.f32 v52, v1;
	v3 =	vadd.f32 v3, v8  }
0x1b7: {  	v8 =	vadd.s32 s26, v35;
	v10 =	vadd.s32 s26, v21;
	v12 =	vadd.s32 s31, v35;
	s31 =	sadd.s32 $0xFFFFFFF9, s24;
	v37 =	vld.idx.msk [tilespmem:v11+s12+$0x0], $0xffff  }
0x1b8: {  	v8 =	vadd.s32 v7, v8;
	v10 =	vadd.s32 v39, v10;
	v11 =	vadd.s32 s31, v35;
	v31 =	vld.idx.msk [tilespmem:v18+s12+$0x0], $0xffff  }
0x1b9: {  	v23 =	vadd.s32 s31, v21;
	v1 =	vadd.f32 v50, v1;
	v11 =	vand.u32 $0xFFFFFFF8, v11;
	v55 =	vld.idx.msk [tilespmem:v9+s12+$0x0], $0xffff  }
0x1ba: {  	v2 =	vadd.f32 v2, v3;
	v11 =	vadd.s32 v14, v11;
	v36 =	vld.idx.msk [tilespmem:v6+s12+$0x0], $0xffff;
	v6 =	vadd.s32 s29, v35  }
0x1bb: {  	v3 =	vmul.f32 v49, v49;
	v14 =	vand.u32 $0xFFFFFFF8, v23;
	v23 =	vld.idx.msk [tilespmem:v15+s12+$0x0], $0xffff;
	v6 =	vadd.s32 v7, v6  }
0x1bc: {  	v62 =	vadd.s32 v7, v12;
	v0 =	vadd.f32 v0, v4;
	v4 =	vmul.f32 v51, v51;
	v15 =	vld [tilespmem:$0x1FD90]  }
0x1bd: {  	v44 =	vadd.f32 v43, v1;
	v46 =	vadd.f32 v3, v2;
	v1 =	vadd.s32 s24, v21;
	v63 =	vld.idx.msk [tilespmem:v8+s12+$0x0], $0xffff  }
0x1be: {  	v2 =	vadd.s32 s24, v33;
	v1 =	vadd.s32 v39, v1;
	v8 =	vadd.s32 s30, v35;
	v59 =	vld.idx.msk [tilespmem:v10+s12+$0x0], $0xffff  }
0x1bf: {  	v3 =	vadd.s32 s24, v34;
	v2 =	vadd.s32 v40, v2;
	v12 =	vadd.s32 v7, v8;
	v8 =	vld.idx.msk [tilespmem:v11+s12+$0x0], $0xffff  }
0x1c0: {  	v56 =	vadd.s32 v40, v24;
	v5 =	vadd.f32 v48, v5;
	v3 =	vadd.s32 v41, v3;
	v24 =	vld.idx.msk [tilespmem:v6+s12+$0x0], $0xffff  }
0x1c1: {  	v38 =	vadd.s32 v40, v22;
	v47 =	vadd.f32 v4, v0;
	v0 =	vadd.s32 s24, v35;
	v6 =	vld [tilespmem:$0x1FDA0]  }
0x1c2: {  	v45 =	vadd.f32 v42, v5;
	v5 =	vadd.s32 s25, v21;
	v0 =	vadd.s32 v7, v0;
	v11 =	vld.idx.msk [tilespmem:v62+s12+$0x0], $0xffff  }
0x1c3: {  	v17 =	vadd.s32 v41, v20;
	v4 =	vadd.s32 s25, v35;
	v5 =	vadd.s32 v39, v5;
	v1 =	vld.idx.msk [tilespmem:v1+s12+$0x0], $0xffff  }
0x1c4: {  	v29 =	vadd.s32 s31, v33;
	v9 =	vadd.s32 s29, v21;
	v4 =	vadd.s32 v7, v4;
	v2 =	vld.idx.msk [tilespmem:v2+s12+$0x0], $0xffff  }
0x1c5: {  	v20 =	vadd.s32 v39, v9;
	v9 =	vand.u32 $0xFFFFFFF8, v29;
	v14 =	vadd.s32 v15, v14;
	v3 =	vld.idx.msk [tilespmem:v3+s12+$0x0], $0xffff  }
0x1c6: {  	v30 =	vadd.s32 s30, v34;
	v10 =	vadd.s32 s30, v21;
	v29 =	vadd.s32 v6, v9;
	v9 =	vld [tilespmem:$0x1FDB0]  }
0x1c7: {  	v32 =	vadd.s32 v41, v30;
	v57 =	vmul.f32 v25, v25;
	v18 =	vadd.s32 v39, v10;
	v0 =	vld.idx.msk [tilespmem:v0+s12+$0x0], $0xffff  }
0x1c8: {  	v53 =	vmul.f32 v13, v13;
	v52 =	vmul.f32 v37, v37;
	v15 =	vadd.s32 s31, v34;
	v5 =	vld.idx.msk [tilespmem:v5+s12+$0x0], $0xffff  }
0x1c9: {  	v48 =	vmul.f32 v55, v55;
	v62 =	vmul.f32 v31, v31;
	v16 =	vld.idx.msk [tilespmem:v4+s12+$0x0], $0xffff;
	v4 =	vadd.s32 s28, v35  }
0x1ca: {  	v28 =	vmul.f32 v59, v59;
	v4 =	vadd.s32 v7, v4;
	v14 =	vld.idx.msk [tilespmem:v14+s12+$0x0], $0xffff;
	v6 =	vand.u32 $0xFFFFFFF8, v15  }
0x1cb: {  	v59 =	vsub.f32 v63, v59;
	v50 =	vmul.f32 v36, v36;
	v30 =	vadd.s32 v9, v6;
	v9 =	vld.idx.msk [tilespmem:v12+s12+$0x0], $0xffff  }
0x1cc: {  	p0 =	sne.s32 s24, $0x1F;
	v43 =	vmul.f32 v2, v2;
	v42 =	vmul.f32 v3, v3;
	v22 =	vsub.f32 v0, v1;
	v12 =	vld.idx.msk [tilespmem:v18+s12+$0x0], $0xffff  }
.Ltmp2:
0x1cd: {  	v61 =	vld.idx.msk [tilespmem:v17+s12+$0x0], $0xffff;
	v10 =	vmul.f32 v5, v5;
	v51 =	vsub.f32 v0, v2;
	v49 =	vsub.f32 v0, v3;
	(pc) =	sbr.rel @p0 .LBB2_7-.Ltmp2, $4  }
0x1ce: {  	v20 =	vld.idx.msk [tilespmem:v20+s12+$0x0], $0xffff;
	v0 =	vsub.f32 v16, v36;
	v2 =	vsub.f32 v16, v55;
	v55 =	vmul.f32 v26, v26  }
0x1cf: {  	v3 =	vsub.f32 v63, v13;
	v60 =	vld.idx.msk [tilespmem:v4+s12+$0x0], $0xffff;
	v4 =	vmul.f32 v23, v23;
	v15 =	vsub.f32 v8, v14  }
0x1d0: {  	v6 =	vmul.f32 v1, v1;
	v1 =	vsub.f32 v16, v5;
	v5 =	vsub.f32 v63, v37;
	v63 =	vld.idx.msk [tilespmem:v38+s12+$0x0], $0xffff  }
0x1d1: {  	s24 =	sadd.s32 $0x8, s24;
	v14 =	vmul.f32 v14, v14;
	v13 =	vmul.f32 v15, v15;
	v38 =	vld [tilespmem:$0x1FD10];
	v15 =	vsub.f32 v9, v12  }
0x1d2: {  	_ =	sdelay $0x2  }
0x1d3: {  	v16 =	vsub.f32 v24, v20;
	v13 =	vadd.f32 v13, v54;
	v15 =	vmul.f32 v15, v15  }
0x1d4: {  	v12 =	vmul.f32 v12, v12;
	v17 =	vmul.f32 v27, v27;
	v14 =	vadd.f32 v14, v38  }
0x1d5: {  	v18 =	vld.idx.msk [tilespmem:v58+s12+$0x0], $0xffff;
	v19 =	vsub.f32 v60, v31;
	v13 =	vadd.f32 v15, v13;
	v15 =	vmul.f32 v16, v16  }
0x1d6: {  	v21 =	vsub.f32 v11, v25;
	v20 =	vmul.f32 v20, v20;
	v12 =	vadd.f32 v12, v14  }
0x1d7: {  	v25 =	vld.idx.msk [tilespmem:v29+s12+$0x0], $0xffff;
	v27 =	vsub.f32 v60, v27;
	v13 =	vadd.f32 v15, v13;
	v15 =	vmul.f32 v19, v19  }
0x1d8: {  	v29 =	vld.idx.msk [tilespmem:v30+s12+$0x0], $0xffff;
	v1 =	vmul.f32 v1, v1;
	v31 =	vsub.f32 v60, v61;
	v12 =	vadd.f32 v20, v12  }
0x1d9: {  	v16 =	vsub.f32 v11, v23;
	v14 =	vld.idx.msk [tilespmem:v56+s12+$0x0], $0xffff;
	v13 =	vadd.f32 v15, v13;
	v15 =	vmul.f32 v21, v21  }
0x1da: {  	v11 =	vsub.f32 v11, v26;
	v26 =	vmul.f32 v18, v18;
	v20 =	vld.idx.msk [tilespmem:v32+s12+$0x0], $0xffff;
	v12 =	vadd.f32 v62, v12  }
0x1db: {  	v18 =	vsub.f32 v24, v18;
	v13 =	vadd.f32 v15, v13;
	v15 =	vmul.f32 v59, v59  }
0x1dc: {  	v22 =	vmul.f32 v22, v22;
	v21 =	vsub.f32 v24, v63;
	v12 =	vadd.f32 v57, v12  }
0x1dd: {  	v5 =	vmul.f32 v5, v5;
	v13 =	vadd.f32 v15, v13;
	v15 =	vsub.f32 v8, v25  }
0x1de: {  	v19 =	vmul.f32 v63, v63;
	v8 =	vsub.f32 v8, v29;
	v12 =	vadd.f32 v28, v12  }
0x1df: {  	v30 =	vmul.f32 v14, v14;
	v14 =	vsub.f32 v9, v14;
	v32 =	vmul.f32 v20, v20  }
0x1e0: {  	v9 =	vsub.f32 v9, v20;
	v8 =	vmul.f32 v8, v8;
	v10 =	vadd.f32 v10, v12  }
0x1e1: {  	v1 =	vadd.f32 v1, v13;
	v13 =	vmul.f32 v15, v15;
	v12 =	vmul.f32 v25, v25  }
0x1e2: {  	v8 =	vadd.f32 v8, v46;
	v9 =	vmul.f32 v9, v9;
	v6 =	vadd.f32 v6, v10  }
0x1e3: {  	v10 =	vadd.f32 v12, v44;
	v12 =	vadd.f32 v13, v47;
	v13 =	vmul.f32 v14, v14  }
0x1e4: {  	v15 =	vmul.f32 v29, v29;
	v8 =	vadd.f32 v9, v8;
	v9 =	vmul.f32 v18, v18  }
0x1e5: {  	v10 =	vadd.f32 v30, v10;
	v12 =	vadd.f32 v13, v12;
	v13 =	vmul.f32 v21, v21  }
0x1e6: {  	v14 =	vadd.f32 v15, v45;
	v8 =	vadd.f32 v9, v8;
	v9 =	vmul.f32 v31, v31  }
0x1e7: {  	v10 =	vadd.f32 v19, v10;
	v12 =	vadd.f32 v13, v12;
	v13 =	vmul.f32 v27, v27  }
0x1e8: {  	v15 =	vld [tilespmem:$0x1FF80];
	v14 =	vadd.f32 v32, v14;
	v8 =	vadd.f32 v9, v8;
	v9 =	vmul.f32 v11, v11  }
0x1e9: {  	v10 =	vadd.f32 v17, v10;
	v12 =	vadd.f32 v13, v12;
	v13 =	vmul.f32 v16, v16;
	v17 =	vld [tilespmem:$0x1FDE0]  }
0x1ea: {  	v23 =	vmul.f32 v61, v61;
	v14 =	vadd.f32 v26, v14;
	v8 =	vadd.f32 v9, v8  }
0x1eb: {  	v3 =	vmul.f32 v3, v3;
	v4 =	vadd.f32 v4, v10;
	v10 =	vadd.f32 v13, v12  }
0x1ec: {  	v0 =	vmul.f32 v0, v0;
	v1 =	vadd.f32 v22, v1;
	v14 =	vadd.f32 v23, v14  }
0x1ed: {  	v2 =	vmul.f32 v2, v2;
	v16 =	vld [tilespmem:$0x1FE80];
	v3 =	vadd.f32 v3, v8;
	v5 =	vadd.f32 v5, v10  }
0x1ee: {  	v11 =	vadd.f32 v55, v14;
	v14 =	vadd.s32 $0xA, v15;
	v8 =	vor.u32 $0x7, v17  }
0x1ef: {  	v4 =	vadd.f32 v52, v4;
	v0 =	vadd.f32 v0, v5;
	v5 =	vor.u32 $0x12, v17  }
0x1f0: {  	v37 =	vld [tilespmem:$0x1FFB0];
	v12 =	vmul.f32 v49, v49;
	v9 =	vadd.f32 v53, v11;
	v11 =	vor.u32 $0x8, v17  }
0x1f1: {  	v2 =	vadd.f32 v2, v3;
	v3 =	vor.u32 $0x13, v17;
	v4 =	vadd.f32 v50, v4  }
0x1f2: {  	[tilespmem:$0x1FCF0] =	vst v14;
	v10 =	vmul.f32 v51, v51;
	v13 =	vor.u32 $0x9, v17;
	v14 =	vadd.s32 v14, v16  }
0x1f3: {  	v9 =	vadd.f32 v48, v9;
	v4 =	vadd.f32 v43, v4;
	[tilespmem:v8+s17+$0x0] =	vst.idx.msk $0xffff, v6  }
0x1f4: {  	v0 =	vadd.f32 v10, v0;
	v6 =	vor.u32 $0x14, v17;
	v8 =	vand.u32 $0x3FF8, v14;
	[tilespmem:v5+s17+$0x0] =	vst.idx.msk $0xffff, v1  }
0x1f5: {  	v1 =	vor.u32 v37, v8;
	v5 =	vadd.f32 v42, v9;
	v42 =	vld [tilespmem:$0x1FFC0];
	[tilespmem:v11+s17+$0x0] =	vst.idx.msk $0xffff, v4  }
0x1f6: {  	[tilespmem:v3+s17+$0x0] =	vst.idx.msk $0xffff, v0  }
0x1f7: {  	v2 =	vadd.f32 v12, v2;
	v0 =	vadd.s32 $0xB, v15;
	[tilespmem:v13+s17+$0x0] =	vst.idx.msk $0xffff, v5  }
0x1f8: {  	[tilespmem:$0x1FD00] =	vst v0;
	v0 =	vadd.s32 v0, v16  }
0x1f9: {  	v3 =	vld [tilespmem:$0x1FEA0];
	[tilespmem:v6+s17+$0x0] =	vst.idx.msk $0xffff, v2;
	v0 =	vand.u32 $0x3FF8, v0  }
0x1fa: {  	v38 =	vld.idx.msk [tilespmem:v1+s10+$0x0], $0xffff;
	v0 =	vor.u32 v42, v0  }
0x1fb: {  	s25 =	simm.s32 $0x2  }
0x1fc: {  	s24 =	simm.s32 $0x0;
	s31 =	simm.s32 $0x5;
	v43 =	vadd.s32 $0x500, v7;
	v4 =	vadd.s32 s25, v35  }
0x1fd: {  	s28 =	simm.s32 $0x3;
	v4 =	vadd.s32 v7, v4;
	v15 =	vadd.s32 s31, v35;
	v1 =	vadd.s32 s24, v35  }
0x1fe: {  	v15 =	vadd.s32 v7, v15;
	v6 =	vadd.s32 s28, v35;
	v1 =	vand.u32 $0xFFFFFFF8, v1  }
0x1ff: {  	[tilespmem:$0x1FCE0] =	vst v39;
	s29 =	simm.s32 $0x4;
	v6 =	vadd.s32 v7, v6;
	v1 =	vadd.s32 v3, v1;
	v39 =	vld.idx.msk [tilespmem:v0+s10+$0x0], $0xffff;
	v0 =	vand.u32 $0x7, v38  }
0x200: {  	v2 =	vadd.s32 s24, v38;
	v3 =	vadd.s32 s25, v38;
	v12 =	vadd.s32 s29, v38  }
0x201: {  	[tilespmem:$0x1FCD0] =	vst v40;
	v40 =	vor.u32 v43, v0;
	v0 =	vand.u32 $0xFFFFFFF8, v2;
	v2 =	vadd.s32 v43, v3  }
0x202: {  	v4 =	vld.idx.msk [tilespmem:v4+s12+$0x0], $0xffff;
	v12 =	vadd.s32 v43, v12  }
0x203: {  	s26 =	simm.s32 $0x1;
	v15 =	vld.idx.msk [tilespmem:v15+s12+$0x0], $0xffff;
	v13 =	vadd.s32 s28, v38;
	v0 =	vadd.s32 v40, v0  }
0x204: {  	v44 =	vadd.s32 $0x580, v7;
	v6 =	vld.idx.msk [tilespmem:v6+s12+$0x0], $0xffff;
	v3 =	vadd.s32 s26, v35;
	v13 =	vadd.s32 v43, v13  }
0x205: {  	v8 =	vadd.s32 s26, v38;
	v3 =	vadd.s32 v7, v3;
	v1 =	vld.idx.msk [tilespmem:v1+s12+$0x0], $0xffff;
	v5 =	vand.u32 $0x7, v39  }
0x206: {  	[tilespmem:$0x1FCC0] =	vst v41;
	v10 =	vadd.s32 s26, v39;
	v41 =	vor.u32 v44, v5;
	v5 =	vadd.s32 v43, v8;
	v2 =	vld.idx.msk [tilespmem:v2+s12+$0x0], $0xffff  }
0x207: {  	s30 =	simm.s32 $0x6;
	v9 =	vimm.f32 $0.0e+00;
	v11 =	vadd.s32 s28, v39;
	v10 =	vadd.s32 v44, v10;
	v12 =	vld.idx.msk [tilespmem:v12+s12+$0x0], $0xffff  }
0x208: {  	v22 =	vadd.s32 s30, v38;
	v16 =	vadd.s32 s29, v39;
	v11 =	vadd.s32 v44, v11;
	v0 =	vld.idx.msk [tilespmem:v0+s12+$0x0], $0xffff  }
0x209: {  	v22 =	vadd.s32 v43, v22;
	v14 =	vadd.s32 s31, v39;
	v16 =	vadd.s32 v44, v16;
	v13 =	vld.idx.msk [tilespmem:v13+s12+$0x0], $0xffff  }
0x20a: {  	v17 =	vadd.s32 s24, v39;
	v19 =	vadd.s32 s25, v39;
	v14 =	vadd.s32 v44, v14;
	v3 =	vld.idx.msk [tilespmem:v3+s12+$0x0], $0xffff  }
0x20b: {  	v8 =	vadd.s32 s29, v35;
	v17 =	vand.u32 $0xFFFFFFF8, v17;
	v19 =	vadd.s32 v44, v19;
	v18 =	vld.idx.msk [tilespmem:v5+s12+$0x0], $0xffff  }
0x20c: {  	v8 =	vadd.s32 v7, v8;
	v5 =	vadd.s32 s31, v38;
	v21 =	vld.idx.msk [tilespmem:v10+s12+$0x0], $0xffff;
	v10 =	vadd.s32 v41, v17  }
0x20d: {  	v11 =	vld.idx.msk [tilespmem:v11+s12+$0x0], $0xffff;
	v26 =	vmul.f32 v2, v2;
	v29 =	vsub.f32 v4, v2;
	v20 =	vsub.f32 v1, v0  }
0x20e: {  	v16 =	vld.idx.msk [tilespmem:v16+s12+$0x0], $0xffff;
	v17 =	vmul.f32 v0, v0;
	v0 =	vadd.s32 s30, v35;
	v24 =	vadd.s32 v43, v5  }
0x20f: {  	s31 =	simm.s32 $0x7;
	v14 =	vld.idx.msk [tilespmem:v14+s12+$0x0], $0xffff;
	v23 =	vadd.s32 v7, v0;
	v0 =	vadd.s32 s30, v39;
	v29 =	vmul.f32 v29, v29  }
0x210: {  	v19 =	vld.idx.msk [tilespmem:v19+s12+$0x0], $0xffff;
	v20 =	vmul.f32 v20, v20;
	v28 =	vadd.s32 v44, v0;
	v0 =	vadd.s32 s31, v39  }
0x211: {  	v8 =	vld.idx.msk [tilespmem:v8+s12+$0x0], $0xffff;
	v17 =	vadd.f32 v17, v9;
	v25 =	vadd.s32 v44, v0;
	v0 =	vadd.s32 s31, v38  }
0x212: {  	v27 =	vld.idx.msk [tilespmem:v10+s12+$0x0], $0xffff;
	v20 =	vadd.f32 v20, v9;
	v10 =	vadd.s32 s31, v35;
	v5 =	vmul.f32 v21, v21  }
0x213: {  	v31 =	vadd.s32 v43, v0;
	v63 =	vmul.f32 v18, v18;
	v18 =	vsub.f32 v3, v18  }
0x214: {  	v2 =	vmul.f32 v11, v11;
	v11 =	vsub.f32 v6, v11;
	v6 =	vsub.f32 v6, v13  }
0x215: {  	v0 =	vmul.f32 v16, v16;
	v21 =	vsub.f32 v3, v21;
	v3 =	vsub.f32 v15, v14  }
0x216: {  	v4 =	vsub.f32 v4, v19;
	v30 =	vadd.s32 v7, v10;
	v10 =	vld.idx.msk [tilespmem:v23+s12+$0x0], $0xffff;
	v23 =	vsub.f32 v8, v12  }
0x217: {  	v16 =	vsub.f32 v8, v16;
	v24 =	vld.idx.msk [tilespmem:v24+s12+$0x0], $0xffff;
	v18 =	vmul.f32 v18, v18;
	v8 =	vmul.f32 v11, v11  }
0x218: {  	v17 =	vadd.f32 v63, v17;
	v6 =	vmul.f32 v6, v6;
	v33 =	vld.idx.msk [tilespmem:v25+s12+$0x0], $0xffff;
	v23 =	vmul.f32 v23, v23  }
0x219: {  	v11 =	vadd.f32 v18, v20;
	v25 =	vld.idx.msk [tilespmem:v22+s12+$0x0], $0xffff;
	v22 =	vmul.f32 v4, v4;
	v18 =	vmul.f32 v12, v12  }
0x21a: {  	v17 =	vadd.f32 v26, v17;
	v12 =	vmul.f32 v13, v13;
	v4 =	vmul.f32 v14, v14  }
0x21b: {  	v1 =	vsub.f32 v1, v27;
	v31 =	vld.idx.msk [tilespmem:v31+s12+$0x0], $0xffff;
	v13 =	vmul.f32 v27, v27;
	v27 =	vmul.f32 v19, v19  }
0x21c: {  	v30 =	vld.idx.msk [tilespmem:v30+s12+$0x0], $0xffff;
	v11 =	vadd.f32 v29, v11;
	v15 =	vsub.f32 v15, v24;
	v26 =	vmul.f32 v24, v24  }
0x21d: {  	v1 =	vmul.f32 v1, v1;
	v14 =	vadd.f32 v13, v9;
	v13 =	vadd.f32 v12, v17  }
0x21e: {  	v12 =	vld.idx.msk [tilespmem:v28+s12+$0x0], $0xffff;
	v28 =	vmul.f32 v21, v21;
	v11 =	vadd.f32 v6, v11;
	v6 =	vmul.f32 v3, v3  }
0x21f: {  	v24 =	vmul.f32 v15, v15;
	v3 =	vmul.f32 v33, v33;
	v29 =	vsub.f32 v10, v25  }
0x220: {  	v15 =	vadd.f32 v1, v9;
	v9 =	vmul.f32 v16, v16;
	v13 =	vadd.f32 v18, v13  }
0x221: {  	s24 =	simm.s32 $0xF;
	v1 =	vmul.f32 v31, v31;
	v17 =	vsub.f32 v30, v31;
	v16 =	vsub.f32 v30, v33  }
.LBB2_9:
0x222: {  	v21 =	vmul.f32 v25, v25  }
0x223: {  	s26 =	sadd.s32 $0xFFFFFFF9, s24;
	v18 =	vmul.f32 v29, v29;
	v17 =	vmul.f32 v17, v17  }
0x224: {  	v19 =	vadd.s32 s26, v35;
	v20 =	vadd.s32 s26, v38;
	v11 =	vadd.f32 v23, v11  }
0x225: {  	s28 =	sadd.s32 $0xFFFFFFFE, s24;
	s25 =	smov.u32 s24;
	v16 =	vmul.f32 v16, v16;
	v5 =	vadd.f32 v5, v14;
	v15 =	vadd.f32 v28, v15  }
0x226: {  	s30 =	sadd.s32 $0xFFFFFFFA, s25;
	v13 =	vadd.f32 v26, v13;
	v32 =	vadd.s32 s28, v35;
	v33 =	vadd.s32 s28, v38  }
0x227: {  	s31 =	sadd.s32 $0xFFFFFFFB, s25;
	v19 =	vand.u32 $0xFFFFFFF8, v19;
	v20 =	vand.u32 $0xFFFFFFF8, v20;
	v23 =	vadd.s32 s30, v35  }
0x228: {  	v14 =	vadd.s32 s30, v38;
	v29 =	vadd.s32 s31, v35;
	v31 =	vadd.s32 s30, v39  }
0x229: {  	s29 =	sadd.s32 $0xFFFFFFFC, s24;
	v25 =	vld [tilespmem:$0x1FEA0];
	v32 =	vadd.s32 v7, v32;
	v20 =	vadd.s32 v40, v20;
	v23 =	vadd.s32 v7, v23  }
0x22a: {  	v28 =	vadd.s32 v7, v29;
	v29 =	vadd.s32 s29, v39;
	v5 =	vadd.f32 v27, v5  }
0x22b: {  	v14 =	vadd.s32 v43, v14;
	v27 =	vadd.s32 s29, v35;
	v15 =	vadd.f32 v22, v15  }
0x22c: {  	v11 =	vadd.f32 v24, v11;
	v13 =	vadd.f32 v21, v13;
	v21 =	vadd.s32 v44, v31  }
0x22d: {  	v10 =	vsub.f32 v10, v12;
	v12 =	vmul.f32 v12, v12;
	v22 =	vadd.s32 v7, v27  }
0x22e: {  	v27 =	vadd.s32 s29, v38;
	s29 =	sadd.s32 $0xFFFFFFFD, s25;
	v19 =	vadd.s32 v25, v19;
	v25 =	vadd.s32 s31, v38  }
0x22f: {  	v26 =	vadd.s32 s29, v35;
	v30 =	vadd.s32 s29, v38;
	v8 =	vadd.f32 v8, v15  }
0x230: {  	v11 =	vadd.f32 v18, v11;
	v18 =	vadd.s32 s31, v39;
	v25 =	vadd.s32 v43, v25;
	v20 =	vld.idx.msk [tilespmem:v20+s12+$0x0], $0xffff  }
0x231: {  	v2 =	vadd.f32 v2, v5;
	v1 =	vadd.f32 v1, v13;
	v24 =	vadd.s32 v7, v26;
	v23 =	vld.idx.msk [tilespmem:v23+s12+$0x0], $0xffff  }
0x232: {  	v13 =	vadd.s32 v43, v33;
	v26 =	vadd.s32 v43, v30;
	v30 =	vadd.s32 s28, v39;
	v15 =	vld.idx.msk [tilespmem:v28+s12+$0x0], $0xffff  }
0x233: {  	v10 =	vmul.f32 v10, v10;
	v8 =	vadd.f32 v9, v8;
	v28 =	vadd.s32 v44, v29;
	v14 =	vld.idx.msk [tilespmem:v14+s12+$0x0], $0xffff  }
0x234: {  	s31 =	sadd.s32 $0xFFFFFFFF, s25;
	v30 =	vadd.s32 v44, v30;
	v0 =	vadd.f32 v0, v2;
	v29 =	vadd.s32 s29, v39;
	v19 =	vld.idx.msk [tilespmem:v19+s12+$0x0], $0xffff  }
0x235: {  	v36 =	vadd.s32 s31, v38;
	v29 =	vadd.s32 v44, v29;
	v6 =	vadd.f32 v6, v8;
	v25 =	vld.idx.msk [tilespmem:v25+s12+$0x0], $0xffff  }
0x236: {  	v34 =	vadd.s32 s31, v35;
	v59 =	vadd.s32 v43, v36;
	v0 =	vadd.f32 v4, v0;
	v24 =	vld.idx.msk [tilespmem:v24+s12+$0x0], $0xffff  }
0x237: {  	v2 =	vadd.s32 s31, v39;
	v8 =	vadd.s32 v43, v27;
	v26 =	vld.idx.msk [tilespmem:v26+s12+$0x0], $0xffff;
	v6 =	vadd.f32 v10, v6  }
0x238: {  	v10 =	vadd.s32 v44, v18;
	v0 =	vadd.f32 v12, v0;
	v31 =	vmul.f32 v20, v20;
	v27 =	vld.idx.msk [tilespmem:v28+s12+$0x0], $0xffff  }
0x239: {  	v28 =	vadd.s32 v44, v2;
	v2 =	vadd.f32 v17, v11;
	v16 =	vadd.f32 v16, v6;
	v17 =	vld.idx.msk [tilespmem:v30+s12+$0x0], $0xffff  }
0x23a: {  	v30 =	vadd.f32 v3, v0;
	v18 =	vld.idx.msk [tilespmem:v29+s12+$0x0], $0xffff;
	v5 =	vsub.f32 v19, v20;
	v20 =	vadd.s32 s26, v39  }
0x23b: {  	v22 =	vld.idx.msk [tilespmem:v22+s12+$0x0], $0xffff;
	v61 =	vmul.f32 v14, v14;
	v14 =	vsub.f32 v23, v14;
	v9 =	vand.u32 $0xFFFFFFF8, v20  }
0x23c: {  	v13 =	vld.idx.msk [tilespmem:v13+s12+$0x0], $0xffff;
	v1 =	vadd.f32 v31, v1;
	v5 =	vmul.f32 v5, v5;
	v9 =	vadd.s32 v41, v9  }
0x23d: {  	v14 =	vmul.f32 v14, v14;
	v20 =	vld.idx.msk [tilespmem:v21+s12+$0x0], $0xffff;
	v21 =	vadd.s32 v7, v34;
	v4 =	vmul.f32 v25, v25  }
0x23e: {  	v12 =	vld.idx.msk [tilespmem:v8+s12+$0x0], $0xffff;
	v63 =	vmul.f32 v26, v26;
	v1 =	vadd.f32 v61, v1;
	v11 =	vadd.f32 v5, v2  }
0x23f: {  	v3 =	vld.idx.msk [tilespmem:v10+s12+$0x0], $0xffff;
	v2 =	vadd.s32 s25, v35;
	v0 =	vmul.f32 v18, v18;
	v18 =	vsub.f32 v24, v18  }
0x240: {  	v29 =	vld.idx.msk [tilespmem:v32+s12+$0x0], $0xffff;
	v24 =	vsub.f32 v24, v26;
	v1 =	vadd.f32 v4, v1;
	v60 =	vadd.s32 v7, v2  }
0x241: {  	v4 =	vmul.f32 v17, v17;
	v2 =	vmul.f32 v27, v27;
	v6 =	vld.idx.msk [tilespmem:v9+s12+$0x0], $0xffff;
	v9 =	vadd.s32 s25, v39  }
0x242: {  	v8 =	vadd.s32 v44, v9;
	v9 =	vsub.f32 v15, v25;
	v25 =	vadd.s32 s25, v38  }
0x243: {  	v27 =	vsub.f32 v22, v27;
	v22 =	vsub.f32 v22, v12;
	v25 =	vadd.s32 v43, v25  }
0x244: {  	v5 =	vmul.f32 v20, v20;
	v10 =	vld.idx.msk [tilespmem:v21+s12+$0x0], $0xffff;
	v20 =	vsub.f32 v23, v20;
	v15 =	vsub.f32 v15, v3  }
0x245: {  	v11 =	vadd.f32 v14, v11;
	v23 =	vmul.f32 v24, v24;
	v14 =	vmul.f32 v22, v22;
	v32 =	vld.idx.msk [tilespmem:v60+s12+$0x0], $0xffff  }
0x246: {  	v24 =	vsub.f32 v29, v13;
	v22 =	vmul.f32 v15, v15;
	v15 =	vmul.f32 v12, v12;
	v12 =	vld.idx.msk [tilespmem:v28+s12+$0x0], $0xffff  }
0x247: {  	v26 =	vmul.f32 v13, v13;
	v9 =	vmul.f32 v9, v9;
	v21 =	vld.idx.msk [tilespmem:v8+s12+$0x0], $0xffff  }
0x248: {  	v31 =	vsub.f32 v29, v17;
	v24 =	vmul.f32 v24, v24;
	v28 =	vmul.f32 v20, v20;
	v62 =	vld.idx.msk [tilespmem:v25+s12+$0x0], $0xffff  }
0x249: {  	p0 =	sne.s32 s24, $0x1F;
	v19 =	vsub.f32 v19, v6;
	v9 =	vadd.f32 v9, v11;
	v17 =	vmul.f32 v6, v6;
	v25 =	vld.idx.msk [tilespmem:v59+s12+$0x0], $0xffff  }
.Ltmp3:
0x24a: {  	v6 =	vmul.f32 v31, v31;
	v1 =	vadd.f32 v15, v1;
	v8 =	vmul.f32 v27, v27;
	(pc) =	sbr.rel @p0 .LBB2_9-.Ltmp3, $4  }
0x24b: {  	v27 =	vmul.f32 v3, v3;
	v19 =	vmul.f32 v19, v19;
	v11 =	vadd.f32 v14, v9  }
0x24c: {  	v14 =	vadd.f32 v17, v30;
	v9 =	vmul.f32 v18, v18;
	v13 =	vadd.f32 v63, v1  }
0x24d: {  	v15 =	vadd.f32 v19, v16;
	v3 =	vmul.f32 v21, v21;
	v16 =	vsub.f32 v32, v21  }
0x24e: {  	s24 =	sadd.s32 $0x8, s24;
	v29 =	vsub.f32 v10, v25;
	v17 =	vsub.f32 v32, v62;
	v1 =	vmul.f32 v62, v62  }
0x24f: {  	v5 =	vadd.f32 v5, v14;
	v14 =	vadd.f32 v28, v15;
	_ =	sdelay $0x1  }
0x250: {  	v14 =	vadd.f32 v22, v14;
	_ =	sdelay $0x1  }
0x251: {  	v5 =	vadd.f32 v27, v5;
	v8 =	vadd.f32 v8, v14;
	v14 =	vld [tilespmem:$0x1FDE0]  }
0x252: {  	v10 =	vsub.f32 v10, v12  }
0x253: {  	v11 =	vadd.f32 v23, v11;
	v12 =	vmul.f32 v12, v12;
	v2 =	vadd.f32 v2, v5  }
0x254: {  	v13 =	vadd.f32 v26, v13;
	v15 =	vmul.f32 v29, v29;
	v17 =	vmul.f32 v17, v17  }
0x255: {  	v11 =	vadd.f32 v24, v11;
	v5 =	vmul.f32 v25, v25;
	v0 =	vadd.f32 v0, v2  }
0x256: {  	v2 =	vmul.f32 v10, v10;
	v8 =	vadd.f32 v9, v8;
	v9 =	vor.u32 $0xA, v14  }
0x257: {  	v5 =	vadd.f32 v5, v13;
	v0 =	vadd.f32 v4, v0;
	v4 =	vor.u32 $0x15, v14  }
0x258: {  	v10 =	vadd.f32 v15, v11;
	v6 =	vadd.f32 v6, v8;
	v8 =	vor.u32 $0xB, v14  }
0x259: {  	v1 =	vadd.f32 v1, v5;
	v5 =	vor.u32 $0x16, v14;
	v0 =	vadd.f32 v12, v0  }
0x25a: {  	[tilespmem:$0x1FC10] =	vst v44;
	v11 =	vmul.f32 v16, v16;
	v2 =	vadd.f32 v2, v6;
	v6 =	vadd.f32 v17, v10  }
0x25b: {  	v0 =	vadd.f32 v3, v0;
	[tilespmem:v9+s17+$0x0] =	vst.idx.msk $0xffff, v1  }
0x25c: {  	v1 =	vadd.f32 v11, v2;
	[tilespmem:v4+s17+$0x0] =	vst.idx.msk $0xffff, v6  }
0x25d: {  	p0 =	seq.s32 s20, $0xF;
	[tilespmem:v8+s17+$0x0] =	vst.idx.msk $0xffff, v0  }
0x25e: {  	s24 =	sadd.s32 @!p0 $0x180, s23;
	s25 =	simm.s32 @!p0 $0x60;
	s26 =	simm.s32 @!p0 $0x3000;
	[tilespmem:v5+s17+$0x0] =	vst.idx.msk $0xffff, v1  }
0x25f: {  	[tilespmem:s26], [sflag:$0x1] =	stream.indirect.gather @!p0 [hbm4b:s3+s25], $0x80, s24, s25, $0xb8;
	[tilespmem:$0x17000] =	vst v63  }
0x260: {  	[tilespmem:$0x1FC20] =	vst v43;
	s23 =	sadd.s32 @!p0 $0x1E0, s23;
	s24 =	simm.s32 @!p0 $0x6000  }
0x261: {  	[tilespmem:s24], [sflag:$0x1] =	stream.indirect.gather @!p0 [hbm4b:s3+s25], $0x80, s23, s25, $0xb8;
	[tilespmem:$0x17000] =	vst v63  }
0x262: {  	v0 =	vld [tilespmem:$0x1FF80];
	_ =	swait.ge [sflag:s18], $0x3000  }
0x263: {  	v1 =	vld [tilespmem:$0x1FF50]  }
0x264: {  	v2 =	vld [tilespmem:$0x1FFA0];
	_ =	sdelay $0x1  }
0x265: {  	v3 =	vld [tilespmem:$0x1FF60]  }
0x266: {  	v0 =	vadd.s32 s22, v0  }
0x267: {  	v0 =	vand.u32 $0x7FFFFFF8, v0  }
0x268: {  	[sflag:s18] =	ssyncset.done $0x0;
	v1 =	vadd.s32 s22, v1;
	v0 =	vor.u32 v2, v0  }
0x269: {  	[sflag:s18] =	ssyncadd.s32 $0xFFFFD000;
	v2 =	vld [tilespmem:$0x1FF70];
	v1 =	vand.u32 $0x7FFFFFF8, v1  }
0x26a: {  	v1 =	vor.u32 v3, v1;
	v3 =	vld [tilespmem:$0x1FF90];
	_ =	swait.ge [sflag:s18], $0x3000  }
0x26b: {  	[sflag:s18] =	ssyncset.done $0x0  }
0x26c: {  	[sflag:s18] =	ssyncadd.s32 $0xFFFFD000  }
0x26d: {  	v35 =	vld.idx.msk [tilespmem:v0+s10+$0x0], $0xffff;
	_ =	sdelay $0x1  }
0x26e: {  	v48 =	vimm.f32 $0.0e+00;
	v2 =	vadd.s32 s22, v2;
	v3 =	vadd.s32 s22, v3  }
0x26f: {  	v60 =	vimm.f32 $0.0e+00;
	v2 =	vand.u32 $0x7FFFFFF8, v2;
	v3 =	vand.u32 $0x7FFFFFF8, v3  }
0x270: {  	s24 =	simm.s32 $0x6;
	s25 =	simm.s32 $0x5;
	v2 =	vor.u32 v37, v2;
	v38 =	vld.idx.msk [tilespmem:v1+s10+$0x0], $0xffff;
	v1 =	vmov s22;
	v3 =	vor.u32 v42, v3  }
0x271: {  	s28 =	simm.s32 $0x3;
	s29 =	simm.s32 $0x2;
	s26 =	simm.s32 $0x4;
	v0 =	vand.u32 $0x7, v35;
	v4 =	vadd.s32 s24, v35;
	v8 =	vadd.s32 s25, v35  }
0x272: {  	s30 =	simm.s32 $0x1;
	s31 =	simm.s32 $0x0;
	v13 =	vadd.s32 s26, v35;
	v17 =	vadd.s32 s28, v35;
	v21 =	vadd.s32 s29, v35  }
0x273: {  	v49 =	vld [tilespmem:$0x1FFD0];
	v25 =	vadd.s32 s30, v35;
	v30 =	vadd.s32 s31, v35;
	v34 =	vor.u32 v7, v0  }
0x274: {  	v4 =	vadd.s32 v7, v4;
	v8 =	vadd.s32 v7, v8;
	v13 =	vadd.s32 v7, v13  }
0x275: {  	v37 =	vadd.s32 v7, v25;
	v39 =	vld.idx.msk [tilespmem:v2+s10+$0x0], $0xffff;
	v0 =	vand.u32 $0x7, v38;
	v5 =	vadd.s32 s24, v38  }
0x276: {  	v50 =	vld [tilespmem:$0x1FFE0];
	v9 =	vadd.s32 s25, v38;
	v14 =	vadd.s32 s26, v38;
	v18 =	vadd.s32 s28, v38  }
0x277: {  	s23 =	simm.s32 $0x7;
	v51 =	vld [tilespmem:$0x1FFF0];
	v22 =	vadd.s32 s29, v38;
	v26 =	vadd.s32 s30, v38;
	v31 =	vadd.s32 s31, v38  }
0x278: {  	v58 =	vor.u32 v49, v0;
	v0 =	vadd.s32 s23, v35;
	v9 =	vadd.s32 v49, v9;
	v40 =	vld.idx.msk [tilespmem:v3+s10+$0x0], $0xffff  }
0x279: {  	v5 =	vadd.s32 v49, v5;
	v14 =	vadd.s32 v49, v14;
	v26 =	vadd.s32 v49, v26;
	v4 =	vld.idx.msk [tilespmem:v4+s14+$0x0], $0xffff  }
0x27a: {  	[tilespmem:$0x1FC30] =	vst v1;
	v0 =	vadd.s32 v7, v0;
	v8 =	vld.idx.msk [tilespmem:v8+s14+$0x0], $0xffff;
	v1 =	vand.u32 $0x7, v39;
	v6 =	vadd.s32 s24, v39  }
0x27b: {  	v13 =	vld.idx.msk [tilespmem:v13+s14+$0x0], $0xffff;
	v11 =	vadd.s32 s25, v39;
	v19 =	vadd.s32 s28, v39;
	v23 =	vadd.s32 s29, v39  }
0x27c: {  	v37 =	vld.idx.msk [tilespmem:v37+s14+$0x0], $0xffff;
	v32 =	vadd.s32 s31, v39;
	v59 =	vor.u32 v50, v1;
	v6 =	vadd.s32 v50, v6  }
0x27d: {  	v1 =	vadd.s32 s23, v38;
	v11 =	vadd.s32 v50, v11;
	v36 =	vld.idx.msk [tilespmem:v9+s14+$0x0], $0xffff;
	v9 =	vadd.s32 v7, v17  }
0x27e: {  	v5 =	vld.idx.msk [tilespmem:v5+s14+$0x0], $0xffff;
	v17 =	vadd.s32 v49, v18;
	v18 =	vadd.s32 v7, v21;
	v19 =	vadd.s32 v50, v19  }
0x27f: {  	v21 =	vadd.s32 v49, v22;
	v44 =	vadd.s32 v50, v23;
	v41 =	vld.idx.msk [tilespmem:v14+s14+$0x0], $0xffff;
	v14 =	vand.u32 $0xFFFFFFF8, v31  }
0x280: {  	v2 =	vand.u32 $0x7, v40;
	v3 =	vadd.s32 s23, v40;
	v1 =	vadd.s32 v49, v1;
	v15 =	vld.idx.msk [tilespmem:v0+s14+$0x0], $0xffff  }
0x281: {  	v10 =	vadd.s32 s24, v40;
	v12 =	vadd.s32 s25, v40;
	v0 =	vadd.s32 s26, v39;
	v27 =	vld.idx.msk [tilespmem:v6+s14+$0x0], $0xffff  }
0x282: {  	v16 =	vadd.s32 s26, v40;
	v20 =	vadd.s32 s28, v40;
	v3 =	vadd.s32 v51, v3;
	v11 =	vld.idx.msk [tilespmem:v11+s14+$0x0], $0xffff  }
0x283: {  	v24 =	vadd.s32 s29, v40;
	v28 =	vadd.s32 s30, v40;
	v10 =	vadd.s32 v51, v10;
	v52 =	vld.idx.msk [tilespmem:v9+s14+$0x0], $0xffff  }
0x284: {  	v33 =	vadd.s32 s31, v40;
	v14 =	vadd.s32 v58, v14;
	v12 =	vadd.s32 v51, v12;
	v17 =	vld.idx.msk [tilespmem:v17+s14+$0x0], $0xffff  }
0x285: {  	v47 =	vor.u32 v51, v2;
	v2 =	vadd.s32 s23, v39;
	v0 =	vadd.s32 v50, v0;
	v19 =	vld.idx.msk [tilespmem:v19+s14+$0x0], $0xffff  }
0x286: {  	v16 =	vadd.s32 v51, v16;
	v20 =	vadd.s32 v51, v20;
	v45 =	vadd.s32 v51, v24;
	v1 =	vld.idx.msk [tilespmem:v1+s14+$0x0], $0xffff  }
0x287: {  	v28 =	vadd.s32 v51, v28;
	v22 =	vand.u32 $0xFFFFFFF8, v33;
	v2 =	vadd.s32 v50, v2;
	v3 =	vld.idx.msk [tilespmem:v3+s14+$0x0], $0xffff  }
0x288: {  	[tilespmem:$0x1FC40] =	vst v34;
	v24 =	vmul.f32 v8, v8;
	v33 =	vmul.f32 v13, v13;
	v6 =	vadd.s32 s30, v39;
	v10 =	vld.idx.msk [tilespmem:v10+s14+$0x0], $0xffff  }
0x289: {  	v9 =	vmul.f32 v4, v4;
	v23 =	vmul.f32 v36, v36;
	v31 =	vsub.f32 v4, v5;
	v12 =	vld.idx.msk [tilespmem:v12+s14+$0x0], $0xffff  }
0x28a: {  	[tilespmem:$0x1FC60] =	vst v59;
	v36 =	vsub.f32 v8, v36;
	v29 =	vadd.s32 v50, v6;
	v6 =	vand.u32 $0xFFFFFFF8, v30;
	v46 =	vld.idx.msk [tilespmem:v0+s14+$0x0], $0xffff  }
0x28b: {  	[tilespmem:$0x1FC90] =	vst v47;
	v30 =	vadd.s32 v47, v22;
	v25 =	vadd.s32 v34, v6;
	v6 =	vand.u32 $0xFFFFFFF8, v32;
	v16 =	vld.idx.msk [tilespmem:v16+s14+$0x0], $0xffff  }
0x28c: {  	v0 =	vmul.f32 v15, v15;
	v20 =	vld.idx.msk [tilespmem:v20+s14+$0x0], $0xffff;
	v34 =	vmul.f32 v41, v41;
	v41 =	vsub.f32 v13, v41  }
0x28d: {  	v2 =	vld.idx.msk [tilespmem:v2+s14+$0x0], $0xffff;
	v32 =	vadd.s32 v59, v6;
	v22 =	vmul.f32 v27, v27;
	v56 =	vmul.f32 v11, v11  }
0x28e: {  	v59 =	vld.idx.msk [tilespmem:v14+s14+$0x0], $0xffff;
	v57 =	vsub.f32 v4, v27;
	v43 =	vmul.f32 v52, v52;
	v42 =	vmul.f32 v17, v17  }
0x28f: {  	v14 =	vld.idx.msk [tilespmem:v26+s14+$0x0], $0xffff;
	v26 =	vsub.f32 v52, v19;
	v62 =	vmul.f32 v1, v1;
	v47 =	vmul.f32 v10, v10  }
0x290: {  	[tilespmem:$0x1FCA0] =	vst v22;
	v22 =	vsub.f32 v15, v1;
	v55 =	vmul.f32 v12, v12;
	v54 =	vsub.f32 v15, v3  }
0x291: {  	[tilespmem:$0x1FC50] =	vst v58;
	v63 =	vmul.f32 v46, v46;
	v58 =	vsub.f32 v4, v10;
	v61 =	vmul.f32 v16, v16  }
0x292: {  	v25 =	vld.idx.msk [tilespmem:v25+s14+$0x0], $0xffff;
	v4 =	vsub.f32 v8, v12;
	v10 =	vmul.f32 v20, v20;
	v27 =	vsub.f32 v52, v20  }
0x293: {  	v1 =	vld.idx.msk [tilespmem:v18+s14+$0x0], $0xffff;
	v6 =	vmul.f32 v2, v2;
	v53 =	vsub.f32 v15, v2;
	v2 =	vsub.f32 v8, v11  }
0x294: {  	v11 =	vsub.f32 v52, v17;
	v8 =	vsub.f32 v13, v16;
	v17 =	vmul.f32 v37, v37  }
0x295: {  	v20 =	vmul.f32 v59, v59;
	v52 =	vimm.f32 $0.0e+00;
	[tilespmem:$0x1FC70] =	vst v6;
	v6 =	vmul.f32 v3, v3  }
0x296: {  	v15 =	vld.idx.msk [tilespmem:v21+s14+$0x0], $0xffff;
	[tilespmem:$0x1FCB0] =	vst v52;
	v52 =	vimm.f32 $0.0e+00;
	v3 =	vmul.f32 v19, v19;
	v19 =	vsub.f32 v37, v14  }
0x297: {  	[tilespmem:$0x1FC80] =	vst v6;
	v6 =	vmul.f32 v5, v5;
	v5 =	vsub.f32 v13, v46;
	v12 =	vsub.f32 v25, v59  }
0x298: {  	v16 =	vmul.f32 v1, v1;
	v18 =	vmul.f32 v25, v25;
	v59 =	vimm.f32 $0.0e+00;
	v13 =	vld.idx.msk [tilespmem:v45+s14+$0x0], $0xffff  }
0x299: {  	s22 =	simm.s32 $0xF;
	v46 =	vimm.f32 $0.0e+00;
	v45 =	vimm.f32 $0.0e+00;
	v21 =	vmul.f32 v12, v12;
	v12 =	vld.idx.msk [tilespmem:v44+s14+$0x0], $0xffff  }
.LBB2_11:
0x29a: {  	v18 =	vadd.f32 v18, v48;
	_ =	sdelay $0x1  }
0x29b: {  	v14 =	vmul.f32 v14, v14;
	v17 =	vadd.f32 v17, v18  }
0x29c: {  	v20 =	vadd.f32 v20, v59;
	v21 =	vadd.f32 v21, v60;
	v19 =	vmul.f32 v19, v19  }
0x29d: {  	v29 =	vld.idx.msk [tilespmem:v29+s14+$0x0], $0xffff;
	v11 =	vmul.f32 v11, v11;
	v5 =	vmul.f32 v5, v5;
	v16 =	vadd.f32 v16, v17  }
0x29e: {  	v44 =	vsub.f32 v1, v15;
	v15 =	vmul.f32 v15, v15;
	v14 =	vadd.f32 v14, v20  }
0x29f: {  	v2 =	vmul.f32 v2, v2;
	v19 =	vadd.f32 v19, v21;
	v21 =	vld.idx.msk [tilespmem:v32+s14+$0x0], $0xffff;
	v16 =	vadd.f32 v43, v16  }
0x2a0: {  	v20 =	vmul.f32 v44, v44;
	v14 =	vadd.f32 v15, v14;
	v18 =	vld.idx.msk [tilespmem:v28+s14+$0x0], $0xffff;
	v28 =	vsub.f32 v1, v12  }
0x2a1: {  	v12 =	vmul.f32 v12, v12;
	v1 =	vsub.f32 v1, v13;
	v16 =	vadd.f32 v33, v16  }
0x2a2: {  	v15 =	vadd.f32 v20, v19;
	v19 =	vsub.f32 v37, v29;
	v13 =	vmul.f32 v13, v13  }
0x2a3: {  	v20 =	vmul.f32 v29, v29;
	v14 =	vadd.f32 v42, v14;
	v16 =	vadd.f32 v24, v16  }
0x2a4: {  	v17 =	vld.idx.msk [tilespmem:v30+s14+$0x0], $0xffff;
	v11 =	vadd.f32 v11, v15;
	v15 =	vmul.f32 v41, v41;
	v30 =	vsub.f32 v25, v21  }
0x2a5: {  	v21 =	vmul.f32 v21, v21;
	v14 =	vadd.f32 v34, v14;
	v9 =	vadd.f32 v9, v16  }
0x2a6: {  	v11 =	vadd.f32 v15, v11;
	v15 =	vmul.f32 v36, v36;
	v29 =	vsub.f32 v37, v18  }
0x2a7: {  	v1 =	vmul.f32 v1, v1;
	v14 =	vadd.f32 v23, v14;
	v0 =	vadd.f32 v0, v9;
	v9 =	vld [tilespmem:$0x1FCB0]  }
0x2a8: {  	v18 =	vmul.f32 v18, v18;
	v11 =	vadd.f32 v15, v11;
	v15 =	vmul.f32 v31, v31  }
0x2a9: {  	v23 =	vsub.f32 v25, v17;
	v6 =	vadd.f32 v6, v14;
	v14 =	vmul.f32 v30, v30  }
0x2aa: {  	v11 =	vadd.f32 v15, v11;
	v15 =	vmul.f32 v17, v17;
	v16 =	vmul.f32 v22, v22  }
0x2ab: {  	v59 =	vadd.f32 v62, v6;
	v6 =	vadd.f32 v21, v46;
	[tilespmem:$0x1FBE0] =	vst v0;
	v0 =	vmul.f32 v23, v23  }
0x2ac: {  	v60 =	vadd.f32 v16, v11;
	v11 =	vmul.f32 v19, v19;
	v9 =	vadd.f32 v14, v9  }
0x2ad: {  	v0 =	vadd.f32 v0, v52;
	v14 =	vadd.f32 v15, v45;
	v15 =	vmul.f32 v29, v29  }
0x2ae: {  	s30 =	sadd.s32 $0xFFFFFFFA, s22;
	v6 =	vadd.f32 v20, v6;
	v9 =	vadd.f32 v11, v9;
	v11 =	vmul.f32 v28, v28  }
0x2af: {  	v25 =	vadd.s32 s30, v35;
	v14 =	vadd.f32 v18, v14;
	v0 =	vadd.f32 v15, v0  }
0x2b0: {  	v6 =	vadd.f32 v12, v6;
	v9 =	vadd.f32 v11, v9;
	v11 =	vmul.f32 v26, v26  }
0x2b1: {  	v12 =	vadd.f32 v13, v14;
	v0 =	vadd.f32 v1, v0;
	v1 =	vmul.f32 v27, v27  }
0x2b2: {  	v37 =	vadd.s32 v7, v25;
	v3 =	vadd.f32 v3, v6;
	v6 =	vadd.f32 v11, v9  }
0x2b3: {  	s26 =	sadd.s32 $0xFFFFFFFD, s22;
	s28 =	sadd.s32 $0xFFFFFFFC, s22;
	v9 =	vadd.f32 v10, v12;
	v0 =	vadd.f32 v1, v0;
	v1 =	vmul.f32 v8, v8  }
0x2b4: {  	v20 =	vadd.s32 s28, v40;
	v16 =	vadd.s32 s26, v40;
	v5 =	vadd.f32 v5, v6  }
0x2b5: {  	v6 =	vadd.f32 v61, v9;
	v0 =	vadd.f32 v1, v0;
	v1 =	vmul.f32 v4, v4  }
0x2b6: {  	v20 =	vadd.s32 v51, v20;
	v16 =	vadd.s32 v51, v16;
	v2 =	vadd.f32 v2, v5  }
0x2b7: {  	v5 =	vadd.f32 v55, v6;
	v0 =	vadd.f32 v1, v0;
	v1 =	vmul.f32 v58, v58;
	v6 =	vld [tilespmem:$0x1FCA0]  }
0x2b8: {  	v3 =	vadd.f32 v63, v3;
	v13 =	vadd.s32 s26, v35;
	v14 =	vadd.s32 s26, v38  }
0x2b9: {  	s24 =	sadd.s32 $0xFFFFFFFE, s22;
	v13 =	vadd.s32 v7, v13;
	v0 =	vadd.f32 v1, v0;
	v1 =	vmul.f32 v54, v54  }
0x2ba: {  	v3 =	vadd.f32 v56, v3;
	v14 =	vadd.s32 v49, v14;
	v8 =	vld [tilespmem:$0x1FC70];
	v9 =	vadd.s32 s24, v38  }
0x2bb: {  	v37 =	vld.idx.msk [tilespmem:v37+s14+$0x0], $0xffff;
	v9 =	vadd.s32 v49, v9;
	v0 =	vadd.f32 v1, v0  }
0x2bc: {  	s23 =	sadd.s32 $0xFFFFFFFF, s22;
	s31 =	sadd.s32 $0xFFFFFFF9, s22;
	v20 =	vld.idx.msk [tilespmem:v20+s14+$0x0], $0xffff;
	v3 =	vadd.f32 v6, v3;
	v6 =	vadd.s32 s22, v35  }
0x2bd: {  	v31 =	vadd.s32 s31, v38;
	v16 =	vld.idx.msk [tilespmem:v16+s14+$0x0], $0xffff;
	v10 =	vadd.s32 s23, v40;
	[tilespmem:$0x1FC00] =	vst v0;
	v0 =	vadd.s32 v7, v6  }
0x2be: {  	v30 =	vadd.s32 s31, v35;
	v11 =	vadd.s32 s24, v39;
	v10 =	vadd.s32 v51, v10;
	v13 =	vld.idx.msk [tilespmem:v13+s14+$0x0], $0xffff  }
0x2bf: {  	s29 =	sadd.s32 $0xFFFFFFFB, s22;
	v12 =	vadd.s32 s24, v40;
	v11 =	vadd.s32 v50, v11;
	v41 =	vld.idx.msk [tilespmem:v14+s14+$0x0], $0xffff;
	v3 =	vadd.f32 v8, v3  }
0x2c0: {  	v17 =	vadd.s32 s28, v35;
	v24 =	vadd.s32 s29, v40;
	v12 =	vadd.s32 v51, v12;
	v36 =	vld.idx.msk [tilespmem:v9+s14+$0x0], $0xffff  }
0x2c1: {  	v21 =	vadd.s32 s29, v35;
	v4 =	vmul.f32 v57, v57;
	v9 =	vadd.s32 v7, v17;
	[tilespmem:$0x1FBD0] =	vst v3;
	v3 =	vld [tilespmem:$0x1FC80]  }
0x2c2: {  	v62 =	vadd.s32 s31, v39;
	v22 =	vadd.s32 s29, v38;
	v15 =	vld.idx.msk [tilespmem:v0+s14+$0x0], $0xffff;
	v0 =	vadd.s32 s26, v39  }
0x2c3: {  	v2 =	vadd.f32 v4, v2;
	v4 =	vmul.f32 v53, v53;
	v10 =	vld.idx.msk [tilespmem:v10+s14+$0x0], $0xffff;
	v0 =	vadd.s32 v50, v0  }
0x2c4: {  	v23 =	vadd.s32 s29, v39;
	v5 =	vadd.f32 v47, v5;
	v11 =	vld.idx.msk [tilespmem:v11+s14+$0x0], $0xffff;
	v1 =	vadd.s32 s22, v39  }
0x2c5: {  	v12 =	vld.idx.msk [tilespmem:v12+s14+$0x0], $0xffff;
	v2 =	vadd.f32 v4, v2;
	v4 =	vadd.s32 s23, v35;
	v1 =	vadd.s32 v50, v1  }
0x2c6: {  	v44 =	vadd.s32 v50, v23;
	v4 =	vadd.s32 v7, v4;
	v6 =	vadd.s32 s23, v39;
	v47 =	vld.idx.msk [tilespmem:v9+s14+$0x0], $0xffff  }
0x2c7: {  	v8 =	vadd.s32 s24, v35;
	v6 =	vadd.s32 v50, v6;
	v9 =	vld [tilespmem:$0x1FC60];
	v3 =	vadd.f32 v3, v5  }
0x2c8: {  	v45 =	vadd.s32 v51, v24;
	v28 =	vadd.s32 s30, v40;
	v8 =	vadd.s32 v7, v8;
	v46 =	vld.idx.msk [tilespmem:v0+s14+$0x0], $0xffff  }
0x2c9: {  	v18 =	vadd.s32 s28, v38;
	v28 =	vadd.s32 v51, v28;
	[tilespmem:$0x1FBF0] =	vst v3;
	v3 =	vadd.s32 s22, v40;
	v0 =	vld [tilespmem:$0x1FC40]  }
0x2ca: {  	v26 =	vadd.s32 s30, v38;
	v19 =	vld.idx.msk [tilespmem:v1+s14+$0x0], $0xffff;
	v5 =	vadd.s32 s23, v38;
	v3 =	vadd.s32 v51, v3  }
0x2cb: {  	v26 =	vadd.s32 v49, v26;
	v1 =	vadd.s32 s28, v39;
	v4 =	vld.idx.msk [tilespmem:v4+s14+$0x0], $0xffff;
	v5 =	vadd.s32 v49, v5  }
0x2cc: {  	v17 =	vadd.s32 v49, v18;
	v1 =	vadd.s32 v50, v1;
	v27 =	vld.idx.msk [tilespmem:v6+s14+$0x0], $0xffff;
	v6 =	vadd.s32 s30, v39  }
0x2cd: {  	[tilespmem:$0x1FCB0] =	vst v2;
	v2 =	vadd.s32 s22, v38;
	v8 =	vld.idx.msk [tilespmem:v8+s14+$0x0], $0xffff;
	v29 =	vadd.s32 v50, v6;
	v6 =	vand.u32 $0xFFFFFFF8, v30  }
0x2ce: {  	v61 =	vmul.f32 v16, v16;
	v2 =	vadd.s32 v49, v2;
	v25 =	vadd.s32 v0, v6;
	v0 =	vld [tilespmem:$0x1FC50]  }
0x2cf: {  	v14 =	vand.u32 $0xFFFFFFF8, v31;
	v18 =	vadd.s32 v7, v21;
	v33 =	vmul.f32 v13, v13;
	v3 =	vld.idx.msk [tilespmem:v3+s14+$0x0], $0xffff  }
0x2d0: {  	v21 =	vadd.s32 v49, v22;
	v34 =	vmul.f32 v41, v41;
	v52 =	vmul.f32 v10, v10;
	v5 =	vld.idx.msk [tilespmem:v5+s14+$0x0], $0xffff  }
0x2d1: {  	v56 =	vmul.f32 v11, v11;
	v48 =	vld.idx.msk [tilespmem:v1+s14+$0x0], $0xffff;
	v1 =	vmul.f32 v27, v27;
	v6 =	vand.u32 $0xFFFFFFF8, v62  }
0x2d2: {  	v55 =	vmul.f32 v12, v12;
	v17 =	vld.idx.msk [tilespmem:v17+s14+$0x0], $0xffff;
	v32 =	vadd.s32 v9, v6;
	v6 =	vmul.f32 v19, v19  }
0x2d3: {  	v2 =	vld.idx.msk [tilespmem:v2+s14+$0x0], $0xffff;
	v58 =	vsub.f32 v4, v10;
	[tilespmem:$0x1FCA0] =	vst v1;
	v14 =	vadd.s32 v0, v14  }
0x2d4: {  	v63 =	vadd.s32 s31, v40;
	v57 =	vsub.f32 v4, v27;
	v1 =	vld.idx.msk [tilespmem:v18+s14+$0x0], $0xffff;
	[tilespmem:$0x1FC70] =	vst v6;
	v6 =	vmul.f32 v3, v3  }
0x2d5: {  	v9 =	vmul.f32 v4, v4;
	v31 =	vsub.f32 v4, v5;
	v4 =	vsub.f32 v8, v12;
	v12 =	vld.idx.msk [tilespmem:v44+s14+$0x0], $0xffff  }
0x2d6: {  	v22 =	vand.u32 $0xFFFFFFF8, v63;
	v23 =	vmul.f32 v36, v36;
	v43 =	vmul.f32 v47, v47;
	[tilespmem:$0x1FC80] =	vst v6;
	v6 =	vld [tilespmem:$0x1FC90]  }
0x2d7: {  	v41 =	vsub.f32 v13, v41;
	v42 =	vmul.f32 v17, v17;
	v10 =	vmul.f32 v20, v20;
	v25 =	vld.idx.msk [tilespmem:v25+s14+$0x0], $0xffff  }
0x2d8: {  	v53 =	vsub.f32 v15, v19;
	v27 =	vsub.f32 v47, v20;
	v24 =	vmul.f32 v8, v8;
	v19 =	vld.idx.msk [tilespmem:v14+s14+$0x0], $0xffff  }
0x2d9: {  	v36 =	vsub.f32 v8, v36;
	v62 =	vmul.f32 v2, v2;
	v63 =	vmul.f32 v46, v46;
	v14 =	vld.idx.msk [tilespmem:v26+s14+$0x0], $0xffff  }
0x2da: {  	p0 =	sne.s32 s22, $0x1F;
	v54 =	vsub.f32 v15, v3;
	v3 =	vmul.f32 v48, v48;
	v26 =	vsub.f32 v47, v48;
	v48 =	vld [tilespmem:$0x1FBE0]  }
.Ltmp4:
0x2db: {  	v0 =	vmul.f32 v15, v15;
	v30 =	vadd.s32 v6, v22;
	v22 =	vsub.f32 v15, v2;
	v15 =	vld.idx.msk [tilespmem:v21+s14+$0x0], $0xffff;
	(pc) =	sbr.rel @p0 .LBB2_11-.Ltmp4, $4  }
0x2dc: {  	v6 =	vmul.f32 v5, v5;
	v2 =	vsub.f32 v8, v11;
	v5 =	vsub.f32 v13, v46;
	v46 =	vld [tilespmem:$0x1FBD0]  }
0x2dd: {  	v18 =	vmul.f32 v25, v25;
	v8 =	vsub.f32 v13, v16;
	v13 =	vld.idx.msk [tilespmem:v45+s14+$0x0], $0xffff;
	v21 =	vsub.f32 v25, v19  }
0x2de: {  	v11 =	vsub.f32 v47, v17;
	v16 =	vmul.f32 v1, v1;
	v17 =	vmul.f32 v37, v37;
	v45 =	vld [tilespmem:$0x1FBF0]  }
0x2df: {  	s22 =	sadd.s32 $0x8, s22;
	v47 =	vmovc v52;
	v52 =	vld [tilespmem:$0x1FC00];
	v20 =	vmul.f32 v19, v19;
	v19 =	vsub.f32 v37, v14;
	v21 =	vmul.f32 v21, v21  }
0x2e0: {  	v18 =	vadd.f32 v18, v48  }
0x2e1: {  	v14 =	vmul.f32 v14, v14;
	v20 =	vadd.f32 v20, v59;
	v21 =	vadd.f32 v21, v60  }
0x2e2: {  	v19 =	vmul.f32 v19, v19;
	v17 =	vadd.f32 v17, v18;
	v18 =	vsub.f32 v1, v15  }
0x2e3: {  	v15 =	vmul.f32 v15, v15  }
0x2e4: {  	v14 =	vadd.f32 v14, v20;
	v19 =	vadd.f32 v19, v21;
	v18 =	vmul.f32 v18, v18  }
0x2e5: {  	v16 =	vadd.f32 v16, v17  }
0x2e6: {  	v11 =	vmul.f32 v11, v11;
	v14 =	vadd.f32 v15, v14;
	v18 =	vadd.f32 v18, v19  }
0x2e7: {  	v20 =	vld.idx.msk [tilespmem:v32+s14+$0x0], $0xffff;
	v16 =	vadd.f32 v43, v16  }
0x2e8: {  	v15 =	vld.idx.msk [tilespmem:v28+s14+$0x0], $0xffff;
	v28 =	vmul.f32 v41, v41;
	v14 =	vadd.f32 v42, v14;
	v11 =	vadd.f32 v11, v18  }
0x2e9: {  	v16 =	vadd.f32 v33, v16  }
0x2ea: {  	v18 =	vld.idx.msk [tilespmem:v30+s14+$0x0], $0xffff;
	v14 =	vadd.f32 v34, v14;
	v11 =	vadd.f32 v28, v11;
	v28 =	vmul.f32 v36, v36  }
0x2eb: {  	v16 =	vadd.f32 v24, v16  }
0x2ec: {  	v14 =	vadd.f32 v23, v14;
	v23 =	vmul.f32 v31, v31;
	v11 =	vadd.f32 v28, v11  }
0x2ed: {  	v17 =	vld.idx.msk [tilespmem:v29+s14+$0x0], $0xffff;
	v30 =	vsub.f32 v25, v20;
	v20 =	vmul.f32 v20, v20  }
0x2ee: {  	v9 =	vadd.f32 v9, v16;
	v16 =	vmul.f32 v22, v22;
	v11 =	vadd.f32 v23, v11  }
0x2ef: {  	v24 =	vsub.f32 v25, v18  }
0x2f0: {  	v11 =	vadd.f32 v16, v11;
	v16 =	vadd.f32 v20, v46;
	v20 =	vld [tilespmem:$0x1FCB0]  }
0x2f1: {  	v19 =	vsub.f32 v1, v12  }
0x2f2: {  	v21 =	vsub.f32 v37, v17;
	v0 =	vadd.f32 v0, v9;
	v9 =	vmul.f32 v24, v24  }
0x2f3: {  	v29 =	vsub.f32 v37, v15;
	v6 =	vadd.f32 v6, v14;
	v14 =	vmul.f32 v30, v30  }
0x2f4: {  	v1 =	vsub.f32 v1, v13;
	v9 =	vadd.f32 v9, v52  }
0x2f5: {  	v14 =	vadd.f32 v14, v20;
	v20 =	vmul.f32 v21, v21;
	v21 =	vmul.f32 v29, v29;
	_ =	sdelay $0x1  }
0x2f6: {  	v1 =	vmul.f32 v1, v1;
	v9 =	vadd.f32 v21, v9;
	_ =	sdelay $0x1  }
0x2f7: {  	v1 =	vadd.f32 v1, v9;
	v9 =	vmul.f32 v27, v27;
	_ =	sdelay $0x1  }
0x2f8: {  	v8 =	vmul.f32 v8, v8;
	v1 =	vadd.f32 v9, v1  }
0x2f9: {  	v18 =	vmul.f32 v18, v18  }
0x2fa: {  	v4 =	vmul.f32 v4, v4;
	v17 =	vmul.f32 v17, v17;
	v1 =	vadd.f32 v8, v1  }
0x2fb: {  	v12 =	vmul.f32 v12, v12;
	v18 =	vadd.f32 v18, v45  }
0x2fc: {  	v15 =	vmul.f32 v15, v15;
	v16 =	vadd.f32 v17, v16;
	v1 =	vadd.f32 v4, v1;
	v4 =	vld [tilespmem:$0x1FDC0]  }
0x2fd: {  	s21 =	sshll.u32 s21, $0x4;
	v17 =	vmul.f32 v19, v19;
	v14 =	vadd.f32 v20, v14  }
0x2fe: {  	s21 =	sand.u32 $0xF0, s21;
	v13 =	vmul.f32 v13, v13;
	v15 =	vadd.f32 v15, v18;
	v12 =	vadd.f32 v12, v16  }
0x2ff: {  	v16 =	vmul.f32 v26, v26;
	v14 =	vadd.f32 v17, v14;
	v8 =	vmov s21  }
0x300: {  	v5 =	vmul.f32 v5, v5;
	v3 =	vadd.f32 v3, v12;
	v8 =	vshll.u32 v8, $0x7  }
0x301: {  	v13 =	vadd.f32 v13, v15;
	v12 =	vadd.f32 v16, v14;
	v15 =	vor.u32 v4, v8;
	v8 =	vld [tilespmem:$0x1FCA0]  }
0x302: {  	v3 =	vadd.f32 v63, v3  }
0x303: {  	v2 =	vmul.f32 v2, v2;
	v5 =	vadd.f32 v5, v12  }
0x304: {  	v3 =	vadd.f32 v56, v3  }
0x305: {  	v10 =	vadd.f32 v10, v13;
	v2 =	vadd.f32 v2, v5  }
0x306: {  	v5 =	vmul.f32 v57, v57;
	v3 =	vadd.f32 v8, v3;
	v8 =	vor.u32 $0x1, v15  }
0x307: {  	v13 =	vld [tilespmem:$0x1FC70];
	v9 =	vadd.f32 v61, v10;
	v4 =	vmul.f32 v58, v58;
	v10 =	vor.u32 $0xC, v15  }
0x308: {  	v2 =	vadd.f32 v5, v2;
	v5 =	vmul.f32 v53, v53  }
0x309: {  	v6 =	vadd.f32 v62, v6;
	v14 =	vld [tilespmem:$0x1FC30];
	v1 =	vadd.f32 v4, v1;
	v4 =	vor.u32 $0x2, v15  }
0x30a: {  	v2 =	vadd.f32 v5, v2;
	v5 =	vld [tilespmem:$0x1FDD0];
	[tilespmem:v15+s17+$0x0] =	vst.idx.msk $0xffff, v0  }
0x30b: {  	[tilespmem:v8+s17+$0x0] =	vst.idx.msk $0xffff, v6;
	v8 =	vld [tilespmem:$0x1FE00]  }
0x30c: {  	v3 =	vadd.f32 v13, v3;
	[tilespmem:v10+s17+$0x0] =	vst.idx.msk $0xffff, v11;
	v10 =	vld [tilespmem:$0x1FDF0]  }
0x30d: {  	v11 =	vld [tilespmem:$0x1FC80]  }
0x30e: {  	v9 =	vadd.f32 v55, v9;
	v13 =	vor.u32 $0xD, v15;
	[tilespmem:v4+s17+$0x0] =	vst.idx.msk $0xffff, v3;
	v3 =	vld [tilespmem:$0x1FE20]  }
0x30f: {  	v5 =	vadd.s32 v5, v14;
	v0 =	vor.u32 $0x3, v15  }
0x310: {  	v9 =	vadd.f32 v47, v9;
	v5 =	vand.u32 $0x7FFFFFF8, v5;
	v6 =	vor.u32 $0xE, v15  }
0x311: {  	v12 =	vmul.f32 v54, v54;
	v8 =	vadd.s32 v8, v14;
	v5 =	vor.u32 v10, v5  }
0x312: {  	v8 =	vand.u32 $0x7FFFFFF8, v8;
	v10 =	vld [tilespmem:$0x1FE10];
	v9 =	vadd.f32 v11, v9  }
0x313: {  	v1 =	vadd.f32 v12, v1;
	[tilespmem:v13+s17+$0x0] =	vst.idx.msk $0xffff, v2;
	v3 =	vor.u32 v3, v8  }
0x314: {  	v2 =	vld [tilespmem:$0x1FE40];
	[tilespmem:v0+s17+$0x0] =	vst.idx.msk $0xffff, v9  }
0x315: {  	[tilespmem:v6+s17+$0x0] =	vst.idx.msk $0xffff, v1  }
0x316: {  	v22 =	vld.idx.msk [tilespmem:v5+s10+$0x0], $0xffff  }
0x317: {  	s28 =	simm.s32 $0x3;
	v27 =	vld [tilespmem:$0x1FD40];
	v10 =	vadd.s32 v10, v14  }
0x318: {  	v38 =	vimm.f32 $0.0e+00;
	s22 =	simm.s32 $0x6;
	s25 =	simm.s32 $0x5;
	v16 =	vadd.s32 s28, v35;
	v4 =	vand.u32 $0x7FFFFFF8, v10;
	v23 =	vld.idx.msk [tilespmem:v3+s10+$0x0], $0xffff  }
0x319: {  	s26 =	simm.s32 $0x4;
	v8 =	vadd.s32 s25, v35;
	v2 =	vor.u32 v2, v4;
	v4 =	vadd.s32 s22, v35  }
0x31a: {  	v12 =	vadd.s32 s26, v35;
	v8 =	vadd.s32 v7, v8;
	v4 =	vadd.s32 v7, v4  }
0x31b: {  	s29 =	simm.s32 $0x2;
	v24 =	vld [tilespmem:$0x1FD30];
	v0 =	vand.u32 $0x7, v22;
	v5 =	vadd.s32 s22, v22;
	v10 =	vadd.s32 s25, v22  }
0x31c: {  	v14 =	vadd.s32 s26, v22;
	v18 =	vadd.s32 s28, v22;
	v29 =	vadd.s32 s29, v22  }
0x31d: {  	v30 =	vor.u32 v27, v0;
	v0 =	vand.u32 $0x7, v23;
	v5 =	vadd.s32 v27, v5  }
0x31e: {  	v26 =	vld [tilespmem:$0x1FD20];
	v6 =	vadd.s32 s22, v23;
	v11 =	vadd.s32 s25, v23;
	v10 =	vadd.s32 v27, v10  }
0x31f: {  	s30 =	simm.s32 $0x1;
	[tilespmem:$0x1FBA0] =	vst v15;
	v43 =	vld.idx.msk [tilespmem:v8+s14+$0x0], $0xffff;
	v15 =	vadd.s32 s26, v23;
	v19 =	vadd.s32 s28, v23;
	v14 =	vadd.s32 v27, v14  }
0x320: {  	s31 =	simm.s32 $0x0;
	v31 =	vadd.s32 s29, v23;
	v49 =	vadd.s32 s30, v23;
	v25 =	vld.idx.msk [tilespmem:v2+s10+$0x0], $0xffff;
	v11 =	vadd.s32 v24, v11  }
0x321: {  	s24 =	simm.s32 $0x7;
	v8 =	vadd.s32 v27, v18;
	v18 =	vadd.s32 s31, v35;
	v40 =	vor.u32 v24, v0;
	v20 =	vld.idx.msk [tilespmem:v4+s14+$0x0], $0xffff  }
0x322: {  	v0 =	vadd.s32 s24, v35;
	v2 =	vadd.s32 s24, v23;
	v6 =	vadd.s32 v24, v6;
	v5 =	vld.idx.msk [tilespmem:v5+s14+$0x0], $0xffff  }
0x323: {  	v19 =	vadd.s32 v24, v19;
	v63 =	vadd.s32 v24, v31;
	v56 =	vadd.s32 v24, v49;
	v44 =	vld.idx.msk [tilespmem:v10+s14+$0x0], $0xffff  }
0x324: {  	v0 =	vadd.s32 v7, v0;
	v2 =	vadd.s32 v24, v2;
	v4 =	vadd.s32 s29, v35;
	v32 =	vld.idx.msk [tilespmem:v14+s14+$0x0], $0xffff  }
0x325: {  	v4 =	vadd.s32 v7, v4;
	v10 =	vand.u32 $0xFFFFFFF8, v18;
	v18 =	vadd.s32 s31, v22;
	v60 =	vld.idx.msk [tilespmem:v11+s14+$0x0], $0xffff  }
0x326: {  	v14 =	vadd.s32 v7, v12;
	v1 =	vand.u32 $0x7, v25;
	v9 =	vadd.s32 s22, v25;
	v11 =	vld [tilespmem:$0x1FC40]  }
0x327: {  	v37 =	vld.idx.msk [tilespmem:v8+s14+$0x0], $0xffff;
	v3 =	vadd.s32 s24, v25;
	v17 =	vadd.s32 s26, v25;
	v9 =	vadd.s32 v26, v9  }
0x328: {  	v21 =	vadd.s32 s28, v25;
	v41 =	vld.idx.msk [tilespmem:v6+s14+$0x0], $0xffff;
	v6 =	vadd.s32 v24, v15;
	v3 =	vadd.s32 v26, v3  }
0x329: {  	v15 =	vadd.s32 s30, v35;
	v33 =	vld.idx.msk [tilespmem:v19+s14+$0x0], $0xffff;
	v45 =	vor.u32 v26, v1;
	v1 =	vadd.s32 s24, v22  }
0x32a: {  	v48 =	vadd.s32 s29, v25;
	v50 =	vadd.s32 s30, v25;
	v0 =	vld.idx.msk [tilespmem:v0+s14+$0x0], $0xffff;
	v1 =	vadd.s32 v27, v1  }
0x32b: {  	v39 =	vadd.s32 s31, v25;
	v2 =	vld.idx.msk [tilespmem:v2+s14+$0x0], $0xffff;
	v12 =	vadd.s32 v7, v15;
	v10 =	vadd.s32 v11, v10  }
0x32c: {  	v15 =	vadd.s32 v7, v16;
	v11 =	vand.u32 $0xFFFFFFF8, v18;
	v42 =	vld.idx.msk [tilespmem:v9+s14+$0x0], $0xffff;
	v9 =	vadd.s32 v26, v17  }
0x32d: {  	v16 =	vadd.s32 v26, v21;
	v21 =	vadd.s32 v27, v29;
	v3 =	vld.idx.msk [tilespmem:v3+s14+$0x0], $0xffff;
	v11 =	vadd.s32 v30, v11  }
0x32e: {  	[tilespmem:$0x1FBB0] =	vst v30;
	v59 =	vadd.s32 v26, v48;
	v55 =	vadd.s32 v26, v50;
	v17 =	vadd.s32 s30, v22;
	v30 =	vld.idx.msk [tilespmem:v6+s14+$0x0], $0xffff  }
0x32f: {  	v54 =	vmul.f32 v44, v44;
	v13 =	vld.idx.msk [tilespmem:v1+s14+$0x0], $0xffff;
	v1 =	vadd.s32 s25, v25;
	v17 =	vadd.s32 v27, v17  }
0x330: {  	v34 =	vsub.f32 v20, v5;
	v57 =	vmul.f32 v32, v32;
	v1 =	vadd.s32 v26, v1;
	v8 =	vld.idx.msk [tilespmem:v10+s14+$0x0], $0xffff  }
0x331: {  	v58 =	vsub.f32 v43, v44;
	v62 =	vmul.f32 v37, v37;
	v44 =	vimm.f32 $0.0e+00;
	v53 =	vld.idx.msk [tilespmem:v9+s14+$0x0], $0xffff  }
0x332: {  	v46 =	vmul.f32 v41, v41;
	v49 =	vmul.f32 v60, v60;
	v9 =	vand.u32 $0xFFFFFFF8, v39;
	v61 =	vld.idx.msk [tilespmem:v11+s14+$0x0], $0xffff  }
0x333: {  	v51 =	vsub.f32 v20, v41;
	v41 =	vimm.f32 $0.0e+00;
	v36 =	vadd.s32 v45, v9;
	v9 =	vld.idx.msk [tilespmem:v12+s14+$0x0], $0xffff  }
0x334: {  	v47 =	vsub.f32 v0, v2;
	v6 =	vmul.f32 v13, v13;
	v29 =	vsub.f32 v0, v13;
	v13 =	vld.idx.msk [tilespmem:v17+s14+$0x0], $0xffff  }
0x335: {  	v10 =	vmul.f32 v5, v5;
	v5 =	vsub.f32 v43, v60;
	v18 =	vld.idx.msk [tilespmem:v1+s14+$0x0], $0xffff;
	v1 =	vadd.s32 s31, v23  }
0x336: {  	v63 =	vld.idx.msk [tilespmem:v63+s14+$0x0], $0xffff;
	v28 =	vmovc v45;
	v39 =	vmul.f32 v3, v3;
	v48 =	vsub.f32 v0, v3;
	v1 =	vand.u32 $0xFFFFFFF8, v1  }
0x337: {  	v31 =	vld.idx.msk [tilespmem:v4+s14+$0x0], $0xffff;
	v4 =	vmul.f32 v30, v30;
	v45 =	vmul.f32 v42, v42;
	v1 =	vadd.s32 v40, v1  }
0x338: {  	[tilespmem:$0x1FBC0] =	vst v40;
	v11 =	vld.idx.msk [tilespmem:v14+s14+$0x0], $0xffff;
	v40 =	vmul.f32 v2, v2;
	v2 =	vsub.f32 v20, v42;
	v42 =	vimm.f32 $0.0e+00  }
0x339: {  	v12 =	vld.idx.msk [tilespmem:v21+s14+$0x0], $0xffff;
	v0 =	vsub.f32 v8, v61;
	v52 =	vmul.f32 v53, v53;
	v14 =	vmul.f32 v61, v61  }
0x33a: {  	v61 =	vld.idx.msk [tilespmem:v16+s14+$0x0], $0xffff;
	v16 =	vsub.f32 v9, v13;
	v50 =	vmul.f32 v18, v18;
	v3 =	vsub.f32 v43, v18  }
0x33b: {  	s21 =	simm.s32 $0xF;
	v60 =	vld.idx.msk [tilespmem:v15+s14+$0x0], $0xffff;
	v15 =	vmul.f32 v0, v0;
	v0 =	vimm.f32 $0.0e+00;
	v43 =	vimm.f32 $0.0e+00  }
.LBB2_13:
0x33c: {  	v13 =	vmul.f32 v13, v13;
	v14 =	vadd.f32 v14, v38  }
0x33d: {  	v18 =	vld.idx.msk [tilespmem:v59+s14+$0x0], $0xffff;
	v0 =	vadd.f32 v15, v0;
	v15 =	vmul.f32 v16, v16  }
0x33e: {  	v5 =	vmul.f32 v5, v5;
	v3 =	vmul.f32 v3, v3;
	v13 =	vadd.f32 v13, v14  }
0x33f: {  	v2 =	vmul.f32 v2, v2;
	v0 =	vadd.f32 v15, v0;
	v17 =	vsub.f32 v31, v12  }
0x340: {  	v15 =	vld.idx.msk [tilespmem:v55+s14+$0x0], $0xffff;
	v19 =	vmul.f32 v33, v33;
	v20 =	vsub.f32 v60, v37;
	v21 =	vsub.f32 v11, v32  }
0x341: {  	v1 =	vld.idx.msk [tilespmem:v1+s14+$0x0], $0xffff;
	v12 =	vmul.f32 v12, v12;
	v30 =	vsub.f32 v11, v30;
	v11 =	vsub.f32 v11, v53  }
0x342: {  	v16 =	vld.idx.msk [tilespmem:v56+s14+$0x0], $0xffff;
	v59 =	vsub.f32 v60, v33;
	v32 =	vmul.f32 v18, v18;
	v14 =	vmul.f32 v17, v17  }
0x343: {  	v18 =	vsub.f32 v31, v18;
	v17 =	vmul.f32 v61, v61;
	v12 =	vadd.f32 v12, v13  }
0x344: {  	v13 =	vmul.f32 v20, v20;
	v20 =	vmul.f32 v63, v63;
	v0 =	vadd.f32 v14, v0  }
0x345: {  	v12 =	vadd.f32 v62, v12;
	v62 =	vsub.f32 v31, v63;
	v56 =	vmul.f32 v15, v15  }
0x346: {  	v14 =	vld.idx.msk [tilespmem:v36+s14+$0x0], $0xffff;
	v31 =	vsub.f32 v8, v1;
	v1 =	vmul.f32 v1, v1;
	v0 =	vadd.f32 v13, v0  }
0x347: {  	s26 =	sadd.s32 $0xFFFFFFFD, s21;
	v13 =	vmul.f32 v21, v21;
	v21 =	vmul.f32 v16, v16;
	v12 =	vadd.f32 v57, v12  }
0x348: {  	v16 =	vsub.f32 v9, v16;
	v9 =	vsub.f32 v9, v15;
	v15 =	vadd.s32 s26, v22  }
0x349: {  	v63 =	vsub.f32 v60, v61;
	v1 =	vadd.f32 v1, v41;
	v15 =	vadd.s32 v27, v15  }
0x34a: {  	v0 =	vadd.f32 v13, v0;
	v13 =	vmul.f32 v58, v58;
	v12 =	vadd.f32 v54, v12  }
0x34b: {  	v9 =	vmul.f32 v9, v9;
	v1 =	vadd.f32 v21, v1;
	v8 =	vsub.f32 v8, v14  }
0x34c: {  	v0 =	vadd.f32 v13, v0;
	v13 =	vmul.f32 v34, v34;
	v10 =	vadd.f32 v10, v12  }
0x34d: {  	v12 =	vmul.f32 v31, v31;
	v1 =	vadd.f32 v20, v1;
	v8 =	vmul.f32 v8, v8  }
0x34e: {  	v0 =	vadd.f32 v13, v0;
	v13 =	vmul.f32 v14, v14;
	v38 =	vadd.f32 v6, v10  }
0x34f: {  	s23 =	sadd.s32 $0xFFFFFFFE, s21;
	v6 =	vadd.f32 v12, v44;
	v10 =	vmul.f32 v16, v16;
	v1 =	vadd.f32 v19, v1  }
0x350: {  	v14 =	vadd.s32 s23, v25;
	v16 =	vadd.s32 s26, v23;
	v8 =	vadd.f32 v8, v43  }
0x351: {  	v14 =	vadd.s32 v26, v14;
	v16 =	vadd.s32 v24, v16;
	v12 =	vadd.f32 v13, v42  }
0x352: {  	v6 =	vadd.f32 v10, v6;
	v10 =	vmul.f32 v62, v62;
	v1 =	vadd.f32 v4, v1  }
0x353: {  	v8 =	vadd.f32 v9, v8;
	v9 =	vmul.f32 v18, v18;
	v18 =	vadd.s32 s26, v25  }
0x354: {  	v12 =	vadd.f32 v56, v12;
	v6 =	vadd.f32 v10, v6;
	v10 =	vmul.f32 v59, v59  }
0x355: {  	v1 =	vadd.f32 v49, v1;
	v8 =	vadd.f32 v9, v8;
	v9 =	vmul.f32 v63, v63  }
0x356: {  	v12 =	vadd.f32 v32, v12;
	v6 =	vadd.f32 v10, v6;
	v10 =	vmul.f32 v30, v30  }
0x357: {  	v18 =	vadd.s32 v26, v18;
	v1 =	vadd.f32 v46, v1;
	v8 =	vadd.f32 v9, v8  }
0x358: {  	v9 =	vmul.f32 v11, v11;
	v12 =	vadd.f32 v17, v12;
	v4 =	vadd.f32 v10, v6  }
0x359: {  	v41 =	vadd.f32 v40, v1;
	v1 =	vadd.s32 s21, v35;
	v10 =	vadd.s32 s23, v22  }
0x35a: {  	s22 =	sadd.s32 $0xFFFFFFFF, s21;
	v8 =	vadd.f32 v9, v8;
	v1 =	vadd.s32 v7, v1;
	v6 =	vadd.f32 v52, v12  }
0x35b: {  	v14 =	vld.idx.msk [tilespmem:v14+s14+$0x0], $0xffff;
	v9 =	vadd.s32 s22, v25;
	v10 =	vadd.s32 v27, v10;
	v4 =	vadd.f32 v5, v4  }
0x35c: {  	v32 =	vld.idx.msk [tilespmem:v15+s14+$0x0], $0xffff;
	v5 =	vmul.f32 v51, v51;
	v9 =	vadd.s32 v26, v9;
	v6 =	vadd.f32 v50, v6  }
0x35d: {  	v15 =	vld [tilespmem:$0x1FC40];
	v12 =	vadd.s32 s23, v23;
	v3 =	vadd.f32 v3, v8;
	v8 =	vadd.s32 s22, v23  }
0x35e: {  	v53 =	vld.idx.msk [tilespmem:v18+s14+$0x0], $0xffff;
	v12 =	vadd.s32 v24, v12;
	v4 =	vadd.f32 v5, v4;
	v6 =	vadd.f32 v45, v6  }
0x35f: {  	v5 =	vmul.f32 v47, v47;
	v8 =	vadd.s32 v24, v8;
	v2 =	vadd.f32 v2, v3;
	v11 =	vld.idx.msk [tilespmem:v1+s14+$0x0], $0xffff  }
0x360: {  	v3 =	vmul.f32 v48, v48;
	v58 =	vld.idx.msk [tilespmem:v10+s14+$0x0], $0xffff;
	v42 =	vadd.f32 v39, v6;
	v6 =	vadd.s32 s22, v22  }
0x361: {  	v44 =	vadd.f32 v5, v4;
	v4 =	vadd.s32 s21, v25;
	v52 =	vld.idx.msk [tilespmem:v9+s14+$0x0], $0xffff;
	v6 =	vadd.s32 v27, v6  }
0x362: {  	s29 =	sadd.s32 $0xFFFFFFFB, s21;
	v43 =	vadd.f32 v3, v2;
	v3 =	vadd.s32 s21, v23;
	v4 =	vadd.s32 v26, v4;
	v26 =	vld [tilespmem:$0x1FD30]  }
0x363: {  	v9 =	vadd.s32 s29, v22;
	v3 =	vadd.s32 v24, v3;
	v24 =	vld.idx.msk [tilespmem:v12+s14+$0x0], $0xffff  }
0x364: {  	s31 =	sadd.s32 $0xFFFFFFF9, s21;
	v1 =	vadd.s32 s23, v35;
	v62 =	vadd.s32 v27, v9;
	v9 =	vld [tilespmem:$0x1FD20]  }
0x365: {  	s28 =	sadd.s32 $0xFFFFFFFC, s21;
	v1 =	vadd.s32 v7, v1;
	v12 =	vadd.s32 s31, v35;
	v21 =	vld.idx.msk [tilespmem:v8+s14+$0x0], $0xffff  }
0x366: {  	v30 =	vadd.s32 s31, v22;
	v12 =	vand.u32 $0xFFFFFFF8, v12;
	v19 =	vld.idx.msk [tilespmem:v6+s14+$0x0], $0xffff;
	v6 =	vadd.s32 s28, v22  }
0x367: {  	v12 =	vadd.s32 v15, v12;
	v15 =	vand.u32 $0xFFFFFFF8, v30;
	v30 =	vld.idx.msk [tilespmem:v16+s14+$0x0], $0xffff;
	v6 =	vadd.s32 v27, v6  }
0x368: {  	v5 =	vadd.s32 s22, v35;
	v16 =	vld [tilespmem:$0x1FBB0]  }
0x369: {  	s30 =	sadd.s32 $0xFFFFFFFA, s21;
	v2 =	vadd.s32 s21, v22;
	v5 =	vadd.s32 v7, v5;
	v4 =	vld.idx.msk [tilespmem:v4+s14+$0x0], $0xffff  }
0x36a: {  	v13 =	vadd.s32 s26, v35;
	v2 =	vadd.s32 v27, v2;
	v63 =	vld.idx.msk [tilespmem:v1+s14+$0x0], $0xffff;
	v1 =	vadd.s32 s30, v35  }
0x36b: {  	v60 =	vadd.s32 v7, v13;
	v13 =	vadd.s32 v7, v1;
	v1 =	vld [tilespmem:$0x1FD20]  }
0x36c: {  	v37 =	vld.idx.msk [tilespmem:v6+s14+$0x0], $0xffff  }
0x36d: {  	v29 =	vmul.f32 v29, v29;
	v20 =	vadd.s32 s28, v23;
	v6 =	vld [tilespmem:$0x1FD30]  }
0x36e: {  	v5 =	vld.idx.msk [tilespmem:v5+s14+$0x0], $0xffff;
	v20 =	vadd.s32 v26, v20  }
0x36f: {  	v0 =	vadd.f32 v29, v0;
	v2 =	vld.idx.msk [tilespmem:v2+s14+$0x0], $0xffff  }
0x370: {  	v29 =	vadd.s32 s28, v25;
	v8 =	vadd.s32 s29, v35;
	v3 =	vld.idx.msk [tilespmem:v3+s14+$0x0], $0xffff;
	v15 =	vadd.s32 v16, v15  }
0x371: {  	v57 =	vadd.s32 s30, v23;
	v8 =	vadd.s32 v7, v8;
	v18 =	vadd.s32 v1, v29;
	v1 =	vld [tilespmem:$0x1FD30]  }
0x372: {  	v56 =	vadd.s32 v6, v57;
	v6 =	vld [tilespmem:$0x1FD20]  }
0x373: {  	v31 =	vadd.s32 s29, v23;
	v10 =	vadd.s32 s30, v22;
	v39 =	vadd.s32 s30, v25;
	v33 =	vld.idx.msk [tilespmem:v20+s14+$0x0], $0xffff  }
0x374: {  	v17 =	vadd.s32 s28, v35;
	v61 =	vadd.s32 v27, v10;
	v55 =	vadd.s32 v9, v39;
	v9 =	vld.idx.msk [tilespmem:v13+s14+$0x0], $0xffff  }
0x375: {  	v34 =	vadd.s32 s29, v25;
	v59 =	vadd.s32 s31, v23;
	v17 =	vadd.s32 v7, v17;
	v15 =	vld.idx.msk [tilespmem:v15+s14+$0x0], $0xffff  }
0x376: {  	v50 =	vmul.f32 v14, v14;
	v54 =	vmul.f32 v58, v58;
	v26 =	vadd.s32 v1, v31;
	v31 =	vld.idx.msk [tilespmem:v8+s14+$0x0], $0xffff  }
0x377: {  	v45 =	vmul.f32 v52, v52;
	v1 =	vand.u32 $0xFFFFFFF8, v59;
	v59 =	vadd.s32 v6, v34;
	v6 =	vld [tilespmem:$0x1FBC0]  }
0x378: {  	v49 =	vmul.f32 v24, v24;
	v46 =	vmul.f32 v21, v21;
	v16 =	vadd.s32 s31, v25;
	v8 =	vld.idx.msk [tilespmem:v12+s14+$0x0], $0xffff  }
0x379: {  	v39 =	vmul.f32 v4, v4;
	v48 =	vsub.f32 v11, v4;
	v51 =	vsub.f32 v5, v21;
	v13 =	vld.idx.msk [tilespmem:v61+s14+$0x0], $0xffff  }
0x37a: {  	v4 =	vmul.f32 v30, v30;
	v29 =	vsub.f32 v11, v2;
	v47 =	vsub.f32 v11, v3;
	v11 =	vld.idx.msk [tilespmem:v60+s14+$0x0], $0xffff  }
0x37b: {  	p0 =	sne.s32 s21, $0x1F;
	v58 =	vsub.f32 v63, v58;
	v40 =	vmul.f32 v3, v3;
	v60 =	vld.idx.msk [tilespmem:v17+s14+$0x0], $0xffff;
	v10 =	vmul.f32 v19, v19  }
.Ltmp5:
0x37c: {  	v12 =	vld.idx.msk [tilespmem:v62+s14+$0x0], $0xffff;
	v57 =	vmul.f32 v32, v32;
	v1 =	vadd.s32 v6, v1;
	v6 =	vand.u32 $0xFFFFFFF8, v16;
	(pc) =	sbr.rel @p0 .LBB2_13-.Ltmp5, $4  }
0x37d: {  	v61 =	vld.idx.msk [tilespmem:v18+s14+$0x0], $0xffff;
	v34 =	vsub.f32 v5, v19;
	v16 =	vsub.f32 v8, v15;
	v36 =	vadd.s32 v28, v6  }
0x37e: {  	v6 =	vmul.f32 v2, v2;
	v2 =	vsub.f32 v5, v52;
	v5 =	vsub.f32 v63, v24;
	v24 =	vld [tilespmem:$0x1FD30]  }
0x37f: {  	v3 =	vsub.f32 v63, v14;
	v62 =	vmul.f32 v37, v37;
	v14 =	vmul.f32 v15, v15;
	v63 =	vld.idx.msk [tilespmem:v26+s14+$0x0], $0xffff  }
0x380: {  	s21 =	sadd.s32 $0x8, s21;
	v52 =	vmul.f32 v53, v53;
	v26 =	vld [tilespmem:$0x1FD20];
	v15 =	vmul.f32 v16, v16;
	v16 =	vsub.f32 v9, v13  }
0x381: {  	_ = 	snop  }
0x382: {  	v13 =	vmul.f32 v13, v13;
	v17 =	vsub.f32 v31, v12  }
0x383: {  	v14 =	vadd.f32 v14, v38;
	v0 =	vadd.f32 v15, v0;
	v15 =	vmul.f32 v16, v16  }
0x384: {  	v12 =	vmul.f32 v12, v12;
	v20 =	vsub.f32 v11, v32;
	v16 =	vsub.f32 v60, v37  }
0x385: {  	v19 =	vld.idx.msk [tilespmem:v59+s14+$0x0], $0xffff;
	v13 =	vadd.f32 v13, v14;
	v14 =	vmul.f32 v17, v17;
	v0 =	vadd.f32 v15, v0  }
0x386: {  	v18 =	vmul.f32 v33, v33;
	v22 =	vld.idx.msk [tilespmem:v55+s14+$0x0], $0xffff;
	v23 =	vsub.f32 v60, v33;
	v26 =	vsub.f32 v60, v61  }
0x387: {  	v1 =	vld.idx.msk [tilespmem:v1+s14+$0x0], $0xffff;
	v12 =	vadd.f32 v12, v13;
	v13 =	vmul.f32 v16, v16;
	v0 =	vadd.f32 v14, v0  }
0x388: {  	v24 =	vld.idx.msk [tilespmem:v36+s14+$0x0], $0xffff;
	v17 =	vsub.f32 v11, v30;
	v11 =	vsub.f32 v11, v53;
	v15 =	vmul.f32 v61, v61  }
0x389: {  	v21 =	vld.idx.msk [tilespmem:v56+s14+$0x0], $0xffff;
	v25 =	vsub.f32 v31, v63;
	v0 =	vadd.f32 v13, v0;
	v13 =	vmul.f32 v20, v20  }
0x38a: {  	v14 =	vmul.f32 v63, v63;
	v16 =	vmul.f32 v19, v19;
	v12 =	vadd.f32 v62, v12  }
0x38b: {  	v19 =	vsub.f32 v31, v19;
	v0 =	vadd.f32 v13, v0;
	v13 =	vmul.f32 v58, v58  }
0x38c: {  	v27 =	vmul.f32 v22, v22;
	v28 =	vsub.f32 v8, v1;
	v12 =	vadd.f32 v57, v12  }
0x38d: {  	v8 =	vsub.f32 v8, v24;
	v0 =	vadd.f32 v13, v0;
	v13 =	vmul.f32 v34, v34  }
0x38e: {  	v1 =	vmul.f32 v1, v1;
	v20 =	vmul.f32 v21, v21;
	v12 =	vadd.f32 v54, v12  }
0x38f: {  	v21 =	vsub.f32 v9, v21;
	v0 =	vadd.f32 v13, v0;
	v13 =	vmul.f32 v24, v24  }
0x390: {  	v9 =	vsub.f32 v9, v22;
	v8 =	vmul.f32 v8, v8;
	v10 =	vadd.f32 v10, v12  }
0x391: {  	v1 =	vadd.f32 v1, v41;
	v12 =	vmul.f32 v28, v28;
	v13 =	vadd.f32 v13, v42  }
0x392: {  	v8 =	vadd.f32 v8, v43;
	v9 =	vmul.f32 v9, v9;
	v6 =	vadd.f32 v6, v10  }
0x393: {  	v10 =	vadd.f32 v12, v44;
	v12 =	vmul.f32 v21, v21;
	v13 =	vadd.f32 v27, v13  }
0x394: {  	v1 =	vadd.f32 v20, v1;
	v8 =	vadd.f32 v9, v8;
	v9 =	vmul.f32 v19, v19  }
0x395: {  	v10 =	vadd.f32 v12, v10;
	v12 =	vmul.f32 v25, v25;
	v13 =	vadd.f32 v16, v13  }
0x396: {  	v1 =	vadd.f32 v14, v1;
	v8 =	vadd.f32 v9, v8;
	v9 =	vmul.f32 v26, v26  }
0x397: {  	v10 =	vadd.f32 v12, v10;
	v12 =	vmul.f32 v23, v23;
	v13 =	vadd.f32 v15, v13;
	v15 =	vld [tilespmem:$0x1FBA0]  }
0x398: {  	v1 =	vadd.f32 v18, v1;
	v8 =	vadd.f32 v9, v8;
	v9 =	vmul.f32 v11, v11  }
0x399: {  	v29 =	vmul.f32 v29, v29;
	v10 =	vadd.f32 v12, v10;
	v12 =	vmul.f32 v17, v17  }
0x39a: {  	v3 =	vmul.f32 v3, v3;
	v14 =	vld [tilespmem:$0x1FC30];
	v1 =	vadd.f32 v4, v1;
	v8 =	vadd.f32 v9, v8  }
0x39b: {  	v5 =	vmul.f32 v5, v5;
	v4 =	vadd.f32 v12, v10;
	v10 =	vadd.f32 v52, v13;
	v13 =	vld [tilespmem:$0x1FD50]  }
0x39c: {  	v2 =	vmul.f32 v2, v2;
	v3 =	vadd.f32 v3, v8;
	v8 =	vor.u32 $0x4, v15  }
0x39d: {  	v0 =	vadd.f32 v29, v0;
	v9 =	vadd.f32 v50, v10;
	v10 =	vor.u32 $0xF, v15  }
0x39e: {  	v1 =	vadd.f32 v49, v1;
	v2 =	vadd.f32 v2, v3  }
0x39f: {  	v4 =	vadd.f32 v5, v4;
	v5 =	vmul.f32 v51, v51;
	v3 =	vor.u32 $0x5, v15  }
0x3a0: {  	v1 =	vadd.f32 v46, v1;
	v12 =	vor.u32 $0x10, v15;
	v13 =	vadd.s32 v13, v14  }
0x3a1: {  	v4 =	vadd.f32 v5, v4;
	v5 =	vmul.f32 v47, v47;
	[tilespmem:v8+s17+$0x0] =	vst.idx.msk $0xffff, v6;
	v8 =	vand.u32 $0x7FFFFFF8, v13;
	v13 =	vld [tilespmem:$0x1FD60]  }
0x3a2: {  	v1 =	vadd.f32 v40, v1;
	[tilespmem:v10+s17+$0x0] =	vst.idx.msk $0xffff, v0;
	v0 =	vld [tilespmem:$0x1FD70]  }
0x3a3: {  	v4 =	vadd.f32 v5, v4;
	v10 =	vld [tilespmem:$0x1FD80]  }
0x3a4: {  	[tilespmem:v3+s17+$0x0] =	vst.idx.msk $0xffff, v1;
	v1 =	vld [tilespmem:$0x1FFA0]  }
0x3a5: {  	v11 =	vmul.f32 v48, v48;
	[tilespmem:v12+s17+$0x0] =	vst.idx.msk $0xffff, v4;
	v4 =	vld [tilespmem:$0x1FF60]  }
0x3a6: {  	v5 =	vor.u32 $0x6, v15  }
0x3a7: {  	v2 =	vadd.f32 v11, v2;
	v9 =	vadd.f32 v45, v9;
	v6 =	vor.u32 $0x11, v15  }
0x3a8: {  	v13 =	vadd.s32 v13, v14;
	v0 =	vor.u32 v0, v8;
	v10 =	vadd.s32 v10, v14  }
0x3a9: {  	s22 =	simm.s32 $0x6;
	v9 =	vadd.f32 v39, v9;
	v8 =	vand.u32 $0x7FFFFFF8, v13;
	v3 =	vand.u32 $0x7FFFFFF8, v10  }
0x3aa: {  	v1 =	vor.u32 v1, v8;
	v3 =	vor.u32 v4, v3;
	v4 =	vadd.s32 s22, v35  }
0x3ab: {  	[tilespmem:v5+s17+$0x0] =	vst.idx.msk $0xffff, v9;
	v4 =	vadd.s32 v7, v4  }
0x3ac: {  	[tilespmem:v6+s17+$0x0] =	vst.idx.msk $0xffff, v2  }
0x3ad: {  	v14 =	vld.idx.msk [tilespmem:v0+s10+$0x0], $0xffff  }
0x3ae: {  	s28 =	simm.s32 $0x3;
	v63 =	vld [tilespmem:$0x1FCE0]  }
0x3af: {  	s25 =	simm.s32 $0x5;
	s29 =	simm.s32 $0x2;
	v32 =	vimm.f32 $0.0e+00;
	v19 =	vadd.s32 s28, v35;
	v15 =	vld.idx.msk [tilespmem:v1+s10+$0x0], $0xffff  }
0x3b0: {  	s26 =	simm.s32 $0x4;
	v26 =	vimm.f32 $0.0e+00;
	v8 =	vadd.s32 s25, v35;
	v29 =	vld.idx.msk [tilespmem:v4+s14+$0x0], $0xffff;
	v4 =	vadd.s32 s29, v35  }
0x3b1: {  	v12 =	vadd.s32 s26, v35;
	v8 =	vadd.s32 v7, v8;
	v4 =	vadd.s32 v7, v4  }
0x3b2: {  	v0 =	vand.u32 $0x7, v14;
	v5 =	vadd.s32 s22, v14;
	v10 =	vadd.s32 s25, v14  }
0x3b3: {  	v61 =	vld [tilespmem:$0x1FCD0];
	v17 =	vadd.s32 s26, v14;
	v21 =	vadd.s32 s28, v14;
	v28 =	vadd.s32 s29, v14  }
0x3b4: {  	s21 =	simm.s32 $0x7;
	v16 =	vld.idx.msk [tilespmem:v3+s10+$0x0], $0xffff;
	v22 =	vor.u32 v63, v0;
	v0 =	vand.u32 $0x7, v15;
	v5 =	vadd.s32 v63, v5  }
0x3b5: {  	v2 =	vadd.s32 s21, v15;
	v6 =	vadd.s32 s22, v15;
	v10 =	vadd.s32 v63, v10  }
0x3b6: {  	v62 =	vld [tilespmem:$0x1FCC0];
	v11 =	vadd.s32 s25, v15;
	v18 =	vadd.s32 s26, v15;
	v17 =	vadd.s32 v63, v17  }
0x3b7: {  	s30 =	simm.s32 $0x1;
	s31 =	simm.s32 $0x0;
	v58 =	vld.idx.msk [tilespmem:v8+s14+$0x0], $0xffff;
	v24 =	vadd.s32 s28, v15;
	v30 =	vadd.s32 s29, v15;
	v8 =	vadd.s32 v63, v21  }
0x3b8: {  	v41 =	vadd.s32 s30, v15;
	v21 =	vadd.s32 s31, v35;
	v2 =	vadd.s32 v61, v2;
	v48 =	vld.idx.msk [tilespmem:v4+s14+$0x0], $0xffff  }
0x3b9: {  	v59 =	vadd.s32 v63, v28;
	v1 =	vand.u32 $0x7, v16;
	v11 =	vadd.s32 v61, v11;
	v5 =	vld.idx.msk [tilespmem:v5+s14+$0x0], $0xffff  }
0x3ba: {  	v23 =	vor.u32 v61, v0;
	v0 =	vadd.s32 s21, v35;
	v3 =	vadd.s32 s21, v16;
	v55 =	vld.idx.msk [tilespmem:v10+s14+$0x0], $0xffff  }
0x3bb: {  	v6 =	vadd.s32 v61, v6;
	v9 =	vadd.s32 s22, v16;
	v20 =	vadd.s32 s26, v16;
	v49 =	vld.idx.msk [tilespmem:v17+s14+$0x0], $0xffff  }
0x3bc: {  	v25 =	vor.u32 v62, v1;
	v1 =	vadd.s32 s21, v14;
	v9 =	vadd.s32 v62, v9;
	v37 =	vld.idx.msk [tilespmem:v8+s14+$0x0], $0xffff  }
0x3bd: {  	v27 =	vadd.s32 s28, v16;
	v40 =	vadd.s32 s29, v16;
	v1 =	vadd.s32 v63, v1;
	v2 =	vld.idx.msk [tilespmem:v2+s14+$0x0], $0xffff  }
0x3be: {  	v42 =	vadd.s32 s30, v16;
	v24 =	vadd.s32 v61, v24;
	v0 =	vadd.s32 v7, v0;
	v57 =	vld.idx.msk [tilespmem:v11+s14+$0x0], $0xffff  }
0x3bf: {  	v43 =	vadd.s32 s31, v16;
	v30 =	vadd.s32 v61, v30;
	v3 =	vadd.s32 v62, v3;
	v11 =	vld [tilespmem:$0x1FC40]  }
0x3c0: {  	v53 =	vadd.s32 v61, v41;
	v56 =	vadd.s32 v62, v40;
	v31 =	vld.idx.msk [tilespmem:v6+s14+$0x0], $0xffff;
	v6 =	vadd.s32 v61, v18  }
0x3c1: {  	v52 =	vadd.s32 v62, v42;
	v18 =	vadd.s32 s30, v35;
	v45 =	vld.idx.msk [tilespmem:v9+s14+$0x0], $0xffff;
	v9 =	vadd.s32 v62, v20  }
0x3c2: {  	v17 =	vadd.s32 v7, v12;
	v12 =	vadd.s32 v7, v18;
	v13 =	vld.idx.msk [tilespmem:v1+s14+$0x0], $0xffff;
	v1 =	vadd.s32 s25, v16  }
0x3c3: {  	v10 =	vand.u32 $0xFFFFFFF8, v21;
	v21 =	vadd.s32 s31, v14;
	v0 =	vld.idx.msk [tilespmem:v0+s14+$0x0], $0xffff;
	v1 =	vadd.s32 v62, v1  }
0x3c4: {  	v3 =	vld.idx.msk [tilespmem:v3+s14+$0x0], $0xffff;
	v20 =	vadd.s32 s30, v14;
	v10 =	vadd.s32 v11, v10;
	v11 =	vand.u32 $0xFFFFFFF8, v21  }
0x3c5: {  	v18 =	vadd.s32 v7, v19;
	v19 =	vadd.s32 v62, v27;
	v47 =	vld.idx.msk [tilespmem:v6+s14+$0x0], $0xffff;
	v11 =	vadd.s32 v22, v11  }
0x3c6: {  	v20 =	vadd.s32 v63, v20;
	v51 =	vmul.f32 v55, v55;
	v50 =	vld.idx.msk [tilespmem:v9+s14+$0x0], $0xffff;
	v9 =	vand.u32 $0xFFFFFFF8, v43  }
0x3c7: {  	v34 =	vsub.f32 v29, v5;
	v54 =	vmul.f32 v49, v49;
	v36 =	vadd.s32 v25, v9;
	v9 =	vld.idx.msk [tilespmem:v12+s14+$0x0], $0xffff  }
0x3c8: {  	v55 =	vsub.f32 v58, v55;
	v28 =	vmul.f32 v2, v2;
	v39 =	vmul.f32 v31, v31;
	v21 =	vld.idx.msk [tilespmem:v1+s14+$0x0], $0xffff  }
0x3c9: {  	v42 =	vmul.f32 v57, v57;
	v44 =	vsub.f32 v29, v31;
	v31 =	vimm.f32 $0.0e+00;
	v8 =	vld.idx.msk [tilespmem:v10+s14+$0x0], $0xffff  }
0x3ca: {  	v27 =	vmul.f32 v3, v3;
	v38 =	vmul.f32 v45, v45;
	v40 =	vsub.f32 v0, v2;
	v60 =	vld.idx.msk [tilespmem:v11+s14+$0x0], $0xffff  }
0x3cb: {  	v6 =	vmul.f32 v13, v13;
	v46 =	vsub.f32 v0, v13;
	v13 =	vld.idx.msk [tilespmem:v20+s14+$0x0], $0xffff;
	v1 =	vadd.s32 s31, v15  }
0x3cc: {  	v33 =	vld.idx.msk [tilespmem:v24+s14+$0x0], $0xffff;
	v41 =	vsub.f32 v0, v3;
	v2 =	vsub.f32 v29, v45;
	v1 =	vand.u32 $0xFFFFFFF8, v1  }
0x3cd: {  	v29 =	vimm.f32 $0.0e+00;
	v12 =	vld.idx.msk [tilespmem:v59+s14+$0x0], $0xffff;
	v59 =	vmul.f32 v37, v37;
	v1 =	vadd.s32 v23, v1  }
0x3ce: {  	v10 =	vmul.f32 v5, v5;
	v4 =	vmul.f32 v47, v47;
	v5 =	vsub.f32 v58, v57;
	v57 =	vld.idx.msk [tilespmem:v18+s14+$0x0], $0xffff  }
0x3cf: {  	v45 =	vmul.f32 v50, v50;
	v11 =	vld.idx.msk [tilespmem:v17+s14+$0x0], $0xffff;
	v43 =	vmul.f32 v21, v21;
	v0 =	vsub.f32 v8, v60  }
0x3d0: {  	v3 =	vsub.f32 v58, v21;
	v58 =	vld.idx.msk [tilespmem:v19+s14+$0x0], $0xffff;
	v19 =	vsub.f32 v9, v13;
	v17 =	vmul.f32 v60, v60  }
0x3d1: {  	s21 =	simm.s32 $0xF;
	v60 =	vld.idx.msk [tilespmem:v30+s14+$0x0], $0xffff;
	v30 =	vimm.f32 $0.0e+00;
	v18 =	vmul.f32 v0, v0;
	v0 =	vimm.f32 $0.0e+00  }
.LBB2_15:
0x3d2: {  	v13 =	vmul.f32 v13, v13;
	v17 =	vadd.f32 v17, v26  }
0x3d3: {  	v0 =	vadd.f32 v18, v0;
	v18 =	vmul.f32 v19, v19  }
0x3d4: {  	v21 =	vld.idx.msk [tilespmem:v56+s14+$0x0], $0xffff;
	v5 =	vmul.f32 v5, v5;
	v13 =	vadd.f32 v13, v17  }
0x3d5: {  	v1 =	vld.idx.msk [tilespmem:v1+s14+$0x0], $0xffff;
	v3 =	vmul.f32 v3, v3;
	v0 =	vadd.f32 v18, v0;
	v20 =	vsub.f32 v48, v12  }
0x3d6: {  	v19 =	vld.idx.msk [tilespmem:v53+s14+$0x0], $0xffff;
	v2 =	vmul.f32 v2, v2;
	v26 =	vsub.f32 v57, v37;
	v53 =	vsub.f32 v11, v49  }
0x3d7: {  	v24 =	vmul.f32 v33, v33;
	v47 =	vsub.f32 v11, v47;
	v11 =	vsub.f32 v11, v50  }
0x3d8: {  	v18 =	vld.idx.msk [tilespmem:v52+s14+$0x0], $0xffff;
	v12 =	vmul.f32 v12, v12;
	v33 =	vsub.f32 v57, v33;
	v56 =	vsub.f32 v48, v60  }
0x3d9: {  	v49 =	vmul.f32 v21, v21;
	v21 =	vsub.f32 v48, v21;
	v17 =	vmul.f32 v20, v20  }
0x3da: {  	v20 =	vmul.f32 v58, v58;
	v12 =	vadd.f32 v12, v13;
	v13 =	vmul.f32 v26, v26  }
0x3db: {  	v37 =	vmul.f32 v19, v19;
	v19 =	vsub.f32 v9, v19;
	v26 =	vsub.f32 v8, v1  }
0x3dc: {  	v1 =	vmul.f32 v1, v1;
	v0 =	vadd.f32 v17, v0;
	v17 =	vld.idx.msk [tilespmem:v36+s14+$0x0], $0xffff;
	v36 =	vmul.f32 v60, v60  }
0x3dd: {  	s26 =	sadd.s32 $0xFFFFFFFD, s21;
	v12 =	vadd.f32 v59, v12;
	v59 =	vsub.f32 v57, v58;
	v60 =	vmul.f32 v18, v18  }
0x3de: {  	v9 =	vsub.f32 v9, v18;
	v1 =	vadd.f32 v1, v29;
	v18 =	vadd.s32 s26, v14  }
0x3df: {  	v0 =	vadd.f32 v13, v0;
	v13 =	vmul.f32 v53, v53;
	v12 =	vadd.f32 v54, v12  }
0x3e0: {  	v18 =	vadd.s32 v63, v18;
	v9 =	vmul.f32 v9, v9;
	v1 =	vadd.f32 v37, v1  }
0x3e1: {  	v0 =	vadd.f32 v13, v0;
	v13 =	vmul.f32 v55, v55;
	v12 =	vadd.f32 v51, v12  }
0x3e2: {  	v55 =	vmul.f32 v46, v46;
	v1 =	vadd.f32 v36, v1;
	v8 =	vsub.f32 v8, v17  }
0x3e3: {  	v0 =	vadd.f32 v13, v0;
	v13 =	vmul.f32 v34, v34;
	v10 =	vadd.f32 v10, v12  }
0x3e4: {  	v12 =	vmul.f32 v26, v26;
	v1 =	vadd.f32 v24, v1;
	v8 =	vmul.f32 v8, v8  }
0x3e5: {  	v0 =	vadd.f32 v13, v0;
	v13 =	vmul.f32 v17, v17;
	v26 =	vadd.f32 v6, v10  }
0x3e6: {  	s23 =	sadd.s32 $0xFFFFFFFE, s21;
	v6 =	vadd.f32 v12, v32;
	v10 =	vmul.f32 v19, v19;
	v1 =	vadd.f32 v4, v1  }
0x3e7: {  	v17 =	vadd.s32 s23, v16;
	v19 =	vadd.s32 s26, v15;
	v8 =	vadd.f32 v8, v31  }
0x3e8: {  	v17 =	vadd.s32 v62, v17;
	v19 =	vadd.s32 v61, v19;
	v0 =	vadd.f32 v55, v0  }
0x3e9: {  	v12 =	vadd.f32 v13, v30;
	v6 =	vadd.f32 v10, v6;
	v10 =	vmul.f32 v56, v56  }
0x3ea: {  	v1 =	vadd.f32 v42, v1;
	v8 =	vadd.f32 v9, v8;
	v9 =	vmul.f32 v21, v21  }
0x3eb: {  	v21 =	vadd.s32 s26, v16;
	v12 =	vadd.f32 v60, v12;
	v6 =	vadd.f32 v10, v6  }
0x3ec: {  	v10 =	vmul.f32 v33, v33;
	v1 =	vadd.f32 v39, v1;
	v21 =	vadd.s32 v62, v21  }
0x3ed: {  	v8 =	vadd.f32 v9, v8;
	v9 =	vmul.f32 v59, v59;
	v12 =	vadd.f32 v49, v12  }
0x3ee: {  	v6 =	vadd.f32 v10, v6;
	v10 =	vmul.f32 v47, v47;
	v29 =	vadd.f32 v28, v1  }
0x3ef: {  	v1 =	vadd.s32 s21, v35;
	v8 =	vadd.f32 v9, v8;
	v9 =	vmul.f32 v11, v11  }
0x3f0: {  	s22 =	sadd.s32 $0xFFFFFFFF, s21;
	v1 =	vadd.s32 v7, v1;
	v12 =	vadd.f32 v20, v12;
	v4 =	vadd.f32 v10, v6  }
0x3f1: {  	v57 =	vld [tilespmem:$0x1FCD0];
	v10 =	vadd.s32 s23, v14;
	v8 =	vadd.f32 v9, v8;
	v9 =	vadd.s32 s22, v16  }
0x3f2: {  	v17 =	vld.idx.msk [tilespmem:v17+s14+$0x0], $0xffff;
	v10 =	vadd.s32 v63, v10;
	v6 =	vadd.f32 v45, v12;
	v4 =	vadd.f32 v5, v4  }
0x3f3: {  	v49 =	vld.idx.msk [tilespmem:v18+s14+$0x0], $0xffff;
	v5 =	vmul.f32 v44, v44;
	v12 =	vadd.s32 s23, v15;
	v9 =	vadd.s32 v62, v9  }
0x3f4: {  	v18 =	vld [tilespmem:$0x1FC40];
	v3 =	vadd.f32 v3, v8;
	v8 =	vadd.s32 s22, v15;
	v6 =	vadd.f32 v43, v6  }
0x3f5: {  	v47 =	vld.idx.msk [tilespmem:v19+s14+$0x0], $0xffff;
	v12 =	vadd.s32 v61, v12;
	v4 =	vadd.f32 v5, v4;
	v5 =	vmul.f32 v40, v40  }
0x3f6: {  	v11 =	vld.idx.msk [tilespmem:v1+s14+$0x0], $0xffff;
	v1 =	vadd.s32 s23, v35;
	v8 =	vadd.s32 v61, v8;
	v6 =	vadd.f32 v38, v6  }
0x3f7: {  	v50 =	vld.idx.msk [tilespmem:v21+s14+$0x0], $0xffff;
	v2 =	vadd.f32 v2, v3;
	v3 =	vmul.f32 v41, v41;
	v1 =	vadd.s32 v7, v1  }
0x3f8: {  	v32 =	vadd.f32 v5, v4;
	v55 =	vld.idx.msk [tilespmem:v10+s14+$0x0], $0xffff;
	v30 =	vadd.f32 v27, v6;
	v6 =	vadd.s32 s22, v14  }
0x3f9: {  	s29 =	sadd.s32 $0xFFFFFFFB, s21;
	v31 =	vadd.f32 v3, v2;
	v3 =	vadd.s32 s21, v15;
	v45 =	vld.idx.msk [tilespmem:v9+s14+$0x0], $0xffff;
	v6 =	vadd.s32 v63, v6  }
0x3fa: {  	v4 =	vadd.s32 s21, v16;
	v9 =	vadd.s32 s29, v14;
	v3 =	vadd.s32 v61, v3;
	v61 =	vld.idx.msk [tilespmem:v12+s14+$0x0], $0xffff  }
0x3fb: {  	v5 =	vadd.s32 s22, v35;
	v4 =	vadd.s32 v62, v4;
	v41 =	vadd.s32 v63, v9;
	v9 =	vld [tilespmem:$0x1FCC0]  }
0x3fc: {  	v2 =	vadd.s32 s21, v14;
	v5 =	vadd.s32 v7, v5;
	v44 =	vld.idx.msk [tilespmem:v8+s14+$0x0], $0xffff  }
0x3fd: {  	s28 =	sadd.s32 $0xFFFFFFFC, s21;
	s30 =	sadd.s32 $0xFFFFFFFA, s21;
	v2 =	vadd.s32 v63, v2;
	v60 =	vld.idx.msk [tilespmem:v1+s14+$0x0], $0xffff  }
0x3fe: {  	v13 =	vadd.s32 s26, v35;
	v1 =	vadd.s32 s30, v35;
	v24 =	vld.idx.msk [tilespmem:v6+s14+$0x0], $0xffff;
	v6 =	vadd.s32 s28, v14  }
0x3ff: {  	s31 =	sadd.s32 $0xFFFFFFF9, s21;
	v43 =	vadd.s32 v7, v13;
	v13 =	vadd.s32 v7, v1;
	v1 =	vld [tilespmem:$0x1FCD0];
	v6 =	vadd.s32 v63, v6  }
0x400: {  	v12 =	vadd.s32 s31, v35;
	v8 =	vadd.s32 s29, v35;
	v4 =	vld.idx.msk [tilespmem:v4+s14+$0x0], $0xffff  }
0x401: {  	v12 =	vand.u32 $0xFFFFFFF8, v12;
	v8 =	vadd.s32 v7, v8;
	v5 =	vld.idx.msk [tilespmem:v5+s14+$0x0], $0xffff  }
0x402: {  	v12 =	vadd.s32 v18, v12;
	v2 =	vld.idx.msk [tilespmem:v2+s14+$0x0], $0xffff  }
0x403: {  	v58 =	vadd.s32 s31, v14;
	v34 =	vadd.s32 s29, v16;
	v27 =	vadd.s32 s28, v15;
	v3 =	vld.idx.msk [tilespmem:v3+s14+$0x0], $0xffff  }
0x404: {  	v56 =	vadd.s32 s30, v15;
	v33 =	vadd.s32 s29, v15;
	v27 =	vadd.s32 v57, v27;
	v37 =	vld.idx.msk [tilespmem:v6+s14+$0x0], $0xffff  }
0x405: {  	v59 =	vadd.s32 s31, v15;
	v28 =	vadd.s32 s28, v16;
	v18 =	vand.u32 $0xFFFFFFF8, v58;
	v6 =	vld [tilespmem:$0x1FCD0]  }
0x406: {  	v19 =	vadd.s32 s31, v16;
	v20 =	vadd.s32 s28, v35;
	v18 =	vadd.s32 v22, v18;
	v48 =	vld.idx.msk [tilespmem:v8+s14+$0x0], $0xffff  }
0x407: {  	v20 =	vadd.s32 v7, v20;
	v21 =	vadd.s32 v62, v28;
	v10 =	vadd.s32 s30, v14;
	v8 =	vld.idx.msk [tilespmem:v12+s14+$0x0], $0xffff  }
0x408: {  	v54 =	vmul.f32 v49, v49;
	v38 =	vadd.s32 s30, v16;
	v40 =	vadd.s32 v63, v10;
	v12 =	vld.idx.msk [tilespmem:v41+s14+$0x0], $0xffff  }
0x409: {  	v51 =	vmul.f32 v55, v55;
	v52 =	vadd.s32 v9, v38;
	v62 =	vadd.s32 v1, v33;
	v33 =	vld.idx.msk [tilespmem:v27+s14+$0x0], $0xffff  }
0x40a: {  	v38 =	vmul.f32 v45, v45;
	v42 =	vmul.f32 v61, v61;
	v53 =	vadd.s32 v6, v56;
	v6 =	vld [tilespmem:$0x1FCC0]  }
0x40b: {  	v39 =	vmul.f32 v44, v44;
	v55 =	vsub.f32 v60, v55;
	v1 =	vand.u32 $0xFFFFFFF8, v59;
	v18 =	vld.idx.msk [tilespmem:v18+s14+$0x0], $0xffff  }
0x40c: {  	v9 =	vld.idx.msk [tilespmem:v13+s14+$0x0], $0xffff;
	v1 =	vadd.s32 v23, v1;
	v27 =	vmul.f32 v4, v4;
	v41 =	vsub.f32 v11, v4  }
0x40d: {  	v13 =	vld.idx.msk [tilespmem:v40+s14+$0x0], $0xffff;
	v44 =	vsub.f32 v5, v44;
	v4 =	vmul.f32 v47, v47;
	v28 =	vmul.f32 v3, v3  }
0x40e: {  	p0 =	sne.s32 s21, $0x1F;
	v46 =	vsub.f32 v11, v2;
	v40 =	vsub.f32 v11, v3;
	v11 =	vld.idx.msk [tilespmem:v43+s14+$0x0], $0xffff;
	v43 =	vmul.f32 v17, v17  }
.Ltmp6:
0x40f: {  	v57 =	vld.idx.msk [tilespmem:v20+s14+$0x0], $0xffff;
	v10 =	vmul.f32 v24, v24;
	v56 =	vadd.s32 v6, v34;
	v6 =	vand.u32 $0xFFFFFFF8, v19;
	(pc) =	sbr.rel @p0 .LBB2_15-.Ltmp6, $4  }
0x410: {  	v58 =	vld.idx.msk [tilespmem:v21+s14+$0x0], $0xffff;
	v34 =	vsub.f32 v5, v24;
	v19 =	vsub.f32 v8, v18;
	v36 =	vadd.s32 v25, v6  }
0x411: {  	v6 =	vmul.f32 v2, v2;
	v2 =	vsub.f32 v5, v45;
	v5 =	vsub.f32 v60, v61;
	v61 =	vld [tilespmem:$0x1FCD0]  }
0x412: {  	v3 =	vsub.f32 v60, v17;
	v17 =	vmul.f32 v18, v18;
	v59 =	vmul.f32 v37, v37;
	v60 =	vld.idx.msk [tilespmem:v62+s14+$0x0], $0xffff  }
0x413: {  	s21 =	sadd.s32 $0x8, s21;
	v45 =	vmul.f32 v50, v50;
	v62 =	vld [tilespmem:$0x1FCC0];
	v18 =	vmul.f32 v19, v19;
	v19 =	vsub.f32 v9, v13  }
0x414: {  	_ =	sdelay $0x1  }
0x415: {  	v13 =	vmul.f32 v13, v13;
	v14 =	vsub.f32 v48, v12;
	v15 =	vmul.f32 v33, v33  }
0x416: {  	v17 =	vadd.f32 v17, v26;
	v12 =	vmul.f32 v12, v12;
	v20 =	vsub.f32 v11, v49  }
0x417: {  	v16 =	vld.idx.msk [tilespmem:v56+s14+$0x0], $0xffff;
	v23 =	vsub.f32 v57, v33;
	v0 =	vadd.f32 v18, v0;
	v18 =	vmul.f32 v19, v19  }
0x418: {  	v22 =	vld.idx.msk [tilespmem:v52+s14+$0x0], $0xffff;
	v5 =	vmul.f32 v5, v5;
	v19 =	vsub.f32 v57, v37;
	v26 =	vsub.f32 v57, v58  }
0x419: {  	v1 =	vld.idx.msk [tilespmem:v1+s14+$0x0], $0xffff;
	v3 =	vmul.f32 v3, v3;
	v13 =	vadd.f32 v13, v17;
	v0 =	vadd.f32 v18, v0  }
0x41a: {  	v24 =	vld.idx.msk [tilespmem:v36+s14+$0x0], $0xffff;
	v14 =	vmul.f32 v14, v14;
	v18 =	vsub.f32 v11, v47;
	v11 =	vsub.f32 v11, v50  }
0x41b: {  	v17 =	vmul.f32 v58, v58;
	v25 =	vsub.f32 v48, v60;
	v12 =	vadd.f32 v12, v13  }
0x41c: {  	v21 =	vld.idx.msk [tilespmem:v53+s14+$0x0], $0xffff;
	v13 =	vmul.f32 v19, v19;
	v0 =	vadd.f32 v14, v0;
	v14 =	vmul.f32 v60, v60  }
0x41d: {  	v19 =	vmul.f32 v16, v16;
	v16 =	vsub.f32 v48, v16;
	v12 =	vadd.f32 v59, v12  }
0x41e: {  	v53 =	vsub.f32 v8, v1;
	v0 =	vadd.f32 v13, v0;
	v13 =	vmul.f32 v20, v20  }
0x41f: {  	v52 =	vmul.f32 v22, v22;
	v8 =	vsub.f32 v8, v24;
	v12 =	vadd.f32 v54, v12  }
0x420: {  	v1 =	vmul.f32 v1, v1;
	v0 =	vadd.f32 v13, v0;
	v13 =	vmul.f32 v55, v55  }
0x421: {  	v20 =	vmul.f32 v21, v21;
	v21 =	vsub.f32 v9, v21;
	v12 =	vadd.f32 v51, v12  }
0x422: {  	v9 =	vsub.f32 v9, v22;
	v0 =	vadd.f32 v13, v0;
	v13 =	vmul.f32 v34, v34  }
0x423: {  	v8 =	vmul.f32 v8, v8;
	v1 =	vadd.f32 v1, v29;
	v10 =	vadd.f32 v10, v12  }
0x424: {  	v12 =	vmul.f32 v53, v53;
	v0 =	vadd.f32 v13, v0;
	v13 =	vmul.f32 v24, v24  }
0x425: {  	v8 =	vadd.f32 v8, v31;
	v9 =	vmul.f32 v9, v9;
	v6 =	vadd.f32 v6, v10  }
0x426: {  	v10 =	vadd.f32 v12, v32;
	v12 =	vmul.f32 v21, v21;
	v13 =	vadd.f32 v13, v30  }
0x427: {  	v1 =	vadd.f32 v20, v1;
	v8 =	vadd.f32 v9, v8;
	v9 =	vmul.f32 v16, v16  }
0x428: {  	v10 =	vadd.f32 v12, v10;
	v12 =	vmul.f32 v25, v25;
	v13 =	vadd.f32 v52, v13  }
0x429: {  	v1 =	vadd.f32 v14, v1;
	v8 =	vadd.f32 v9, v8;
	v9 =	vmul.f32 v26, v26  }
0x42a: {  	v16 =	vld [tilespmem:$0x1FBA0];
	v10 =	vadd.f32 v12, v10;
	v12 =	vmul.f32 v23, v23;
	v13 =	vadd.f32 v19, v13  }
0x42b: {  	v1 =	vadd.f32 v15, v1;
	v8 =	vadd.f32 v9, v8;
	v9 =	vmul.f32 v11, v11  }
0x42c: {  	v10 =	vadd.f32 v12, v10;
	v12 =	vmul.f32 v18, v18;
	v13 =	vadd.f32 v17, v13  }
0x42d: {  	v54 =	vmul.f32 v46, v46;
	v1 =	vadd.f32 v4, v1;
	v8 =	vadd.f32 v9, v8  }
0x42e: {  	v2 =	vmul.f32 v2, v2;
	v4 =	vadd.f32 v12, v10;
	v10 =	vadd.f32 v45, v13  }
0x42f: {  	v0 =	vadd.f32 v54, v0;
	v3 =	vadd.f32 v3, v8;
	v8 =	vor.u32 $0x7, v16  }
0x430: {  	v1 =	vadd.f32 v42, v1;
	v9 =	vadd.f32 v43, v10;
	v10 =	vor.u32 $0x12, v16  }
0x431: {  	v11 =	vor.u32 $0x8, v16;
	v4 =	vadd.f32 v5, v4;
	v5 =	vmul.f32 v44, v44  }
0x432: {  	v14 =	vld [tilespmem:$0x1FCF0];
	v1 =	vadd.f32 v39, v1;
	v2 =	vadd.f32 v2, v3;
	v3 =	vor.u32 $0x13, v16  }
0x433: {  	v15 =	vld [tilespmem:$0x1FC30];
	v13 =	vor.u32 $0x9, v16;
	v4 =	vadd.f32 v5, v4;
	v5 =	vmul.f32 v40, v40  }
0x434: {  	v1 =	vadd.f32 v28, v1;
	[tilespmem:v8+s17+$0x0] =	vst.idx.msk $0xffff, v6;
	v6 =	vor.u32 $0x14, v16;
	v9 =	vadd.f32 v38, v9  }
0x435: {  	v42 =	vld [tilespmem:$0x1FFB0];
	v12 =	vmul.f32 v41, v41;
	v4 =	vadd.f32 v5, v4;
	[tilespmem:v10+s17+$0x0] =	vst.idx.msk $0xffff, v0  }
0x436: {  	v5 =	vadd.f32 v27, v9;
	[tilespmem:v11+s17+$0x0] =	vst.idx.msk $0xffff, v1  }
0x437: {  	v1 =	vadd.f32 v12, v2;
	[tilespmem:v3+s17+$0x0] =	vst.idx.msk $0xffff, v4  }
0x438: {  	v14 =	vadd.s32 v14, v15;
	[tilespmem:v13+s17+$0x0] =	vst.idx.msk $0xffff, v5  }
0x439: {  	v8 =	vand.u32 $0x7FFFFFF8, v14;
	[tilespmem:v6+s17+$0x0] =	vst.idx.msk $0xffff, v1;
	v1 =	vld [tilespmem:$0x1FD00]  }
0x43a: {  	v0 =	vor.u32 v42, v8  }
0x43b: {  	v43 =	vld [tilespmem:$0x1FFC0];
	_ =	sdelay $0x1  }
0x43c: {  	s24 =	simm.s32 $0x3  }
0x43d: {  	v5 =	vadd.s32 s24, v35;
	v1 =	vadd.s32 v1, v15  }
0x43e: {  	v5 =	vadd.s32 v7, v5;
	v14 =	vld.idx.msk [tilespmem:v0+s10+$0x0], $0xffff;
	v0 =	vand.u32 $0x7FFFFFF8, v1  }
0x43f: {  	v44 =	vld [tilespmem:$0x1FC20];
	v0 =	vor.u32 v43, v0  }
0x440: {  	s22 =	simm.s32 $0x2  }
0x441: {  	s29 =	simm.s32 $0x5;
	v3 =	vld [tilespmem:$0x1FC40];
	v4 =	vadd.s32 s22, v35  }
0x442: {  	v19 =	vadd.s32 s29, v35;
	v4 =	vadd.s32 v7, v4  }
0x443: {  	s21 =	simm.s32 $0x0;
	v21 =	vld.idx.msk [tilespmem:v5+s14+$0x0], $0xffff;
	v5 =	vadd.s32 v7, v19;
	v13 =	vadd.s32 s24, v14  }
0x444: {  	v1 =	vadd.s32 s21, v35;
	v22 =	vadd.s32 s29, v14;
	v13 =	vadd.s32 v44, v13;
	v15 =	vld.idx.msk [tilespmem:v0+s10+$0x0], $0xffff  }
0x445: {  	v45 =	vld [tilespmem:$0x1FC10];
	v2 =	vand.u32 $0x7, v14;
	v1 =	vand.u32 $0xFFFFFFF8, v1;
	v22 =	vadd.s32 v44, v22  }
0x446: {  	v1 =	vadd.s32 v3, v1;
	v3 =	vadd.s32 s22, v14;
	v0 =	vadd.s32 s21, v14  }
0x447: {  	s23 =	simm.s32 $0x1;
	v4 =	vld.idx.msk [tilespmem:v4+s14+$0x0], $0xffff;
	v16 =	vor.u32 v44, v2;
	v2 =	vadd.s32 v44, v3;
	v0 =	vand.u32 $0xFFFFFFF8, v0  }
0x448: {  	v3 =	vadd.s32 s23, v35;
	v28 =	vld.idx.msk [tilespmem:v5+s14+$0x0], $0xffff;
	v0 =	vadd.s32 v16, v0  }
0x449: {  	v8 =	vadd.s32 s23, v14;
	v3 =	vadd.s32 v7, v3;
	v13 =	vld.idx.msk [tilespmem:v13+s14+$0x0], $0xffff;
	v6 =	vand.u32 $0x7, v15  }
0x44a: {  	v22 =	vld.idx.msk [tilespmem:v22+s14+$0x0], $0xffff;
	v10 =	vadd.s32 s23, v15;
	v17 =	vor.u32 v45, v6;
	v6 =	vadd.s32 v44, v8  }
0x44b: {  	s25 =	simm.s32 $0x4;
	v1 =	vld.idx.msk [tilespmem:v1+s14+$0x0], $0xffff;
	v11 =	vadd.s32 s24, v15;
	v10 =	vadd.s32 v45, v10  }
0x44c: {  	v2 =	vld.idx.msk [tilespmem:v2+s14+$0x0], $0xffff;
	v20 =	vadd.s32 s25, v15;
	v11 =	vadd.s32 v45, v11  }
0x44d: {  	v9 =	vimm.f32 $0.0e+00;
	v18 =	vadd.s32 s29, v15;
	v19 =	vadd.s32 v45, v20;
	v0 =	vld.idx.msk [tilespmem:v0+s14+$0x0], $0xffff  }
0x44e: {  	v12 =	vadd.s32 s25, v14;
	v3 =	vld.idx.msk [tilespmem:v3+s14+$0x0], $0xffff;
	v23 =	vadd.s32 s22, v15;
	v18 =	vadd.s32 v45, v18  }
0x44f: {  	s30 =	simm.s32 $0x6;
	v8 =	vadd.s32 s25, v35;
	v20 =	vadd.s32 s21, v15;
	v23 =	vadd.s32 v45, v23;
	v6 =	vld.idx.msk [tilespmem:v6+s14+$0x0], $0xffff  }
0x450: {  	v26 =	vadd.s32 s30, v14;
	v8 =	vadd.s32 v7, v8;
	v20 =	vand.u32 $0xFFFFFFF8, v20;
	v25 =	vld.idx.msk [tilespmem:v10+s14+$0x0], $0xffff  }
0x451: {  	v12 =	vadd.s32 v44, v12;
	v26 =	vadd.s32 v44, v26;
	v10 =	vadd.s32 v17, v20;
	v11 =	vld.idx.msk [tilespmem:v11+s14+$0x0], $0xffff  }
0x452: {  	v19 =	vld.idx.msk [tilespmem:v19+s14+$0x0], $0xffff;
	v24 =	vsub.f32 v1, v0;
	v20 =	vmul.f32 v0, v0;
	v0 =	vadd.s32 s30, v35  }
0x453: {  	s31 =	simm.s32 $0x7;
	v29 =	vmul.f32 v2, v2;
	v57 =	vld.idx.msk [tilespmem:v18+s14+$0x0], $0xffff;
	v27 =	vadd.s32 v7, v0;
	v0 =	vadd.s32 s30, v15  }
0x454: {  	v59 =	vld.idx.msk [tilespmem:v23+s14+$0x0], $0xffff;
	v24 =	vmul.f32 v24, v24;
	v30 =	vadd.s32 v45, v0;
	v0 =	vadd.s32 s31, v15  }
0x455: {  	v56 =	vsub.f32 v4, v2;
	v8 =	vld.idx.msk [tilespmem:v8+s14+$0x0], $0xffff;
	v55 =	vadd.s32 v45, v0;
	v0 =	vadd.s32 s31, v14  }
0x456: {  	v31 =	vld.idx.msk [tilespmem:v10+s14+$0x0], $0xffff;
	v24 =	vadd.f32 v24, v9;
	v10 =	vadd.s32 s31, v35;
	v5 =	vmul.f32 v25, v25  }
0x457: {  	v12 =	vld.idx.msk [tilespmem:v12+s14+$0x0], $0xffff;
	v58 =	vadd.s32 v44, v0;
	v23 =	vmul.f32 v6, v6;
	v6 =	vsub.f32 v3, v6  }
0x458: {  	v2 =	vmul.f32 v11, v11;
	v11 =	vsub.f32 v21, v11;
	v21 =	vsub.f32 v21, v13  }
0x459: {  	v0 =	vmul.f32 v19, v19;
	v62 =	vsub.f32 v3, v25;
	v3 =	vsub.f32 v28, v57  }
0x45a: {  	v4 =	vsub.f32 v4, v59;
	v13 =	vmul.f32 v13, v13;
	v28 =	vsub.f32 v28, v22  }
0x45b: {  	v18 =	vadd.s32 v7, v10;
	v60 =	vsub.f32 v8, v19;
	v19 =	vadd.f32 v20, v9  }
0x45c: {  	v20 =	vmul.f32 v56, v56;
	v10 =	vld.idx.msk [tilespmem:v27+s14+$0x0], $0xffff;
	v6 =	vmul.f32 v6, v6;
	v27 =	vsub.f32 v8, v12  }
0x45d: {  	v8 =	vmul.f32 v11, v11;
	v21 =	vmul.f32 v21, v21;
	v25 =	vadd.f32 v23, v19  }
0x45e: {  	v11 =	vmul.f32 v59, v59;
	v23 =	vld.idx.msk [tilespmem:v26+s14+$0x0], $0xffff;
	v26 =	vmul.f32 v12, v12;
	v6 =	vadd.f32 v6, v24  }
0x45f: {  	v61 =	vld.idx.msk [tilespmem:v55+s14+$0x0], $0xffff;
	v19 =	vmul.f32 v27, v27;
	v1 =	vsub.f32 v1, v31;
	v24 =	vadd.f32 v29, v25  }
0x460: {  	v36 =	vld.idx.msk [tilespmem:v58+s14+$0x0], $0xffff;
	v25 =	vmul.f32 v22, v22;
	v22 =	vmul.f32 v28, v28;
	v6 =	vadd.f32 v20, v6  }
0x461: {  	v63 =	vld.idx.msk [tilespmem:v18+s14+$0x0], $0xffff;
	v18 =	vmul.f32 v4, v4;
	v20 =	vmul.f32 v31, v31  }
0x462: {  	v4 =	vmul.f32 v57, v57;
	v1 =	vmul.f32 v1, v1;
	v12 =	vadd.f32 v21, v6  }
0x463: {  	v6 =	vmul.f32 v3, v3;
	v27 =	vadd.f32 v20, v9;
	v20 =	vadd.f32 v13, v24  }
0x464: {  	v32 =	vsub.f32 v10, v23;
	v13 =	vld.idx.msk [tilespmem:v30+s14+$0x0], $0xffff;
	v30 =	vmul.f32 v62, v62;
	v3 =	vmul.f32 v61, v61  }
0x465: {  	v28 =	vadd.f32 v1, v9;
	v9 =	vmul.f32 v60, v60;
	v26 =	vadd.f32 v26, v20  }
0x466: {  	s21 =	simm.s32 $0xF;
	v1 =	vmul.f32 v36, v36;
	v31 =	vsub.f32 v63, v36;
	v29 =	vsub.f32 v63, v61  }
.LBB2_17:
0x467: {  	v23 =	vmul.f32 v23, v23  }
0x468: {  	s23 =	sadd.s32 $0xFFFFFFF9, s21;
	v20 =	vmul.f32 v32, v32;
	v21 =	vmul.f32 v31, v31  }
0x469: {  	v24 =	vadd.s32 s23, v35;
	v31 =	vadd.s32 s23, v14;
	v12 =	vadd.f32 v19, v12  }
0x46a: {  	s25 =	sadd.s32 $0xFFFFFFFC, s21;
	s24 =	sadd.s32 $0xFFFFFFFE, s21;
	v29 =	vmul.f32 v29, v29;
	v5 =	vadd.f32 v5, v27;
	v28 =	vadd.f32 v30, v28  }
0x46b: {  	s22 =	smov.u32 s21;
	v50 =	vadd.s32 s25, v15;
	v25 =	vadd.f32 v25, v26;
	v53 =	vadd.s32 s24, v15  }
0x46c: {  	s26 =	sadd.s32 $0xFFFFFFFA, s22;
	s28 =	sadd.s32 $0xFFFFFFFB, s22;
	v37 =	vadd.s32 s24, v35;
	v38 =	vadd.s32 s24, v14;
	v24 =	vand.u32 $0xFFFFFFF8, v24  }
0x46d: {  	s30 =	sadd.s32 $0xFFFFFFFD, s22;
	v31 =	vand.u32 $0xFFFFFFF8, v31;
	v19 =	vadd.s32 s26, v35;
	v49 =	vadd.s32 s28, v14  }
0x46e: {  	v27 =	vadd.s32 s26, v14;
	v33 =	vadd.s32 s28, v35;
	v51 =	vadd.s32 s30, v35  }
0x46f: {  	s31 =	sadd.s32 $0xFFFFFFFF, s22;
	v34 =	vadd.s32 s30, v14;
	v36 =	vadd.s32 s26, v15;
	v37 =	vadd.s32 v7, v37  }
0x470: {  	v48 =	vld [tilespmem:$0x1FC40];
	v54 =	vadd.s32 s30, v15;
	v39 =	vadd.s32 s31, v35;
	v32 =	vadd.s32 v44, v49  }
0x471: {  	v40 =	vadd.s32 s31, v14;
	v31 =	vadd.s32 v16, v31;
	v19 =	vadd.s32 v7, v19  }
0x472: {  	v30 =	vadd.s32 v7, v33;
	v5 =	vadd.f32 v11, v5;
	v11 =	vadd.s32 v44, v27  }
0x473: {  	v27 =	vadd.s32 s25, v35;
	v18 =	vadd.f32 v18, v28;
	v28 =	vadd.s32 s25, v14  }
0x474: {  	v12 =	vadd.f32 v22, v12;
	v52 =	vadd.s32 v44, v34;
	v23 =	vadd.f32 v23, v25  }
0x475: {  	v25 =	vadd.s32 v45, v36;
	v34 =	vadd.s32 v45, v53;
	v24 =	vadd.s32 v48, v24;
	v26 =	vld.idx.msk [tilespmem:v32+s14+$0x0], $0xffff  }
0x476: {  	v33 =	vadd.s32 v45, v54;
	v56 =	vadd.s32 v44, v40;
	v8 =	vadd.f32 v8, v18;
	v22 =	vld.idx.msk [tilespmem:v31+s14+$0x0], $0xffff  }
0x477: {  	v10 =	vsub.f32 v10, v13;
	v27 =	vadd.s32 v7, v27;
	v2 =	vadd.f32 v2, v5;
	v19 =	vld.idx.msk [tilespmem:v19+s14+$0x0], $0xffff  }
0x478: {  	v13 =	vmul.f32 v13, v13;
	v12 =	vadd.f32 v20, v12;
	v8 =	vadd.f32 v9, v8;
	v18 =	vld.idx.msk [tilespmem:v30+s14+$0x0], $0xffff  }
0x479: {  	v20 =	vadd.s32 s28, v15;
	v0 =	vadd.f32 v0, v2;
	v30 =	vadd.s32 v45, v50;
	v11 =	vld.idx.msk [tilespmem:v11+s14+$0x0], $0xffff  }
0x47a: {  	v10 =	vmul.f32 v10, v10;
	v31 =	vadd.s32 v7, v51;
	v6 =	vadd.f32 v6, v8;
	v24 =	vld.idx.msk [tilespmem:v24+s14+$0x0], $0xffff  }
0x47b: {  	v1 =	vadd.f32 v1, v23;
	v23 =	vadd.s32 v44, v38;
	v32 =	vld.idx.msk [tilespmem:v52+s14+$0x0], $0xffff;
	v0 =	vadd.f32 v4, v0  }
0x47c: {  	v2 =	vadd.s32 s31, v15;
	v27 =	vld.idx.msk [tilespmem:v27+s14+$0x0], $0xffff;
	v8 =	vadd.s32 v44, v28;
	v6 =	vadd.f32 v10, v6  }
0x47d: {  	v10 =	vadd.s32 v45, v20;
	v20 =	vld.idx.msk [tilespmem:v33+s14+$0x0], $0xffff;
	v0 =	vadd.f32 v13, v0;
	v55 =	vmul.f32 v22, v22  }
0x47e: {  	v28 =	vld.idx.msk [tilespmem:v30+s14+$0x0], $0xffff;
	v30 =	vadd.s32 v45, v2;
	v2 =	vadd.f32 v21, v12;
	v21 =	vadd.f32 v29, v6  }
0x47f: {  	v31 =	vld.idx.msk [tilespmem:v31+s14+$0x0], $0xffff;
	v4 =	vmul.f32 v26, v26;
	v5 =	vsub.f32 v24, v22;
	v22 =	vadd.s32 s23, v15  }
0x480: {  	v29 =	vadd.s32 s22, v14;
	v9 =	vand.u32 $0xFFFFFFF8, v22;
	v22 =	vld.idx.msk [tilespmem:v25+s14+$0x0], $0xffff;
	v25 =	vadd.s32 v7, v39  }
0x481: {  	v58 =	vadd.f32 v3, v0;
	v60 =	vmul.f32 v11, v11;
	v13 =	vld.idx.msk [tilespmem:v8+s14+$0x0], $0xffff;
	v1 =	vadd.f32 v55, v1  }
0x482: {  	v11 =	vsub.f32 v19, v11;
	v63 =	vmul.f32 v32, v32;
	v5 =	vmul.f32 v5, v5  }
0x483: {  	v57 =	vld.idx.msk [tilespmem:v37+s14+$0x0], $0xffff;
	v0 =	vmul.f32 v20, v20;
	v9 =	vadd.s32 v17, v9;
	v1 =	vadd.f32 v60, v1  }
0x484: {  	v3 =	vld.idx.msk [tilespmem:v10+s14+$0x0], $0xffff;
	v20 =	vsub.f32 v31, v20;
	v12 =	vadd.f32 v5, v2;
	v2 =	vadd.s32 s22, v35  }
0x485: {  	v59 =	vadd.s32 v7, v2;
	v2 =	vmul.f32 v28, v28;
	v28 =	vsub.f32 v27, v28;
	v10 =	vld.idx.msk [tilespmem:v25+s14+$0x0], $0xffff  }
0x486: {  	v11 =	vmul.f32 v11, v11;
	v25 =	vsub.f32 v27, v13;
	v27 =	vsub.f32 v31, v32;
	v31 =	vld.idx.msk [tilespmem:v23+s14+$0x0], $0xffff  }
0x487: {  	v29 =	vadd.s32 v44, v29;
	v1 =	vadd.f32 v4, v1;
	v5 =	vmul.f32 v22, v22;
	v23 =	vld.idx.msk [tilespmem:v56+s14+$0x0], $0xffff  }
0x488: {  	v62 =	vsub.f32 v19, v22;
	v11 =	vadd.f32 v11, v12;
	v6 =	vld.idx.msk [tilespmem:v9+s14+$0x0], $0xffff;
	v9 =	vadd.s32 s22, v15  }
0x489: {  	v8 =	vadd.s32 v45, v9;
	v9 =	vsub.f32 v18, v26;
	v26 =	vld.idx.msk [tilespmem:v34+s14+$0x0], $0xffff;
	v12 =	vmul.f32 v25, v25  }
0x48a: {  	v18 =	vsub.f32 v18, v3;
	v19 =	vmul.f32 v27, v27;
	v25 =	vmul.f32 v13, v13  }
0x48b: {  	v13 =	vld.idx.msk [tilespmem:v30+s14+$0x0], $0xffff;
	v30 =	vmul.f32 v62, v62;
	v9 =	vmul.f32 v9, v9  }
0x48c: {  	v41 =	vld.idx.msk [tilespmem:v29+s14+$0x0], $0xffff;
	v18 =	vmul.f32 v18, v18;
	v1 =	vadd.f32 v25, v1;
	v32 =	vsub.f32 v10, v23  }
0x48d: {  	v29 =	vld.idx.msk [tilespmem:v59+s14+$0x0], $0xffff;
	v25 =	vmul.f32 v31, v31;
	v24 =	vsub.f32 v24, v6;
	v9 =	vadd.f32 v9, v11  }
0x48e: {  	p0 =	sne.s32 s21, $0x1F;
	v11 =	vmul.f32 v3, v3;
	v61 =	vld.idx.msk [tilespmem:v8+s14+$0x0], $0xffff;
	v22 =	vsub.f32 v57, v26;
	v8 =	vmul.f32 v28, v28  }
.Ltmp7:
0x48f: {  	v4 =	vmul.f32 v26, v26;
	v26 =	vmul.f32 v6, v6;
	v28 =	vsub.f32 v57, v31;
	(pc) =	sbr.rel @p0 .LBB2_17-.Ltmp7, $4  }
0x490: {  	v24 =	vmul.f32 v24, v24;
	v12 =	vadd.f32 v12, v9;
	v9 =	vmul.f32 v20, v20  }
0x491: {  	v6 =	vmul.f32 v22, v22;
	v27 =	vadd.f32 v26, v58;
	v22 =	vmul.f32 v28, v28  }
0x492: {  	v31 =	vsub.f32 v29, v41;
	v26 =	vadd.f32 v63, v1;
	v1 =	vmul.f32 v41, v41  }
0x493: {  	s21 =	sadd.s32 $0x8, s21;
	v28 =	vadd.f32 v24, v21;
	v3 =	vmul.f32 v61, v61;
	v29 =	vsub.f32 v29, v61  }
0x494: {  	v5 =	vadd.f32 v5, v27  }
0x495: {  	v14 =	vadd.f32 v30, v28  }
0x496: {  	v59 =	vld [tilespmem:$0x1FBA0];
	v5 =	vadd.f32 v11, v5  }
0x497: {  	v56 =	vmul.f32 v32, v32;
	v10 =	vsub.f32 v10, v13;
	v14 =	vadd.f32 v18, v14  }
0x498: {  	v15 =	vmul.f32 v31, v31;
	v12 =	vadd.f32 v19, v12;
	v2 =	vadd.f32 v2, v5  }
0x499: {  	v16 =	vadd.f32 v25, v26;
	v57 =	vmul.f32 v13, v13;
	v8 =	vadd.f32 v8, v14  }
0x49a: {  	v12 =	vadd.f32 v22, v12;
	v5 =	vmul.f32 v23, v23;
	v0 =	vadd.f32 v0, v2  }
0x49b: {  	v58 =	vmul.f32 v10, v10;
	v60 =	vor.u32 $0xA, v59;
	v8 =	vadd.f32 v9, v8  }
0x49c: {  	v5 =	vadd.f32 v5, v16;
	v0 =	vadd.f32 v4, v0;
	v4 =	vor.u32 $0x15, v59  }
0x49d: {  	v61 =	vadd.f32 v56, v12;
	v6 =	vadd.f32 v6, v8;
	v8 =	vor.u32 $0xB, v59  }
0x49e: {  	v1 =	vadd.f32 v1, v5;
	v5 =	vor.u32 $0x16, v59;
	v0 =	vadd.f32 v57, v0  }
0x49f: {  	v62 =	vmul.f32 v29, v29;
	v2 =	vadd.f32 v58, v6;
	v6 =	vadd.f32 v15, v61  }
0x4a0: {  	[tilespmem:v60+s17+$0x0] =	vst.idx.msk $0xffff, v1;
	v0 =	vadd.f32 v3, v0  }
0x4a1: {  	v63 =	vadd.f32 v62, v2;
	[tilespmem:v4+s17+$0x0] =	vst.idx.msk $0xffff, v6  }
0x4a2: {  	p0 =	sne.s32 s20, $0x7;
	s20 =	sadd.s32 $0x1, s20;
	[tilespmem:v8+s17+$0x0] =	vst.idx.msk $0xffff, v0  }
0x4a3: {  	s21 =	simm.s32 @!p0 $0x0;
	s22 =	simm.s32 @!p0 $0xF000;
	p1 =	sne.s32 s20, $0x10;
	[tilespmem:v5+s17+$0x0] =	vst.idx.msk $0xffff, v63  }
0x4a4: {  	[hbm4b:s6+s21] =	stream.linear.scatter @!p0 [tilespmem:s22], [sflag:$0x3], $0x8000, $0x38;
	[tilespmem:$0x17000] =	vst v63  }
.Ltmp8:
0x4a5: {  	s21 =	simm.s32 @!p0 $0x3;
	(pc) =	sbr.rel @p1 .LBB2_2-.Ltmp8, $4  }
0x4a6: {  	_ =	swait.ge @!p0 [sflag:s21], $0x8000  }
0x4a7: {  	v21 =	vld [tilespmem:$0x1FFD0]  }
0x4a8: {  	[sflag:s21] =	ssyncset.done @!p0 $0x0;
	v27 =	vld [tilespmem:$0x1FFE0]  }
0x4a9: {  	v46 =	vld [tilespmem:$0x1FFF0];
	[sflag:s21] =	ssyncadd.s32 @!p0 $0xFFFF8000  }
0x4aa: {  	s19 =	sadd.s32 $0x1, s19  }
0x4ab: {  	p0 =	sne.s32 s19, s8  }
.Ltmp9:
0x4ac: {  	_ = 	snop;
	(pc) =	sbr.rel @p0 .LBB2_1-.Ltmp9, $4  }
0x4ad: {  	[hbm4b:s7+s2] =	stream.linear.scatter [tilespmem:s17], [sflag:$0x3], $0x8000, $0x38;
	[tilespmem:$0x17000] =	vst v63  }
0x4ae: {  	_ =	swait.ge [sflag:s9], $0x8000  }
0x4af: {  	[sflag:s9] =	ssyncset.done $0x0  }
0x4b0: {  	[sflag:s9] =	ssyncadd.s32 $0xFFFF8000  }
0x4b1: {  	_ =	sfence.sel $0x180000  }
0x4b2: {  	[bflag:$0x0] =	sbarrier.arrive $0xFFFF  }
0x4b3: {  	p0 =	sne.s32 s0, $0x0;
	_ =	strace $0x90000047  }
0x4b4: {  	s0 =	sadd.s32 @!p0 $0x100000, s1;
	[bflag:$0x2] =	sbarrier.arrive $0xFFFF  }
0x4b5: {  	[sflag:s0] =	ssyncadd.tile.s32 @!p0 $0x1;
	_ =	shalt  }
.Lfunc_end2:
_tile_overlayer_lowered:
.L_overlay_start_2:
0x4b6: {  	(tag) =	ssettag $0x2  }
0x4b7: {  	s0 =	rddreg [dreg:$0x0];
	s2 =	stileid.u32  }
0x4b8: {  	s1 =	rddreg [dreg:$0x1];
	p0 =	sne.s32 s2, $0x0  }
0x4b9: {  	s3 =	rddreg [dreg:$0x2];
	[bflag:$0x3] =	sbarrier.arrive $0xFFFF;
	s2 =	simm.s32 @!p0 $0x1C03  }
0x4ba: {  	[timem:s3], [sflag:s2] =	dma.local @!p0 [hbm:s0], s1  }
0x4bb: {  	s0 =	simm.s32 @!p0 $0x3  }
0x4bc: {  	_ =	swait.ge @!p0 [sflag:s0], s1  }
0x4bd: {  	s1 =	ssub.s32 @!p0 $0x0, s1;
	[sflag:s0] =	ssyncset.done @!p0 $0x0  }
0x4be: {  	[sflag:s0] =	ssyncadd.s32 @!p0 s1  }
0x4bf: {  	[bflag:$0x3] =	sbarrier.arrive $0xFFFF  }
0x4c0: {  	_ =	shalt  }

</sc_bundles>
